<compile_context>
chip_gen: v7x
topology: tpu7x:2x2x1
jax: 0.10.2.dev20260603
libtpu: 0.0.44.dev20260713+nightly
codegen_flags: <defaults>
</compile_context>

<pallas_src>
import functools

import jax
import jax.numpy as jnp
from jax import lax
from jax.experimental import pallas as pl
from jax.experimental.pallas import tpu as pltpu
from jax.experimental.pallas import tpu_sc as plsc

_NUM_WORKERS = 32
_LANES = 16
_NBUF = 3
_IDXSTAGE = 136


def kernel(x, token_emb, pos_emb):
    B, S = x.shape
    V, D = token_emb.shape
    HALF = S // 2
    NBLK = B // _NUM_WORKERS
    SPLIT = _IDXSTAGE // 2

    x2 = x.reshape(B * 2, HALF).astype(jnp.int32)

    mesh = plsc.VectorSubcoreMesh(core_axis_name="c", subcore_axis_name="s")

    @functools.partial(
        pl.kernel,
        mesh=mesh,
        out_type=jax.ShapeDtypeStruct((B * S, D), jnp.float32),
        scratch_types=[
            pltpu.VMEM((_IDXSTAGE, HALF), jnp.int32),
            pltpu.VMEM((S, D), jnp.float32),
        ] + [pltpu.VMEM((S, D), jnp.float32) for _ in range(_NBUF)]
          + [pltpu.SemaphoreType.DMA for _ in range(2 * _NBUF + 1)],
    )
    def run(tok_hbm, idx_hbm, pos_hbm, out_hbm, idx_v, pos_v, *rest):
        bufs = rest[:_NBUF]
        gsems = rest[_NBUF:2 * _NBUF]
        wsems = rest[2 * _NBUF:3 * _NBUF]
        rsem = rest[3 * _NBUF]
        wid = lax.axis_index("s") * 2 + lax.axis_index("c")
        seq_base = wid * NBLK
        pltpu.sync_copy(idx_hbm.at[pl.ds(seq_base * 2, _IDXSTAGE)], idx_v)
        pltpu.sync_copy(pos_hbm, pos_v)

        RELOAD_ROWS = 2 * NBLK - _IDXSTAGE

        def reload_copy():
            return pltpu.make_async_copy(
                idx_hbm.at[pl.ds(seq_base * 2 + _IDXSTAGE, RELOAD_ROWS)],
                idx_v.at[pl.ds(0, RELOAD_ROWS)], rsem)

        def idx_row(blk):
            return 2 * blk - jnp.where(blk >= SPLIT, _IDXSTAGE, 0)

        def issue_gather(blk, j):
            off = idx_row(blk)
            pltpu.async_copy(tok_hbm.at[idx_v.at[off]],
                             bufs[j].at[pl.ds(0, HALF)], gsems[j])
            pltpu.async_copy(tok_hbm.at[idx_v.at[off + 1]],
                             bufs[j].at[pl.ds(HALF, HALF)], gsems[j])

        def wait_gather(blk, j):
            off = idx_row(blk)
            pltpu.make_async_copy(tok_hbm.at[idx_v.at[off]],
                                  bufs[j].at[pl.ds(0, HALF)], gsems[j]).wait()
            pltpu.make_async_copy(tok_hbm.at[idx_v.at[off + 1]],
                                  bufs[j].at[pl.ds(HALF, HALF)],
                                  gsems[j]).wait()

        def issue_writeback(blk, j):
            pltpu.async_copy(bufs[j],
                             out_hbm.at[pl.ds((seq_base + blk) * S, S)],
                             wsems[j])

        def wait_writeback(j):
            pltpu.make_async_copy(bufs[j], out_hbm.at[pl.ds(0, S)],
                                  wsems[j]).wait()

        def add_pos(j):
            buf = bufs[j]

            @pl.loop(0, S, step=8)
            def _(r):
                for dr in range(8):
                    for c in range(D // _LANES):
                        sl = pl.ds(c * _LANES, _LANES)
                        plsc.addupdate(buf.at[r + dr, sl], pos_v[r + dr, sl])

        for j in range(_NBUF - 1):
            issue_gather(j, j)

        NT = (NBLK + _NBUF - 1) // _NBUF

        @pl.loop(0, NT)
        def _(t):
            for b in range(_NBUF):
                blk = _NBUF * t + b
                jg = (b + _NBUF - 1) % _NBUF
                blk_g = blk + _NBUF - 1

                @pl.when(blk == SPLIT - 8)
                def _():
                    reload_copy().start()

                @pl.when(blk_g < NBLK)
                def _():
                    @pl.when(blk >= 1)
                    def _():
                        wait_writeback(jg)

                    @pl.when(blk_g == SPLIT)
                    def _():
                        reload_copy().wait()
                    issue_gather(blk_g, jg)

                @pl.when(blk < NBLK)
                def _():
                    wait_gather(blk, b)
                    add_pos(b)
                    issue_writeback(blk, b)

        for j in range(_NBUF):
            wait_writeback(j)

    out = run(token_emb, x2, pos_emb)
    return out.reshape(B, S, D)

# --- scband reference (transcript-rebuilt; emitter-appended) ---
"""Pipeline reference for scband-token-and-position-embedding-75565654606113 (READ-ONLY COPY).

The authoritative reference and input builder live on the scoring server;
editing this copy changes nothing except your own understanding.
"""

import jax, jax.numpy as jnp
import numpy as np

VOCAB = 100000
MAXLEN = 200
EMBED_DIM = 128
BATCH = 4096
SEQ = 200

def setup_inputs(seed: int = 0) -> dict:
    key = jax.random.key(seed)
    k1, k2, k3 = jax.random.split(key, 3)
    x = jax.random.randint(k1, (BATCH, SEQ), 0, VOCAB, dtype=jnp.int64 if jax.config.jax_enable_x64 else jnp.int32)
    token_emb = jax.random.normal(k2, (VOCAB, EMBED_DIM), dtype=jnp.float32) * 0.02
    pos_emb = jax.random.normal(k3, (MAXLEN, EMBED_DIM), dtype=jnp.float32) * 0.02
    return {"x": x, "token_emb": token_emb, "pos_emb": pos_emb}

def reference(x, token_emb, pos_emb):
    # token embedding lookup: gather rows of token_emb by x
    tok = jnp.take(token_emb, x, axis=0)  # [B, S, D]
    # position embedding: arange over sequence length
    pos = jnp.arange(0, x.shape[1])
    p = jnp.take(pos_emb, pos, axis=0).reshape(1, x.shape[1], -1)  # [1, S, D]
    return tok + p

if __name__ == "__main__":
    import jax
    _d = setup_inputs()
    print(jax.jit(kernel)(*tuple(_d.values())))

</pallas_src>

<mosaic_0001>
#map = affine_map<(d0, d1) -> (0, 0)>
module attributes {stable_mosaic.version = 14 : i64} {
  func.func @run(%arg0: i32, %arg1: i32, %arg2: memref<100000x128xf32, #tpu.memory_space<hbm>>, %arg3: memref<8192x100xi32, #tpu.memory_space<hbm>>, %arg4: memref<200x128xf32, #tpu.memory_space<hbm>>, %arg5: memref<819200x128xf32, #tpu.memory_space<hbm>>, %arg6: memref<136x100xi32, #tpu.memory_space<vmem>>, %arg7: memref<200x128xf32, #tpu.memory_space<vmem>>, %arg8: memref<200x128xf32, #tpu.memory_space<vmem>>, %arg9: memref<200x128xf32, #tpu.memory_space<vmem>>, %arg10: memref<200x128xf32, #tpu.memory_space<vmem>>, %arg11: memref<!tpu.dma_semaphore, #tpu.memory_space<semaphore_mem>>, %arg12: memref<!tpu.dma_semaphore, #tpu.memory_space<semaphore_mem>>, %arg13: memref<!tpu.dma_semaphore, #tpu.memory_space<semaphore_mem>>, %arg14: memref<!tpu.dma_semaphore, #tpu.memory_space<semaphore_mem>>, %arg15: memref<!tpu.dma_semaphore, #tpu.memory_space<semaphore_mem>>, %arg16: memref<!tpu.dma_semaphore, #tpu.memory_space<semaphore_mem>>, %arg17: memref<!tpu.dma_semaphore, #tpu.memory_space<semaphore_mem>>) attributes {dimension_semantics = [#tpu.dimension_semantics<core_parallel>, #tpu.dimension_semantics<subcore_parallel>], iteration_bounds = array<i64: 2, 16>, scalar_prefetch = 0 : i64, scratch_operands = 12 : i64, tpu.core_type = #tpu.core_type<sc_vector_subcore>, window_params = [{transform_indices = #map}, {transform_indices = #map}, {transform_indices = #map}, {transform_indices = #map}]} {
    %mul3A = arith.constant 2 : i32
    %mul3A_0 = arith.muli %arg1, %mul3A : i32
    %add3A = arith.addi %mul3A_0, %arg0 : i32
    %mul3A_1 = arith.constant 128 : i32
    %mul3A_2 = arith.muli %add3A, %mul3A_1 : i32
    %mul3A_3 = arith.constant 2 : i32
    %mul3A_4 = arith.muli %mul3A_2, %mul3A_3 : i32
    "tpu.region"() ({
      %run_scoped3A = tpu.sem_alloc : memref<!tpu.dma_semaphore, #tpu.memory_space<semaphore_mem>>
      %dma_start3A_74 = arith.constant 0 : i32
      %dma_start3A_75 = tpu.memref_slice %arg3[%mul3A_4, %dma_start3A_74] : memref<8192x100xi32, #tpu.memory_space<hbm>> -> memref<136x100xi32, #tpu.memory_space<hbm>>
      %dma_start3A_76 = arith.constant 0 : i32
      %dma_start3A_77 = tpu.memref_slice %arg3[%mul3A_4, %dma_start3A_76] : memref<8192x100xi32, #tpu.memory_space<hbm>> -> memref<136x100xi32, #tpu.memory_space<hbm>>
      tpu.enqueue_dma source(%dma_start3A_77 : memref<136x100xi32, #tpu.memory_space<hbm>>) target(%arg6 : memref<136x100xi32, #tpu.memory_space<vmem>>) target_semaphore(%run_scoped3A : memref<!tpu.dma_semaphore, #tpu.memory_space<semaphore_mem>>)
      %dma_wait3A_78 = arith.constant 0 : i32
      %dma_wait3A_79 = tpu.memref_slice %arg3[%mul3A_4, %dma_wait3A_78] : memref<8192x100xi32, #tpu.memory_space<hbm>> -> memref<136x100xi32, #tpu.memory_space<hbm>>
      %dma_wait3A_80 = arith.constant 0 : i32
      %dma_wait3A_81 = tpu.memref_slice %arg3[%mul3A_4, %dma_wait3A_80] : memref<8192x100xi32, #tpu.memory_space<hbm>> -> memref<136x100xi32, #tpu.memory_space<hbm>>
      tpu.wait_dma2 semaphore(%run_scoped3A : memref<!tpu.dma_semaphore, #tpu.memory_space<semaphore_mem>>) src(%dma_wait3A_81 : memref<136x100xi32, #tpu.memory_space<hbm>>) dst(%arg6 : memref<136x100xi32, #tpu.memory_space<vmem>>)
      tpu.yield
    }) : () -> ()
    "tpu.region"() ({
      %run_scoped3A = tpu.sem_alloc : memref<!tpu.dma_semaphore, #tpu.memory_space<semaphore_mem>>
      tpu.enqueue_dma source(%arg4 : memref<200x128xf32, #tpu.memory_space<hbm>>) target(%arg7 : memref<200x128xf32, #tpu.memory_space<vmem>>) target_semaphore(%run_scoped3A : memref<!tpu.dma_semaphore, #tpu.memory_space<semaphore_mem>>)
      tpu.wait_dma2 semaphore(%run_scoped3A : memref<!tpu.dma_semaphore, #tpu.memory_space<semaphore_mem>>) src(%arg4 : memref<200x128xf32, #tpu.memory_space<hbm>>) dst(%arg7 : memref<200x128xf32, #tpu.memory_space<vmem>>)
      tpu.yield
    }) : () -> ()
    %jit3A = arith.constant false
    %jit3A_5 = arith.constant 136 : i32
    %jit3A_6 = arith.constant 0 : i32
    %select_n3A = arith.select %jit3A, %jit3A_5, %jit3A_6 : i32
    %sub3A = arith.constant 0 : i32
    %sub3A_7 = arith.subi %sub3A, %select_n3A : i32
    %dma_start3A = arith.constant 0 : i32
    %dma_start3A_8 = arith.constant 0 : i32
    %dma_start3A_9 = tpu.memref_slice %arg8[%dma_start3A, %dma_start3A_8] : memref<200x128xf32, #tpu.memory_space<vmem>> -> memref<100x128xf32, #tpu.memory_space<vmem>>
    %dma_start3A_10 = arith.constant 0 : i32
    %dma_start3A_11 = tpu.memref_slice %arg6[%sub3A_7, %dma_start3A_10] : memref<136x100xi32, #tpu.memory_space<vmem>> -> memref<1x100xi32, #tpu.memory_space<vmem>>
    %dma_start3A_12 = tpu.memref_squeeze %dma_start3A_11 : memref<1x100xi32, #tpu.memory_space<vmem>> -> memref<100xi32, #tpu.memory_space<vmem>>
    %dma_start3A_13 = arith.constant 0 : i32
    %dma_start3A_14 = arith.constant 0 : i32
    %dma_start3A_15 = tpu.memref_slice %arg2[%dma_start3A_13, %dma_start3A_14] : memref<100000x128xf32, #tpu.memory_space<hbm>> -> memref<100000x128xf32, #tpu.memory_space<hbm>>
    tpu.enqueue_indirect_dma source(%dma_start3A_15 : memref<100000x128xf32, #tpu.memory_space<hbm>>) target(%dma_start3A_9 : memref<100x128xf32, #tpu.memory_space<vmem>>) offsets(%dma_start3A_12 : memref<100xi32, #tpu.memory_space<vmem>>) semaphore(%arg11 : memref<!tpu.dma_semaphore, #tpu.memory_space<semaphore_mem>>)
    %add3A_16 = arith.constant 1 : i32
    %add3A_17 = arith.addi %sub3A_7, %add3A_16 : i32
    %dma_start3A_18 = arith.constant 100 : i32
    %dma_start3A_19 = arith.constant 0 : i32
    %dma_start3A_20 = tpu.memref_slice %arg8[%dma_start3A_18, %dma_start3A_19] : memref<200x128xf32, #tpu.memory_space<vmem>> -> memref<100x128xf32, #tpu.memory_space<vmem>>
    %dma_start3A_21 = arith.constant 0 : i32
    %dma_start3A_22 = tpu.memref_slice %arg6[%add3A_17, %dma_start3A_21] : memref<136x100xi32, #tpu.memory_space<vmem>> -> memref<1x100xi32, #tpu.memory_space<vmem>>
    %dma_start3A_23 = tpu.memref_squeeze %dma_start3A_22 : memref<1x100xi32, #tpu.memory_space<vmem>> -> memref<100xi32, #tpu.memory_space<vmem>>
    %dma_start3A_24 = arith.constant 0 : i32
    %dma_start3A_25 = arith.constant 0 : i32
    %dma_start3A_26 = tpu.memref_slice %arg2[%dma_start3A_24, %dma_start3A_25] : memref<100000x128xf32, #tpu.memory_space<hbm>> -> memref<100000x128xf32, #tpu.memory_space<hbm>>
    tpu.enqueue_indirect_dma source(%dma_start3A_26 : memref<100000x128xf32, #tpu.memory_space<hbm>>) target(%dma_start3A_20 : memref<100x128xf32, #tpu.memory_space<vmem>>) offsets(%dma_start3A_23 : memref<100xi32, #tpu.memory_space<vmem>>) semaphore(%arg11 : memref<!tpu.dma_semaphore, #tpu.memory_space<semaphore_mem>>)
    %jit3A_27 = arith.constant false
    %jit3A_28 = arith.constant 136 : i32
    %jit3A_29 = arith.constant 0 : i32
    %select_n3A_30 = arith.select %jit3A_27, %jit3A_28, %jit3A_29 : i32
    %sub3A_31 = arith.constant 2 : i32
    %sub3A_32 = arith.subi %sub3A_31, %select_n3A_30 : i32
    %dma_start3A_33 = arith.constant 0 : i32
    %dma_start3A_34 = arith.constant 0 : i32
    %dma_start3A_35 = tpu.memref_slice %arg9[%dma_start3A_33, %dma_start3A_34] : memref<200x128xf32, #tpu.memory_space<vmem>> -> memref<100x128xf32, #tpu.memory_space<vmem>>
    %dma_start3A_36 = arith.constant 0 : i32
    %dma_start3A_37 = tpu.memref_slice %arg6[%sub3A_32, %dma_start3A_36] : memref<136x100xi32, #tpu.memory_space<vmem>> -> memref<1x100xi32, #tpu.memory_space<vmem>>
    %dma_start3A_38 = tpu.memref_squeeze %dma_start3A_37 : memref<1x100xi32, #tpu.memory_space<vmem>> -> memref<100xi32, #tpu.memory_space<vmem>>
    %dma_start3A_39 = arith.constant 0 : i32
    %dma_start3A_40 = arith.constant 0 : i32
    %dma_start3A_41 = tpu.memref_slice %arg2[%dma_start3A_39, %dma_start3A_40] : memref<100000x128xf32, #tpu.memory_space<hbm>> -> memref<100000x128xf32, #tpu.memory_space<hbm>>
    tpu.enqueue_indirect_dma source(%dma_start3A_41 : memref<100000x128xf32, #tpu.memory_space<hbm>>) target(%dma_start3A_35 : memref<100x128xf32, #tpu.memory_space<vmem>>) offsets(%dma_start3A_38 : memref<100xi32, #tpu.memory_space<vmem>>) semaphore(%arg12 : memref<!tpu.dma_semaphore, #tpu.memory_space<semaphore_mem>>)
    %add3A_42 = arith.constant 1 : i32
    %add3A_43 = arith.addi %sub3A_32, %add3A_42 : i32
    %dma_start3A_44 = arith.constant 100 : i32
    %dma_start3A_45 = arith.constant 0 : i32
    %dma_start3A_46 = tpu.memref_slice %arg9[%dma_start3A_44, %dma_start3A_45] : memref<200x128xf32, #tpu.memory_space<vmem>> -> memref<100x128xf32, #tpu.memory_space<vmem>>
    %dma_start3A_47 = arith.constant 0 : i32
    %dma_start3A_48 = tpu.memref_slice %arg6[%add3A_43, %dma_start3A_47] : memref<136x100xi32, #tpu.memory_space<vmem>> -> memref<1x100xi32, #tpu.memory_space<vmem>>
    %dma_start3A_49 = tpu.memref_squeeze %dma_start3A_48 : memref<1x100xi32, #tpu.memory_space<vmem>> -> memref<100xi32, #tpu.memory_space<vmem>>
    %dma_start3A_50 = arith.constant 0 : i32
    %dma_start3A_51 = arith.constant 0 : i32
    %dma_start3A_52 = tpu.memref_slice %arg2[%dma_start3A_50, %dma_start3A_51] : memref<100000x128xf32, #tpu.memory_space<hbm>> -> memref<100000x128xf32, #tpu.memory_space<hbm>>
    tpu.enqueue_indirect_dma source(%dma_start3A_52 : memref<100000x128xf32, #tpu.memory_space<hbm>>) target(%dma_start3A_46 : memref<100x128xf32, #tpu.memory_space<vmem>>) offsets(%dma_start3A_49 : memref<100xi32, #tpu.memory_space<vmem>>) semaphore(%arg12 : memref<!tpu.dma_semaphore, #tpu.memory_space<semaphore_mem>>)
    %scan3A = arith.constant 0 : i32
    %scan3A_53 = arith.constant 43 : i32
    %scan3A_54 = arith.addi %scan3A, %scan3A_53 : i32
    %scan3A_55 = arith.constant 1 : i32
    scf.for %scan3A_74 = %scan3A to %scan3A_54 step %scan3A_55  : i32 {
      %mul3A_75 = arith.constant 1 : i32
      %mul3A_76 = arith.muli %scan3A_74, %mul3A_75 : i32
      %add3A_77 = arith.constant 0 : i32
      %add3A_78 = arith.addi %add3A_77, %mul3A_76 : i32
      %mul3A_79 = arith.constant 3 : i32
      %mul3A_80 = arith.muli %mul3A_79, %add3A_78 : i32
      %add3A_81 = arith.constant 0 : i32
      %add3A_82 = arith.addi %mul3A_80, %add3A_81 : i32
      %add3A_83 = arith.constant 3 : i32
      %add3A_84 = arith.addi %add3A_82, %add3A_83 : i32
      %sub3A_85 = arith.constant 1 : i32
      %sub3A_86 = arith.subi %add3A_84, %sub3A_85 : i32
      %eq3A = arith.constant 60 : i32
      %eq3A_87 = arith.cmpi eq, %add3A_82, %eq3A : i32
      %convert_element_type3A = arith.extui %eq3A_87 : i1 to i32
      %cond3A = arith.constant 0 : i32
      %cond3A_88 = arith.cmpi ne, %convert_element_type3A, %cond3A : i32
      scf.if %cond3A_88 {
        %mul3A_144 = arith.constant 2 : i32
        %mul3A_145 = arith.muli %mul3A_2, %mul3A_144 : i32
        %add3A_146 = arith.constant 136 : i32
        %add3A_147 = arith.addi %mul3A_145, %add3A_146 : i32
        %dma_start3A_148 = arith.constant 0 : i32
        %dma_start3A_149 = arith.constant 0 : i32
        %dma_start3A_150 = tpu.memref_slice %arg6[%dma_start3A_148, %dma_start3A_149] : memref<136x100xi32, #tpu.memory_space<vmem>> -> memref<120x100xi32, #tpu.memory_space<vmem>>
        %dma_start3A_151 = arith.constant 0 : i32
        %dma_start3A_152 = tpu.memref_slice %arg3[%add3A_147, %dma_start3A_151] : memref<8192x100xi32, #tpu.memory_space<hbm>> -> memref<120x100xi32, #tpu.memory_space<hbm>>
        %dma_start3A_153 = arith.constant 0 : i32
        %dma_start3A_154 = arith.constant 0 : i32
        %dma_start3A_155 = tpu.memref_slice %arg6[%dma_start3A_153, %dma_start3A_154] : memref<136x100xi32, #tpu.memory_space<vmem>> -> memref<120x100xi32, #tpu.memory_space<vmem>>
        %dma_start3A_156 = arith.constant 0 : i32
        %dma_start3A_157 = tpu.memref_slice %arg3[%add3A_147, %dma_start3A_156] : memref<8192x100xi32, #tpu.memory_space<hbm>> -> memref<120x100xi32, #tpu.memory_space<hbm>>
        tpu.enqueue_dma source(%dma_start3A_157 : memref<120x100xi32, #tpu.memory_space<hbm>>) target(%dma_start3A_155 : memref<120x100xi32, #tpu.memory_space<vmem>>) target_semaphore(%arg17 : memref<!tpu.dma_semaphore, #tpu.memory_space<semaphore_mem>>)
      } else {
      }
      %lt3A = arith.constant 128 : i32
      %lt3A_89 = arith.cmpi slt, %sub3A_86, %lt3A : i32
      %convert_element_type3A_90 = arith.extui %lt3A_89 : i1 to i32
      %cond3A_91 = arith.constant 0 : i32
      %cond3A_92 = arith.cmpi ne, %convert_element_type3A_90, %cond3A_91 : i32
      scf.if %cond3A_92 {
        %ge3A = arith.constant 1 : i32
        %ge3A_144 = arith.cmpi sge, %add3A_82, %ge3A : i32
        %convert_element_type3A_145 = arith.extui %ge3A_144 : i1 to i32
        %cond3A_146 = arith.constant 0 : i32
        %cond3A_147 = arith.cmpi ne, %convert_element_type3A_145, %cond3A_146 : i32
        scf.if %cond3A_147 {
          %dma_wait3A_181 = arith.constant 0 : i32
          %dma_wait3A_182 = arith.constant 0 : i32
          %dma_wait3A_183 = tpu.memref_slice %arg5[%dma_wait3A_181, %dma_wait3A_182] : memref<819200x128xf32, #tpu.memory_space<hbm>> -> memref<200x128xf32, #tpu.memory_space<hbm>>
          %dma_wait3A_184 = arith.constant 0 : i32
          %dma_wait3A_185 = arith.constant 0 : i32
          %dma_wait3A_186 = tpu.memref_slice %arg5[%dma_wait3A_184, %dma_wait3A_185] : memref<819200x128xf32, #tpu.memory_space<hbm>> -> memref<200x128xf32, #tpu.memory_space<hbm>>
          tpu.wait_dma2 semaphore(%arg16 : memref<!tpu.dma_semaphore, #tpu.memory_space<semaphore_mem>>) src(%arg10 : memref<200x128xf32, #tpu.memory_space<vmem>>) dst(%dma_wait3A_186 : memref<200x128xf32, #tpu.memory_space<hbm>>)
        } else {
        }
        %eq3A_148 = arith.constant 68 : i32
        %eq3A_149 = arith.cmpi eq, %sub3A_86, %eq3A_148 : i32
        %convert_element_type3A_150 = arith.extui %eq3A_149 : i1 to i32
        %cond3A_151 = arith.constant 0 : i32
        %cond3A_152 = arith.cmpi ne, %convert_element_type3A_150, %cond3A_151 : i32
        scf.if %cond3A_152 {
          %mul3A_181 = arith.constant 2 : i32
          %mul3A_182 = arith.muli %mul3A_2, %mul3A_181 : i32
          %add3A_183 = arith.constant 136 : i32
          %add3A_184 = arith.addi %mul3A_182, %add3A_183 : i32
          %dma_wait3A_185 = arith.constant 0 : i32
          %dma_wait3A_186 = arith.constant 0 : i32
          %dma_wait3A_187 = tpu.memref_slice %arg6[%dma_wait3A_185, %dma_wait3A_186] : memref<136x100xi32, #tpu.memory_space<vmem>> -> memref<120x100xi32, #tpu.memory_space<vmem>>
          %dma_wait3A_188 = arith.constant 0 : i32
          %dma_wait3A_189 = tpu.memref_slice %arg3[%add3A_184, %dma_wait3A_188] : memref<8192x100xi32, #tpu.memory_space<hbm>> -> memref<120x100xi32, #tpu.memory_space<hbm>>
          %dma_wait3A_190 = arith.constant 0 : i32
          %dma_wait3A_191 = arith.constant 0 : i32
          %dma_wait3A_192 = tpu.memref_slice %arg6[%dma_wait3A_190, %dma_wait3A_191] : memref<136x100xi32, #tpu.memory_space<vmem>> -> memref<120x100xi32, #tpu.memory_space<vmem>>
          %dma_wait3A_193 = arith.constant 0 : i32
          %dma_wait3A_194 = tpu.memref_slice %arg3[%add3A_184, %dma_wait3A_193] : memref<8192x100xi32, #tpu.memory_space<hbm>> -> memref<120x100xi32, #tpu.memory_space<hbm>>
          tpu.wait_dma2 semaphore(%arg17 : memref<!tpu.dma_semaphore, #tpu.memory_space<semaphore_mem>>) src(%dma_wait3A_194 : memref<120x100xi32, #tpu.memory_space<hbm>>) dst(%dma_wait3A_192 : memref<120x100xi32, #tpu.memory_space<vmem>>)
        } else {
        }
        %mul3A_153 = arith.constant 2 : i32
        %mul3A_154 = arith.muli %mul3A_153, %sub3A_86 : i32
        %ge3A_155 = arith.constant 68 : i32
        %ge3A_156 = arith.cmpi sge, %sub3A_86, %ge3A_155 : i32
        %jit3A_157 = arith.constant 136 : i32
        %jit3A_158 = arith.constant 0 : i32
        %select_n3A_159 = arith.select %ge3A_156, %jit3A_157, %jit3A_158 : i32
        %sub3A_160 = arith.subi %mul3A_154, %select_n3A_159 : i32
        %dma_start3A_161 = arith.constant 0 : i32
        %dma_start3A_162 = arith.constant 0 : i32
        %dma_start3A_163 = tpu.memref_slice %arg10[%dma_start3A_161, %dma_start3A_162] : memref<200x128xf32, #tpu.memory_space<vmem>> -> memref<100x128xf32, #tpu.memory_space<vmem>>
        %dma_start3A_164 = arith.constant 0 : i32
        %dma_start3A_165 = tpu.memref_slice %arg6[%sub3A_160, %dma_start3A_164] : memref<136x100xi32, #tpu.memory_space<vmem>> -> memref<1x100xi32, #tpu.memory_space<vmem>>
        %dma_start3A_166 = tpu.memref_squeeze %dma_start3A_165 : memref<1x100xi32, #tpu.memory_space<vmem>> -> memref<100xi32, #tpu.memory_space<vmem>>
        %dma_start3A_167 = arith.constant 0 : i32
        %dma_start3A_168 = arith.constant 0 : i32
        %dma_start3A_169 = tpu.memref_slice %arg2[%dma_start3A_167, %dma_start3A_168] : memref<100000x128xf32, #tpu.memory_space<hbm>> -> memref<100000x128xf32, #tpu.memory_space<hbm>>
        tpu.enqueue_indirect_dma source(%dma_start3A_169 : memref<100000x128xf32, #tpu.memory_space<hbm>>) target(%dma_start3A_163 : memref<100x128xf32, #tpu.memory_space<vmem>>) offsets(%dma_start3A_166 : memref<100xi32, #tpu.memory_space<vmem>>) semaphore(%arg13 : memref<!tpu.dma_semaphore, #tpu.memory_space<semaphore_mem>>)
        %add3A_170 = arith.constant 1 : i32
        %add3A_171 = arith.addi %sub3A_160, %add3A_170 : i32
        %dma_start3A_172 = arith.constant 100 : i32
        %dma_start3A_173 = arith.constant 0 : i32
        %dma_start3A_174 = tpu.memref_slice %arg10[%dma_start3A_172, %dma_start3A_173] : memref<200x128xf32, #tpu.memory_space<vmem>> -> memref<100x128xf32, #tpu.memory_space<vmem>>
        %dma_start3A_175 = arith.constant 0 : i32
        %dma_start3A_176 = tpu.memref_slice %arg6[%add3A_171, %dma_start3A_175] : memref<136x100xi32, #tpu.memory_space<vmem>> -> memref<1x100xi32, #tpu.memory_space<vmem>>
        %dma_start3A_177 = tpu.memref_squeeze %dma_start3A_176 : memref<1x100xi32, #tpu.memory_space<vmem>> -> memref<100xi32, #tpu.memory_space<vmem>>
        %dma_start3A_178 = arith.constant 0 : i32
        %dma_start3A_179 = arith.constant 0 : i32
        %dma_start3A_180 = tpu.memref_slice %arg2[%dma_start3A_178, %dma_start3A_179] : memref<100000x128xf32, #tpu.memory_space<hbm>> -> memref<100000x128xf32, #tpu.memory_space<hbm>>
        tpu.enqueue_indirect_dma source(%dma_start3A_180 : memref<100000x128xf32, #tpu.memory_space<hbm>>) target(%dma_start3A_174 : memref<100x128xf32, #tpu.memory_space<vmem>>) offsets(%dma_start3A_177 : memref<100xi32, #tpu.memory_space<vmem>>) semaphore(%arg13 : memref<!tpu.dma_semaphore, #tpu.memory_space<semaphore_mem>>)
      } else {
      }
      %lt3A_93 = arith.constant 128 : i32
      %lt3A_94 = arith.cmpi slt, %add3A_82, %lt3A_93 : i32
      %convert_element_type3A_95 = arith.extui %lt3A_94 : i1 to i32
      %cond3A_96 = arith.constant 0 : i32
      %cond3A_97 = arith.cmpi ne, %convert_element_type3A_95, %cond3A_96 : i32
      scf.if %cond3A_97 {
        %mul3A_144 = arith.constant 2 : i32
        %mul3A_145 = arith.muli %mul3A_144, %add3A_82 : i32
        %ge3A = arith.constant 68 : i32
        %ge3A_146 = arith.cmpi sge, %add3A_82, %ge3A : i32
        %jit3A_147 = arith.constant 136 : i32
        %jit3A_148 = arith.constant 0 : i32
        %select_n3A_149 = arith.select %ge3A_146, %jit3A_147, %jit3A_148 : i32
        %sub3A_150 = arith.subi %mul3A_145, %select_n3A_149 : i32
        %dma_wait3A_151 = arith.constant 0 : i32
        %dma_wait3A_152 = arith.constant 0 : i32
        %dma_wait3A_153 = tpu.memref_slice %arg8[%dma_wait3A_151, %dma_wait3A_152] : memref<200x128xf32, #tpu.memory_space<vmem>> -> memref<100x128xf32, #tpu.memory_space<vmem>>
        %dma_wait3A_154 = arith.constant 0 : i32
        %dma_wait3A_155 = tpu.memref_slice %arg6[%sub3A_150, %dma_wait3A_154] : memref<136x100xi32, #tpu.memory_space<vmem>> -> memref<1x100xi32, #tpu.memory_space<vmem>>
        %dma_wait3A_156 = tpu.memref_squeeze %dma_wait3A_155 : memref<1x100xi32, #tpu.memory_space<vmem>> -> memref<100xi32, #tpu.memory_space<vmem>>
        %dma_wait3A_157 = arith.constant 0 : i32
        %dma_wait3A_158 = arith.constant 0 : i32
        %dma_wait3A_159 = tpu.memref_slice %arg2[%dma_wait3A_157, %dma_wait3A_158] : memref<100000x128xf32, #tpu.memory_space<hbm>> -> memref<100000x128xf32, #tpu.memory_space<hbm>>
        tpu.wait_indirect_dma semaphore(%arg11 : memref<!tpu.dma_semaphore, #tpu.memory_space<semaphore_mem>>) src(%dma_wait3A_159 : memref<100000x128xf32, #tpu.memory_space<hbm>>) dst(%dma_wait3A_153 : memref<100x128xf32, #tpu.memory_space<vmem>>)
        %add3A_160 = arith.constant 1 : i32
        %add3A_161 = arith.addi %sub3A_150, %add3A_160 : i32
        %dma_wait3A_162 = arith.constant 100 : i32
        %dma_wait3A_163 = arith.constant 0 : i32
        %dma_wait3A_164 = tpu.memref_slice %arg8[%dma_wait3A_162, %dma_wait3A_163] : memref<200x128xf32, #tpu.memory_space<vmem>> -> memref<100x128xf32, #tpu.memory_space<vmem>>
        %dma_wait3A_165 = arith.constant 0 : i32
        %dma_wait3A_166 = tpu.memref_slice %arg6[%add3A_161, %dma_wait3A_165] : memref<136x100xi32, #tpu.memory_space<vmem>> -> memref<1x100xi32, #tpu.memory_space<vmem>>
        %dma_wait3A_167 = tpu.memref_squeeze %dma_wait3A_166 : memref<1x100xi32, #tpu.memory_space<vmem>> -> memref<100xi32, #tpu.memory_space<vmem>>
        %dma_wait3A_168 = arith.constant 0 : i32
        %dma_wait3A_169 = arith.constant 0 : i32
        %dma_wait3A_170 = tpu.memref_slice %arg2[%dma_wait3A_168, %dma_wait3A_169] : memref<100000x128xf32, #tpu.memory_space<hbm>> -> memref<100000x128xf32, #tpu.memory_space<hbm>>
        tpu.wait_indirect_dma semaphore(%arg11 : memref<!tpu.dma_semaphore, #tpu.memory_space<semaphore_mem>>) src(%dma_wait3A_170 : memref<100000x128xf32, #tpu.memory_space<hbm>>) dst(%dma_wait3A_164 : memref<100x128xf32, #tpu.memory_space<vmem>>)
        %scan3A_171 = arith.constant 0 : i32
        %scan3A_172 = arith.constant 25 : i32
        %scan3A_173 = arith.addi %scan3A_171, %scan3A_172 : i32
        %scan3A_174 = arith.constant 1 : i32
        scf.for %scan3A_183 = %scan3A_171 to %scan3A_173 step %scan3A_174  : i32 {
          %mul3A_184 = arith.constant 8 : i32
          %mul3A_185 = arith.muli %scan3A_183, %mul3A_184 : i32
          %add3A_186 = arith.constant 0 : i32
          %add3A_187 = arith.addi %add3A_186, %mul3A_185 : i32
          %add3A_188 = arith.constant 0 : i32
          %add3A_189 = arith.addi %add3A_187, %add3A_188 : i32
          %add3A_190 = arith.constant 0 : i32
          %add3A_191 = arith.addi %add3A_187, %add3A_190 : i32
          %get3A = arith.index_cast %add3A_191 : i32 to index
          %get3A_192 = arith.constant 0 : index
          %get3A_193 = tpu.vector_load %arg7[%get3A, %get3A_192] {strides = array<i32>} : memref<200x128xf32, #tpu.memory_space<vmem>>, vector<1x16xf32>,
          %get3A_194 = vector.shape_cast %get3A_193 : vector<1x16xf32> to vector<16xf32>
          %swap3A = arith.index_cast %add3A_189 : i32 to index
          %swap3A_195 = arith.constant 0 : index
          %swap3A_196 = tpu.vector_load %arg8[%swap3A, %swap3A_195] {strides = array<i32>} : memref<200x128xf32, #tpu.memory_space<vmem>>, vector<1x16xf32>,
          %swap3A_197 = vector.shape_cast %swap3A_196 : vector<1x16xf32> to vector<16xf32>
          %swap3A_198 = vector.shape_cast %get3A_194 : vector<16xf32> to vector<1x16xf32>
          tpu.vector_store %arg8[%swap3A, %swap3A_195], %swap3A_198 {add = true, strides = array<i32>} : memref<200x128xf32, #tpu.memory_space<vmem>>, vector<1x16xf32>,
          %add3A_199 = arith.constant 0 : i32
          %add3A_200 = arith.addi %add3A_187, %add3A_199 : i32
          %add3A_201 = arith.constant 0 : i32
          %add3A_202 = arith.addi %add3A_187, %add3A_201 : i32
          %get3A_203 = arith.index_cast %add3A_202 : i32 to index
          %get3A_204 = arith.constant 16 : index
          %get3A_205 = tpu.vector_load %arg7[%get3A_203, %get3A_204] {strides = array<i32>} : memref<200x128xf32, #tpu.memory_space<vmem>>, vector<1x16xf32>,
          %get3A_206 = vector.shape_cast %get3A_205 : vector<1x16xf32> to vector<16xf32>
          %swap3A_207 = arith.index_cast %add3A_200 : i32 to index
          %swap3A_208 = arith.constant 16 : index
          %swap3A_209 = tpu.vector_load %arg8[%swap3A_207, %swap3A_208] {strides = array<i32>} : memref<200x128xf32, #tpu.memory_space<vmem>>, vector<1x16xf32>,
          %swap3A_210 = vector.shape_cast %swap3A_209 : vector<1x16xf32> to vector<16xf32>
          %swap3A_211 = vector.shape_cast %get3A_206 : vector<16xf32> to vector<1x16xf32>
          tpu.vector_store %arg8[%swap3A_207, %swap3A_208], %swap3A_211 {add = true, strides = array<i32>} : memref<200x128xf32, #tpu.memory_space<vmem>>, vector<1x16xf32>,
          %add3A_212 = arith.constant 0 : i32
          %add3A_213 = arith.addi %add3A_187, %add3A_212 : i32
          %add3A_214 = arith.constant 0 : i32
          %add3A_215 = arith.addi %add3A_187, %add3A_214 : i32
          %get3A_216 = arith.index_cast %add3A_215 : i32 to index
          %get3A_217 = arith.constant 32 : index
          %get3A_218 = tpu.vector_load %arg7[%get3A_216, %get3A_217] {strides = array<i32>} : memref<200x128xf32, #tpu.memory_space<vmem>>, vector<1x16xf32>,
          %get3A_219 = vector.shape_cast %get3A_218 : vector<1x16xf32> to vector<16xf32>
          %swap3A_220 = arith.index_cast %add3A_213 : i32 to index
          %swap3A_221 = arith.constant 32 : index
          %swap3A_222 = tpu.vector_load %arg8[%swap3A_220, %swap3A_221] {strides = array<i32>} : memref<200x128xf32, #tpu.memory_space<vmem>>, vector<1x16xf32>,
          %swap3A_223 = vector.shape_cast %swap3A_222 : vector<1x16xf32> to vector<16xf32>
          %swap3A_224 = vector.shape_cast %get3A_219 : vector<16xf32> to vector<1x16xf32>
          tpu.vector_store %arg8[%swap3A_220, %swap3A_221], %swap3A_224 {add = true, strides = array<i32>} : memref<200x128xf32, #tpu.memory_space<vmem>>, vector<1x16xf32>,
          %add3A_225 = arith.constant 0 : i32
          %add3A_226 = arith.addi %add3A_187, %add3A_225 : i32
          %add3A_227 = arith.constant 0 : i32
          %add3A_228 = arith.addi %add3A_187, %add3A_227 : i32
          %get3A_229 = arith.index_cast %add3A_228 : i32 to index
          %get3A_230 = arith.constant 48 : index
          %get3A_231 = tpu.vector_load %arg7[%get3A_229, %get3A_230] {strides = array<i32>} : memref<200x128xf32, #tpu.memory_space<vmem>>, vector<1x16xf32>,
          %get3A_232 = vector.shape_cast %get3A_231 : vector<1x16xf32> to vector<16xf32>
          %swap3A_233 = arith.index_cast %add3A_226 : i32 to index
          %swap3A_234 = arith.constant 48 : index
          %swap3A_235 = tpu.vector_load %arg8[%swap3A_233, %swap3A_234] {strides = array<i32>} : memref<200x128xf32, #tpu.memory_space<vmem>>, vector<1x16xf32>,
          %swap3A_236 = vector.shape_cast %swap3A_235 : vector<1x16xf32> to vector<16xf32>
          %swap3A_237 = vector.shape_cast %get3A_232 : vector<16xf32> to vector<1x16xf32>
          tpu.vector_store %arg8[%swap3A_233, %swap3A_234], %swap3A_237 {add = true, strides = array<i32>} : memref<200x128xf32, #tpu.memory_space<vmem>>, vector<1x16xf32>,
          %add3A_238 = arith.constant 0 : i32
          %add3A_239 = arith.addi %add3A_187, %add3A_238 : i32
          %add3A_240 = arith.constant 0 : i32
          %add3A_241 = arith.addi %add3A_187, %add3A_240 : i32
          %get3A_242 = arith.index_cast %add3A_241 : i32 to index
          %get3A_243 = arith.constant 64 : index
          %get3A_244 = tpu.vector_load %arg7[%get3A_242, %get3A_243] {strides = array<i32>} : memref<200x128xf32, #tpu.memory_space<vmem>>, vector<1x16xf32>,
          %get3A_245 = vector.shape_cast %get3A_244 : vector<1x16xf32> to vector<16xf32>
          %swap3A_246 = arith.index_cast %add3A_239 : i32 to index
          %swap3A_247 = arith.constant 64 : index
          %swap3A_248 = tpu.vector_load %arg8[%swap3A_246, %swap3A_247] {strides = array<i32>} : memref<200x128xf32, #tpu.memory_space<vmem>>, vector<1x16xf32>,
          %swap3A_249 = vector.shape_cast %swap3A_248 : vector<1x16xf32> to vector<16xf32>
          %swap3A_250 = vector.shape_cast %get3A_245 : vector<16xf32> to vector<1x16xf32>
          tpu.vector_store %arg8[%swap3A_246, %swap3A_247], %swap3A_250 {add = true, strides = array<i32>} : memref<200x128xf32, #tpu.memory_space<vmem>>, vector<1x16xf32>,
          %add3A_251 = arith.constant 0 : i32
          %add3A_252 = arith.addi %add3A_187, %add3A_251 : i32
          %add3A_253 = arith.constant 0 : i32
          %add3A_254 = arith.addi %add3A_187, %add3A_253 : i32
          %get3A_255 = arith.index_cast %add3A_254 : i32 to index
          %get3A_256 = arith.constant 80 : index
          %get3A_257 = tpu.vector_load %arg7[%get3A_255, %get3A_256] {strides = array<i32>} : memref<200x128xf32, #tpu.memory_space<vmem>>, vector<1x16xf32>,
          %get3A_258 = vector.shape_cast %get3A_257 : vector<1x16xf32> to vector<16xf32>
          %swap3A_259 = arith.index_cast %add3A_252 : i32 to index
          %swap3A_260 = arith.constant 80 : index
          %swap3A_261 = tpu.vector_load %arg8[%swap3A_259, %swap3A_260] {strides = array<i32>} : memref<200x128xf32, #tpu.memory_space<vmem>>, vector<1x16xf32>,
          %swap3A_262 = vector.shape_cast %swap3A_261 : vector<1x16xf32> to vector<16xf32>
          %swap3A_263 = vector.shape_cast %get3A_258 : vector<16xf32> to vector<1x16xf32>
          tpu.vector_store %arg8[%swap3A_259, %swap3A_260], %swap3A_263 {add = true, strides = array<i32>} : memref<200x128xf32, #tpu.memory_space<vmem>>, vector<1x16xf32>,
          %add3A_264 = arith.constant 0 : i32
          %add3A_265 = arith.addi %add3A_187, %add3A_264 : i32
          %add3A_266 = arith.constant 0 : i32
          %add3A_267 = arith.addi %add3A_187, %add3A_266 : i32
          %get3A_268 = arith.index_cast %add3A_267 : i32 to index
          %get3A_269 = arith.constant 96 : index
          %get3A_270 = tpu.vector_load %arg7[%get3A_268, %get3A_269] {strides = array<i32>} : memref<200x128xf32, #tpu.memory_space<vmem>>, vector<1x16xf32>,
          %get3A_271 = vector.shape_cast %get3A_270 : vector<1x16xf32> to vector<16xf32>
          %swap3A_272 = arith.index_cast %add3A_265 : i32 to index
          %swap3A_273 = arith.constant 96 : index
          %swap3A_274 = tpu.vector_load %arg8[%swap3A_272, %swap3A_273] {strides = array<i32>} : memref<200x128xf32, #tpu.memory_space<vmem>>, vector<1x16xf32>,
          %swap3A_275 = vector.shape_cast %swap3A_274 : vector<1x16xf32> to vector<16xf32>
          %swap3A_276 = vector.shape_cast %get3A_271 : vector<16xf32> to vector<1x16xf32>
          tpu.vector_store %arg8[%swap3A_272, %swap3A_273], %swap3A_276 {add = true, strides = array<i32>} : memref<200x128xf32, #tpu.memory_space<vmem>>, vector<1x16xf32>,
          %add3A_277 = arith.constant 0 : i32
          %add3A_278 = arith.addi %add3A_187, %add3A_277 : i32
          %add3A_279 = arith.constant 0 : i32
          %add3A_280 = arith.addi %add3A_187, %add3A_279 : i32
          %get3A_281 = arith.index_cast %add3A_280 : i32 to index
          %get3A_282 = arith.constant 112 : index
          %get3A_283 = tpu.vector_load %arg7[%get3A_281, %get3A_282] {strides = array<i32>} : memref<200x128xf32, #tpu.memory_space<vmem>>, vector<1x16xf32>,
          %get3A_284 = vector.shape_cast %get3A_283 : vector<1x16xf32> to vector<16xf32>
          %swap3A_285 = arith.index_cast %add3A_278 : i32 to index
          %swap3A_286 = arith.constant 112 : index
          %swap3A_287 = tpu.vector_load %arg8[%swap3A_285, %swap3A_286] {strides = array<i32>} : memref<200x128xf32, #tpu.memory_space<vmem>>, vector<1x16xf32>,
          %swap3A_288 = vector.shape_cast %swap3A_287 : vector<1x16xf32> to vector<16xf32>
          %swap3A_289 = vector.shape_cast %get3A_284 : vector<16xf32> to vector<1x16xf32>
          tpu.vector_store %arg8[%swap3A_285, %swap3A_286], %swap3A_289 {add = true, strides = array<i32>} : memref<200x128xf32, #tpu.memory_space<vmem>>, vector<1x16xf32>,
          %add3A_290 = arith.constant 1 : i32
          %add3A_291 = arith.addi %add3A_187, %add3A_290 : i32
          %add3A_292 = arith.constant 1 : i32
          %add3A_293 = arith.addi %add3A_187, %add3A_292 : i32
          %get3A_294 = arith.index_cast %add3A_293 : i32 to index
          %get3A_295 = arith.constant 0 : index
          %get3A_296 = tpu.vector_load %arg7[%get3A_294, %get3A_295] {strides = array<i32>} : memref<200x128xf32, #tpu.memory_space<vmem>>, vector<1x16xf32>,
          %get3A_297 = vector.shape_cast %get3A_296 : vector<1x16xf32> to vector<16xf32>
          %swap3A_298 = arith.index_cast %add3A_291 : i32 to index
          %swap3A_299 = arith.constant 0 : index
          %swap3A_300 = tpu.vector_load %arg8[%swap3A_298, %swap3A_299] {strides = array<i32>} : memref<200x128xf32, #tpu.memory_space<vmem>>, vector<1x16xf32>,
          %swap3A_301 = vector.shape_cast %swap3A_300 : vector<1x16xf32> to vector<16xf32>
          %swap3A_302 = vector.shape_cast %get3A_297 : vector<16xf32> to vector<1x16xf32>
          tpu.vector_store %arg8[%swap3A_298, %swap3A_299], %swap3A_302 {add = true, strides = array<i32>} : memref<200x128xf32, #tpu.memory_space<vmem>>, vector<1x16xf32>,
          %add3A_303 = arith.constant 1 : i32
          %add3A_304 = arith.addi %add3A_187, %add3A_303 : i32
          %add3A_305 = arith.constant 1 : i32
          %add3A_306 = arith.addi %add3A_187, %add3A_305 : i32
          %get3A_307 = arith.index_cast %add3A_306 : i32 to index
          %get3A_308 = arith.constant 16 : index
          %get3A_309 = tpu.vector_load %arg7[%get3A_307, %get3A_308] {strides = array<i32>} : memref<200x128xf32, #tpu.memory_space<vmem>>, vector<1x16xf32>,
          %get3A_310 = vector.shape_cast %get3A_309 : vector<1x16xf32> to vector<16xf32>
          %swap3A_311 = arith.index_cast %add3A_304 : i32 to index
          %swap3A_312 = arith.constant 16 : index
          %swap3A_313 = tpu.vector_load %arg8[%swap3A_311, %swap3A_312] {strides = array<i32>} : memref<200x128xf32, #tpu.memory_space<vmem>>, vector<1x16xf32>,
          %swap3A_314 = vector.shape_cast %swap3A_313 : vector<1x16xf32> to vector<16xf32>
          %swap3A_315 = vector.shape_cast %get3A_310 : vector<16xf32> to vector<1x16xf32>
          tpu.vector_store %arg8[%swap3A_311, %swap3A_312], %swap3A_315 {add = true, strides = array<i32>} : memref<200x128xf32, #tpu.memory_space<vmem>>, vector<1x16xf32>,
          %add3A_316 = arith.constant 1 : i32
          %add3A_317 = arith.addi %add3A_187, %add3A_316 : i32
          %add3A_318 = arith.constant 1 : i32
          %add3A_319 = arith.addi %add3A_187, %add3A_318 : i32
          %get3A_320 = arith.index_cast %add3A_319 : i32 to index
          %get3A_321 = arith.constant 32 : index
          %get3A_322 = tpu.vector_load %arg7[%get3A_320, %get3A_321] {strides = array<i32>} : memref<200x128xf32, #tpu.memory_space<vmem>>, vector<1x16xf32>,
          %get3A_323 = vector.shape_cast %get3A_322 : vector<1x16xf32> to vector<16xf32>
          %swap3A_324 = arith.index_cast %add3A_317 : i32 to index
          %swap3A_325 = arith.constant 32 : index
          %swap3A_326 = tpu.vector_load %arg8[%swap3A_324, %swap3A_325] {strides = array<i32>} : memref<200x128xf32, #tpu.memory_space<vmem>>, vector<1x16xf32>,
          %swap3A_327 = vector.shape_cast %swap3A_326 : vector<1x16xf32> to vector<16xf32>
          %swap3A_328 = vector.shape_cast %get3A_323 : vector<16xf32> to vector<1x16xf32>
          tpu.vector_store %arg8[%swap3A_324, %swap3A_325], %swap3A_328 {add = true, strides = array<i32>} : memref<200x128xf32, #tpu.memory_space<vmem>>, vector<1x16xf32>,
          %add3A_329 = arith.constant 1 : i32
          %add3A_330 = arith.addi %add3A_187, %add3A_329 : i32
          %add3A_331 = arith.constant 1 : i32
          %add3A_332 = arith.addi %add3A_187, %add3A_331 : i32
          %get3A_333 = arith.index_cast %add3A_332 : i32 to index
          %get3A_334 = arith.constant 48 : index
          %get3A_335 = tpu.vector_load %arg7[%get3A_333, %get3A_334] {strides = array<i32>} : memref<200x128xf32, #tpu.memory_space<vmem>>, vector<1x16xf32>,
          %get3A_336 = vector.shape_cast %get3A_335 : vector<1x16xf32> to vector<16xf32>
          %swap3A_337 = arith.index_cast %add3A_330 : i32 to index
          %swap3A_338 = arith.constant 48 : index
          %swap3A_339 = tpu.vector_load %arg8[%swap3A_337, %swap3A_338] {strides = array<i32>} : memref<200x128xf32, #tpu.memory_space<vmem>>, vector<1x16xf32>,
          %swap3A_340 = vector.shape_cast %swap3A_339 : vector<1x16xf32> to vector<16xf32>
          %swap3A_341 = vector.shape_cast %get3A_336 : vector<16xf32> to vector<1x16xf32>
          tpu.vector_store %arg8[%swap3A_337, %swap3A_338], %swap3A_341 {add = true, strides = array<i32>} : memref<200x128xf32, #tpu.memory_space<vmem>>, vector<1x16xf32>,
          %add3A_342 = arith.constant 1 : i32
          %add3A_343 = arith.addi %add3A_187, %add3A_342 : i32
          %add3A_344 = arith.constant 1 : i32
          %add3A_345 = arith.addi %add3A_187, %add3A_344 : i32
          %get3A_346 = arith.index_cast %add3A_345 : i32 to index
          %get3A_347 = arith.constant 64 : index
          %get3A_348 = tpu.vector_load %arg7[%get3A_346, %get3A_347] {strides = array<i32>} : memref<200x128xf32, #tpu.memory_space<vmem>>, vector<1x16xf32>,
          %get3A_349 = vector.shape_cast %get3A_348 : vector<1x16xf32> to vector<16xf32>
          %swap3A_350 = arith.index_cast %add3A_343 : i32 to index
          %swap3A_351 = arith.constant 64 : index
          %swap3A_352 = tpu.vector_load %arg8[%swap3A_350, %swap3A_351] {strides = array<i32>} : memref<200x128xf32, #tpu.memory_space<vmem>>, vector<1x16xf32>,
          %swap3A_353 = vector.shape_cast %swap3A_352 : vector<1x16xf32> to vector<16xf32>
          %swap3A_354 = vector.shape_cast %get3A_349 : vector<16xf32> to vector<1x16xf32>
          tpu.vector_store %arg8[%swap3A_350, %swap3A_351], %swap3A_354 {add = true, strides = array<i32>} : memref<200x128xf32, #tpu.memory_space<vmem>>, vector<1x16xf32>,
          %add3A_355 = arith.constant 1 : i32
          %add3A_356 = arith.addi %add3A_187, %add3A_355 : i32
          %add3A_357 = arith.constant 1 : i32
          %add3A_358 = arith.addi %add3A_187, %add3A_357 : i32
          %get3A_359 = arith.index_cast %add3A_358 : i32 to index
          %get3A_360 = arith.constant 80 : index
          %get3A_361 = tpu.vector_load %arg7[%get3A_359, %get3A_360] {strides = array<i32>} : memref<200x128xf32, #tpu.memory_space<vmem>>, vector<1x16xf32>,
          %get3A_362 = vector.shape_cast %get3A_361 : vector<1x16xf32> to vector<16xf32>
          %swap3A_363 = arith.index_cast %add3A_356 : i32 to index
          %swap3A_364 = arith.constant 80 : index
          %swap3A_365 = tpu.vector_load %arg8[%swap3A_363, %swap3A_364] {strides = array<i32>} : memref<200x128xf32, #tpu.memory_space<vmem>>, vector<1x16xf32>,
          %swap3A_366 = vector.shape_cast %swap3A_365 : vector<1x16xf32> to vector<16xf32>
          %swap3A_367 = vector.shape_cast %get3A_362 : vector<16xf32> to vector<1x16xf32>
          tpu.vector_store %arg8[%swap3A_363, %swap3A_364], %swap3A_367 {add = true, strides = array<i32>} : memref<200x128xf32, #tpu.memory_space<vmem>>, vector<1x16xf32>,
          %add3A_368 = arith.constant 1 : i32
          %add3A_369 = arith.addi %add3A_187, %add3A_368 : i32
          %add3A_370 = arith.constant 1 : i32
          %add3A_371 = arith.addi %add3A_187, %add3A_370 : i32
          %get3A_372 = arith.index_cast %add3A_371 : i32 to index
          %get3A_373 = arith.constant 96 : index
          %get3A_374 = tpu.vector_load %arg7[%get3A_372, %get3A_373] {strides = array<i32>} : memref<200x128xf32, #tpu.memory_space<vmem>>, vector<1x16xf32>,
          %get3A_375 = vector.shape_cast %get3A_374 : vector<1x16xf32> to vector<16xf32>
          %swap3A_376 = arith.index_cast %add3A_369 : i32 to index
          %swap3A_377 = arith.constant 96 : index
          %swap3A_378 = tpu.vector_load %arg8[%swap3A_376, %swap3A_377] {strides = array<i32>} : memref<200x128xf32, #tpu.memory_space<vmem>>, vector<1x16xf32>,
          %swap3A_379 = vector.shape_cast %swap3A_378 : vector<1x16xf32> to vector<16xf32>
          %swap3A_380 = vector.shape_cast %get3A_375 : vector<16xf32> to vector<1x16xf32>
          tpu.vector_store %arg8[%swap3A_376, %swap3A_377], %swap3A_380 {add = true, strides = array<i32>} : memref<200x128xf32, #tpu.memory_space<vmem>>, vector<1x16xf32>,
          %add3A_381 = arith.constant 1 : i32
          %add3A_382 = arith.addi %add3A_187, %add3A_381 : i32
          %add3A_383 = arith.constant 1 : i32
          %add3A_384 = arith.addi %add3A_187, %add3A_383 : i32
          %get3A_385 = arith.index_cast %add3A_384 : i32 to index
          %get3A_386 = arith.constant 112 : index
          %get3A_387 = tpu.vector_load %arg7[%get3A_385, %get3A_386] {strides = array<i32>} : memref<200x128xf32, #tpu.memory_space<vmem>>, vector<1x16xf32>,
          %get3A_388 = vector.shape_cast %get3A_387 : vector<1x16xf32> to vector<16xf32>
          %swap3A_389 = arith.index_cast %add3A_382 : i32 to index
          %swap3A_390 = arith.constant 112 : index
          %swap3A_391 = tpu.vector_load %arg8[%swap3A_389, %swap3A_390] {strides = array<i32>} : memref<200x128xf32, #tpu.memory_space<vmem>>, vector<1x16xf32>,
          %swap3A_392 = vector.shape_cast %swap3A_391 : vector<1x16xf32> to vector<16xf32>
          %swap3A_393 = vector.shape_cast %get3A_388 : vector<16xf32> to vector<1x16xf32>
          tpu.vector_store %arg8[%swap3A_389, %swap3A_390], %swap3A_393 {add = true, strides = array<i32>} : memref<200x128xf32, #tpu.memory_space<vmem>>, vector<1x16xf32>,
          %add3A_394 = arith.constant 2 : i32
          %add3A_395 = arith.addi %add3A_187, %add3A_394 : i32
          %add3A_396 = arith.constant 2 : i32
          %add3A_397 = arith.addi %add3A_187, %add3A_396 : i32
          %get3A_398 = arith.index_cast %add3A_397 : i32 to index
          %get3A_399 = arith.constant 0 : index
          %get3A_400 = tpu.vector_load %arg7[%get3A_398, %get3A_399] {strides = array<i32>} : memref<200x128xf32, #tpu.memory_space<vmem>>, vector<1x16xf32>,
          %get3A_401 = vector.shape_cast %get3A_400 : vector<1x16xf32> to vector<16xf32>
          %swap3A_402 = arith.index_cast %add3A_395 : i32 to index
          %swap3A_403 = arith.constant 0 : index
          %swap3A_404 = tpu.vector_load %arg8[%swap3A_402, %swap3A_403] {strides = array<i32>} : memref<200x128xf32, #tpu.memory_space<vmem>>, vector<1x16xf32>,
          %swap3A_405 = vector.shape_cast %swap3A_404 : vector<1x16xf32> to vector<16xf32>
          %swap3A_406 = vector.shape_cast %get3A_401 : vector<16xf32> to vector<1x16xf32>
          tpu.vector_store %arg8[%swap3A_402, %swap3A_403], %swap3A_406 {add = true, strides = array<i32>} : memref<200x128xf32, #tpu.memory_space<vmem>>, vector<1x16xf32>,
          %add3A_407 = arith.constant 2 : i32
          %add3A_408 = arith.addi %add3A_187, %add3A_407 : i32
          %add3A_409 = arith.constant 2 : i32
          %add3A_410 = arith.addi %add3A_187, %add3A_409 : i32
          %get3A_411 = arith.index_cast %add3A_410 : i32 to index
          %get3A_412 = arith.constant 16 : index
          %get3A_413 = tpu.vector_load %arg7[%get3A_411, %get3A_412] {strides = array<i32>} : memref<200x128xf32, #tpu.memory_space<vmem>>, vector<1x16xf32>,
          %get3A_414 = vector.shape_cast %get3A_413 : vector<1x16xf32> to vector<16xf32>
          %swap3A_415 = arith.index_cast %add3A_408 : i32 to index
          %swap3A_416 = arith.constant 16 : index
          %swap3A_417 = tpu.vector_load %arg8[%swap3A_415, %swap3A_416] {strides = array<i32>} : memref<200x128xf32, #tpu.memory_space<vmem>>, vector<1x16xf32>,
          %swap3A_418 = vector.shape_cast %swap3A_417 : vector<1x16xf32> to vector<16xf32>
          %swap3A_419 = vector.shape_cast %get3A_414 : vector<16xf32> to vector<1x16xf32>
          tpu.vector_store %arg8[%swap3A_415, %swap3A_416], %swap3A_419 {add = true, strides = array<i32>} : memref<200x128xf32, #tpu.memory_space<vmem>>, vector<1x16xf32>,
          %add3A_420 = arith.constant 2 : i32
          %add3A_421 = arith.addi %add3A_187, %add3A_420 : i32
          %add3A_422 = arith.constant 2 : i32
          %add3A_423 = arith.addi %add3A_187, %add3A_422 : i32
          %get3A_424 = arith.index_cast %add3A_423 : i32 to index
          %get3A_425 = arith.constant 32 : index
          %get3A_426 = tpu.vector_load %arg7[%get3A_424, %get3A_425] {strides = array<i32>} : memref<200x128xf32, #tpu.memory_space<vmem>>, vector<1x16xf32>,
          %get3A_427 = vector.shape_cast %get3A_426 : vector<1x16xf32> to vector<16xf32>
          %swap3A_428 = arith.index_cast %add3A_421 : i32 to index
          %swap3A_429 = arith.constant 32 : index
          %swap3A_430 = tpu.vector_load %arg8[%swap3A_428, %swap3A_429] {strides = array<i32>} : memref<200x128xf32, #tpu.memory_space<vmem>>, vector<1x16xf32>,
          %swap3A_431 = vector.shape_cast %swap3A_430 : vector<1x16xf32> to vector<16xf32>
          %swap3A_432 = vector.shape_cast %get3A_427 : vector<16xf32> to vector<1x16xf32>
          tpu.vector_store %arg8[%swap3A_428, %swap3A_429], %swap3A_432 {add = true, strides = array<i32>} : memref<200x128xf32, #tpu.memory_space<vmem>>, vector<1x16xf32>,
          %add3A_433 = arith.constant 2 : i32
          %add3A_434 = arith.addi %add3A_187, %add3A_433 : i32
          %add3A_435 = arith.constant 2 : i32
          %add3A_436 = arith.addi %add3A_187, %add3A_435 : i32
          %get3A_437 = arith.index_cast %add3A_436 : i32 to index
          %get3A_438 = arith.constant 48 : index
          %get3A_439 = tpu.vector_load %arg7[%get3A_437, %get3A_438] {strides = array<i32>} : memref<200x128xf32, #tpu.memory_space<vmem>>, vector<1x16xf32>,
          %get3A_440 = vector.shape_cast %get3A_439 : vector<1x16xf32> to vector<16xf32>
          %swap3A_441 = arith.index_cast %add3A_434 : i32 to index
          %swap3A_442 = arith.constant 48 : index
          %swap3A_443 = tpu.vector_load %arg8[%swap3A_441, %swap3A_442] {strides = array<i32>} : memref<200x128xf32, #tpu.memory_space<vmem>>, vector<1x16xf32>,
          %swap3A_444 = vector.shape_cast %swap3A_443 : vector<1x16xf32> to vector<16xf32>
          %swap3A_445 = vector.shape_cast %get3A_440 : vector<16xf32> to vector<1x16xf32>
          tpu.vector_store %arg8[%swap3A_441, %swap3A_442], %swap3A_445 {add = true, strides = array<i32>} : memref<200x128xf32, #tpu.memory_space<vmem>>, vector<1x16xf32>,
          %add3A_446 = arith.constant 2 : i32
          %add3A_447 = arith.addi %add3A_187, %add3A_446 : i32
          %add3A_448 = arith.constant 2 : i32
          %add3A_449 = arith.addi %add3A_187, %add3A_448 : i32
          %get3A_450 = arith.index_cast %add3A_449 : i32 to index
          %get3A_451 = arith.constant 64 : index
          %get3A_452 = tpu.vector_load %arg7[%get3A_450, %get3A_451] {strides = array<i32>} : memref<200x128xf32, #tpu.memory_space<vmem>>, vector<1x16xf32>,
          %get3A_453 = vector.shape_cast %get3A_452 : vector<1x16xf32> to vector<16xf32>
          %swap3A_454 = arith.index_cast %add3A_447 : i32 to index
          %swap3A_455 = arith.constant 64 : index
          %swap3A_456 = tpu.vector_load %arg8[%swap3A_454, %swap3A_455] {strides = array<i32>} : memref<200x128xf32, #tpu.memory_space<vmem>>, vector<1x16xf32>,
          %swap3A_457 = vector.shape_cast %swap3A_456 : vector<1x16xf32> to vector<16xf32>
          %swap3A_458 = vector.shape_cast %get3A_453 : vector<16xf32> to vector<1x16xf32>
          tpu.vector_store %arg8[%swap3A_454, %swap3A_455], %swap3A_458 {add = true, strides = array<i32>} : memref<200x128xf32, #tpu.memory_space<vmem>>, vector<1x16xf32>,
          %add3A_459 = arith.constant 2 : i32
          %add3A_460 = arith.addi %add3A_187, %add3A_459 : i32
          %add3A_461 = arith.constant 2 : i32
          %add3A_462 = arith.addi %add3A_187, %add3A_461 : i32
          %get3A_463 = arith.index_cast %add3A_462 : i32 to index
          %get3A_464 = arith.constant 80 : index
          %get3A_465 = tpu.vector_load %arg7[%get3A_463, %get3A_464] {strides = array<i32>} : memref<200x128xf32, #tpu.memory_space<vmem>>, vector<1x16xf32>,
          %get3A_466 = vector.shape_cast %get3A_465 : vector<1x16xf32> to vector<16xf32>
          %swap3A_467 = arith.index_cast %add3A_460 : i32 to index
          %swap3A_468 = arith.constant 80 : index
          %swap3A_469 = tpu.vector_load %arg8[%swap3A_467, %swap3A_468] {strides = array<i32>} : memref<200x128xf32, #tpu.memory_space<vmem>>, vector<1x16xf32>,
          %swap3A_470 = vector.shape_cast %swap3A_469 : vector<1x16xf32> to vector<16xf32>
          %swap3A_471 = vector.shape_cast %get3A_466 : vector<16xf32> to vector<1x16xf32>
          tpu.vector_store %arg8[%swap3A_467, %swap3A_468], %swap3A_471 {add = true, strides = array<i32>} : memref<200x128xf32, #tpu.memory_space<vmem>>, vector<1x16xf32>,
          %add3A_472 = arith.constant 2 : i32
          %add3A_473 = arith.addi %add3A_187, %add3A_472 : i32
          %add3A_474 = arith.constant 2 : i32
          %add3A_475 = arith.addi %add3A_187, %add3A_474 : i32
          %get3A_476 = arith.index_cast %add3A_475 : i32 to index
          %get3A_477 = arith.constant 96 : index
          %get3A_478 = tpu.vector_load %arg7[%get3A_476, %get3A_477] {strides = array<i32>} : memref<200x128xf32, #tpu.memory_space<vmem>>, vector<1x16xf32>,
          %get3A_479 = vector.shape_cast %get3A_478 : vector<1x16xf32> to vector<16xf32>
          %swap3A_480 = arith.index_cast %add3A_473 : i32 to index
          %swap3A_481 = arith.constant 96 : index
          %swap3A_482 = tpu.vector_load %arg8[%swap3A_480, %swap3A_481] {strides = array<i32>} : memref<200x128xf32, #tpu.memory_space<vmem>>, vector<1x16xf32>,
          %swap3A_483 = vector.shape_cast %swap3A_482 : vector<1x16xf32> to vector<16xf32>
          %swap3A_484 = vector.shape_cast %get3A_479 : vector<16xf32> to vector<1x16xf32>
          tpu.vector_store %arg8[%swap3A_480, %swap3A_481], %swap3A_484 {add = true, strides = array<i32>} : memref<200x128xf32, #tpu.memory_space<vmem>>, vector<1x16xf32>,
          %add3A_485 = arith.constant 2 : i32
          %add3A_486 = arith.addi %add3A_187, %add3A_485 : i32
          %add3A_487 = arith.constant 2 : i32
          %add3A_488 = arith.addi %add3A_187, %add3A_487 : i32
          %get3A_489 = arith.index_cast %add3A_488 : i32 to index
          %get3A_490 = arith.constant 112 : index
          %get3A_491 = tpu.vector_load %arg7[%get3A_489, %get3A_490] {strides = array<i32>} : memref<200x128xf32, #tpu.memory_space<vmem>>, vector<1x16xf32>,
          %get3A_492 = vector.shape_cast %get3A_491 : vector<1x16xf32> to vector<16xf32>
          %swap3A_493 = arith.index_cast %add3A_486 : i32 to index
          %swap3A_494 = arith.constant 112 : index
          %swap3A_495 = tpu.vector_load %arg8[%swap3A_493, %swap3A_494] {strides = array<i32>} : memref<200x128xf32, #tpu.memory_space<vmem>>, vector<1x16xf32>,
          %swap3A_496 = vector.shape_cast %swap3A_495 : vector<1x16xf32> to vector<16xf32>
          %swap3A_497 = vector.shape_cast %get3A_492 : vector<16xf32> to vector<1x16xf32>
          tpu.vector_store %arg8[%swap3A_493, %swap3A_494], %swap3A_497 {add = true, strides = array<i32>} : memref<200x128xf32, #tpu.memory_space<vmem>>, vector<1x16xf32>,
          %add3A_498 = arith.constant 3 : i32
          %add3A_499 = arith.addi %add3A_187, %add3A_498 : i32
          %add3A_500 = arith.constant 3 : i32
          %add3A_501 = arith.addi %add3A_187, %add3A_500 : i32
          %get3A_502 = arith.index_cast %add3A_501 : i32 to index
          %get3A_503 = arith.constant 0 : index
          %get3A_504 = tpu.vector_load %arg7[%get3A_502, %get3A_503] {strides = array<i32>} : memref<200x128xf32, #tpu.memory_space<vmem>>, vector<1x16xf32>,
          %get3A_505 = vector.shape_cast %get3A_504 : vector<1x16xf32> to vector<16xf32>
          %swap3A_506 = arith.index_cast %add3A_499 : i32 to index
          %swap3A_507 = arith.constant 0 : index
          %swap3A_508 = tpu.vector_load %arg8[%swap3A_506, %swap3A_507] {strides = array<i32>} : memref<200x128xf32, #tpu.memory_space<vmem>>, vector<1x16xf32>,
          %swap3A_509 = vector.shape_cast %swap3A_508 : vector<1x16xf32> to vector<16xf32>
          %swap3A_510 = vector.shape_cast %get3A_505 : vector<16xf32> to vector<1x16xf32>
          tpu.vector_store %arg8[%swap3A_506, %swap3A_507], %swap3A_510 {add = true, strides = array<i32>} : memref<200x128xf32, #tpu.memory_space<vmem>>, vector<1x16xf32>,
          %add3A_511 = arith.constant 3 : i32
          %add3A_512 = arith.addi %add3A_187, %add3A_511 : i32
          %add3A_513 = arith.constant 3 : i32
          %add3A_514 = arith.addi %add3A_187, %add3A_513 : i32
          %get3A_515 = arith.index_cast %add3A_514 : i32 to index
          %get3A_516 = arith.constant 16 : index
          %get3A_517 = tpu.vector_load %arg7[%get3A_515, %get3A_516] {strides = array<i32>} : memref<200x128xf32, #tpu.memory_space<vmem>>, vector<1x16xf32>,
          %get3A_518 = vector.shape_cast %get3A_517 : vector<1x16xf32> to vector<16xf32>
          %swap3A_519 = arith.index_cast %add3A_512 : i32 to index
          %swap3A_520 = arith.constant 16 : index
          %swap3A_521 = tpu.vector_load %arg8[%swap3A_519, %swap3A_520] {strides = array<i32>} : memref<200x128xf32, #tpu.memory_space<vmem>>, vector<1x16xf32>,
          %swap3A_522 = vector.shape_cast %swap3A_521 : vector<1x16xf32> to vector<16xf32>
          %swap3A_523 = vector.shape_cast %get3A_518 : vector<16xf32> to vector<1x16xf32>
          tpu.vector_store %arg8[%swap3A_519, %swap3A_520], %swap3A_523 {add = true, strides = array<i32>} : memref<200x128xf32, #tpu.memory_space<vmem>>, vector<1x16xf32>,
          %add3A_524 = arith.constant 3 : i32
          %add3A_525 = arith.addi %add3A_187, %add3A_524 : i32
          %add3A_526 = arith.constant 3 : i32
          %add3A_527 = arith.addi %add3A_187, %add3A_526 : i32
          %get3A_528 = arith.index_cast %add3A_527 : i32 to index
          %get3A_529 = arith.constant 32 : index
          %get3A_530 = tpu.vector_load %arg7[%get3A_528, %get3A_529] {strides = array<i32>} : memref<200x128xf32, #tpu.memory_space<vmem>>, vector<1x16xf32>,
          %get3A_531 = vector.shape_cast %get3A_530 : vector<1x16xf32> to vector<16xf32>
          %swap3A_532 = arith.index_cast %add3A_525 : i32 to index
          %swap3A_533 = arith.constant 32 : index
          %swap3A_534 = tpu.vector_load %arg8[%swap3A_532, %swap3A_533] {strides = array<i32>} : memref<200x128xf32, #tpu.memory_space<vmem>>, vector<1x16xf32>,
          %swap3A_535 = vector.shape_cast %swap3A_534 : vector<1x16xf32> to vector<16xf32>
          %swap3A_536 = vector.shape_cast %get3A_531 : vector<16xf32> to vector<1x16xf32>
          tpu.vector_store %arg8[%swap3A_532, %swap3A_533], %swap3A_536 {add = true, strides = array<i32>} : memref<200x128xf32, #tpu.memory_space<vmem>>, vector<1x16xf32>,
          %add3A_537 = arith.constant 3 : i32
          %add3A_538 = arith.addi %add3A_187, %add3A_537 : i32
          %add3A_539 = arith.constant 3 : i32
          %add3A_540 = arith.addi %add3A_187, %add3A_539 : i32
          %get3A_541 = arith.index_cast %add3A_540 : i32 to index
          %get3A_542 = arith.constant 48 : index
          %get3A_543 = tpu.vector_load %arg7[%get3A_541, %get3A_542] {strides = array<i32>} : memref<200x128xf32, #tpu.memory_space<vmem>>, vector<1x16xf32>,
          %get3A_544 = vector.shape_cast %get3A_543 : vector<1x16xf32> to vector<16xf32>
          %swap3A_545 = arith.index_cast %add3A_538 : i32 to index
          %swap3A_546 = arith.constant 48 : index
          %swap3A_547 = tpu.vector_load %arg8[%swap3A_545, %swap3A_546] {strides = array<i32>} : memref<200x128xf32, #tpu.memory_space<vmem>>, vector<1x16xf32>,
          %swap3A_548 = vector.shape_cast %swap3A_547 : vector<1x16xf32> to vector<16xf32>
          %swap3A_549 = vector.shape_cast %get3A_544 : vector<16xf32> to vector<1x16xf32>
          tpu.vector_store %arg8[%swap3A_545, %swap3A_546], %swap3A_549 {add = true, strides = array<i32>} : memref<200x128xf32, #tpu.memory_space<vmem>>, vector<1x16xf32>,
          %add3A_550 = arith.constant 3 : i32
          %add3A_551 = arith.addi %add3A_187, %add3A_550 : i32
          %add3A_552 = arith.constant 3 : i32
          %add3A_553 = arith.addi %add3A_187, %add3A_552 : i32
          %get3A_554 = arith.index_cast %add3A_553 : i32 to index
          %get3A_555 = arith.constant 64 : index
          %get3A_556 = tpu.vector_load %arg7[%get3A_554, %get3A_555] {strides = array<i32>} : memref<200x128xf32, #tpu.memory_space<vmem>>, vector<1x16xf32>,
          %get3A_557 = vector.shape_cast %get3A_556 : vector<1x16xf32> to vector<16xf32>
          %swap3A_558 = arith.index_cast %add3A_551 : i32 to index
          %swap3A_559 = arith.constant 64 : index
          %swap3A_560 = tpu.vector_load %arg8[%swap3A_558, %swap3A_559] {strides = array<i32>} : memref<200x128xf32, #tpu.memory_space<vmem>>, vector<1x16xf32>,
          %swap3A_561 = vector.shape_cast %swap3A_560 : vector<1x16xf32> to vector<16xf32>
          %swap3A_562 = vector.shape_cast %get3A_557 : vector<16xf32> to vector<1x16xf32>
          tpu.vector_store %arg8[%swap3A_558, %swap3A_559], %swap3A_562 {add = true, strides = array<i32>} : memref<200x128xf32, #tpu.memory_space<vmem>>, vector<1x16xf32>,
          %add3A_563 = arith.constant 3 : i32
          %add3A_564 = arith.addi %add3A_187, %add3A_563 : i32
          %add3A_565 = arith.constant 3 : i32
          %add3A_566 = arith.addi %add3A_187, %add3A_565 : i32
          %get3A_567 = arith.index_cast %add3A_566 : i32 to index
          %get3A_568 = arith.constant 80 : index
          %get3A_569 = tpu.vector_load %arg7[%get3A_567, %get3A_568] {strides = array<i32>} : memref<200x128xf32, #tpu.memory_space<vmem>>, vector<1x16xf32>,
          %get3A_570 = vector.shape_cast %get3A_569 : vector<1x16xf32> to vector<16xf32>
          %swap3A_571 = arith.index_cast %add3A_564 : i32 to index
          %swap3A_572 = arith.constant 80 : index
          %swap3A_573 = tpu.vector_load %arg8[%swap3A_571, %swap3A_572] {strides = array<i32>} : memref<200x128xf32, #tpu.memory_space<vmem>>, vector<1x16xf32>,
          %swap3A_574 = vector.shape_cast %swap3A_573 : vector<1x16xf32> to vector<16xf32>
          %swap3A_575 = vector.shape_cast %get3A_570 : vector<16xf32> to vector<1x16xf32>
          tpu.vector_store %arg8[%swap3A_571, %swap3A_572], %swap3A_575 {add = true, strides = array<i32>} : memref<200x128xf32, #tpu.memory_space<vmem>>, vector<1x16xf32>,
          %add3A_576 = arith.constant 3 : i32
          %add3A_577 = arith.addi %add3A_187, %add3A_576 : i32
          %add3A_578 = arith.constant 3 : i32
          %add3A_579 = arith.addi %add3A_187, %add3A_578 : i32
          %get3A_580 = arith.index_cast %add3A_579 : i32 to index
          %get3A_581 = arith.constant 96 : index
          %get3A_582 = tpu.vector_load %arg7[%get3A_580, %get3A_581] {strides = array<i32>} : memref<200x128xf32, #tpu.memory_space<vmem>>, vector<1x16xf32>,
          %get3A_583 = vector.shape_cast %get3A_582 : vector<1x16xf32> to vector<16xf32>
          %swap3A_584 = arith.index_cast %add3A_577 : i32 to index
          %swap3A_585 = arith.constant 96 : index
          %swap3A_586 = tpu.vector_load %arg8[%swap3A_584, %swap3A_585] {strides = array<i32>} : memref<200x128xf32, #tpu.memory_space<vmem>>, vector<1x16xf32>,
          %swap3A_587 = vector.shape_cast %swap3A_586 : vector<1x16xf32> to vector<16xf32>
          %swap3A_588 = vector.shape_cast %get3A_583 : vector<16xf32> to vector<1x16xf32>
          tpu.vector_store %arg8[%swap3A_584, %swap3A_585], %swap3A_588 {add = true, strides = array<i32>} : memref<200x128xf32, #tpu.memory_space<vmem>>, vector<1x16xf32>,
          %add3A_589 = arith.constant 3 : i32
          %add3A_590 = arith.addi %add3A_187, %add3A_589 : i32
          %add3A_591 = arith.constant 3 : i32
          %add3A_592 = arith.addi %add3A_187, %add3A_591 : i32
          %get3A_593 = arith.index_cast %add3A_592 : i32 to index
          %get3A_594 = arith.constant 112 : index
          %get3A_595 = tpu.vector_load %arg7[%get3A_593, %get3A_594] {strides = array<i32>} : memref<200x128xf32, #tpu.memory_space<vmem>>, vector<1x16xf32>,
          %get3A_596 = vector.shape_cast %get3A_595 : vector<1x16xf32> to vector<16xf32>
          %swap3A_597 = arith.index_cast %add3A_590 : i32 to index
          %swap3A_598 = arith.constant 112 : index
          %swap3A_599 = tpu.vector_load %arg8[%swap3A_597, %swap3A_598] {strides = array<i32>} : memref<200x128xf32, #tpu.memory_space<vmem>>, vector<1x16xf32>,
          %swap3A_600 = vector.shape_cast %swap3A_599 : vector<1x16xf32> to vector<16xf32>
          %swap3A_601 = vector.shape_cast %get3A_596 : vector<16xf32> to vector<1x16xf32>
          tpu.vector_store %arg8[%swap3A_597, %swap3A_598], %swap3A_601 {add = true, strides = array<i32>} : memref<200x128xf32, #tpu.memory_space<vmem>>, vector<1x16xf32>,
          %add3A_602 = arith.constant 4 : i32
          %add3A_603 = arith.addi %add3A_187, %add3A_602 : i32
          %add3A_604 = arith.constant 4 : i32
          %add3A_605 = arith.addi %add3A_187, %add3A_604 : i32
          %get3A_606 = arith.index_cast %add3A_605 : i32 to index
          %get3A_607 = arith.constant 0 : index
          %get3A_608 = tpu.vector_load %arg7[%get3A_606, %get3A_607] {strides = array<i32>} : memref<200x128xf32, #tpu.memory_space<vmem>>, vector<1x16xf32>,
          %get3A_609 = vector.shape_cast %get3A_608 : vector<1x16xf32> to vector<16xf32>
          %swap3A_610 = arith.index_cast %add3A_603 : i32 to index
          %swap3A_611 = arith.constant 0 : index
          %swap3A_612 = tpu.vector_load %arg8[%swap3A_610, %swap3A_611] {strides = array<i32>} : memref<200x128xf32, #tpu.memory_space<vmem>>, vector<1x16xf32>,
          %swap3A_613 = vector.shape_cast %swap3A_612 : vector<1x16xf32> to vector<16xf32>
          %swap3A_614 = vector.shape_cast %get3A_609 : vector<16xf32> to vector<1x16xf32>
          tpu.vector_store %arg8[%swap3A_610, %swap3A_611], %swap3A_614 {add = true, strides = array<i32>} : memref<200x128xf32, #tpu.memory_space<vmem>>, vector<1x16xf32>,
          %add3A_615 = arith.constant 4 : i32
          %add3A_616 = arith.addi %add3A_187, %add3A_615 : i32
          %add3A_617 = arith.constant 4 : i32
          %add3A_618 = arith.addi %add3A_187, %add3A_617 : i32
          %get3A_619 = arith.index_cast %add3A_618 : i32 to index
          %get3A_620 = arith.constant 16 : index
          %get3A_621 = tpu.vector_load %arg7[%get3A_619, %get3A_620] {strides = array<i32>} : memref<200x128xf32, #tpu.memory_space<vmem>>, vector<1x16xf32>,
          %get3A_622 = vector.shape_cast %get3A_621 : vector<1x16xf32> to vector<16xf32>
          %swap3A_623 = arith.index_cast %add3A_616 : i32 to index
          %swap3A_624 = arith.constant 16 : index
          %swap3A_625 = tpu.vector_load %arg8[%swap3A_623, %swap3A_624] {strides = array<i32>} : memref<200x128xf32, #tpu.memory_space<vmem>>, vector<1x16xf32>,
          %swap3A_626 = vector.shape_cast %swap3A_625 : vector<1x16xf32> to vector<16xf32>
          %swap3A_627 = vector.shape_cast %get3A_622 : vector<16xf32> to vector<1x16xf32>
          tpu.vector_store %arg8[%swap3A_623, %swap3A_624], %swap3A_627 {add = true, strides = array<i32>} : memref<200x128xf32, #tpu.memory_space<vmem>>, vector<1x16xf32>,
          %add3A_628 = arith.constant 4 : i32
          %add3A_629 = arith.addi %add3A_187, %add3A_628 : i32
          %add3A_630 = arith.constant 4 : i32
          %add3A_631 = arith.addi %add3A_187, %add3A_630 : i32
          %get3A_632 = arith.index_cast %add3A_631 : i32 to index
          %get3A_633 = arith.constant 32 : index
          %get3A_634 = tpu.vector_load %arg7[%get3A_632, %get3A_633] {strides = array<i32>} : memref<200x128xf32, #tpu.memory_space<vmem>>, vector<1x16xf32>,
          %get3A_635 = vector.shape_cast %get3A_634 : vector<1x16xf32> to vector<16xf32>
          %swap3A_636 = arith.index_cast %add3A_629 : i32 to index
          %swap3A_637 = arith.constant 32 : index
          %swap3A_638 = tpu.vector_load %arg8[%swap3A_636, %swap3A_637] {strides = array<i32>} : memref<200x128xf32, #tpu.memory_space<vmem>>, vector<1x16xf32>,
          %swap3A_639 = vector.shape_cast %swap3A_638 : vector<1x16xf32> to vector<16xf32>
          %swap3A_640 = vector.shape_cast %get3A_635 : vector<16xf32> to vector<1x16xf32>
          tpu.vector_store %arg8[%swap3A_636, %swap3A_637], %swap3A_640 {add = true, strides = array<i32>} : memref<200x128xf32, #tpu.memory_space<vmem>>, vector<1x16xf32>,
          %add3A_641 = arith.constant 4 : i32
          %add3A_642 = arith.addi %add3A_187, %add3A_641 : i32
          %add3A_643 = arith.constant 4 : i32
          %add3A_644 = arith.addi %add3A_187, %add3A_643 : i32
          %get3A_645 = arith.index_cast %add3A_644 : i32 to index
          %get3A_646 = arith.constant 48 : index
          %get3A_647 = tpu.vector_load %arg7[%get3A_645, %get3A_646] {strides = array<i32>} : memref<200x128xf32, #tpu.memory_space<vmem>>, vector<1x16xf32>,
          %get3A_648 = vector.shape_cast %get3A_647 : vector<1x16xf32> to vector<16xf32>
          %swap3A_649 = arith.index_cast %add3A_642 : i32 to index
          %swap3A_650 = arith.constant 48 : index
          %swap3A_651 = tpu.vector_load %arg8[%swap3A_649, %swap3A_650] {strides = array<i32>} : memref<200x128xf32, #tpu.memory_space<vmem>>, vector<1x16xf32>,
          %swap3A_652 = vector.shape_cast %swap3A_651 : vector<1x16xf32> to vector<16xf32>
          %swap3A_653 = vector.shape_cast %get3A_648 : vector<16xf32> to vector<1x16xf32>
          tpu.vector_store %arg8[%swap3A_649, %swap3A_650], %swap3A_653 {add = true, strides = array<i32>} : memref<200x128xf32, #tpu.memory_space<vmem>>, vector<1x16xf32>,
          %add3A_654 = arith.constant 4 : i32
          %add3A_655 = arith.addi %add3A_187, %add3A_654 : i32
          %add3A_656 = arith.constant 4 : i32
          %add3A_657 = arith.addi %add3A_187, %add3A_656 : i32
          %get3A_658 = arith.index_cast %add3A_657 : i32 to index
          %get3A_659 = arith.constant 64 : index
          %get3A_660 = tpu.vector_load %arg7[%get3A_658, %get3A_659] {strides = array<i32>} : memref<200x128xf32, #tpu.memory_space<vmem>>, vector<1x16xf32>,
          %get3A_661 = vector.shape_cast %get3A_660 : vector<1x16xf32> to vector<16xf32>
          %swap3A_662 = arith.index_cast %add3A_655 : i32 to index
          %swap3A_663 = arith.constant 64 : index
          %swap3A_664 = tpu.vector_load %arg8[%swap3A_662, %swap3A_663] {strides = array<i32>} : memref<200x128xf32, #tpu.memory_space<vmem>>, vector<1x16xf32>,
          %swap3A_665 = vector.shape_cast %swap3A_664 : vector<1x16xf32> to vector<16xf32>
          %swap3A_666 = vector.shape_cast %get3A_661 : vector<16xf32> to vector<1x16xf32>
          tpu.vector_store %arg8[%swap3A_662, %swap3A_663], %swap3A_666 {add = true, strides = array<i32>} : memref<200x128xf32, #tpu.memory_space<vmem>>, vector<1x16xf32>,
          %add3A_667 = arith.constant 4 : i32
          %add3A_668 = arith.addi %add3A_187, %add3A_667 : i32
          %add3A_669 = arith.constant 4 : i32
          %add3A_670 = arith.addi %add3A_187, %add3A_669 : i32
          %get3A_671 = arith.index_cast %add3A_670 : i32 to index
          %get3A_672 = arith.constant 80 : index
          %get3A_673 = tpu.vector_load %arg7[%get3A_671, %get3A_672] {strides = array<i32>} : memref<200x128xf32, #tpu.memory_space<vmem>>, vector<1x16xf32>,
          %get3A_674 = vector.shape_cast %get3A_673 : vector<1x16xf32> to vector<16xf32>
          %swap3A_675 = arith.index_cast %add3A_668 : i32 to index
          %swap3A_676 = arith.constant 80 : index
          %swap3A_677 = tpu.vector_load %arg8[%swap3A_675, %swap3A_676] {strides = array<i32>} : memref<200x128xf32, #tpu.memory_space<vmem>>, vector<1x16xf32>,
          %swap3A_678 = vector.shape_cast %swap3A_677 : vector<1x16xf32> to vector<16xf32>
          %swap3A_679 = vector.shape_cast %get3A_674 : vector<16xf32> to vector<1x16xf32>
          tpu.vector_store %arg8[%swap3A_675, %swap3A_676], %swap3A_679 {add = true, strides = array<i32>} : memref<200x128xf32, #tpu.memory_space<vmem>>, vector<1x16xf32>,
          %add3A_680 = arith.constant 4 : i32
          %add3A_681 = arith.addi %add3A_187, %add3A_680 : i32
          %add3A_682 = arith.constant 4 : i32
          %add3A_683 = arith.addi %add3A_187, %add3A_682 : i32
          %get3A_684 = arith.index_cast %add3A_683 : i32 to index
          %get3A_685 = arith.constant 96 : index
          %get3A_686 = tpu.vector_load %arg7[%get3A_684, %get3A_685] {strides = array<i32>} : memref<200x128xf32, #tpu.memory_space<vmem>>, vector<1x16xf32>,
          %get3A_687 = vector.shape_cast %get3A_686 : vector<1x16xf32> to vector<16xf32>
          %swap3A_688 = arith.index_cast %add3A_681 : i32 to index
          %swap3A_689 = arith.constant 96 : index
          %swap3A_690 = tpu.vector_load %arg8[%swap3A_688, %swap3A_689] {strides = array<i32>} : memref<200x128xf32, #tpu.memory_space<vmem>>, vector<1x16xf32>,
          %swap3A_691 = vector.shape_cast %swap3A_690 : vector<1x16xf32> to vector<16xf32>
          %swap3A_692 = vector.shape_cast %get3A_687 : vector<16xf32> to vector<1x16xf32>
          tpu.vector_store %arg8[%swap3A_688, %swap3A_689], %swap3A_692 {add = true, strides = array<i32>} : memref<200x128xf32, #tpu.memory_space<vmem>>, vector<1x16xf32>,
          %add3A_693 = arith.constant 4 : i32
          %add3A_694 = arith.addi %add3A_187, %add3A_693 : i32
          %add3A_695 = arith.constant 4 : i32
          %add3A_696 = arith.addi %add3A_187, %add3A_695 : i32
          %get3A_697 = arith.index_cast %add3A_696 : i32 to index
          %get3A_698 = arith.constant 112 : index
          %get3A_699 = tpu.vector_load %arg7[%get3A_697, %get3A_698] {strides = array<i32>} : memref<200x128xf32, #tpu.memory_space<vmem>>, vector<1x16xf32>,
          %get3A_700 = vector.shape_cast %get3A_699 : vector<1x16xf32> to vector<16xf32>
          %swap3A_701 = arith.index_cast %add3A_694 : i32 to index
          %swap3A_702 = arith.constant 112 : index
          %swap3A_703 = tpu.vector_load %arg8[%swap3A_701, %swap3A_702] {strides = array<i32>} : memref<200x128xf32, #tpu.memory_space<vmem>>, vector<1x16xf32>,
          %swap3A_704 = vector.shape_cast %swap3A_703 : vector<1x16xf32> to vector<16xf32>
          %swap3A_705 = vector.shape_cast %get3A_700 : vector<16xf32> to vector<1x16xf32>
          tpu.vector_store %arg8[%swap3A_701, %swap3A_702], %swap3A_705 {add = true, strides = array<i32>} : memref<200x128xf32, #tpu.memory_space<vmem>>, vector<1x16xf32>,
          %add3A_706 = arith.constant 5 : i32
          %add3A_707 = arith.addi %add3A_187, %add3A_706 : i32
          %add3A_708 = arith.constant 5 : i32
          %add3A_709 = arith.addi %add3A_187, %add3A_708 : i32
          %get3A_710 = arith.index_cast %add3A_709 : i32 to index
          %get3A_711 = arith.constant 0 : index
          %get3A_712 = tpu.vector_load %arg7[%get3A_710, %get3A_711] {strides = array<i32>} : memref<200x128xf32, #tpu.memory_space<vmem>>, vector<1x16xf32>,
          %get3A_713 = vector.shape_cast %get3A_712 : vector<1x16xf32> to vector<16xf32>
          %swap3A_714 = arith.index_cast %add3A_707 : i32 to index
          %swap3A_715 = arith.constant 0 : index
          %swap3A_716 = tpu.vector_load %arg8[%swap3A_714, %swap3A_715] {strides = array<i32>} : memref<200x128xf32, #tpu.memory_space<vmem>>, vector<1x16xf32>,
          %swap3A_717 = vector.shape_cast %swap3A_716 : vector<1x16xf32> to vector<16xf32>
          %swap3A_718 = vector.shape_cast %get3A_713 : vector<16xf32> to vector<1x16xf32>
          tpu.vector_store %arg8[%swap3A_714, %swap3A_715], %swap3A_718 {add = true, strides = array<i32>} : memref<200x128xf32, #tpu.memory_space<vmem>>, vector<1x16xf32>,
          %add3A_719 = arith.constant 5 : i32
          %add3A_720 = arith.addi %add3A_187, %add3A_719 : i32
          %add3A_721 = arith.constant 5 : i32
          %add3A_722 = arith.addi %add3A_187, %add3A_721 : i32
          %get3A_723 = arith.index_cast %add3A_722 : i32 to index
          %get3A_724 = arith.constant 16 : index
          %get3A_725 = tpu.vector_load %arg7[%get3A_723, %get3A_724] {strides = array<i32>} : memref<200x128xf32, #tpu.memory_space<vmem>>, vector<1x16xf32>,
          %get3A_726 = vector.shape_cast %get3A_725 : vector<1x16xf32> to vector<16xf32>
          %swap3A_727 = arith.index_cast %add3A_720 : i32 to index
          %swap3A_728 = arith.constant 16 : index
          %swap3A_729 = tpu.vector_load %arg8[%swap3A_727, %swap3A_728] {strides = array<i32>} : memref<200x128xf32, #tpu.memory_space<vmem>>, vector<1x16xf32>,
          %swap3A_730 = vector.shape_cast %swap3A_729 : vector<1x16xf32> to vector<16xf32>
          %swap3A_731 = vector.shape_cast %get3A_726 : vector<16xf32> to vector<1x16xf32>
          tpu.vector_store %arg8[%swap3A_727, %swap3A_728], %swap3A_731 {add = true, strides = array<i32>} : memref<200x128xf32, #tpu.memory_space<vmem>>, vector<1x16xf32>,
          %add3A_732 = arith.constant 5 : i32
          %add3A_733 = arith.addi %add3A_187, %add3A_732 : i32
          %add3A_734 = arith.constant 5 : i32
          %add3A_735 = arith.addi %add3A_187, %add3A_734 : i32
          %get3A_736 = arith.index_cast %add3A_735 : i32 to index
          %get3A_737 = arith.constant 32 : index
          %get3A_738 = tpu.vector_load %arg7[%get3A_736, %get3A_737] {strides = array<i32>} : memref<200x128xf32, #tpu.memory_space<vmem>>, vector<1x16xf32>,
          %get3A_739 = vector.shape_cast %get3A_738 : vector<1x16xf32> to vector<16xf32>
          %swap3A_740 = arith.index_cast %add3A_733 : i32 to index
          %swap3A_741 = arith.constant 32 : index
          %swap3A_742 = tpu.vector_load %arg8[%swap3A_740, %swap3A_741] {strides = array<i32>} : memref<200x128xf32, #tpu.memory_space<vmem>>, vector<1x16xf32>,
          %swap3A_743 = vector.shape_cast %swap3A_742 : vector<1x16xf32> to vector<16xf32>
          %swap3A_744 = vector.shape_cast %get3A_739 : vector<16xf32> to vector<1x16xf32>
          tpu.vector_store %arg8[%swap3A_740, %swap3A_741], %swap3A_744 {add = true, strides = array<i32>} : memref<200x128xf32, #tpu.memory_space<vmem>>, vector<1x16xf32>,
          %add3A_745 = arith.constant 5 : i32
          %add3A_746 = arith.addi %add3A_187, %add3A_745 : i32
          %add3A_747 = arith.constant 5 : i32
          %add3A_748 = arith.addi %add3A_187, %add3A_747 : i32
          %get3A_749 = arith.index_cast %add3A_748 : i32 to index
          %get3A_750 = arith.constant 48 : index
          %get3A_751 = tpu.vector_load %arg7[%get3A_749, %get3A_750] {strides = array<i32>} : memref<200x128xf32, #tpu.memory_space<vmem>>, vector<1x16xf32>,
          %get3A_752 = vector.shape_cast %get3A_751 : vector<1x16xf32> to vector<16xf32>
          %swap3A_753 = arith.index_cast %add3A_746 : i32 to index
          %swap3A_754 = arith.constant 48 : index
          %swap3A_755 = tpu.vector_load %arg8[%swap3A_753, %swap3A_754] {strides = array<i32>} : memref<200x128xf32, #tpu.memory_space<vmem>>, vector<1x16xf32>,
          %swap3A_756 = vector.shape_cast %swap3A_755 : vector<1x16xf32> to vector<16xf32>
          %swap3A_757 = vector.shape_cast %get3A_752 : vector<16xf32> to vector<1x16xf32>
          tpu.vector_store %arg8[%swap3A_753, %swap3A_754], %swap3A_757 {add = true, strides = array<i32>} : memref<200x128xf32, #tpu.memory_space<vmem>>, vector<1x16xf32>,
          %add3A_758 = arith.constant 5 : i32
          %add3A_759 = arith.addi %add3A_187, %add3A_758 : i32
          %add3A_760 = arith.constant 5 : i32
          %add3A_761 = arith.addi %add3A_187, %add3A_760 : i32
          %get3A_762 = arith.index_cast %add3A_761 : i32 to index
          %get3A_763 = arith.constant 64 : index
          %get3A_764 = tpu.vector_load %arg7[%get3A_762, %get3A_763] {strides = array<i32>} : memref<200x128xf32, #tpu.memory_space<vmem>>, vector<1x16xf32>,
          %get3A_765 = vector.shape_cast %get3A_764 : vector<1x16xf32> to vector<16xf32>
          %swap3A_766 = arith.index_cast %add3A_759 : i32 to index
          %swap3A_767 = arith.constant 64 : index
          %swap3A_768 = tpu.vector_load %arg8[%swap3A_766, %swap3A_767] {strides = array<i32>} : memref<200x128xf32, #tpu.memory_space<vmem>>, vector<1x16xf32>,
          %swap3A_769 = vector.shape_cast %swap3A_768 : vector<1x16xf32> to vector<16xf32>
          %swap3A_770 = vector.shape_cast %get3A_765 : vector<16xf32> to vector<1x16xf32>
          tpu.vector_store %arg8[%swap3A_766, %swap3A_767], %swap3A_770 {add = true, strides = array<i32>} : memref<200x128xf32, #tpu.memory_space<vmem>>, vector<1x16xf32>,
          %add3A_771 = arith.constant 5 : i32
          %add3A_772 = arith.addi %add3A_187, %add3A_771 : i32
          %add3A_773 = arith.constant 5 : i32
          %add3A_774 = arith.addi %add3A_187, %add3A_773 : i32
          %get3A_775 = arith.index_cast %add3A_774 : i32 to index
          %get3A_776 = arith.constant 80 : index
          %get3A_777 = tpu.vector_load %arg7[%get3A_775, %get3A_776] {strides = array<i32>} : memref<200x128xf32, #tpu.memory_space<vmem>>, vector<1x16xf32>,
          %get3A_778 = vector.shape_cast %get3A_777 : vector<1x16xf32> to vector<16xf32>
          %swap3A_779 = arith.index_cast %add3A_772 : i32 to index
          %swap3A_780 = arith.constant 80 : index
          %swap3A_781 = tpu.vector_load %arg8[%swap3A_779, %swap3A_780] {strides = array<i32>} : memref<200x128xf32, #tpu.memory_space<vmem>>, vector<1x16xf32>,
          %swap3A_782 = vector.shape_cast %swap3A_781 : vector<1x16xf32> to vector<16xf32>
          %swap3A_783 = vector.shape_cast %get3A_778 : vector<16xf32> to vector<1x16xf32>
          tpu.vector_store %arg8[%swap3A_779, %swap3A_780], %swap3A_783 {add = true, strides = array<i32>} : memref<200x128xf32, #tpu.memory_space<vmem>>, vector<1x16xf32>,
          %add3A_784 = arith.constant 5 : i32
          %add3A_785 = arith.addi %add3A_187, %add3A_784 : i32
          %add3A_786 = arith.constant 5 : i32
          %add3A_787 = arith.addi %add3A_187, %add3A_786 : i32
          %get3A_788 = arith.index_cast %add3A_787 : i32 to index
          %get3A_789 = arith.constant 96 : index
          %get3A_790 = tpu.vector_load %arg7[%get3A_788, %get3A_789] {strides = array<i32>} : memref<200x128xf32, #tpu.memory_space<vmem>>, vector<1x16xf32>,
          %get3A_791 = vector.shape_cast %get3A_790 : vector<1x16xf32> to vector<16xf32>
          %swap3A_792 = arith.index_cast %add3A_785 : i32 to index
          %swap3A_793 = arith.constant 96 : index
          %swap3A_794 = tpu.vector_load %arg8[%swap3A_792, %swap3A_793] {strides = array<i32>} : memref<200x128xf32, #tpu.memory_space<vmem>>, vector<1x16xf32>,
          %swap3A_795 = vector.shape_cast %swap3A_794 : vector<1x16xf32> to vector<16xf32>
          %swap3A_796 = vector.shape_cast %get3A_791 : vector<16xf32> to vector<1x16xf32>
          tpu.vector_store %arg8[%swap3A_792, %swap3A_793], %swap3A_796 {add = true, strides = array<i32>} : memref<200x128xf32, #tpu.memory_space<vmem>>, vector<1x16xf32>,
          %add3A_797 = arith.constant 5 : i32
          %add3A_798 = arith.addi %add3A_187, %add3A_797 : i32
          %add3A_799 = arith.constant 5 : i32
          %add3A_800 = arith.addi %add3A_187, %add3A_799 : i32
          %get3A_801 = arith.index_cast %add3A_800 : i32 to index
          %get3A_802 = arith.constant 112 : index
          %get3A_803 = tpu.vector_load %arg7[%get3A_801, %get3A_802] {strides = array<i32>} : memref<200x128xf32, #tpu.memory_space<vmem>>, vector<1x16xf32>,
          %get3A_804 = vector.shape_cast %get3A_803 : vector<1x16xf32> to vector<16xf32>
          %swap3A_805 = arith.index_cast %add3A_798 : i32 to index
          %swap3A_806 = arith.constant 112 : index
          %swap3A_807 = tpu.vector_load %arg8[%swap3A_805, %swap3A_806] {strides = array<i32>} : memref<200x128xf32, #tpu.memory_space<vmem>>, vector<1x16xf32>,
          %swap3A_808 = vector.shape_cast %swap3A_807 : vector<1x16xf32> to vector<16xf32>
          %swap3A_809 = vector.shape_cast %get3A_804 : vector<16xf32> to vector<1x16xf32>
          tpu.vector_store %arg8[%swap3A_805, %swap3A_806], %swap3A_809 {add = true, strides = array<i32>} : memref<200x128xf32, #tpu.memory_space<vmem>>, vector<1x16xf32>,
          %add3A_810 = arith.constant 6 : i32
          %add3A_811 = arith.addi %add3A_187, %add3A_810 : i32
          %add3A_812 = arith.constant 6 : i32
          %add3A_813 = arith.addi %add3A_187, %add3A_812 : i32
          %get3A_814 = arith.index_cast %add3A_813 : i32 to index
          %get3A_815 = arith.constant 0 : index
          %get3A_816 = tpu.vector_load %arg7[%get3A_814, %get3A_815] {strides = array<i32>} : memref<200x128xf32, #tpu.memory_space<vmem>>, vector<1x16xf32>,
          %get3A_817 = vector.shape_cast %get3A_816 : vector<1x16xf32> to vector<16xf32>
          %swap3A_818 = arith.index_cast %add3A_811 : i32 to index
          %swap3A_819 = arith.constant 0 : index
          %swap3A_820 = tpu.vector_load %arg8[%swap3A_818, %swap3A_819] {strides = array<i32>} : memref<200x128xf32, #tpu.memory_space<vmem>>, vector<1x16xf32>,
          %swap3A_821 = vector.shape_cast %swap3A_820 : vector<1x16xf32> to vector<16xf32>
          %swap3A_822 = vector.shape_cast %get3A_817 : vector<16xf32> to vector<1x16xf32>
          tpu.vector_store %arg8[%swap3A_818, %swap3A_819], %swap3A_822 {add = true, strides = array<i32>} : memref<200x128xf32, #tpu.memory_space<vmem>>, vector<1x16xf32>,
          %add3A_823 = arith.constant 6 : i32
          %add3A_824 = arith.addi %add3A_187, %add3A_823 : i32
          %add3A_825 = arith.constant 6 : i32
          %add3A_826 = arith.addi %add3A_187, %add3A_825 : i32
          %get3A_827 = arith.index_cast %add3A_826 : i32 to index
          %get3A_828 = arith.constant 16 : index
          %get3A_829 = tpu.vector_load %arg7[%get3A_827, %get3A_828] {strides = array<i32>} : memref<200x128xf32, #tpu.memory_space<vmem>>, vector<1x16xf32>,
          %get3A_830 = vector.shape_cast %get3A_829 : vector<1x16xf32> to vector<16xf32>
          %swap3A_831 = arith.index_cast %add3A_824 : i32 to index
          %swap3A_832 = arith.constant 16 : index
          %swap3A_833 = tpu.vector_load %arg8[%swap3A_831, %swap3A_832] {strides = array<i32>} : memref<200x128xf32, #tpu.memory_space<vmem>>, vector<1x16xf32>,
          %swap3A_834 = vector.shape_cast %swap3A_833 : vector<1x16xf32> to vector<16xf32>
          %swap3A_835 = vector.shape_cast %get3A_830 : vector<16xf32> to vector<1x16xf32>
          tpu.vector_store %arg8[%swap3A_831, %swap3A_832], %swap3A_835 {add = true, strides = array<i32>} : memref<200x128xf32, #tpu.memory_space<vmem>>, vector<1x16xf32>,
          %add3A_836 = arith.constant 6 : i32
          %add3A_837 = arith.addi %add3A_187, %add3A_836 : i32
          %add3A_838 = arith.constant 6 : i32
          %add3A_839 = arith.addi %add3A_187, %add3A_838 : i32
          %get3A_840 = arith.index_cast %add3A_839 : i32 to index
          %get3A_841 = arith.constant 32 : index
          %get3A_842 = tpu.vector_load %arg7[%get3A_840, %get3A_841] {strides = array<i32>} : memref<200x128xf32, #tpu.memory_space<vmem>>, vector<1x16xf32>,
          %get3A_843 = vector.shape_cast %get3A_842 : vector<1x16xf32> to vector<16xf32>
          %swap3A_844 = arith.index_cast %add3A_837 : i32 to index
          %swap3A_845 = arith.constant 32 : index
          %swap3A_846 = tpu.vector_load %arg8[%swap3A_844, %swap3A_845] {strides = array<i32>} : memref<200x128xf32, #tpu.memory_space<vmem>>, vector<1x16xf32>,
          %swap3A_847 = vector.shape_cast %swap3A_846 : vector<1x16xf32> to vector<16xf32>
          %swap3A_848 = vector.shape_cast %get3A_843 : vector<16xf32> to vector<1x16xf32>
          tpu.vector_store %arg8[%swap3A_844, %swap3A_845], %swap3A_848 {add = true, strides = array<i32>} : memref<200x128xf32, #tpu.memory_space<vmem>>, vector<1x16xf32>,
          %add3A_849 = arith.constant 6 : i32
          %add3A_850 = arith.addi %add3A_187, %add3A_849 : i32
          %add3A_851 = arith.constant 6 : i32
          %add3A_852 = arith.addi %add3A_187, %add3A_851 : i32
          %get3A_853 = arith.index_cast %add3A_852 : i32 to index
          %get3A_854 = arith.constant 48 : index
          %get3A_855 = tpu.vector_load %arg7[%get3A_853, %get3A_854] {strides = array<i32>} : memref<200x128xf32, #tpu.memory_space<vmem>>, vector<1x16xf32>,
          %get3A_856 = vector.shape_cast %get3A_855 : vector<1x16xf32> to vector<16xf32>
          %swap3A_857 = arith.index_cast %add3A_850 : i32 to index
          %swap3A_858 = arith.constant 48 : index
          %swap3A_859 = tpu.vector_load %arg8[%swap3A_857, %swap3A_858] {strides = array<i32>} : memref<200x128xf32, #tpu.memory_space<vmem>>, vector<1x16xf32>,
          %swap3A_860 = vector.shape_cast %swap3A_859 : vector<1x16xf32> to vector<16xf32>
          %swap3A_861 = vector.shape_cast %get3A_856 : vector<16xf32> to vector<1x16xf32>
          tpu.vector_store %arg8[%swap3A_857, %swap3A_858], %swap3A_861 {add = true, strides = array<i32>} : memref<200x128xf32, #tpu.memory_space<vmem>>, vector<1x16xf32>,
          %add3A_862 = arith.constant 6 : i32
          %add3A_863 = arith.addi %add3A_187, %add3A_862 : i32
          %add3A_864 = arith.constant 6 : i32
          %add3A_865 = arith.addi %add3A_187, %add3A_864 : i32
          %get3A_866 = arith.index_cast %add3A_865 : i32 to index
          %get3A_867 = arith.constant 64 : index
          %get3A_868 = tpu.vector_load %arg7[%get3A_866, %get3A_867] {strides = array<i32>} : memref<200x128xf32, #tpu.memory_space<vmem>>, vector<1x16xf32>,
          %get3A_869 = vector.shape_cast %get3A_868 : vector<1x16xf32> to vector<16xf32>
          %swap3A_870 = arith.index_cast %add3A_863 : i32 to index
          %swap3A_871 = arith.constant 64 : index
          %swap3A_872 = tpu.vector_load %arg8[%swap3A_870, %swap3A_871] {strides = array<i32>} : memref<200x128xf32, #tpu.memory_space<vmem>>, vector<1x16xf32>,
          %swap3A_873 = vector.shape_cast %swap3A_872 : vector<1x16xf32> to vector<16xf32>
          %swap3A_874 = vector.shape_cast %get3A_869 : vector<16xf32> to vector<1x16xf32>
          tpu.vector_store %arg8[%swap3A_870, %swap3A_871], %swap3A_874 {add = true, strides = array<i32>} : memref<200x128xf32, #tpu.memory_space<vmem>>, vector<1x16xf32>,
          %add3A_875 = arith.constant 6 : i32
          %add3A_876 = arith.addi %add3A_187, %add3A_875 : i32
          %add3A_877 = arith.constant 6 : i32
          %add3A_878 = arith.addi %add3A_187, %add3A_877 : i32
          %get3A_879 = arith.index_cast %add3A_878 : i32 to index
          %get3A_880 = arith.constant 80 : index
          %get3A_881 = tpu.vector_load %arg7[%get3A_879, %get3A_880] {strides = array<i32>} : memref<200x128xf32, #tpu.memory_space<vmem>>, vector<1x16xf32>,
          %get3A_882 = vector.shape_cast %get3A_881 : vector<1x16xf32> to vector<16xf32>
          %swap3A_883 = arith.index_cast %add3A_876 : i32 to index
          %swap3A_884 = arith.constant 80 : index
          %swap3A_885 = tpu.vector_load %arg8[%swap3A_883, %swap3A_884] {strides = array<i32>} : memref<200x128xf32, #tpu.memory_space<vmem>>, vector<1x16xf32>,
          %swap3A_886 = vector.shape_cast %swap3A_885 : vector<1x16xf32> to vector<16xf32>
          %swap3A_887 = vector.shape_cast %get3A_882 : vector<16xf32> to vector<1x16xf32>
          tpu.vector_store %arg8[%swap3A_883, %swap3A_884], %swap3A_887 {add = true, strides = array<i32>} : memref<200x128xf32, #tpu.memory_space<vmem>>, vector<1x16xf32>,
          %add3A_888 = arith.constant 6 : i32
          %add3A_889 = arith.addi %add3A_187, %add3A_888 : i32
          %add3A_890 = arith.constant 6 : i32
          %add3A_891 = arith.addi %add3A_187, %add3A_890 : i32
          %get3A_892 = arith.index_cast %add3A_891 : i32 to index
          %get3A_893 = arith.constant 96 : index
          %get3A_894 = tpu.vector_load %arg7[%get3A_892, %get3A_893] {strides = array<i32>} : memref<200x128xf32, #tpu.memory_space<vmem>>, vector<1x16xf32>,
          %get3A_895 = vector.shape_cast %get3A_894 : vector<1x16xf32> to vector<16xf32>
          %swap3A_896 = arith.index_cast %add3A_889 : i32 to index
          %swap3A_897 = arith.constant 96 : index
          %swap3A_898 = tpu.vector_load %arg8[%swap3A_896, %swap3A_897] {strides = array<i32>} : memref<200x128xf32, #tpu.memory_space<vmem>>, vector<1x16xf32>,
          %swap3A_899 = vector.shape_cast %swap3A_898 : vector<1x16xf32> to vector<16xf32>
          %swap3A_900 = vector.shape_cast %get3A_895 : vector<16xf32> to vector<1x16xf32>
          tpu.vector_store %arg8[%swap3A_896, %swap3A_897], %swap3A_900 {add = true, strides = array<i32>} : memref<200x128xf32, #tpu.memory_space<vmem>>, vector<1x16xf32>,
          %add3A_901 = arith.constant 6 : i32
          %add3A_902 = arith.addi %add3A_187, %add3A_901 : i32
          %add3A_903 = arith.constant 6 : i32
          %add3A_904 = arith.addi %add3A_187, %add3A_903 : i32
          %get3A_905 = arith.index_cast %add3A_904 : i32 to index
          %get3A_906 = arith.constant 112 : index
          %get3A_907 = tpu.vector_load %arg7[%get3A_905, %get3A_906] {strides = array<i32>} : memref<200x128xf32, #tpu.memory_space<vmem>>, vector<1x16xf32>,
          %get3A_908 = vector.shape_cast %get3A_907 : vector<1x16xf32> to vector<16xf32>
          %swap3A_909 = arith.index_cast %add3A_902 : i32 to index
          %swap3A_910 = arith.constant 112 : index
          %swap3A_911 = tpu.vector_load %arg8[%swap3A_909, %swap3A_910] {strides = array<i32>} : memref<200x128xf32, #tpu.memory_space<vmem>>, vector<1x16xf32>,
          %swap3A_912 = vector.shape_cast %swap3A_911 : vector<1x16xf32> to vector<16xf32>
          %swap3A_913 = vector.shape_cast %get3A_908 : vector<16xf32> to vector<1x16xf32>
          tpu.vector_store %arg8[%swap3A_909, %swap3A_910], %swap3A_913 {add = true, strides = array<i32>} : memref<200x128xf32, #tpu.memory_space<vmem>>, vector<1x16xf32>,
          %add3A_914 = arith.constant 7 : i32
          %add3A_915 = arith.addi %add3A_187, %add3A_914 : i32
          %add3A_916 = arith.constant 7 : i32
          %add3A_917 = arith.addi %add3A_187, %add3A_916 : i32
          %get3A_918 = arith.index_cast %add3A_917 : i32 to index
          %get3A_919 = arith.constant 0 : index
          %get3A_920 = tpu.vector_load %arg7[%get3A_918, %get3A_919] {strides = array<i32>} : memref<200x128xf32, #tpu.memory_space<vmem>>, vector<1x16xf32>,
          %get3A_921 = vector.shape_cast %get3A_920 : vector<1x16xf32> to vector<16xf32>
          %swap3A_922 = arith.index_cast %add3A_915 : i32 to index
          %swap3A_923 = arith.constant 0 : index
          %swap3A_924 = tpu.vector_load %arg8[%swap3A_922, %swap3A_923] {strides = array<i32>} : memref<200x128xf32, #tpu.memory_space<vmem>>, vector<1x16xf32>,
          %swap3A_925 = vector.shape_cast %swap3A_924 : vector<1x16xf32> to vector<16xf32>
          %swap3A_926 = vector.shape_cast %get3A_921 : vector<16xf32> to vector<1x16xf32>
          tpu.vector_store %arg8[%swap3A_922, %swap3A_923], %swap3A_926 {add = true, strides = array<i32>} : memref<200x128xf32, #tpu.memory_space<vmem>>, vector<1x16xf32>,
          %add3A_927 = arith.constant 7 : i32
          %add3A_928 = arith.addi %add3A_187, %add3A_927 : i32
          %add3A_929 = arith.constant 7 : i32
          %add3A_930 = arith.addi %add3A_187, %add3A_929 : i32
          %get3A_931 = arith.index_cast %add3A_930 : i32 to index
          %get3A_932 = arith.constant 16 : index
          %get3A_933 = tpu.vector_load %arg7[%get3A_931, %get3A_932] {strides = array<i32>} : memref<200x128xf32, #tpu.memory_space<vmem>>, vector<1x16xf32>,
          %get3A_934 = vector.shape_cast %get3A_933 : vector<1x16xf32> to vector<16xf32>
          %swap3A_935 = arith.index_cast %add3A_928 : i32 to index
          %swap3A_936 = arith.constant 16 : index
          %swap3A_937 = tpu.vector_load %arg8[%swap3A_935, %swap3A_936] {strides = array<i32>} : memref<200x128xf32, #tpu.memory_space<vmem>>, vector<1x16xf32>,
          %swap3A_938 = vector.shape_cast %swap3A_937 : vector<1x16xf32> to vector<16xf32>
          %swap3A_939 = vector.shape_cast %get3A_934 : vector<16xf32> to vector<1x16xf32>
          tpu.vector_store %arg8[%swap3A_935, %swap3A_936], %swap3A_939 {add = true, strides = array<i32>} : memref<200x128xf32, #tpu.memory_space<vmem>>, vector<1x16xf32>,
          %add3A_940 = arith.constant 7 : i32
          %add3A_941 = arith.addi %add3A_187, %add3A_940 : i32
          %add3A_942 = arith.constant 7 : i32
          %add3A_943 = arith.addi %add3A_187, %add3A_942 : i32
          %get3A_944 = arith.index_cast %add3A_943 : i32 to index
          %get3A_945 = arith.constant 32 : index
          %get3A_946 = tpu.vector_load %arg7[%get3A_944, %get3A_945] {strides = array<i32>} : memref<200x128xf32, #tpu.memory_space<vmem>>, vector<1x16xf32>,
          %get3A_947 = vector.shape_cast %get3A_946 : vector<1x16xf32> to vector<16xf32>
          %swap3A_948 = arith.index_cast %add3A_941 : i32 to index
          %swap3A_949 = arith.constant 32 : index
          %swap3A_950 = tpu.vector_load %arg8[%swap3A_948, %swap3A_949] {strides = array<i32>} : memref<200x128xf32, #tpu.memory_space<vmem>>, vector<1x16xf32>,
          %swap3A_951 = vector.shape_cast %swap3A_950 : vector<1x16xf32> to vector<16xf32>
          %swap3A_952 = vector.shape_cast %get3A_947 : vector<16xf32> to vector<1x16xf32>
          tpu.vector_store %arg8[%swap3A_948, %swap3A_949], %swap3A_952 {add = true, strides = array<i32>} : memref<200x128xf32, #tpu.memory_space<vmem>>, vector<1x16xf32>,
          %add3A_953 = arith.constant 7 : i32
          %add3A_954 = arith.addi %add3A_187, %add3A_953 : i32
          %add3A_955 = arith.constant 7 : i32
          %add3A_956 = arith.addi %add3A_187, %add3A_955 : i32
          %get3A_957 = arith.index_cast %add3A_956 : i32 to index
          %get3A_958 = arith.constant 48 : index
          %get3A_959 = tpu.vector_load %arg7[%get3A_957, %get3A_958] {strides = array<i32>} : memref<200x128xf32, #tpu.memory_space<vmem>>, vector<1x16xf32>,
          %get3A_960 = vector.shape_cast %get3A_959 : vector<1x16xf32> to vector<16xf32>
          %swap3A_961 = arith.index_cast %add3A_954 : i32 to index
          %swap3A_962 = arith.constant 48 : index
          %swap3A_963 = tpu.vector_load %arg8[%swap3A_961, %swap3A_962] {strides = array<i32>} : memref<200x128xf32, #tpu.memory_space<vmem>>, vector<1x16xf32>,
          %swap3A_964 = vector.shape_cast %swap3A_963 : vector<1x16xf32> to vector<16xf32>
          %swap3A_965 = vector.shape_cast %get3A_960 : vector<16xf32> to vector<1x16xf32>
          tpu.vector_store %arg8[%swap3A_961, %swap3A_962], %swap3A_965 {add = true, strides = array<i32>} : memref<200x128xf32, #tpu.memory_space<vmem>>, vector<1x16xf32>,
          %add3A_966 = arith.constant 7 : i32
          %add3A_967 = arith.addi %add3A_187, %add3A_966 : i32
          %add3A_968 = arith.constant 7 : i32
          %add3A_969 = arith.addi %add3A_187, %add3A_968 : i32
          %get3A_970 = arith.index_cast %add3A_969 : i32 to index
          %get3A_971 = arith.constant 64 : index
          %get3A_972 = tpu.vector_load %arg7[%get3A_970, %get3A_971] {strides = array<i32>} : memref<200x128xf32, #tpu.memory_space<vmem>>, vector<1x16xf32>,
          %get3A_973 = vector.shape_cast %get3A_972 : vector<1x16xf32> to vector<16xf32>
          %swap3A_974 = arith.index_cast %add3A_967 : i32 to index
          %swap3A_975 = arith.constant 64 : index
          %swap3A_976 = tpu.vector_load %arg8[%swap3A_974, %swap3A_975] {strides = array<i32>} : memref<200x128xf32, #tpu.memory_space<vmem>>, vector<1x16xf32>,
          %swap3A_977 = vector.shape_cast %swap3A_976 : vector<1x16xf32> to vector<16xf32>
          %swap3A_978 = vector.shape_cast %get3A_973 : vector<16xf32> to vector<1x16xf32>
          tpu.vector_store %arg8[%swap3A_974, %swap3A_975], %swap3A_978 {add = true, strides = array<i32>} : memref<200x128xf32, #tpu.memory_space<vmem>>, vector<1x16xf32>,
          %add3A_979 = arith.constant 7 : i32
          %add3A_980 = arith.addi %add3A_187, %add3A_979 : i32
          %add3A_981 = arith.constant 7 : i32
          %add3A_982 = arith.addi %add3A_187, %add3A_981 : i32
          %get3A_983 = arith.index_cast %add3A_982 : i32 to index
          %get3A_984 = arith.constant 80 : index
          %get3A_985 = tpu.vector_load %arg7[%get3A_983, %get3A_984] {strides = array<i32>} : memref<200x128xf32, #tpu.memory_space<vmem>>, vector<1x16xf32>,
          %get3A_986 = vector.shape_cast %get3A_985 : vector<1x16xf32> to vector<16xf32>
          %swap3A_987 = arith.index_cast %add3A_980 : i32 to index
          %swap3A_988 = arith.constant 80 : index
          %swap3A_989 = tpu.vector_load %arg8[%swap3A_987, %swap3A_988] {strides = array<i32>} : memref<200x128xf32, #tpu.memory_space<vmem>>, vector<1x16xf32>,
          %swap3A_990 = vector.shape_cast %swap3A_989 : vector<1x16xf32> to vector<16xf32>
          %swap3A_991 = vector.shape_cast %get3A_986 : vector<16xf32> to vector<1x16xf32>
          tpu.vector_store %arg8[%swap3A_987, %swap3A_988], %swap3A_991 {add = true, strides = array<i32>} : memref<200x128xf32, #tpu.memory_space<vmem>>, vector<1x16xf32>,
          %add3A_992 = arith.constant 7 : i32
          %add3A_993 = arith.addi %add3A_187, %add3A_992 : i32
          %add3A_994 = arith.constant 7 : i32
          %add3A_995 = arith.addi %add3A_187, %add3A_994 : i32
          %get3A_996 = arith.index_cast %add3A_995 : i32 to index
          %get3A_997 = arith.constant 96 : index
          %get3A_998 = tpu.vector_load %arg7[%get3A_996, %get3A_997] {strides = array<i32>} : memref<200x128xf32, #tpu.memory_space<vmem>>, vector<1x16xf32>,
          %get3A_999 = vector.shape_cast %get3A_998 : vector<1x16xf32> to vector<16xf32>
          %swap3A_1000 = arith.index_cast %add3A_993 : i32 to index
          %swap3A_1001 = arith.constant 96 : index
          %swap3A_1002 = tpu.vector_load %arg8[%swap3A_1000, %swap3A_1001] {strides = array<i32>} : memref<200x128xf32, #tpu.memory_space<vmem>>, vector<1x16xf32>,
          %swap3A_1003 = vector.shape_cast %swap3A_1002 : vector<1x16xf32> to vector<16xf32>
          %swap3A_1004 = vector.shape_cast %get3A_999 : vector<16xf32> to vector<1x16xf32>
          tpu.vector_store %arg8[%swap3A_1000, %swap3A_1001], %swap3A_1004 {add = true, strides = array<i32>} : memref<200x128xf32, #tpu.memory_space<vmem>>, vector<1x16xf32>,
          %add3A_1005 = arith.constant 7 : i32
          %add3A_1006 = arith.addi %add3A_187, %add3A_1005 : i32
          %add3A_1007 = arith.constant 7 : i32
          %add3A_1008 = arith.addi %add3A_187, %add3A_1007 : i32
          %get3A_1009 = arith.index_cast %add3A_1008 : i32 to index
          %get3A_1010 = arith.constant 112 : index
          %get3A_1011 = tpu.vector_load %arg7[%get3A_1009, %get3A_1010] {strides = array<i32>} : memref<200x128xf32, #tpu.memory_space<vmem>>, vector<1x16xf32>,
          %get3A_1012 = vector.shape_cast %get3A_1011 : vector<1x16xf32> to vector<16xf32>
          %swap3A_1013 = arith.index_cast %add3A_1006 : i32 to index
          %swap3A_1014 = arith.constant 112 : index
          %swap3A_1015 = tpu.vector_load %arg8[%swap3A_1013, %swap3A_1014] {strides = array<i32>} : memref<200x128xf32, #tpu.memory_space<vmem>>, vector<1x16xf32>,
          %swap3A_1016 = vector.shape_cast %swap3A_1015 : vector<1x16xf32> to vector<16xf32>
          %swap3A_1017 = vector.shape_cast %get3A_1012 : vector<16xf32> to vector<1x16xf32>
          tpu.vector_store %arg8[%swap3A_1013, %swap3A_1014], %swap3A_1017 {add = true, strides = array<i32>} : memref<200x128xf32, #tpu.memory_space<vmem>>, vector<1x16xf32>,
        }
        %scan3A_175 = arith.constant 25 : i32
        %add3A_176 = arith.addi %mul3A_2, %add3A_82 : i32
        %mul3A_177 = arith.constant 200 : i32
        %mul3A_178 = arith.muli %add3A_176, %mul3A_177 : i32
        %dma_start3A_179 = arith.constant 0 : i32
        %dma_start3A_180 = tpu.memref_slice %arg5[%mul3A_178, %dma_start3A_179] : memref<819200x128xf32, #tpu.memory_space<hbm>> -> memref<200x128xf32, #tpu.memory_space<hbm>>
        %dma_start3A_181 = arith.constant 0 : i32
        %dma_start3A_182 = tpu.memref_slice %arg5[%mul3A_178, %dma_start3A_181] : memref<819200x128xf32, #tpu.memory_space<hbm>> -> memref<200x128xf32, #tpu.memory_space<hbm>>
        tpu.enqueue_dma source(%arg8 : memref<200x128xf32, #tpu.memory_space<vmem>>) target(%dma_start3A_182 : memref<200x128xf32, #tpu.memory_space<hbm>>) target_semaphore(%arg14 : memref<!tpu.dma_semaphore, #tpu.memory_space<semaphore_mem>>)
      } else {
      }
      %mul3A_98 = arith.constant 3 : i32
      %mul3A_99 = arith.muli %mul3A_98, %add3A_78 : i32
      %add3A_100 = arith.constant 1 : i32
      %add3A_101 = arith.addi %mul3A_99, %add3A_100 : i32
      %add3A_102 = arith.constant 3 : i32
      %add3A_103 = arith.addi %add3A_101, %add3A_102 : i32
      %sub3A_104 = arith.constant 1 : i32
      %sub3A_105 = arith.subi %add3A_103, %sub3A_104 : i32
      %eq3A_106 = arith.constant 60 : i32
      %eq3A_107 = arith.cmpi eq, %add3A_101, %eq3A_106 : i32
      %convert_element_type3A_108 = arith.extui %eq3A_107 : i1 to i32
      %cond3A_109 = arith.constant 0 : i32
      %cond3A_110 = arith.cmpi ne, %convert_element_type3A_108, %cond3A_109 : i32
      scf.if %cond3A_110 {
        %mul3A_144 = arith.constant 2 : i32
        %mul3A_145 = arith.muli %mul3A_2, %mul3A_144 : i32
        %add3A_146 = arith.constant 136 : i32
        %add3A_147 = arith.addi %mul3A_145, %add3A_146 : i32
        %dma_start3A_148 = arith.constant 0 : i32
        %dma_start3A_149 = arith.constant 0 : i32
        %dma_start3A_150 = tpu.memref_slice %arg6[%dma_start3A_148, %dma_start3A_149] : memref<136x100xi32, #tpu.memory_space<vmem>> -> memref<120x100xi32, #tpu.memory_space<vmem>>
        %dma_start3A_151 = arith.constant 0 : i32
        %dma_start3A_152 = tpu.memref_slice %arg3[%add3A_147, %dma_start3A_151] : memref<8192x100xi32, #tpu.memory_space<hbm>> -> memref<120x100xi32, #tpu.memory_space<hbm>>
        %dma_start3A_153 = arith.constant 0 : i32
        %dma_start3A_154 = arith.constant 0 : i32
        %dma_start3A_155 = tpu.memref_slice %arg6[%dma_start3A_153, %dma_start3A_154] : memref<136x100xi32, #tpu.memory_space<vmem>> -> memref<120x100xi32, #tpu.memory_space<vmem>>
        %dma_start3A_156 = arith.constant 0 : i32
        %dma_start3A_157 = tpu.memref_slice %arg3[%add3A_147, %dma_start3A_156] : memref<8192x100xi32, #tpu.memory_space<hbm>> -> memref<120x100xi32, #tpu.memory_space<hbm>>
        tpu.enqueue_dma source(%dma_start3A_157 : memref<120x100xi32, #tpu.memory_space<hbm>>) target(%dma_start3A_155 : memref<120x100xi32, #tpu.memory_space<vmem>>) target_semaphore(%arg17 : memref<!tpu.dma_semaphore, #tpu.memory_space<semaphore_mem>>)
      } else {
      }
      %lt3A_111 = arith.constant 128 : i32
      %lt3A_112 = arith.cmpi slt, %sub3A_105, %lt3A_111 : i32
      %convert_element_type3A_113 = arith.extui %lt3A_112 : i1 to i32
      %cond3A_114 = arith.constant 0 : i32
      %cond3A_115 = arith.cmpi ne, %convert_element_type3A_113, %cond3A_114 : i32
      scf.if %cond3A_115 {
        %ge3A = arith.constant 1 : i32
        %ge3A_144 = arith.cmpi sge, %add3A_101, %ge3A : i32
        %convert_element_type3A_145 = arith.extui %ge3A_144 : i1 to i32
        %cond3A_146 = arith.constant 0 : i32
        %cond3A_147 = arith.cmpi ne, %convert_element_type3A_145, %cond3A_146 : i32
        scf.if %cond3A_147 {
          %dma_wait3A_181 = arith.constant 0 : i32
          %dma_wait3A_182 = arith.constant 0 : i32
          %dma_wait3A_183 = tpu.memref_slice %arg5[%dma_wait3A_181, %dma_wait3A_182] : memref<819200x128xf32, #tpu.memory_space<hbm>> -> memref<200x128xf32, #tpu.memory_space<hbm>>
          %dma_wait3A_184 = arith.constant 0 : i32
          %dma_wait3A_185 = arith.constant 0 : i32
          %dma_wait3A_186 = tpu.memref_slice %arg5[%dma_wait3A_184, %dma_wait3A_185] : memref<819200x128xf32, #tpu.memory_space<hbm>> -> memref<200x128xf32, #tpu.memory_space<hbm>>
          tpu.wait_dma2 semaphore(%arg14 : memref<!tpu.dma_semaphore, #tpu.memory_space<semaphore_mem>>) src(%arg8 : memref<200x128xf32, #tpu.memory_space<vmem>>) dst(%dma_wait3A_186 : memref<200x128xf32, #tpu.memory_space<hbm>>)
        } else {
        }
        %eq3A_148 = arith.constant 68 : i32
        %eq3A_149 = arith.cmpi eq, %sub3A_105, %eq3A_148 : i32
        %convert_element_type3A_150 = arith.extui %eq3A_149 : i1 to i32
        %cond3A_151 = arith.constant 0 : i32
        %cond3A_152 = arith.cmpi ne, %convert_element_type3A_150, %cond3A_151 : i32
        scf.if %cond3A_152 {
          %mul3A_181 = arith.constant 2 : i32
          %mul3A_182 = arith.muli %mul3A_2, %mul3A_181 : i32
          %add3A_183 = arith.constant 136 : i32
          %add3A_184 = arith.addi %mul3A_182, %add3A_183 : i32
          %dma_wait3A_185 = arith.constant 0 : i32
          %dma_wait3A_186 = arith.constant 0 : i32
          %dma_wait3A_187 = tpu.memref_slice %arg6[%dma_wait3A_185, %dma_wait3A_186] : memref<136x100xi32, #tpu.memory_space<vmem>> -> memref<120x100xi32, #tpu.memory_space<vmem>>
          %dma_wait3A_188 = arith.constant 0 : i32
          %dma_wait3A_189 = tpu.memref_slice %arg3[%add3A_184, %dma_wait3A_188] : memref<8192x100xi32, #tpu.memory_space<hbm>> -> memref<120x100xi32, #tpu.memory_space<hbm>>
          %dma_wait3A_190 = arith.constant 0 : i32
          %dma_wait3A_191 = arith.constant 0 : i32
          %dma_wait3A_192 = tpu.memref_slice %arg6[%dma_wait3A_190, %dma_wait3A_191] : memref<136x100xi32, #tpu.memory_space<vmem>> -> memref<120x100xi32, #tpu.memory_space<vmem>>
          %dma_wait3A_193 = arith.constant 0 : i32
          %dma_wait3A_194 = tpu.memref_slice %arg3[%add3A_184, %dma_wait3A_193] : memref<8192x100xi32, #tpu.memory_space<hbm>> -> memref<120x100xi32, #tpu.memory_space<hbm>>
          tpu.wait_dma2 semaphore(%arg17 : memref<!tpu.dma_semaphore, #tpu.memory_space<semaphore_mem>>) src(%dma_wait3A_194 : memref<120x100xi32, #tpu.memory_space<hbm>>) dst(%dma_wait3A_192 : memref<120x100xi32, #tpu.memory_space<vmem>>)
        } else {
        }
        %mul3A_153 = arith.constant 2 : i32
        %mul3A_154 = arith.muli %mul3A_153, %sub3A_105 : i32
        %ge3A_155 = arith.constant 68 : i32
        %ge3A_156 = arith.cmpi sge, %sub3A_105, %ge3A_155 : i32
        %jit3A_157 = arith.constant 136 : i32
        %jit3A_158 = arith.constant 0 : i32
        %select_n3A_159 = arith.select %ge3A_156, %jit3A_157, %jit3A_158 : i32
        %sub3A_160 = arith.subi %mul3A_154, %select_n3A_159 : i32
        %dma_start3A_161 = arith.constant 0 : i32
        %dma_start3A_162 = arith.constant 0 : i32
        %dma_start3A_163 = tpu.memref_slice %arg8[%dma_start3A_161, %dma_start3A_162] : memref<200x128xf32, #tpu.memory_space<vmem>> -> memref<100x128xf32, #tpu.memory_space<vmem>>
        %dma_start3A_164 = arith.constant 0 : i32
        %dma_start3A_165 = tpu.memref_slice %arg6[%sub3A_160, %dma_start3A_164] : memref<136x100xi32, #tpu.memory_space<vmem>> -> memref<1x100xi32, #tpu.memory_space<vmem>>
        %dma_start3A_166 = tpu.memref_squeeze %dma_start3A_165 : memref<1x100xi32, #tpu.memory_space<vmem>> -> memref<100xi32, #tpu.memory_space<vmem>>
        %dma_start3A_167 = arith.constant 0 : i32
        %dma_start3A_168 = arith.constant 0 : i32
        %dma_start3A_169 = tpu.memref_slice %arg2[%dma_start3A_167, %dma_start3A_168] : memref<100000x128xf32, #tpu.memory_space<hbm>> -> memref<100000x128xf32, #tpu.memory_space<hbm>>
        tpu.enqueue_indirect_dma source(%dma_start3A_169 : memref<100000x128xf32, #tpu.memory_space<hbm>>) target(%dma_start3A_163 : memref<100x128xf32, #tpu.memory_space<vmem>>) offsets(%dma_start3A_166 : memref<100xi32, #tpu.memory_space<vmem>>) semaphore(%arg11 : memref<!tpu.dma_semaphore, #tpu.memory_space<semaphore_mem>>)
        %add3A_170 = arith.constant 1 : i32
        %add3A_171 = arith.addi %sub3A_160, %add3A_170 : i32
        %dma_start3A_172 = arith.constant 100 : i32
        %dma_start3A_173 = arith.constant 0 : i32
        %dma_start3A_174 = tpu.memref_slice %arg8[%dma_start3A_172, %dma_start3A_173] : memref<200x128xf32, #tpu.memory_space<vmem>> -> memref<100x128xf32, #tpu.memory_space<vmem>>
        %dma_start3A_175 = arith.constant 0 : i32
        %dma_start3A_176 = tpu.memref_slice %arg6[%add3A_171, %dma_start3A_175] : memref<136x100xi32, #tpu.memory_space<vmem>> -> memref<1x100xi32, #tpu.memory_space<vmem>>
        %dma_start3A_177 = tpu.memref_squeeze %dma_start3A_176 : memref<1x100xi32, #tpu.memory_space<vmem>> -> memref<100xi32, #tpu.memory_space<vmem>>
        %dma_start3A_178 = arith.constant 0 : i32
        %dma_start3A_179 = arith.constant 0 : i32
        %dma_start3A_180 = tpu.memref_slice %arg2[%dma_start3A_178, %dma_start3A_179] : memref<100000x128xf32, #tpu.memory_space<hbm>> -> memref<100000x128xf32, #tpu.memory_space<hbm>>
        tpu.enqueue_indirect_dma source(%dma_start3A_180 : memref<100000x128xf32, #tpu.memory_space<hbm>>) target(%dma_start3A_174 : memref<100x128xf32, #tpu.memory_space<vmem>>) offsets(%dma_start3A_177 : memref<100xi32, #tpu.memory_space<vmem>>) semaphore(%arg11 : memref<!tpu.dma_semaphore, #tpu.memory_space<semaphore_mem>>)
      } else {
      }
      %lt3A_116 = arith.constant 128 : i32
      %lt3A_117 = arith.cmpi slt, %add3A_101, %lt3A_116 : i32
      %convert_element_type3A_118 = arith.extui %lt3A_117 : i1 to i32
      %cond3A_119 = arith.constant 0 : i32
      %cond3A_120 = arith.cmpi ne, %convert_element_type3A_118, %cond3A_119 : i32
      scf.if %cond3A_120 {
        %mul3A_144 = arith.constant 2 : i32
        %mul3A_145 = arith.muli %mul3A_144, %add3A_101 : i32
        %ge3A = arith.constant 68 : i32
        %ge3A_146 = arith.cmpi sge, %add3A_101, %ge3A : i32
        %jit3A_147 = arith.constant 136 : i32
        %jit3A_148 = arith.constant 0 : i32
        %select_n3A_149 = arith.select %ge3A_146, %jit3A_147, %jit3A_148 : i32
        %sub3A_150 = arith.subi %mul3A_145, %select_n3A_149 : i32
        %dma_wait3A_151 = arith.constant 0 : i32
        %dma_wait3A_152 = arith.constant 0 : i32
        %dma_wait3A_153 = tpu.memref_slice %arg9[%dma_wait3A_151, %dma_wait3A_152] : memref<200x128xf32, #tpu.memory_space<vmem>> -> memref<100x128xf32, #tpu.memory_space<vmem>>
        %dma_wait3A_154 = arith.constant 0 : i32
        %dma_wait3A_155 = tpu.memref_slice %arg6[%sub3A_150, %dma_wait3A_154] : memref<136x100xi32, #tpu.memory_space<vmem>> -> memref<1x100xi32, #tpu.memory_space<vmem>>
        %dma_wait3A_156 = tpu.memref_squeeze %dma_wait3A_155 : memref<1x100xi32, #tpu.memory_space<vmem>> -> memref<100xi32, #tpu.memory_space<vmem>>
        %dma_wait3A_157 = arith.constant 0 : i32
        %dma_wait3A_158 = arith.constant 0 : i32
        %dma_wait3A_159 = tpu.memref_slice %arg2[%dma_wait3A_157, %dma_wait3A_158] : memref<100000x128xf32, #tpu.memory_space<hbm>> -> memref<100000x128xf32, #tpu.memory_space<hbm>>
        tpu.wait_indirect_dma semaphore(%arg12 : memref<!tpu.dma_semaphore, #tpu.memory_space<semaphore_mem>>) src(%dma_wait3A_159 : memref<100000x128xf32, #tpu.memory_space<hbm>>) dst(%dma_wait3A_153 : memref<100x128xf32, #tpu.memory_space<vmem>>)
        %add3A_160 = arith.constant 1 : i32
        %add3A_161 = arith.addi %sub3A_150, %add3A_160 : i32
        %dma_wait3A_162 = arith.constant 100 : i32
        %dma_wait3A_163 = arith.constant 0 : i32
        %dma_wait3A_164 = tpu.memref_slice %arg9[%dma_wait3A_162, %dma_wait3A_163] : memref<200x128xf32, #tpu.memory_space<vmem>> -> memref<100x128xf32, #tpu.memory_space<vmem>>
        %dma_wait3A_165 = arith.constant 0 : i32
        %dma_wait3A_166 = tpu.memref_slice %arg6[%add3A_161, %dma_wait3A_165] : memref<136x100xi32, #tpu.memory_space<vmem>> -> memref<1x100xi32, #tpu.memory_space<vmem>>
        %dma_wait3A_167 = tpu.memref_squeeze %dma_wait3A_166 : memref<1x100xi32, #tpu.memory_space<vmem>> -> memref<100xi32, #tpu.memory_space<vmem>>
        %dma_wait3A_168 = arith.constant 0 : i32
        %dma_wait3A_169 = arith.constant 0 : i32
        %dma_wait3A_170 = tpu.memref_slice %arg2[%dma_wait3A_168, %dma_wait3A_169] : memref<100000x128xf32, #tpu.memory_space<hbm>> -> memref<100000x128xf32, #tpu.memory_space<hbm>>
        tpu.wait_indirect_dma semaphore(%arg12 : memref<!tpu.dma_semaphore, #tpu.memory_space<semaphore_mem>>) src(%dma_wait3A_170 : memref<100000x128xf32, #tpu.memory_space<hbm>>) dst(%dma_wait3A_164 : memref<100x128xf32, #tpu.memory_space<vmem>>)
        %scan3A_171 = arith.constant 0 : i32
        %scan3A_172 = arith.constant 25 : i32
        %scan3A_173 = arith.addi %scan3A_171, %scan3A_172 : i32
        %scan3A_174 = arith.constant 1 : i32
        scf.for %scan3A_183 = %scan3A_171 to %scan3A_173 step %scan3A_174  : i32 {
          %mul3A_184 = arith.constant 8 : i32
          %mul3A_185 = arith.muli %scan3A_183, %mul3A_184 : i32
          %add3A_186 = arith.constant 0 : i32
          %add3A_187 = arith.addi %add3A_186, %mul3A_185 : i32
          %add3A_188 = arith.constant 0 : i32
          %add3A_189 = arith.addi %add3A_187, %add3A_188 : i32
          %add3A_190 = arith.constant 0 : i32
          %add3A_191 = arith.addi %add3A_187, %add3A_190 : i32
          %get3A = arith.index_cast %add3A_191 : i32 to index
          %get3A_192 = arith.constant 0 : index
          %get3A_193 = tpu.vector_load %arg7[%get3A, %get3A_192] {strides = array<i32>} : memref<200x128xf32, #tpu.memory_space<vmem>>, vector<1x16xf32>,
          %get3A_194 = vector.shape_cast %get3A_193 : vector<1x16xf32> to vector<16xf32>
          %swap3A = arith.index_cast %add3A_189 : i32 to index
          %swap3A_195 = arith.constant 0 : index
          %swap3A_196 = tpu.vector_load %arg9[%swap3A, %swap3A_195] {strides = array<i32>} : memref<200x128xf32, #tpu.memory_space<vmem>>, vector<1x16xf32>,
          %swap3A_197 = vector.shape_cast %swap3A_196 : vector<1x16xf32> to vector<16xf32>
          %swap3A_198 = vector.shape_cast %get3A_194 : vector<16xf32> to vector<1x16xf32>
          tpu.vector_store %arg9[%swap3A, %swap3A_195], %swap3A_198 {add = true, strides = array<i32>} : memref<200x128xf32, #tpu.memory_space<vmem>>, vector<1x16xf32>,
          %add3A_199 = arith.constant 0 : i32
          %add3A_200 = arith.addi %add3A_187, %add3A_199 : i32
          %add3A_201 = arith.constant 0 : i32
          %add3A_202 = arith.addi %add3A_187, %add3A_201 : i32
          %get3A_203 = arith.index_cast %add3A_202 : i32 to index
          %get3A_204 = arith.constant 16 : index
          %get3A_205 = tpu.vector_load %arg7[%get3A_203, %get3A_204] {strides = array<i32>} : memref<200x128xf32, #tpu.memory_space<vmem>>, vector<1x16xf32>,
          %get3A_206 = vector.shape_cast %get3A_205 : vector<1x16xf32> to vector<16xf32>
          %swap3A_207 = arith.index_cast %add3A_200 : i32 to index
          %swap3A_208 = arith.constant 16 : index
          %swap3A_209 = tpu.vector_load %arg9[%swap3A_207, %swap3A_208] {strides = array<i32>} : memref<200x128xf32, #tpu.memory_space<vmem>>, vector<1x16xf32>,
          %swap3A_210 = vector.shape_cast %swap3A_209 : vector<1x16xf32> to vector<16xf32>
          %swap3A_211 = vector.shape_cast %get3A_206 : vector<16xf32> to vector<1x16xf32>
          tpu.vector_store %arg9[%swap3A_207, %swap3A_208], %swap3A_211 {add = true, strides = array<i32>} : memref<200x128xf32, #tpu.memory_space<vmem>>, vector<1x16xf32>,
          %add3A_212 = arith.constant 0 : i32
          %add3A_213 = arith.addi %add3A_187, %add3A_212 : i32
          %add3A_214 = arith.constant 0 : i32
          %add3A_215 = arith.addi %add3A_187, %add3A_214 : i32
          %get3A_216 = arith.index_cast %add3A_215 : i32 to index
          %get3A_217 = arith.constant 32 : index
          %get3A_218 = tpu.vector_load %arg7[%get3A_216, %get3A_217] {strides = array<i32>} : memref<200x128xf32, #tpu.memory_space<vmem>>, vector<1x16xf32>,
          %get3A_219 = vector.shape_cast %get3A_218 : vector<1x16xf32> to vector<16xf32>
          %swap3A_220 = arith.index_cast %add3A_213 : i32 to index
          %swap3A_221 = arith.constant 32 : index
          %swap3A_222 = tpu.vector_load %arg9[%swap3A_220, %swap3A_221] {strides = array<i32>} : memref<200x128xf32, #tpu.memory_space<vmem>>, vector<1x16xf32>,
          %swap3A_223 = vector.shape_cast %swap3A_222 : vector<1x16xf32> to vector<16xf32>
          %swap3A_224 = vector.shape_cast %get3A_219 : vector<16xf32> to vector<1x16xf32>
          tpu.vector_store %arg9[%swap3A_220, %swap3A_221], %swap3A_224 {add = true, strides = array<i32>} : memref<200x128xf32, #tpu.memory_space<vmem>>, vector<1x16xf32>,
          %add3A_225 = arith.constant 0 : i32
          %add3A_226 = arith.addi %add3A_187, %add3A_225 : i32
          %add3A_227 = arith.constant 0 : i32
          %add3A_228 = arith.addi %add3A_187, %add3A_227 : i32
          %get3A_229 = arith.index_cast %add3A_228 : i32 to index
          %get3A_230 = arith.constant 48 : index
          %get3A_231 = tpu.vector_load %arg7[%get3A_229, %get3A_230] {strides = array<i32>} : memref<200x128xf32, #tpu.memory_space<vmem>>, vector<1x16xf32>,
          %get3A_232 = vector.shape_cast %get3A_231 : vector<1x16xf32> to vector<16xf32>
          %swap3A_233 = arith.index_cast %add3A_226 : i32 to index
          %swap3A_234 = arith.constant 48 : index
          %swap3A_235 = tpu.vector_load %arg9[%swap3A_233, %swap3A_234] {strides = array<i32>} : memref<200x128xf32, #tpu.memory_space<vmem>>, vector<1x16xf32>,
          %swap3A_236 = vector.shape_cast %swap3A_235 : vector<1x16xf32> to vector<16xf32>
          %swap3A_237 = vector.shape_cast %get3A_232 : vector<16xf32> to vector<1x16xf32>
          tpu.vector_store %arg9[%swap3A_233, %swap3A_234], %swap3A_237 {add = true, strides = array<i32>} : memref<200x128xf32, #tpu.memory_space<vmem>>, vector<1x16xf32>,
          %add3A_238 = arith.constant 0 : i32
          %add3A_239 = arith.addi %add3A_187, %add3A_238 : i32
          %add3A_240 = arith.constant 0 : i32
          %add3A_241 = arith.addi %add3A_187, %add3A_240 : i32
          %get3A_242 = arith.index_cast %add3A_241 : i32 to index
          %get3A_243 = arith.constant 64 : index
          %get3A_244 = tpu.vector_load %arg7[%get3A_242, %get3A_243] {strides = array<i32>} : memref<200x128xf32, #tpu.memory_space<vmem>>, vector<1x16xf32>,
          %get3A_245 = vector.shape_cast %get3A_244 : vector<1x16xf32> to vector<16xf32>
          %swap3A_246 = arith.index_cast %add3A_239 : i32 to index
          %swap3A_247 = arith.constant 64 : index
          %swap3A_248 = tpu.vector_load %arg9[%swap3A_246, %swap3A_247] {strides = array<i32>} : memref<200x128xf32, #tpu.memory_space<vmem>>, vector<1x16xf32>,
          %swap3A_249 = vector.shape_cast %swap3A_248 : vector<1x16xf32> to vector<16xf32>
          %swap3A_250 = vector.shape_cast %get3A_245 : vector<16xf32> to vector<1x16xf32>
          tpu.vector_store %arg9[%swap3A_246, %swap3A_247], %swap3A_250 {add = true, strides = array<i32>} : memref<200x128xf32, #tpu.memory_space<vmem>>, vector<1x16xf32>,
          %add3A_251 = arith.constant 0 : i32
          %add3A_252 = arith.addi %add3A_187, %add3A_251 : i32
          %add3A_253 = arith.constant 0 : i32
          %add3A_254 = arith.addi %add3A_187, %add3A_253 : i32
          %get3A_255 = arith.index_cast %add3A_254 : i32 to index
          %get3A_256 = arith.constant 80 : index
          %get3A_257 = tpu.vector_load %arg7[%get3A_255, %get3A_256] {strides = array<i32>} : memref<200x128xf32, #tpu.memory_space<vmem>>, vector<1x16xf32>,
          %get3A_258 = vector.shape_cast %get3A_257 : vector<1x16xf32> to vector<16xf32>
          %swap3A_259 = arith.index_cast %add3A_252 : i32 to index
          %swap3A_260 = arith.constant 80 : index
          %swap3A_261 = tpu.vector_load %arg9[%swap3A_259, %swap3A_260] {strides = array<i32>} : memref<200x128xf32, #tpu.memory_space<vmem>>, vector<1x16xf32>,
          %swap3A_262 = vector.shape_cast %swap3A_261 : vector<1x16xf32> to vector<16xf32>
          %swap3A_263 = vector.shape_cast %get3A_258 : vector<16xf32> to vector<1x16xf32>
          tpu.vector_store %arg9[%swap3A_259, %swap3A_260], %swap3A_263 {add = true, strides = array<i32>} : memref<200x128xf32, #tpu.memory_space<vmem>>, vector<1x16xf32>,
          %add3A_264 = arith.constant 0 : i32
          %add3A_265 = arith.addi %add3A_187, %add3A_264 : i32
          %add3A_266 = arith.constant 0 : i32
          %add3A_267 = arith.addi %add3A_187, %add3A_266 : i32
          %get3A_268 = arith.index_cast %add3A_267 : i32 to index
          %get3A_269 = arith.constant 96 : index
          %get3A_270 = tpu.vector_load %arg7[%get3A_268, %get3A_269] {strides = array<i32>} : memref<200x128xf32, #tpu.memory_space<vmem>>, vector<1x16xf32>,
          %get3A_271 = vector.shape_cast %get3A_270 : vector<1x16xf32> to vector<16xf32>
          %swap3A_272 = arith.index_cast %add3A_265 : i32 to index
          %swap3A_273 = arith.constant 96 : index
          %swap3A_274 = tpu.vector_load %arg9[%swap3A_272, %swap3A_273] {strides = array<i32>} : memref<200x128xf32, #tpu.memory_space<vmem>>, vector<1x16xf32>,
          %swap3A_275 = vector.shape_cast %swap3A_274 : vector<1x16xf32> to vector<16xf32>
          %swap3A_276 = vector.shape_cast %get3A_271 : vector<16xf32> to vector<1x16xf32>
          tpu.vector_store %arg9[%swap3A_272, %swap3A_273], %swap3A_276 {add = true, strides = array<i32>} : memref<200x128xf32, #tpu.memory_space<vmem>>, vector<1x16xf32>,
          %add3A_277 = arith.constant 0 : i32
          %add3A_278 = arith.addi %add3A_187, %add3A_277 : i32
          %add3A_279 = arith.constant 0 : i32
          %add3A_280 = arith.addi %add3A_187, %add3A_279 : i32
          %get3A_281 = arith.index_cast %add3A_280 : i32 to index
          %get3A_282 = arith.constant 112 : index
          %get3A_283 = tpu.vector_load %arg7[%get3A_281, %get3A_282] {strides = array<i32>} : memref<200x128xf32, #tpu.memory_space<vmem>>, vector<1x16xf32>,
          %get3A_284 = vector.shape_cast %get3A_283 : vector<1x16xf32> to vector<16xf32>
          %swap3A_285 = arith.index_cast %add3A_278 : i32 to index
          %swap3A_286 = arith.constant 112 : index
          %swap3A_287 = tpu.vector_load %arg9[%swap3A_285, %swap3A_286] {strides = array<i32>} : memref<200x128xf32, #tpu.memory_space<vmem>>, vector<1x16xf32>,
          %swap3A_288 = vector.shape_cast %swap3A_287 : vector<1x16xf32> to vector<16xf32>
          %swap3A_289 = vector.shape_cast %get3A_284 : vector<16xf32> to vector<1x16xf32>
          tpu.vector_store %arg9[%swap3A_285, %swap3A_286], %swap3A_289 {add = true, strides = array<i32>} : memref<200x128xf32, #tpu.memory_space<vmem>>, vector<1x16xf32>,
          %add3A_290 = arith.constant 1 : i32
          %add3A_291 = arith.addi %add3A_187, %add3A_290 : i32
          %add3A_292 = arith.constant 1 : i32
          %add3A_293 = arith.addi %add3A_187, %add3A_292 : i32
          %get3A_294 = arith.index_cast %add3A_293 : i32 to index
          %get3A_295 = arith.constant 0 : index
          %get3A_296 = tpu.vector_load %arg7[%get3A_294, %get3A_295] {strides = array<i32>} : memref<200x128xf32, #tpu.memory_space<vmem>>, vector<1x16xf32>,
          %get3A_297 = vector.shape_cast %get3A_296 : vector<1x16xf32> to vector<16xf32>
          %swap3A_298 = arith.index_cast %add3A_291 : i32 to index
          %swap3A_299 = arith.constant 0 : index
          %swap3A_300 = tpu.vector_load %arg9[%swap3A_298, %swap3A_299] {strides = array<i32>} : memref<200x128xf32, #tpu.memory_space<vmem>>, vector<1x16xf32>,
          %swap3A_301 = vector.shape_cast %swap3A_300 : vector<1x16xf32> to vector<16xf32>
          %swap3A_302 = vector.shape_cast %get3A_297 : vector<16xf32> to vector<1x16xf32>
          tpu.vector_store %arg9[%swap3A_298, %swap3A_299], %swap3A_302 {add = true, strides = array<i32>} : memref<200x128xf32, #tpu.memory_space<vmem>>, vector<1x16xf32>,
          %add3A_303 = arith.constant 1 : i32
          %add3A_304 = arith.addi %add3A_187, %add3A_303 : i32
          %add3A_305 = arith.constant 1 : i32
          %add3A_306 = arith.addi %add3A_187, %add3A_305 : i32
          %get3A_307 = arith.index_cast %add3A_306 : i32 to index
          %get3A_308 = arith.constant 16 : index
          %get3A_309 = tpu.vector_load %arg7[%get3A_307, %get3A_308] {strides = array<i32>} : memref<200x128xf32, #tpu.memory_space<vmem>>, vector<1x16xf32>,
          %get3A_310 = vector.shape_cast %get3A_309 : vector<1x16xf32> to vector<16xf32>
          %swap3A_311 = arith.index_cast %add3A_304 : i32 to index
          %swap3A_312 = arith.constant 16 : index
          %swap3A_313 = tpu.vector_load %arg9[%swap3A_311, %swap3A_312] {strides = array<i32>} : memref<200x128xf32, #tpu.memory_space<vmem>>, vector<1x16xf32>,
          %swap3A_314 = vector.shape_cast %swap3A_313 : vector<1x16xf32> to vector<16xf32>
          %swap3A_315 = vector.shape_cast %get3A_310 : vector<16xf32> to vector<1x16xf32>
          tpu.vector_store %arg9[%swap3A_311, %swap3A_312], %swap3A_315 {add = true, strides = array<i32>} : memref<200x128xf32, #tpu.memory_space<vmem>>, vector<1x16xf32>,
          %add3A_316 = arith.constant 1 : i32
          %add3A_317 = arith.addi %add3A_187, %add3A_316 : i32
          %add3A_318 = arith.constant 1 : i32
          %add3A_319 = arith.addi %add3A_187, %add3A_318 : i32
          %get3A_320 = arith.index_cast %add3A_319 : i32 to index
          %get3A_321 = arith.constant 32 : index
          %get3A_322 = tpu.vector_load %arg7[%get3A_320, %get3A_321] {strides = array<i32>} : memref<200x128xf32, #tpu.memory_space<vmem>>, vector<1x16xf32>,
          %get3A_323 = vector.shape_cast %get3A_322 : vector<1x16xf32> to vector<16xf32>
          %swap3A_324 = arith.index_cast %add3A_317 : i32 to index
          %swap3A_325 = arith.constant 32 : index
          %swap3A_326 = tpu.vector_load %arg9[%swap3A_324, %swap3A_325] {strides = array<i32>} : memref<200x128xf32, #tpu.memory_space<vmem>>, vector<1x16xf32>,
          %swap3A_327 = vector.shape_cast %swap3A_326 : vector<1x16xf32> to vector<16xf32>
          %swap3A_328 = vector.shape_cast %get3A_323 : vector<16xf32> to vector<1x16xf32>
          tpu.vector_store %arg9[%swap3A_324, %swap3A_325], %swap3A_328 {add = true, strides = array<i32>} : memref<200x128xf32, #tpu.memory_space<vmem>>, vector<1x16xf32>,
          %add3A_329 = arith.constant 1 : i32
          %add3A_330 = arith.addi %add3A_187, %add3A_329 : i32
          %add3A_331 = arith.constant 1 : i32
          %add3A_332 = arith.addi %add3A_187, %add3A_331 : i32
          %get3A_333 = arith.index_cast %add3A_332 : i32 to index
          %get3A_334 = arith.constant 48 : index
          %get3A_335 = tpu.vector_load %arg7[%get3A_333, %get3A_334] {strides = array<i32>} : memref<200x128xf32, #tpu.memory_space<vmem>>, vector<1x16xf32>,
          %get3A_336 = vector.shape_cast %get3A_335 : vector<1x16xf32> to vector<16xf32>
          %swap3A_337 = arith.index_cast %add3A_330 : i32 to index
          %swap3A_338 = arith.constant 48 : index
          %swap3A_339 = tpu.vector_load %arg9[%swap3A_337, %swap3A_338] {strides = array<i32>} : memref<200x128xf32, #tpu.memory_space<vmem>>, vector<1x16xf32>,
          %swap3A_340 = vector.shape_cast %swap3A_339 : vector<1x16xf32> to vector<16xf32>
          %swap3A_341 = vector.shape_cast %get3A_336 : vector<16xf32> to vector<1x16xf32>
          tpu.vector_store %arg9[%swap3A_337, %swap3A_338], %swap3A_341 {add = true, strides = array<i32>} : memref<200x128xf32, #tpu.memory_space<vmem>>, vector<1x16xf32>,
          %add3A_342 = arith.constant 1 : i32
          %add3A_343 = arith.addi %add3A_187, %add3A_342 : i32
          %add3A_344 = arith.constant 1 : i32
          %add3A_345 = arith.addi %add3A_187, %add3A_344 : i32
          %get3A_346 = arith.index_cast %add3A_345 : i32 to index
          %get3A_347 = arith.constant 64 : index
          %get3A_348 = tpu.vector_load %arg7[%get3A_346, %get3A_347] {strides = array<i32>} : memref<200x128xf32, #tpu.memory_space<vmem>>, vector<1x16xf32>,
          %get3A_349 = vector.shape_cast %get3A_348 : vector<1x16xf32> to vector<16xf32>
          %swap3A_350 = arith.index_cast %add3A_343 : i32 to index
          %swap3A_351 = arith.constant 64 : index
          %swap3A_352 = tpu.vector_load %arg9[%swap3A_350, %swap3A_351] {strides = array<i32>} : memref<200x128xf32, #tpu.memory_space<vmem>>, vector<1x16xf32>,
          %swap3A_353 = vector.shape_cast %swap3A_352 : vector<1x16xf32> to vector<16xf32>
          %swap3A_354 = vector.shape_cast %get3A_349 : vector<16xf32> to vector<1x16xf32>
          tpu.vector_store %arg9[%swap3A_350, %swap3A_351], %swap3A_354 {add = true, strides = array<i32>} : memref<200x128xf32, #tpu.memory_space<vmem>>, vector<1x16xf32>,
          %add3A_355 = arith.constant 1 : i32
          %add3A_356 = arith.addi %add3A_187, %add3A_355 : i32
          %add3A_357 = arith.constant 1 : i32
          %add3A_358 = arith.addi %add3A_187, %add3A_357 : i32
          %get3A_359 = arith.index_cast %add3A_358 : i32 to index
          %get3A_360 = arith.constant 80 : index
          %get3A_361 = tpu.vector_load %arg7[%get3A_359, %get3A_360] {strides = array<i32>} : memref<200x128xf32, #tpu.memory_space<vmem>>, vector<1x16xf32>,
          %get3A_362 = vector.shape_cast %get3A_361 : vector<1x16xf32> to vector<16xf32>
          %swap3A_363 = arith.index_cast %add3A_356 : i32 to index
          %swap3A_364 = arith.constant 80 : index
          %swap3A_365 = tpu.vector_load %arg9[%swap3A_363, %swap3A_364] {strides = array<i32>} : memref<200x128xf32, #tpu.memory_space<vmem>>, vector<1x16xf32>,
          %swap3A_366 = vector.shape_cast %swap3A_365 : vector<1x16xf32> to vector<16xf32>
          %swap3A_367 = vector.shape_cast %get3A_362 : vector<16xf32> to vector<1x16xf32>
          tpu.vector_store %arg9[%swap3A_363, %swap3A_364], %swap3A_367 {add = true, strides = array<i32>} : memref<200x128xf32, #tpu.memory_space<vmem>>, vector<1x16xf32>,
          %add3A_368 = arith.constant 1 : i32
          %add3A_369 = arith.addi %add3A_187, %add3A_368 : i32
          %add3A_370 = arith.constant 1 : i32
          %add3A_371 = arith.addi %add3A_187, %add3A_370 : i32
          %get3A_372 = arith.index_cast %add3A_371 : i32 to index
          %get3A_373 = arith.constant 96 : index
          %get3A_374 = tpu.vector_load %arg7[%get3A_372, %get3A_373] {strides = array<i32>} : memref<200x128xf32, #tpu.memory_space<vmem>>, vector<1x16xf32>,
          %get3A_375 = vector.shape_cast %get3A_374 : vector<1x16xf32> to vector<16xf32>
          %swap3A_376 = arith.index_cast %add3A_369 : i32 to index
          %swap3A_377 = arith.constant 96 : index
          %swap3A_378 = tpu.vector_load %arg9[%swap3A_376, %swap3A_377] {strides = array<i32>} : memref<200x128xf32, #tpu.memory_space<vmem>>, vector<1x16xf32>,
          %swap3A_379 = vector.shape_cast %swap3A_378 : vector<1x16xf32> to vector<16xf32>
          %swap3A_380 = vector.shape_cast %get3A_375 : vector<16xf32> to vector<1x16xf32>
          tpu.vector_store %arg9[%swap3A_376, %swap3A_377], %swap3A_380 {add = true, strides = array<i32>} : memref<200x128xf32, #tpu.memory_space<vmem>>, vector<1x16xf32>,
          %add3A_381 = arith.constant 1 : i32
          %add3A_382 = arith.addi %add3A_187, %add3A_381 : i32
          %add3A_383 = arith.constant 1 : i32
          %add3A_384 = arith.addi %add3A_187, %add3A_383 : i32
          %get3A_385 = arith.index_cast %add3A_384 : i32 to index
          %get3A_386 = arith.constant 112 : index
          %get3A_387 = tpu.vector_load %arg7[%get3A_385, %get3A_386] {strides = array<i32>} : memref<200x128xf32, #tpu.memory_space<vmem>>, vector<1x16xf32>,
          %get3A_388 = vector.shape_cast %get3A_387 : vector<1x16xf32> to vector<16xf32>
          %swap3A_389 = arith.index_cast %add3A_382 : i32 to index
          %swap3A_390 = arith.constant 112 : index
          %swap3A_391 = tpu.vector_load %arg9[%swap3A_389, %swap3A_390] {strides = array<i32>} : memref<200x128xf32, #tpu.memory_space<vmem>>, vector<1x16xf32>,
          %swap3A_392 = vector.shape_cast %swap3A_391 : vector<1x16xf32> to vector<16xf32>
          %swap3A_393 = vector.shape_cast %get3A_388 : vector<16xf32> to vector<1x16xf32>
          tpu.vector_store %arg9[%swap3A_389, %swap3A_390], %swap3A_393 {add = true, strides = array<i32>} : memref<200x128xf32, #tpu.memory_space<vmem>>, vector<1x16xf32>,
          %add3A_394 = arith.constant 2 : i32
          %add3A_395 = arith.addi %add3A_187, %add3A_394 : i32
          %add3A_396 = arith.constant 2 : i32
          %add3A_397 = arith.addi %add3A_187, %add3A_396 : i32
          %get3A_398 = arith.index_cast %add3A_397 : i32 to index
          %get3A_399 = arith.constant 0 : index
          %get3A_400 = tpu.vector_load %arg7[%get3A_398, %get3A_399] {strides = array<i32>} : memref<200x128xf32, #tpu.memory_space<vmem>>, vector<1x16xf32>,
          %get3A_401 = vector.shape_cast %get3A_400 : vector<1x16xf32> to vector<16xf32>
          %swap3A_402 = arith.index_cast %add3A_395 : i32 to index
          %swap3A_403 = arith.constant 0 : index
          %swap3A_404 = tpu.vector_load %arg9[%swap3A_402, %swap3A_403] {strides = array<i32>} : memref<200x128xf32, #tpu.memory_space<vmem>>, vector<1x16xf32>,
          %swap3A_405 = vector.shape_cast %swap3A_404 : vector<1x16xf32> to vector<16xf32>
          %swap3A_406 = vector.shape_cast %get3A_401 : vector<16xf32> to vector<1x16xf32>
          tpu.vector_store %arg9[%swap3A_402, %swap3A_403], %swap3A_406 {add = true, strides = array<i32>} : memref<200x128xf32, #tpu.memory_space<vmem>>, vector<1x16xf32>,
          %add3A_407 = arith.constant 2 : i32
          %add3A_408 = arith.addi %add3A_187, %add3A_407 : i32
          %add3A_409 = arith.constant 2 : i32
          %add3A_410 = arith.addi %add3A_187, %add3A_409 : i32
          %get3A_411 = arith.index_cast %add3A_410 : i32 to index
          %get3A_412 = arith.constant 16 : index
          %get3A_413 = tpu.vector_load %arg7[%get3A_411, %get3A_412] {strides = array<i32>} : memref<200x128xf32, #tpu.memory_space<vmem>>, vector<1x16xf32>,
          %get3A_414 = vector.shape_cast %get3A_413 : vector<1x16xf32> to vector<16xf32>
          %swap3A_415 = arith.index_cast %add3A_408 : i32 to index
          %swap3A_416 = arith.constant 16 : index
          %swap3A_417 = tpu.vector_load %arg9[%swap3A_415, %swap3A_416] {strides = array<i32>} : memref<200x128xf32, #tpu.memory_space<vmem>>, vector<1x16xf32>,
          %swap3A_418 = vector.shape_cast %swap3A_417 : vector<1x16xf32> to vector<16xf32>
          %swap3A_419 = vector.shape_cast %get3A_414 : vector<16xf32> to vector<1x16xf32>
          tpu.vector_store %arg9[%swap3A_415, %swap3A_416], %swap3A_419 {add = true, strides = array<i32>} : memref<200x128xf32, #tpu.memory_space<vmem>>, vector<1x16xf32>,
          %add3A_420 = arith.constant 2 : i32
          %add3A_421 = arith.addi %add3A_187, %add3A_420 : i32
          %add3A_422 = arith.constant 2 : i32
          %add3A_423 = arith.addi %add3A_187, %add3A_422 : i32
          %get3A_424 = arith.index_cast %add3A_423 : i32 to index
          %get3A_425 = arith.constant 32 : index
          %get3A_426 = tpu.vector_load %arg7[%get3A_424, %get3A_425] {strides = array<i32>} : memref<200x128xf32, #tpu.memory_space<vmem>>, vector<1x16xf32>,
          %get3A_427 = vector.shape_cast %get3A_426 : vector<1x16xf32> to vector<16xf32>
          %swap3A_428 = arith.index_cast %add3A_421 : i32 to index
          %swap3A_429 = arith.constant 32 : index
          %swap3A_430 = tpu.vector_load %arg9[%swap3A_428, %swap3A_429] {strides = array<i32>} : memref<200x128xf32, #tpu.memory_space<vmem>>, vector<1x16xf32>,
          %swap3A_431 = vector.shape_cast %swap3A_430 : vector<1x16xf32> to vector<16xf32>
          %swap3A_432 = vector.shape_cast %get3A_427 : vector<16xf32> to vector<1x16xf32>
          tpu.vector_store %arg9[%swap3A_428, %swap3A_429], %swap3A_432 {add = true, strides = array<i32>} : memref<200x128xf32, #tpu.memory_space<vmem>>, vector<1x16xf32>,
          %add3A_433 = arith.constant 2 : i32
          %add3A_434 = arith.addi %add3A_187, %add3A_433 : i32
          %add3A_435 = arith.constant 2 : i32
          %add3A_436 = arith.addi %add3A_187, %add3A_435 : i32
          %get3A_437 = arith.index_cast %add3A_436 : i32 to index
          %get3A_438 = arith.constant 48 : index
          %get3A_439 = tpu.vector_load %arg7[%get3A_437, %get3A_438] {strides = array<i32>} : memref<200x128xf32, #tpu.memory_space<vmem>>, vector<1x16xf32>,
          %get3A_440 = vector.shape_cast %get3A_439 : vector<1x16xf32> to vector<16xf32>
          %swap3A_441 = arith.index_cast %add3A_434 : i32 to index
          %swap3A_442 = arith.constant 48 : index
          %swap3A_443 = tpu.vector_load %arg9[%swap3A_441, %swap3A_442] {strides = array<i32>} : memref<200x128xf32, #tpu.memory_space<vmem>>, vector<1x16xf32>,
          %swap3A_444 = vector.shape_cast %swap3A_443 : vector<1x16xf32> to vector<16xf32>
          %swap3A_445 = vector.shape_cast %get3A_440 : vector<16xf32> to vector<1x16xf32>
          tpu.vector_store %arg9[%swap3A_441, %swap3A_442], %swap3A_445 {add = true, strides = array<i32>} : memref<200x128xf32, #tpu.memory_space<vmem>>, vector<1x16xf32>,
          %add3A_446 = arith.constant 2 : i32
          %add3A_447 = arith.addi %add3A_187, %add3A_446 : i32
          %add3A_448 = arith.constant 2 : i32
          %add3A_449 = arith.addi %add3A_187, %add3A_448 : i32
          %get3A_450 = arith.index_cast %add3A_449 : i32 to index
          %get3A_451 = arith.constant 64 : index
          %get3A_452 = tpu.vector_load %arg7[%get3A_450, %get3A_451] {strides = array<i32>} : memref<200x128xf32, #tpu.memory_space<vmem>>, vector<1x16xf32>,
          %get3A_453 = vector.shape_cast %get3A_452 : vector<1x16xf32> to vector<16xf32>
          %swap3A_454 = arith.index_cast %add3A_447 : i32 to index
          %swap3A_455 = arith.constant 64 : index
          %swap3A_456 = tpu.vector_load %arg9[%swap3A_454, %swap3A_455] {strides = array<i32>} : memref<200x128xf32, #tpu.memory_space<vmem>>, vector<1x16xf32>,
          %swap3A_457 = vector.shape_cast %swap3A_456 : vector<1x16xf32> to vector<16xf32>
          %swap3A_458 = vector.shape_cast %get3A_453 : vector<16xf32> to vector<1x16xf32>
          tpu.vector_store %arg9[%swap3A_454, %swap3A_455], %swap3A_458 {add = true, strides = array<i32>} : memref<200x128xf32, #tpu.memory_space<vmem>>, vector<1x16xf32>,
          %add3A_459 = arith.constant 2 : i32
          %add3A_460 = arith.addi %add3A_187, %add3A_459 : i32
          %add3A_461 = arith.constant 2 : i32
          %add3A_462 = arith.addi %add3A_187, %add3A_461 : i32
          %get3A_463 = arith.index_cast %add3A_462 : i32 to index
          %get3A_464 = arith.constant 80 : index
          %get3A_465 = tpu.vector_load %arg7[%get3A_463, %get3A_464] {strides = array<i32>} : memref<200x128xf32, #tpu.memory_space<vmem>>, vector<1x16xf32>,
          %get3A_466 = vector.shape_cast %get3A_465 : vector<1x16xf32> to vector<16xf32>
          %swap3A_467 = arith.index_cast %add3A_460 : i32 to index
          %swap3A_468 = arith.constant 80 : index
          %swap3A_469 = tpu.vector_load %arg9[%swap3A_467, %swap3A_468] {strides = array<i32>} : memref<200x128xf32, #tpu.memory_space<vmem>>, vector<1x16xf32>,
          %swap3A_470 = vector.shape_cast %swap3A_469 : vector<1x16xf32> to vector<16xf32>
          %swap3A_471 = vector.shape_cast %get3A_466 : vector<16xf32> to vector<1x16xf32>
          tpu.vector_store %arg9[%swap3A_467, %swap3A_468], %swap3A_471 {add = true, strides = array<i32>} : memref<200x128xf32, #tpu.memory_space<vmem>>, vector<1x16xf32>,
          %add3A_472 = arith.constant 2 : i32
          %add3A_473 = arith.addi %add3A_187, %add3A_472 : i32
          %add3A_474 = arith.constant 2 : i32
          %add3A_475 = arith.addi %add3A_187, %add3A_474 : i32
          %get3A_476 = arith.index_cast %add3A_475 : i32 to index
          %get3A_477 = arith.constant 96 : index
          %get3A_478 = tpu.vector_load %arg7[%get3A_476, %get3A_477] {strides = array<i32>} : memref<200x128xf32, #tpu.memory_space<vmem>>, vector<1x16xf32>,
          %get3A_479 = vector.shape_cast %get3A_478 : vector<1x16xf32> to vector<16xf32>
          %swap3A_480 = arith.index_cast %add3A_473 : i32 to index
          %swap3A_481 = arith.constant 96 : index
          %swap3A_482 = tpu.vector_load %arg9[%swap3A_480, %swap3A_481] {strides = array<i32>} : memref<200x128xf32, #tpu.memory_space<vmem>>, vector<1x16xf32>,
          %swap3A_483 = vector.shape_cast %swap3A_482 : vector<1x16xf32> to vector<16xf32>
          %swap3A_484 = vector.shape_cast %get3A_479 : vector<16xf32> to vector<1x16xf32>
          tpu.vector_store %arg9[%swap3A_480, %swap3A_481], %swap3A_484 {add = true, strides = array<i32>} : memref<200x128xf32, #tpu.memory_space<vmem>>, vector<1x16xf32>,
          %add3A_485 = arith.constant 2 : i32
          %add3A_486 = arith.addi %add3A_187, %add3A_485 : i32
          %add3A_487 = arith.constant 2 : i32
          %add3A_488 = arith.addi %add3A_187, %add3A_487 : i32
          %get3A_489 = arith.index_cast %add3A_488 : i32 to index
          %get3A_490 = arith.constant 112 : index
          %get3A_491 = tpu.vector_load %arg7[%get3A_489, %get3A_490] {strides = array<i32>} : memref<200x128xf32, #tpu.memory_space<vmem>>, vector<1x16xf32>,
          %get3A_492 = vector.shape_cast %get3A_491 : vector<1x16xf32> to vector<16xf32>
          %swap3A_493 = arith.index_cast %add3A_486 : i32 to index
          %swap3A_494 = arith.constant 112 : index
          %swap3A_495 = tpu.vector_load %arg9[%swap3A_493, %swap3A_494] {strides = array<i32>} : memref<200x128xf32, #tpu.memory_space<vmem>>, vector<1x16xf32>,
          %swap3A_496 = vector.shape_cast %swap3A_495 : vector<1x16xf32> to vector<16xf32>
          %swap3A_497 = vector.shape_cast %get3A_492 : vector<16xf32> to vector<1x16xf32>
          tpu.vector_store %arg9[%swap3A_493, %swap3A_494], %swap3A_497 {add = true, strides = array<i32>} : memref<200x128xf32, #tpu.memory_space<vmem>>, vector<1x16xf32>,
          %add3A_498 = arith.constant 3 : i32
          %add3A_499 = arith.addi %add3A_187, %add3A_498 : i32
          %add3A_500 = arith.constant 3 : i32
          %add3A_501 = arith.addi %add3A_187, %add3A_500 : i32
          %get3A_502 = arith.index_cast %add3A_501 : i32 to index
          %get3A_503 = arith.constant 0 : index
          %get3A_504 = tpu.vector_load %arg7[%get3A_502, %get3A_503] {strides = array<i32>} : memref<200x128xf32, #tpu.memory_space<vmem>>, vector<1x16xf32>,
          %get3A_505 = vector.shape_cast %get3A_504 : vector<1x16xf32> to vector<16xf32>
          %swap3A_506 = arith.index_cast %add3A_499 : i32 to index
          %swap3A_507 = arith.constant 0 : index
          %swap3A_508 = tpu.vector_load %arg9[%swap3A_506, %swap3A_507] {strides = array<i32>} : memref<200x128xf32, #tpu.memory_space<vmem>>, vector<1x16xf32>,
          %swap3A_509 = vector.shape_cast %swap3A_508 : vector<1x16xf32> to vector<16xf32>
          %swap3A_510 = vector.shape_cast %get3A_505 : vector<16xf32> to vector<1x16xf32>
          tpu.vector_store %arg9[%swap3A_506, %swap3A_507], %swap3A_510 {add = true, strides = array<i32>} : memref<200x128xf32, #tpu.memory_space<vmem>>, vector<1x16xf32>,
          %add3A_511 = arith.constant 3 : i32
          %add3A_512 = arith.addi %add3A_187, %add3A_511 : i32
          %add3A_513 = arith.constant 3 : i32
          %add3A_514 = arith.addi %add3A_187, %add3A_513 : i32
          %get3A_515 = arith.index_cast %add3A_514 : i32 to index
          %get3A_516 = arith.constant 16 : index
          %get3A_517 = tpu.vector_load %arg7[%get3A_515, %get3A_516] {strides = array<i32>} : memref<200x128xf32, #tpu.memory_space<vmem>>, vector<1x16xf32>,
          %get3A_518 = vector.shape_cast %get3A_517 : vector<1x16xf32> to vector<16xf32>
          %swap3A_519 = arith.index_cast %add3A_512 : i32 to index
          %swap3A_520 = arith.constant 16 : index
          %swap3A_521 = tpu.vector_load %arg9[%swap3A_519, %swap3A_520] {strides = array<i32>} : memref<200x128xf32, #tpu.memory_space<vmem>>, vector<1x16xf32>,
          %swap3A_522 = vector.shape_cast %swap3A_521 : vector<1x16xf32> to vector<16xf32>
          %swap3A_523 = vector.shape_cast %get3A_518 : vector<16xf32> to vector<1x16xf32>
          tpu.vector_store %arg9[%swap3A_519, %swap3A_520], %swap3A_523 {add = true, strides = array<i32>} : memref<200x128xf32, #tpu.memory_space<vmem>>, vector<1x16xf32>,
          %add3A_524 = arith.constant 3 : i32
          %add3A_525 = arith.addi %add3A_187, %add3A_524 : i32
          %add3A_526 = arith.constant 3 : i32
          %add3A_527 = arith.addi %add3A_187, %add3A_526 : i32
          %get3A_528 = arith.index_cast %add3A_527 : i32 to index
          %get3A_529 = arith.constant 32 : index
          %get3A_530 = tpu.vector_load %arg7[%get3A_528, %get3A_529] {strides = array<i32>} : memref<200x128xf32, #tpu.memory_space<vmem>>, vector<1x16xf32>,
          %get3A_531 = vector.shape_cast %get3A_530 : vector<1x16xf32> to vector<16xf32>
          %swap3A_532 = arith.index_cast %add3A_525 : i32 to index
          %swap3A_533 = arith.constant 32 : index
          %swap3A_534 = tpu.vector_load %arg9[%swap3A_532, %swap3A_533] {strides = array<i32>} : memref<200x128xf32, #tpu.memory_space<vmem>>, vector<1x16xf32>,
          %swap3A_535 = vector.shape_cast %swap3A_534 : vector<1x16xf32> to vector<16xf32>
          %swap3A_536 = vector.shape_cast %get3A_531 : vector<16xf32> to vector<1x16xf32>
          tpu.vector_store %arg9[%swap3A_532, %swap3A_533], %swap3A_536 {add = true, strides = array<i32>} : memref<200x128xf32, #tpu.memory_space<vmem>>, vector<1x16xf32>,
          %add3A_537 = arith.constant 3 : i32
          %add3A_538 = arith.addi %add3A_187, %add3A_537 : i32
          %add3A_539 = arith.constant 3 : i32
          %add3A_540 = arith.addi %add3A_187, %add3A_539 : i32
          %get3A_541 = arith.index_cast %add3A_540 : i32 to index
          %get3A_542 = arith.constant 48 : index
          %get3A_543 = tpu.vector_load %arg7[%get3A_541, %get3A_542] {strides = array<i32>} : memref<200x128xf32, #tpu.memory_space<vmem>>, vector<1x16xf32>,
          %get3A_544 = vector.shape_cast %get3A_543 : vector<1x16xf32> to vector<16xf32>
          %swap3A_545 = arith.index_cast %add3A_538 : i32 to index
          %swap3A_546 = arith.constant 48 : index
          %swap3A_547 = tpu.vector_load %arg9[%swap3A_545, %swap3A_546] {strides = array<i32>} : memref<200x128xf32, #tpu.memory_space<vmem>>, vector<1x16xf32>,
          %swap3A_548 = vector.shape_cast %swap3A_547 : vector<1x16xf32> to vector<16xf32>
          %swap3A_549 = vector.shape_cast %get3A_544 : vector<16xf32> to vector<1x16xf32>
          tpu.vector_store %arg9[%swap3A_545, %swap3A_546], %swap3A_549 {add = true, strides = array<i32>} : memref<200x128xf32, #tpu.memory_space<vmem>>, vector<1x16xf32>,
          %add3A_550 = arith.constant 3 : i32
          %add3A_551 = arith.addi %add3A_187, %add3A_550 : i32
          %add3A_552 = arith.constant 3 : i32
          %add3A_553 = arith.addi %add3A_187, %add3A_552 : i32
          %get3A_554 = arith.index_cast %add3A_553 : i32 to index
          %get3A_555 = arith.constant 64 : index
          %get3A_556 = tpu.vector_load %arg7[%get3A_554, %get3A_555] {strides = array<i32>} : memref<200x128xf32, #tpu.memory_space<vmem>>, vector<1x16xf32>,
          %get3A_557 = vector.shape_cast %get3A_556 : vector<1x16xf32> to vector<16xf32>
          %swap3A_558 = arith.index_cast %add3A_551 : i32 to index
          %swap3A_559 = arith.constant 64 : index
          %swap3A_560 = tpu.vector_load %arg9[%swap3A_558, %swap3A_559] {strides = array<i32>} : memref<200x128xf32, #tpu.memory_space<vmem>>, vector<1x16xf32>,
          %swap3A_561 = vector.shape_cast %swap3A_560 : vector<1x16xf32> to vector<16xf32>
          %swap3A_562 = vector.shape_cast %get3A_557 : vector<16xf32> to vector<1x16xf32>
          tpu.vector_store %arg9[%swap3A_558, %swap3A_559], %swap3A_562 {add = true, strides = array<i32>} : memref<200x128xf32, #tpu.memory_space<vmem>>, vector<1x16xf32>,
          %add3A_563 = arith.constant 3 : i32
          %add3A_564 = arith.addi %add3A_187, %add3A_563 : i32
          %add3A_565 = arith.constant 3 : i32
          %add3A_566 = arith.addi %add3A_187, %add3A_565 : i32
          %get3A_567 = arith.index_cast %add3A_566 : i32 to index
          %get3A_568 = arith.constant 80 : index
          %get3A_569 = tpu.vector_load %arg7[%get3A_567, %get3A_568] {strides = array<i32>} : memref<200x128xf32, #tpu.memory_space<vmem>>, vector<1x16xf32>,
          %get3A_570 = vector.shape_cast %get3A_569 : vector<1x16xf32> to vector<16xf32>
          %swap3A_571 = arith.index_cast %add3A_564 : i32 to index
          %swap3A_572 = arith.constant 80 : index
          %swap3A_573 = tpu.vector_load %arg9[%swap3A_571, %swap3A_572] {strides = array<i32>} : memref<200x128xf32, #tpu.memory_space<vmem>>, vector<1x16xf32>,
          %swap3A_574 = vector.shape_cast %swap3A_573 : vector<1x16xf32> to vector<16xf32>
          %swap3A_575 = vector.shape_cast %get3A_570 : vector<16xf32> to vector<1x16xf32>
          tpu.vector_store %arg9[%swap3A_571, %swap3A_572], %swap3A_575 {add = true, strides = array<i32>} : memref<200x128xf32, #tpu.memory_space<vmem>>, vector<1x16xf32>,
          %add3A_576 = arith.constant 3 : i32
          %add3A_577 = arith.addi %add3A_187, %add3A_576 : i32
          %add3A_578 = arith.constant 3 : i32
          %add3A_579 = arith.addi %add3A_187, %add3A_578 : i32
          %get3A_580 = arith.index_cast %add3A_579 : i32 to index
          %get3A_581 = arith.constant 96 : index
          %get3A_582 = tpu.vector_load %arg7[%get3A_580, %get3A_581] {strides = array<i32>} : memref<200x128xf32, #tpu.memory_space<vmem>>, vector<1x16xf32>,
          %get3A_583 = vector.shape_cast %get3A_582 : vector<1x16xf32> to vector<16xf32>
          %swap3A_584 = arith.index_cast %add3A_577 : i32 to index
          %swap3A_585 = arith.constant 96 : index
          %swap3A_586 = tpu.vector_load %arg9[%swap3A_584, %swap3A_585] {strides = array<i32>} : memref<200x128xf32, #tpu.memory_space<vmem>>, vector<1x16xf32>,
          %swap3A_587 = vector.shape_cast %swap3A_586 : vector<1x16xf32> to vector<16xf32>
          %swap3A_588 = vector.shape_cast %get3A_583 : vector<16xf32> to vector<1x16xf32>
          tpu.vector_store %arg9[%swap3A_584, %swap3A_585], %swap3A_588 {add = true, strides = array<i32>} : memref<200x128xf32, #tpu.memory_space<vmem>>, vector<1x16xf32>,
          %add3A_589 = arith.constant 3 : i32
          %add3A_590 = arith.addi %add3A_187, %add3A_589 : i32
          %add3A_591 = arith.constant 3 : i32
          %add3A_592 = arith.addi %add3A_187, %add3A_591 : i32
          %get3A_593 = arith.index_cast %add3A_592 : i32 to index
          %get3A_594 = arith.constant 112 : index
          %get3A_595 = tpu.vector_load %arg7[%get3A_593, %get3A_594] {strides = array<i32>} : memref<200x128xf32, #tpu.memory_space<vmem>>, vector<1x16xf32>,
          %get3A_596 = vector.shape_cast %get3A_595 : vector<1x16xf32> to vector<16xf32>
          %swap3A_597 = arith.index_cast %add3A_590 : i32 to index
          %swap3A_598 = arith.constant 112 : index
          %swap3A_599 = tpu.vector_load %arg9[%swap3A_597, %swap3A_598] {strides = array<i32>} : memref<200x128xf32, #tpu.memory_space<vmem>>, vector<1x16xf32>,
          %swap3A_600 = vector.shape_cast %swap3A_599 : vector<1x16xf32> to vector<16xf32>
          %swap3A_601 = vector.shape_cast %get3A_596 : vector<16xf32> to vector<1x16xf32>
          tpu.vector_store %arg9[%swap3A_597, %swap3A_598], %swap3A_601 {add = true, strides = array<i32>} : memref<200x128xf32, #tpu.memory_space<vmem>>, vector<1x16xf32>,
          %add3A_602 = arith.constant 4 : i32
          %add3A_603 = arith.addi %add3A_187, %add3A_602 : i32
          %add3A_604 = arith.constant 4 : i32
          %add3A_605 = arith.addi %add3A_187, %add3A_604 : i32
          %get3A_606 = arith.index_cast %add3A_605 : i32 to index
          %get3A_607 = arith.constant 0 : index
          %get3A_608 = tpu.vector_load %arg7[%get3A_606, %get3A_607] {strides = array<i32>} : memref<200x128xf32, #tpu.memory_space<vmem>>, vector<1x16xf32>,
          %get3A_609 = vector.shape_cast %get3A_608 : vector<1x16xf32> to vector<16xf32>
          %swap3A_610 = arith.index_cast %add3A_603 : i32 to index
          %swap3A_611 = arith.constant 0 : index
          %swap3A_612 = tpu.vector_load %arg9[%swap3A_610, %swap3A_611] {strides = array<i32>} : memref<200x128xf32, #tpu.memory_space<vmem>>, vector<1x16xf32>,
          %swap3A_613 = vector.shape_cast %swap3A_612 : vector<1x16xf32> to vector<16xf32>
          %swap3A_614 = vector.shape_cast %get3A_609 : vector<16xf32> to vector<1x16xf32>
          tpu.vector_store %arg9[%swap3A_610, %swap3A_611], %swap3A_614 {add = true, strides = array<i32>} : memref<200x128xf32, #tpu.memory_space<vmem>>, vector<1x16xf32>,
          %add3A_615 = arith.constant 4 : i32
          %add3A_616 = arith.addi %add3A_187, %add3A_615 : i32
          %add3A_617 = arith.constant 4 : i32
          %add3A_618 = arith.addi %add3A_187, %add3A_617 : i32
          %get3A_619 = arith.index_cast %add3A_618 : i32 to index
          %get3A_620 = arith.constant 16 : index
          %get3A_621 = tpu.vector_load %arg7[%get3A_619, %get3A_620] {strides = array<i32>} : memref<200x128xf32, #tpu.memory_space<vmem>>, vector<1x16xf32>,
          %get3A_622 = vector.shape_cast %get3A_621 : vector<1x16xf32> to vector<16xf32>
          %swap3A_623 = arith.index_cast %add3A_616 : i32 to index
          %swap3A_624 = arith.constant 16 : index
          %swap3A_625 = tpu.vector_load %arg9[%swap3A_623, %swap3A_624] {strides = array<i32>} : memref<200x128xf32, #tpu.memory_space<vmem>>, vector<1x16xf32>,
          %swap3A_626 = vector.shape_cast %swap3A_625 : vector<1x16xf32> to vector<16xf32>
          %swap3A_627 = vector.shape_cast %get3A_622 : vector<16xf32> to vector<1x16xf32>
          tpu.vector_store %arg9[%swap3A_623, %swap3A_624], %swap3A_627 {add = true, strides = array<i32>} : memref<200x128xf32, #tpu.memory_space<vmem>>, vector<1x16xf32>,
          %add3A_628 = arith.constant 4 : i32
          %add3A_629 = arith.addi %add3A_187, %add3A_628 : i32
          %add3A_630 = arith.constant 4 : i32
          %add3A_631 = arith.addi %add3A_187, %add3A_630 : i32
          %get3A_632 = arith.index_cast %add3A_631 : i32 to index
          %get3A_633 = arith.constant 32 : index
          %get3A_634 = tpu.vector_load %arg7[%get3A_632, %get3A_633] {strides = array<i32>} : memref<200x128xf32, #tpu.memory_space<vmem>>, vector<1x16xf32>,
          %get3A_635 = vector.shape_cast %get3A_634 : vector<1x16xf32> to vector<16xf32>
          %swap3A_636 = arith.index_cast %add3A_629 : i32 to index
          %swap3A_637 = arith.constant 32 : index
          %swap3A_638 = tpu.vector_load %arg9[%swap3A_636, %swap3A_637] {strides = array<i32>} : memref<200x128xf32, #tpu.memory_space<vmem>>, vector<1x16xf32>,
          %swap3A_639 = vector.shape_cast %swap3A_638 : vector<1x16xf32> to vector<16xf32>
          %swap3A_640 = vector.shape_cast %get3A_635 : vector<16xf32> to vector<1x16xf32>
          tpu.vector_store %arg9[%swap3A_636, %swap3A_637], %swap3A_640 {add = true, strides = array<i32>} : memref<200x128xf32, #tpu.memory_space<vmem>>, vector<1x16xf32>,
          %add3A_641 = arith.constant 4 : i32
          %add3A_642 = arith.addi %add3A_187, %add3A_641 : i32
          %add3A_643 = arith.constant 4 : i32
          %add3A_644 = arith.addi %add3A_187, %add3A_643 : i32
          %get3A_645 = arith.index_cast %add3A_644 : i32 to index
          %get3A_646 = arith.constant 48 : index
          %get3A_647 = tpu.vector_load %arg7[%get3A_645, %get3A_646] {strides = array<i32>} : memref<200x128xf32, #tpu.memory_space<vmem>>, vector<1x16xf32>,
          %get3A_648 = vector.shape_cast %get3A_647 : vector<1x16xf32> to vector<16xf32>
          %swap3A_649 = arith.index_cast %add3A_642 : i32 to index
          %swap3A_650 = arith.constant 48 : index
          %swap3A_651 = tpu.vector_load %arg9[%swap3A_649, %swap3A_650] {strides = array<i32>} : memref<200x128xf32, #tpu.memory_space<vmem>>, vector<1x16xf32>,
          %swap3A_652 = vector.shape_cast %swap3A_651 : vector<1x16xf32> to vector<16xf32>
          %swap3A_653 = vector.shape_cast %get3A_648 : vector<16xf32> to vector<1x16xf32>
          tpu.vector_store %arg9[%swap3A_649, %swap3A_650], %swap3A_653 {add = true, strides = array<i32>} : memref<200x128xf32, #tpu.memory_space<vmem>>, vector<1x16xf32>,
          %add3A_654 = arith.constant 4 : i32
          %add3A_655 = arith.addi %add3A_187, %add3A_654 : i32
          %add3A_656 = arith.constant 4 : i32
          %add3A_657 = arith.addi %add3A_187, %add3A_656 : i32
          %get3A_658 = arith.index_cast %add3A_657 : i32 to index
          %get3A_659 = arith.constant 64 : index
          %get3A_660 = tpu.vector_load %arg7[%get3A_658, %get3A_659] {strides = array<i32>} : memref<200x128xf32, #tpu.memory_space<vmem>>, vector<1x16xf32>,
          %get3A_661 = vector.shape_cast %get3A_660 : vector<1x16xf32> to vector<16xf32>
          %swap3A_662 = arith.index_cast %add3A_655 : i32 to index
          %swap3A_663 = arith.constant 64 : index
          %swap3A_664 = tpu.vector_load %arg9[%swap3A_662, %swap3A_663] {strides = array<i32>} : memref<200x128xf32, #tpu.memory_space<vmem>>, vector<1x16xf32>,
          %swap3A_665 = vector.shape_cast %swap3A_664 : vector<1x16xf32> to vector<16xf32>
          %swap3A_666 = vector.shape_cast %get3A_661 : vector<16xf32> to vector<1x16xf32>
          tpu.vector_store %arg9[%swap3A_662, %swap3A_663], %swap3A_666 {add = true, strides = array<i32>} : memref<200x128xf32, #tpu.memory_space<vmem>>, vector<1x16xf32>,
          %add3A_667 = arith.constant 4 : i32
          %add3A_668 = arith.addi %add3A_187, %add3A_667 : i32
          %add3A_669 = arith.constant 4 : i32
          %add3A_670 = arith.addi %add3A_187, %add3A_669 : i32
          %get3A_671 = arith.index_cast %add3A_670 : i32 to index
          %get3A_672 = arith.constant 80 : index
          %get3A_673 = tpu.vector_load %arg7[%get3A_671, %get3A_672] {strides = array<i32>} : memref<200x128xf32, #tpu.memory_space<vmem>>, vector<1x16xf32>,
          %get3A_674 = vector.shape_cast %get3A_673 : vector<1x16xf32> to vector<16xf32>
          %swap3A_675 = arith.index_cast %add3A_668 : i32 to index
          %swap3A_676 = arith.constant 80 : index
          %swap3A_677 = tpu.vector_load %arg9[%swap3A_675, %swap3A_676] {strides = array<i32>} : memref<200x128xf32, #tpu.memory_space<vmem>>, vector<1x16xf32>,
          %swap3A_678 = vector.shape_cast %swap3A_677 : vector<1x16xf32> to vector<16xf32>
          %swap3A_679 = vector.shape_cast %get3A_674 : vector<16xf32> to vector<1x16xf32>
          tpu.vector_store %arg9[%swap3A_675, %swap3A_676], %swap3A_679 {add = true, strides = array<i32>} : memref<200x128xf32, #tpu.memory_space<vmem>>, vector<1x16xf32>,
          %add3A_680 = arith.constant 4 : i32
          %add3A_681 = arith.addi %add3A_187, %add3A_680 : i32
          %add3A_682 = arith.constant 4 : i32
          %add3A_683 = arith.addi %add3A_187, %add3A_682 : i32
          %get3A_684 = arith.index_cast %add3A_683 : i32 to index
          %get3A_685 = arith.constant 96 : index
          %get3A_686 = tpu.vector_load %arg7[%get3A_684, %get3A_685] {strides = array<i32>} : memref<200x128xf32, #tpu.memory_space<vmem>>, vector<1x16xf32>,
          %get3A_687 = vector.shape_cast %get3A_686 : vector<1x16xf32> to vector<16xf32>
          %swap3A_688 = arith.index_cast %add3A_681 : i32 to index
          %swap3A_689 = arith.constant 96 : index
          %swap3A_690 = tpu.vector_load %arg9[%swap3A_688, %swap3A_689] {strides = array<i32>} : memref<200x128xf32, #tpu.memory_space<vmem>>, vector<1x16xf32>,
          %swap3A_691 = vector.shape_cast %swap3A_690 : vector<1x16xf32> to vector<16xf32>
          %swap3A_692 = vector.shape_cast %get3A_687 : vector<16xf32> to vector<1x16xf32>
          tpu.vector_store %arg9[%swap3A_688, %swap3A_689], %swap3A_692 {add = true, strides = array<i32>} : memref<200x128xf32, #tpu.memory_space<vmem>>, vector<1x16xf32>,
          %add3A_693 = arith.constant 4 : i32
          %add3A_694 = arith.addi %add3A_187, %add3A_693 : i32
          %add3A_695 = arith.constant 4 : i32
          %add3A_696 = arith.addi %add3A_187, %add3A_695 : i32
          %get3A_697 = arith.index_cast %add3A_696 : i32 to index
          %get3A_698 = arith.constant 112 : index
          %get3A_699 = tpu.vector_load %arg7[%get3A_697, %get3A_698] {strides = array<i32>} : memref<200x128xf32, #tpu.memory_space<vmem>>, vector<1x16xf32>,
          %get3A_700 = vector.shape_cast %get3A_699 : vector<1x16xf32> to vector<16xf32>
          %swap3A_701 = arith.index_cast %add3A_694 : i32 to index
          %swap3A_702 = arith.constant 112 : index
          %swap3A_703 = tpu.vector_load %arg9[%swap3A_701, %swap3A_702] {strides = array<i32>} : memref<200x128xf32, #tpu.memory_space<vmem>>, vector<1x16xf32>,
          %swap3A_704 = vector.shape_cast %swap3A_703 : vector<1x16xf32> to vector<16xf32>
          %swap3A_705 = vector.shape_cast %get3A_700 : vector<16xf32> to vector<1x16xf32>
          tpu.vector_store %arg9[%swap3A_701, %swap3A_702], %swap3A_705 {add = true, strides = array<i32>} : memref<200x128xf32, #tpu.memory_space<vmem>>, vector<1x16xf32>,
          %add3A_706 = arith.constant 5 : i32
          %add3A_707 = arith.addi %add3A_187, %add3A_706 : i32
          %add3A_708 = arith.constant 5 : i32
          %add3A_709 = arith.addi %add3A_187, %add3A_708 : i32
          %get3A_710 = arith.index_cast %add3A_709 : i32 to index
          %get3A_711 = arith.constant 0 : index
          %get3A_712 = tpu.vector_load %arg7[%get3A_710, %get3A_711] {strides = array<i32>} : memref<200x128xf32, #tpu.memory_space<vmem>>, vector<1x16xf32>,
          %get3A_713 = vector.shape_cast %get3A_712 : vector<1x16xf32> to vector<16xf32>
          %swap3A_714 = arith.index_cast %add3A_707 : i32 to index
          %swap3A_715 = arith.constant 0 : index
          %swap3A_716 = tpu.vector_load %arg9[%swap3A_714, %swap3A_715] {strides = array<i32>} : memref<200x128xf32, #tpu.memory_space<vmem>>, vector<1x16xf32>,
          %swap3A_717 = vector.shape_cast %swap3A_716 : vector<1x16xf32> to vector<16xf32>
          %swap3A_718 = vector.shape_cast %get3A_713 : vector<16xf32> to vector<1x16xf32>
          tpu.vector_store %arg9[%swap3A_714, %swap3A_715], %swap3A_718 {add = true, strides = array<i32>} : memref<200x128xf32, #tpu.memory_space<vmem>>, vector<1x16xf32>,
          %add3A_719 = arith.constant 5 : i32
          %add3A_720 = arith.addi %add3A_187, %add3A_719 : i32
          %add3A_721 = arith.constant 5 : i32
          %add3A_722 = arith.addi %add3A_187, %add3A_721 : i32
          %get3A_723 = arith.index_cast %add3A_722 : i32 to index
          %get3A_724 = arith.constant 16 : index
          %get3A_725 = tpu.vector_load %arg7[%get3A_723, %get3A_724] {strides = array<i32>} : memref<200x128xf32, #tpu.memory_space<vmem>>, vector<1x16xf32>,
          %get3A_726 = vector.shape_cast %get3A_725 : vector<1x16xf32> to vector<16xf32>
          %swap3A_727 = arith.index_cast %add3A_720 : i32 to index
          %swap3A_728 = arith.constant 16 : index
          %swap3A_729 = tpu.vector_load %arg9[%swap3A_727, %swap3A_728] {strides = array<i32>} : memref<200x128xf32, #tpu.memory_space<vmem>>, vector<1x16xf32>,
          %swap3A_730 = vector.shape_cast %swap3A_729 : vector<1x16xf32> to vector<16xf32>
          %swap3A_731 = vector.shape_cast %get3A_726 : vector<16xf32> to vector<1x16xf32>
          tpu.vector_store %arg9[%swap3A_727, %swap3A_728], %swap3A_731 {add = true, strides = array<i32>} : memref<200x128xf32, #tpu.memory_space<vmem>>, vector<1x16xf32>,
          %add3A_732 = arith.constant 5 : i32
          %add3A_733 = arith.addi %add3A_187, %add3A_732 : i32
          %add3A_734 = arith.constant 5 : i32
          %add3A_735 = arith.addi %add3A_187, %add3A_734 : i32
          %get3A_736 = arith.index_cast %add3A_735 : i32 to index
          %get3A_737 = arith.constant 32 : index
          %get3A_738 = tpu.vector_load %arg7[%get3A_736, %get3A_737] {strides = array<i32>} : memref<200x128xf32, #tpu.memory_space<vmem>>, vector<1x16xf32>,
          %get3A_739 = vector.shape_cast %get3A_738 : vector<1x16xf32> to vector<16xf32>
          %swap3A_740 = arith.index_cast %add3A_733 : i32 to index
          %swap3A_741 = arith.constant 32 : index
          %swap3A_742 = tpu.vector_load %arg9[%swap3A_740, %swap3A_741] {strides = array<i32>} : memref<200x128xf32, #tpu.memory_space<vmem>>, vector<1x16xf32>,
          %swap3A_743 = vector.shape_cast %swap3A_742 : vector<1x16xf32> to vector<16xf32>
          %swap3A_744 = vector.shape_cast %get3A_739 : vector<16xf32> to vector<1x16xf32>
          tpu.vector_store %arg9[%swap3A_740, %swap3A_741], %swap3A_744 {add = true, strides = array<i32>} : memref<200x128xf32, #tpu.memory_space<vmem>>, vector<1x16xf32>,
          %add3A_745 = arith.constant 5 : i32
          %add3A_746 = arith.addi %add3A_187, %add3A_745 : i32
          %add3A_747 = arith.constant 5 : i32
          %add3A_748 = arith.addi %add3A_187, %add3A_747 : i32
          %get3A_749 = arith.index_cast %add3A_748 : i32 to index
          %get3A_750 = arith.constant 48 : index
          %get3A_751 = tpu.vector_load %arg7[%get3A_749, %get3A_750] {strides = array<i32>} : memref<200x128xf32, #tpu.memory_space<vmem>>, vector<1x16xf32>,
          %get3A_752 = vector.shape_cast %get3A_751 : vector<1x16xf32> to vector<16xf32>
          %swap3A_753 = arith.index_cast %add3A_746 : i32 to index
          %swap3A_754 = arith.constant 48 : index
          %swap3A_755 = tpu.vector_load %arg9[%swap3A_753, %swap3A_754] {strides = array<i32>} : memref<200x128xf32, #tpu.memory_space<vmem>>, vector<1x16xf32>,
          %swap3A_756 = vector.shape_cast %swap3A_755 : vector<1x16xf32> to vector<16xf32>
          %swap3A_757 = vector.shape_cast %get3A_752 : vector<16xf32> to vector<1x16xf32>
          tpu.vector_store %arg9[%swap3A_753, %swap3A_754], %swap3A_757 {add = true, strides = array<i32>} : memref<200x128xf32, #tpu.memory_space<vmem>>, vector<1x16xf32>,
          %add3A_758 = arith.constant 5 : i32
          %add3A_759 = arith.addi %add3A_187, %add3A_758 : i32
          %add3A_760 = arith.constant 5 : i32
          %add3A_761 = arith.addi %add3A_187, %add3A_760 : i32
          %get3A_762 = arith.index_cast %add3A_761 : i32 to index
          %get3A_763 = arith.constant 64 : index
          %get3A_764 = tpu.vector_load %arg7[%get3A_762, %get3A_763] {strides = array<i32>} : memref<200x128xf32, #tpu.memory_space<vmem>>, vector<1x16xf32>,
          %get3A_765 = vector.shape_cast %get3A_764 : vector<1x16xf32> to vector<16xf32>
          %swap3A_766 = arith.index_cast %add3A_759 : i32 to index
          %swap3A_767 = arith.constant 64 : index
          %swap3A_768 = tpu.vector_load %arg9[%swap3A_766, %swap3A_767] {strides = array<i32>} : memref<200x128xf32, #tpu.memory_space<vmem>>, vector<1x16xf32>,
          %swap3A_769 = vector.shape_cast %swap3A_768 : vector<1x16xf32> to vector<16xf32>
          %swap3A_770 = vector.shape_cast %get3A_765 : vector<16xf32> to vector<1x16xf32>
          tpu.vector_store %arg9[%swap3A_766, %swap3A_767], %swap3A_770 {add = true, strides = array<i32>} : memref<200x128xf32, #tpu.memory_space<vmem>>, vector<1x16xf32>,
          %add3A_771 = arith.constant 5 : i32
          %add3A_772 = arith.addi %add3A_187, %add3A_771 : i32
          %add3A_773 = arith.constant 5 : i32
          %add3A_774 = arith.addi %add3A_187, %add3A_773 : i32
          %get3A_775 = arith.index_cast %add3A_774 : i32 to index
          %get3A_776 = arith.constant 80 : index
          %get3A_777 = tpu.vector_load %arg7[%get3A_775, %get3A_776] {strides = array<i32>} : memref<200x128xf32, #tpu.memory_space<vmem>>, vector<1x16xf32>,
          %get3A_778 = vector.shape_cast %get3A_777 : vector<1x16xf32> to vector<16xf32>
          %swap3A_779 = arith.index_cast %add3A_772 : i32 to index
          %swap3A_780 = arith.constant 80 : index
          %swap3A_781 = tpu.vector_load %arg9[%swap3A_779, %swap3A_780] {strides = array<i32>} : memref<200x128xf32, #tpu.memory_space<vmem>>, vector<1x16xf32>,
          %swap3A_782 = vector.shape_cast %swap3A_781 : vector<1x16xf32> to vector<16xf32>
          %swap3A_783 = vector.shape_cast %get3A_778 : vector<16xf32> to vector<1x16xf32>
          tpu.vector_store %arg9[%swap3A_779, %swap3A_780], %swap3A_783 {add = true, strides = array<i32>} : memref<200x128xf32, #tpu.memory_space<vmem>>, vector<1x16xf32>,
          %add3A_784 = arith.constant 5 : i32
          %add3A_785 = arith.addi %add3A_187, %add3A_784 : i32
          %add3A_786 = arith.constant 5 : i32
          %add3A_787 = arith.addi %add3A_187, %add3A_786 : i32
          %get3A_788 = arith.index_cast %add3A_787 : i32 to index
          %get3A_789 = arith.constant 96 : index
          %get3A_790 = tpu.vector_load %arg7[%get3A_788, %get3A_789] {strides = array<i32>} : memref<200x128xf32, #tpu.memory_space<vmem>>, vector<1x16xf32>,
          %get3A_791 = vector.shape_cast %get3A_790 : vector<1x16xf32> to vector<16xf32>
          %swap3A_792 = arith.index_cast %add3A_785 : i32 to index
          %swap3A_793 = arith.constant 96 : index
          %swap3A_794 = tpu.vector_load %arg9[%swap3A_792, %swap3A_793] {strides = array<i32>} : memref<200x128xf32, #tpu.memory_space<vmem>>, vector<1x16xf32>,
          %swap3A_795 = vector.shape_cast %swap3A_794 : vector<1x16xf32> to vector<16xf32>
          %swap3A_796 = vector.shape_cast %get3A_791 : vector<16xf32> to vector<1x16xf32>
          tpu.vector_store %arg9[%swap3A_792, %swap3A_793], %swap3A_796 {add = true, strides = array<i32>} : memref<200x128xf32, #tpu.memory_space<vmem>>, vector<1x16xf32>,
          %add3A_797 = arith.constant 5 : i32
          %add3A_798 = arith.addi %add3A_187, %add3A_797 : i32
          %add3A_799 = arith.constant 5 : i32
          %add3A_800 = arith.addi %add3A_187, %add3A_799 : i32
          %get3A_801 = arith.index_cast %add3A_800 : i32 to index
          %get3A_802 = arith.constant 112 : index
          %get3A_803 = tpu.vector_load %arg7[%get3A_801, %get3A_802] {strides = array<i32>} : memref<200x128xf32, #tpu.memory_space<vmem>>, vector<1x16xf32>,
          %get3A_804 = vector.shape_cast %get3A_803 : vector<1x16xf32> to vector<16xf32>
          %swap3A_805 = arith.index_cast %add3A_798 : i32 to index
          %swap3A_806 = arith.constant 112 : index
          %swap3A_807 = tpu.vector_load %arg9[%swap3A_805, %swap3A_806] {strides = array<i32>} : memref<200x128xf32, #tpu.memory_space<vmem>>, vector<1x16xf32>,
          %swap3A_808 = vector.shape_cast %swap3A_807 : vector<1x16xf32> to vector<16xf32>
          %swap3A_809 = vector.shape_cast %get3A_804 : vector<16xf32> to vector<1x16xf32>
          tpu.vector_store %arg9[%swap3A_805, %swap3A_806], %swap3A_809 {add = true, strides = array<i32>} : memref<200x128xf32, #tpu.memory_space<vmem>>, vector<1x16xf32>,
          %add3A_810 = arith.constant 6 : i32
          %add3A_811 = arith.addi %add3A_187, %add3A_810 : i32
          %add3A_812 = arith.constant 6 : i32
          %add3A_813 = arith.addi %add3A_187, %add3A_812 : i32
          %get3A_814 = arith.index_cast %add3A_813 : i32 to index
          %get3A_815 = arith.constant 0 : index
          %get3A_816 = tpu.vector_load %arg7[%get3A_814, %get3A_815] {strides = array<i32>} : memref<200x128xf32, #tpu.memory_space<vmem>>, vector<1x16xf32>,
          %get3A_817 = vector.shape_cast %get3A_816 : vector<1x16xf32> to vector<16xf32>
          %swap3A_818 = arith.index_cast %add3A_811 : i32 to index
          %swap3A_819 = arith.constant 0 : index
          %swap3A_820 = tpu.vector_load %arg9[%swap3A_818, %swap3A_819] {strides = array<i32>} : memref<200x128xf32, #tpu.memory_space<vmem>>, vector<1x16xf32>,
          %swap3A_821 = vector.shape_cast %swap3A_820 : vector<1x16xf32> to vector<16xf32>
          %swap3A_822 = vector.shape_cast %get3A_817 : vector<16xf32> to vector<1x16xf32>
          tpu.vector_store %arg9[%swap3A_818, %swap3A_819], %swap3A_822 {add = true, strides = array<i32>} : memref<200x128xf32, #tpu.memory_space<vmem>>, vector<1x16xf32>,
          %add3A_823 = arith.constant 6 : i32
          %add3A_824 = arith.addi %add3A_187, %add3A_823 : i32
          %add3A_825 = arith.constant 6 : i32
          %add3A_826 = arith.addi %add3A_187, %add3A_825 : i32
          %get3A_827 = arith.index_cast %add3A_826 : i32 to index
          %get3A_828 = arith.constant 16 : index
          %get3A_829 = tpu.vector_load %arg7[%get3A_827, %get3A_828] {strides = array<i32>} : memref<200x128xf32, #tpu.memory_space<vmem>>, vector<1x16xf32>,
          %get3A_830 = vector.shape_cast %get3A_829 : vector<1x16xf32> to vector<16xf32>
          %swap3A_831 = arith.index_cast %add3A_824 : i32 to index
          %swap3A_832 = arith.constant 16 : index
          %swap3A_833 = tpu.vector_load %arg9[%swap3A_831, %swap3A_832] {strides = array<i32>} : memref<200x128xf32, #tpu.memory_space<vmem>>, vector<1x16xf32>,
          %swap3A_834 = vector.shape_cast %swap3A_833 : vector<1x16xf32> to vector<16xf32>
          %swap3A_835 = vector.shape_cast %get3A_830 : vector<16xf32> to vector<1x16xf32>
          tpu.vector_store %arg9[%swap3A_831, %swap3A_832], %swap3A_835 {add = true, strides = array<i32>} : memref<200x128xf32, #tpu.memory_space<vmem>>, vector<1x16xf32>,
          %add3A_836 = arith.constant 6 : i32
          %add3A_837 = arith.addi %add3A_187, %add3A_836 : i32
          %add3A_838 = arith.constant 6 : i32
          %add3A_839 = arith.addi %add3A_187, %add3A_838 : i32
          %get3A_840 = arith.index_cast %add3A_839 : i32 to index
          %get3A_841 = arith.constant 32 : index
          %get3A_842 = tpu.vector_load %arg7[%get3A_840, %get3A_841] {strides = array<i32>} : memref<200x128xf32, #tpu.memory_space<vmem>>, vector<1x16xf32>,
          %get3A_843 = vector.shape_cast %get3A_842 : vector<1x16xf32> to vector<16xf32>
          %swap3A_844 = arith.index_cast %add3A_837 : i32 to index
          %swap3A_845 = arith.constant 32 : index
          %swap3A_846 = tpu.vector_load %arg9[%swap3A_844, %swap3A_845] {strides = array<i32>} : memref<200x128xf32, #tpu.memory_space<vmem>>, vector<1x16xf32>,
          %swap3A_847 = vector.shape_cast %swap3A_846 : vector<1x16xf32> to vector<16xf32>
          %swap3A_848 = vector.shape_cast %get3A_843 : vector<16xf32> to vector<1x16xf32>
          tpu.vector_store %arg9[%swap3A_844, %swap3A_845], %swap3A_848 {add = true, strides = array<i32>} : memref<200x128xf32, #tpu.memory_space<vmem>>, vector<1x16xf32>,
          %add3A_849 = arith.constant 6 : i32
          %add3A_850 = arith.addi %add3A_187, %add3A_849 : i32
          %add3A_851 = arith.constant 6 : i32
          %add3A_852 = arith.addi %add3A_187, %add3A_851 : i32
          %get3A_853 = arith.index_cast %add3A_852 : i32 to index
          %get3A_854 = arith.constant 48 : index
          %get3A_855 = tpu.vector_load %arg7[%get3A_853, %get3A_854] {strides = array<i32>} : memref<200x128xf32, #tpu.memory_space<vmem>>, vector<1x16xf32>,
          %get3A_856 = vector.shape_cast %get3A_855 : vector<1x16xf32> to vector<16xf32>
          %swap3A_857 = arith.index_cast %add3A_850 : i32 to index
          %swap3A_858 = arith.constant 48 : index
          %swap3A_859 = tpu.vector_load %arg9[%swap3A_857, %swap3A_858] {strides = array<i32>} : memref<200x128xf32, #tpu.memory_space<vmem>>, vector<1x16xf32>,
          %swap3A_860 = vector.shape_cast %swap3A_859 : vector<1x16xf32> to vector<16xf32>
          %swap3A_861 = vector.shape_cast %get3A_856 : vector<16xf32> to vector<1x16xf32>
          tpu.vector_store %arg9[%swap3A_857, %swap3A_858], %swap3A_861 {add = true, strides = array<i32>} : memref<200x128xf32, #tpu.memory_space<vmem>>, vector<1x16xf32>,
          %add3A_862 = arith.constant 6 : i32
          %add3A_863 = arith.addi %add3A_187, %add3A_862 : i32
          %add3A_864 = arith.constant 6 : i32
          %add3A_865 = arith.addi %add3A_187, %add3A_864 : i32
          %get3A_866 = arith.index_cast %add3A_865 : i32 to index
          %get3A_867 = arith.constant 64 : index
          %get3A_868 = tpu.vector_load %arg7[%get3A_866, %get3A_867] {strides = array<i32>} : memref<200x128xf32, #tpu.memory_space<vmem>>, vector<1x16xf32>,
          %get3A_869 = vector.shape_cast %get3A_868 : vector<1x16xf32> to vector<16xf32>
          %swap3A_870 = arith.index_cast %add3A_863 : i32 to index
          %swap3A_871 = arith.constant 64 : index
          %swap3A_872 = tpu.vector_load %arg9[%swap3A_870, %swap3A_871] {strides = array<i32>} : memref<200x128xf32, #tpu.memory_space<vmem>>, vector<1x16xf32>,
          %swap3A_873 = vector.shape_cast %swap3A_872 : vector<1x16xf32> to vector<16xf32>
          %swap3A_874 = vector.shape_cast %get3A_869 : vector<16xf32> to vector<1x16xf32>
          tpu.vector_store %arg9[%swap3A_870, %swap3A_871], %swap3A_874 {add = true, strides = array<i32>} : memref<200x128xf32, #tpu.memory_space<vmem>>, vector<1x16xf32>,
          %add3A_875 = arith.constant 6 : i32
          %add3A_876 = arith.addi %add3A_187, %add3A_875 : i32
          %add3A_877 = arith.constant 6 : i32
          %add3A_878 = arith.addi %add3A_187, %add3A_877 : i32
          %get3A_879 = arith.index_cast %add3A_878 : i32 to index
          %get3A_880 = arith.constant 80 : index
          %get3A_881 = tpu.vector_load %arg7[%get3A_879, %get3A_880] {strides = array<i32>} : memref<200x128xf32, #tpu.memory_space<vmem>>, vector<1x16xf32>,
          %get3A_882 = vector.shape_cast %get3A_881 : vector<1x16xf32> to vector<16xf32>
          %swap3A_883 = arith.index_cast %add3A_876 : i32 to index
          %swap3A_884 = arith.constant 80 : index
          %swap3A_885 = tpu.vector_load %arg9[%swap3A_883, %swap3A_884] {strides = array<i32>} : memref<200x128xf32, #tpu.memory_space<vmem>>, vector<1x16xf32>,
          %swap3A_886 = vector.shape_cast %swap3A_885 : vector<1x16xf32> to vector<16xf32>
          %swap3A_887 = vector.shape_cast %get3A_882 : vector<16xf32> to vector<1x16xf32>
          tpu.vector_store %arg9[%swap3A_883, %swap3A_884], %swap3A_887 {add = true, strides = array<i32>} : memref<200x128xf32, #tpu.memory_space<vmem>>, vector<1x16xf32>,
          %add3A_888 = arith.constant 6 : i32
          %add3A_889 = arith.addi %add3A_187, %add3A_888 : i32
          %add3A_890 = arith.constant 6 : i32
          %add3A_891 = arith.addi %add3A_187, %add3A_890 : i32
          %get3A_892 = arith.index_cast %add3A_891 : i32 to index
          %get3A_893 = arith.constant 96 : index
          %get3A_894 = tpu.vector_load %arg7[%get3A_892, %get3A_893] {strides = array<i32>} : memref<200x128xf32, #tpu.memory_space<vmem>>, vector<1x16xf32>,
          %get3A_895 = vector.shape_cast %get3A_894 : vector<1x16xf32> to vector<16xf32>
          %swap3A_896 = arith.index_cast %add3A_889 : i32 to index
          %swap3A_897 = arith.constant 96 : index
          %swap3A_898 = tpu.vector_load %arg9[%swap3A_896, %swap3A_897] {strides = array<i32>} : memref<200x128xf32, #tpu.memory_space<vmem>>, vector<1x16xf32>,
          %swap3A_899 = vector.shape_cast %swap3A_898 : vector<1x16xf32> to vector<16xf32>
          %swap3A_900 = vector.shape_cast %get3A_895 : vector<16xf32> to vector<1x16xf32>
          tpu.vector_store %arg9[%swap3A_896, %swap3A_897], %swap3A_900 {add = true, strides = array<i32>} : memref<200x128xf32, #tpu.memory_space<vmem>>, vector<1x16xf32>,
          %add3A_901 = arith.constant 6 : i32
          %add3A_902 = arith.addi %add3A_187, %add3A_901 : i32
          %add3A_903 = arith.constant 6 : i32
          %add3A_904 = arith.addi %add3A_187, %add3A_903 : i32
          %get3A_905 = arith.index_cast %add3A_904 : i32 to index
          %get3A_906 = arith.constant 112 : index
          %get3A_907 = tpu.vector_load %arg7[%get3A_905, %get3A_906] {strides = array<i32>} : memref<200x128xf32, #tpu.memory_space<vmem>>, vector<1x16xf32>,
          %get3A_908 = vector.shape_cast %get3A_907 : vector<1x16xf32> to vector<16xf32>
          %swap3A_909 = arith.index_cast %add3A_902 : i32 to index
          %swap3A_910 = arith.constant 112 : index
          %swap3A_911 = tpu.vector_load %arg9[%swap3A_909, %swap3A_910] {strides = array<i32>} : memref<200x128xf32, #tpu.memory_space<vmem>>, vector<1x16xf32>,
          %swap3A_912 = vector.shape_cast %swap3A_911 : vector<1x16xf32> to vector<16xf32>
          %swap3A_913 = vector.shape_cast %get3A_908 : vector<16xf32> to vector<1x16xf32>
          tpu.vector_store %arg9[%swap3A_909, %swap3A_910], %swap3A_913 {add = true, strides = array<i32>} : memref<200x128xf32, #tpu.memory_space<vmem>>, vector<1x16xf32>,
          %add3A_914 = arith.constant 7 : i32
          %add3A_915 = arith.addi %add3A_187, %add3A_914 : i32
          %add3A_916 = arith.constant 7 : i32
          %add3A_917 = arith.addi %add3A_187, %add3A_916 : i32
          %get3A_918 = arith.index_cast %add3A_917 : i32 to index
          %get3A_919 = arith.constant 0 : index
          %get3A_920 = tpu.vector_load %arg7[%get3A_918, %get3A_919] {strides = array<i32>} : memref<200x128xf32, #tpu.memory_space<vmem>>, vector<1x16xf32>,
          %get3A_921 = vector.shape_cast %get3A_920 : vector<1x16xf32> to vector<16xf32>
          %swap3A_922 = arith.index_cast %add3A_915 : i32 to index
          %swap3A_923 = arith.constant 0 : index
          %swap3A_924 = tpu.vector_load %arg9[%swap3A_922, %swap3A_923] {strides = array<i32>} : memref<200x128xf32, #tpu.memory_space<vmem>>, vector<1x16xf32>,
          %swap3A_925 = vector.shape_cast %swap3A_924 : vector<1x16xf32> to vector<16xf32>
          %swap3A_926 = vector.shape_cast %get3A_921 : vector<16xf32> to vector<1x16xf32>
          tpu.vector_store %arg9[%swap3A_922, %swap3A_923], %swap3A_926 {add = true, strides = array<i32>} : memref<200x128xf32, #tpu.memory_space<vmem>>, vector<1x16xf32>,
          %add3A_927 = arith.constant 7 : i32
          %add3A_928 = arith.addi %add3A_187, %add3A_927 : i32
          %add3A_929 = arith.constant 7 : i32
          %add3A_930 = arith.addi %add3A_187, %add3A_929 : i32
          %get3A_931 = arith.index_cast %add3A_930 : i32 to index
          %get3A_932 = arith.constant 16 : index
          %get3A_933 = tpu.vector_load %arg7[%get3A_931, %get3A_932] {strides = array<i32>} : memref<200x128xf32, #tpu.memory_space<vmem>>, vector<1x16xf32>,
          %get3A_934 = vector.shape_cast %get3A_933 : vector<1x16xf32> to vector<16xf32>
          %swap3A_935 = arith.index_cast %add3A_928 : i32 to index
          %swap3A_936 = arith.constant 16 : index
          %swap3A_937 = tpu.vector_load %arg9[%swap3A_935, %swap3A_936] {strides = array<i32>} : memref<200x128xf32, #tpu.memory_space<vmem>>, vector<1x16xf32>,
          %swap3A_938 = vector.shape_cast %swap3A_937 : vector<1x16xf32> to vector<16xf32>
          %swap3A_939 = vector.shape_cast %get3A_934 : vector<16xf32> to vector<1x16xf32>
          tpu.vector_store %arg9[%swap3A_935, %swap3A_936], %swap3A_939 {add = true, strides = array<i32>} : memref<200x128xf32, #tpu.memory_space<vmem>>, vector<1x16xf32>,
          %add3A_940 = arith.constant 7 : i32
          %add3A_941 = arith.addi %add3A_187, %add3A_940 : i32
          %add3A_942 = arith.constant 7 : i32
          %add3A_943 = arith.addi %add3A_187, %add3A_942 : i32
          %get3A_944 = arith.index_cast %add3A_943 : i32 to index
          %get3A_945 = arith.constant 32 : index
          %get3A_946 = tpu.vector_load %arg7[%get3A_944, %get3A_945] {strides = array<i32>} : memref<200x128xf32, #tpu.memory_space<vmem>>, vector<1x16xf32>,
          %get3A_947 = vector.shape_cast %get3A_946 : vector<1x16xf32> to vector<16xf32>
          %swap3A_948 = arith.index_cast %add3A_941 : i32 to index
          %swap3A_949 = arith.constant 32 : index
          %swap3A_950 = tpu.vector_load %arg9[%swap3A_948, %swap3A_949] {strides = array<i32>} : memref<200x128xf32, #tpu.memory_space<vmem>>, vector<1x16xf32>,
          %swap3A_951 = vector.shape_cast %swap3A_950 : vector<1x16xf32> to vector<16xf32>
          %swap3A_952 = vector.shape_cast %get3A_947 : vector<16xf32> to vector<1x16xf32>
          tpu.vector_store %arg9[%swap3A_948, %swap3A_949], %swap3A_952 {add = true, strides = array<i32>} : memref<200x128xf32, #tpu.memory_space<vmem>>, vector<1x16xf32>,
          %add3A_953 = arith.constant 7 : i32
          %add3A_954 = arith.addi %add3A_187, %add3A_953 : i32
          %add3A_955 = arith.constant 7 : i32
          %add3A_956 = arith.addi %add3A_187, %add3A_955 : i32
          %get3A_957 = arith.index_cast %add3A_956 : i32 to index
          %get3A_958 = arith.constant 48 : index
          %get3A_959 = tpu.vector_load %arg7[%get3A_957, %get3A_958] {strides = array<i32>} : memref<200x128xf32, #tpu.memory_space<vmem>>, vector<1x16xf32>,
          %get3A_960 = vector.shape_cast %get3A_959 : vector<1x16xf32> to vector<16xf32>
          %swap3A_961 = arith.index_cast %add3A_954 : i32 to index
          %swap3A_962 = arith.constant 48 : index
          %swap3A_963 = tpu.vector_load %arg9[%swap3A_961, %swap3A_962] {strides = array<i32>} : memref<200x128xf32, #tpu.memory_space<vmem>>, vector<1x16xf32>,
          %swap3A_964 = vector.shape_cast %swap3A_963 : vector<1x16xf32> to vector<16xf32>
          %swap3A_965 = vector.shape_cast %get3A_960 : vector<16xf32> to vector<1x16xf32>
          tpu.vector_store %arg9[%swap3A_961, %swap3A_962], %swap3A_965 {add = true, strides = array<i32>} : memref<200x128xf32, #tpu.memory_space<vmem>>, vector<1x16xf32>,
          %add3A_966 = arith.constant 7 : i32
          %add3A_967 = arith.addi %add3A_187, %add3A_966 : i32
          %add3A_968 = arith.constant 7 : i32
          %add3A_969 = arith.addi %add3A_187, %add3A_968 : i32
          %get3A_970 = arith.index_cast %add3A_969 : i32 to index
          %get3A_971 = arith.constant 64 : index
          %get3A_972 = tpu.vector_load %arg7[%get3A_970, %get3A_971] {strides = array<i32>} : memref<200x128xf32, #tpu.memory_space<vmem>>, vector<1x16xf32>,
          %get3A_973 = vector.shape_cast %get3A_972 : vector<1x16xf32> to vector<16xf32>
          %swap3A_974 = arith.index_cast %add3A_967 : i32 to index
          %swap3A_975 = arith.constant 64 : index
          %swap3A_976 = tpu.vector_load %arg9[%swap3A_974, %swap3A_975] {strides = array<i32>} : memref<200x128xf32, #tpu.memory_space<vmem>>, vector<1x16xf32>,
          %swap3A_977 = vector.shape_cast %swap3A_976 : vector<1x16xf32> to vector<16xf32>
          %swap3A_978 = vector.shape_cast %get3A_973 : vector<16xf32> to vector<1x16xf32>
          tpu.vector_store %arg9[%swap3A_974, %swap3A_975], %swap3A_978 {add = true, strides = array<i32>} : memref<200x128xf32, #tpu.memory_space<vmem>>, vector<1x16xf32>,
          %add3A_979 = arith.constant 7 : i32
          %add3A_980 = arith.addi %add3A_187, %add3A_979 : i32
          %add3A_981 = arith.constant 7 : i32
          %add3A_982 = arith.addi %add3A_187, %add3A_981 : i32
          %get3A_983 = arith.index_cast %add3A_982 : i32 to index
          %get3A_984 = arith.constant 80 : index
          %get3A_985 = tpu.vector_load %arg7[%get3A_983, %get3A_984] {strides = array<i32>} : memref<200x128xf32, #tpu.memory_space<vmem>>, vector<1x16xf32>,
          %get3A_986 = vector.shape_cast %get3A_985 : vector<1x16xf32> to vector<16xf32>
          %swap3A_987 = arith.index_cast %add3A_980 : i32 to index
          %swap3A_988 = arith.constant 80 : index
          %swap3A_989 = tpu.vector_load %arg9[%swap3A_987, %swap3A_988] {strides = array<i32>} : memref<200x128xf32, #tpu.memory_space<vmem>>, vector<1x16xf32>,
          %swap3A_990 = vector.shape_cast %swap3A_989 : vector<1x16xf32> to vector<16xf32>
          %swap3A_991 = vector.shape_cast %get3A_986 : vector<16xf32> to vector<1x16xf32>
          tpu.vector_store %arg9[%swap3A_987, %swap3A_988], %swap3A_991 {add = true, strides = array<i32>} : memref<200x128xf32, #tpu.memory_space<vmem>>, vector<1x16xf32>,
          %add3A_992 = arith.constant 7 : i32
          %add3A_993 = arith.addi %add3A_187, %add3A_992 : i32
          %add3A_994 = arith.constant 7 : i32
          %add3A_995 = arith.addi %add3A_187, %add3A_994 : i32
          %get3A_996 = arith.index_cast %add3A_995 : i32 to index
          %get3A_997 = arith.constant 96 : index
          %get3A_998 = tpu.vector_load %arg7[%get3A_996, %get3A_997] {strides = array<i32>} : memref<200x128xf32, #tpu.memory_space<vmem>>, vector<1x16xf32>,
          %get3A_999 = vector.shape_cast %get3A_998 : vector<1x16xf32> to vector<16xf32>
          %swap3A_1000 = arith.index_cast %add3A_993 : i32 to index
          %swap3A_1001 = arith.constant 96 : index
          %swap3A_1002 = tpu.vector_load %arg9[%swap3A_1000, %swap3A_1001] {strides = array<i32>} : memref<200x128xf32, #tpu.memory_space<vmem>>, vector<1x16xf32>,
          %swap3A_1003 = vector.shape_cast %swap3A_1002 : vector<1x16xf32> to vector<16xf32>
          %swap3A_1004 = vector.shape_cast %get3A_999 : vector<16xf32> to vector<1x16xf32>
          tpu.vector_store %arg9[%swap3A_1000, %swap3A_1001], %swap3A_1004 {add = true, strides = array<i32>} : memref<200x128xf32, #tpu.memory_space<vmem>>, vector<1x16xf32>,
          %add3A_1005 = arith.constant 7 : i32
          %add3A_1006 = arith.addi %add3A_187, %add3A_1005 : i32
          %add3A_1007 = arith.constant 7 : i32
          %add3A_1008 = arith.addi %add3A_187, %add3A_1007 : i32
          %get3A_1009 = arith.index_cast %add3A_1008 : i32 to index
          %get3A_1010 = arith.constant 112 : index
          %get3A_1011 = tpu.vector_load %arg7[%get3A_1009, %get3A_1010] {strides = array<i32>} : memref<200x128xf32, #tpu.memory_space<vmem>>, vector<1x16xf32>,
          %get3A_1012 = vector.shape_cast %get3A_1011 : vector<1x16xf32> to vector<16xf32>
          %swap3A_1013 = arith.index_cast %add3A_1006 : i32 to index
          %swap3A_1014 = arith.constant 112 : index
          %swap3A_1015 = tpu.vector_load %arg9[%swap3A_1013, %swap3A_1014] {strides = array<i32>} : memref<200x128xf32, #tpu.memory_space<vmem>>, vector<1x16xf32>,
          %swap3A_1016 = vector.shape_cast %swap3A_1015 : vector<1x16xf32> to vector<16xf32>
          %swap3A_1017 = vector.shape_cast %get3A_1012 : vector<16xf32> to vector<1x16xf32>
          tpu.vector_store %arg9[%swap3A_1013, %swap3A_1014], %swap3A_1017 {add = true, strides = array<i32>} : memref<200x128xf32, #tpu.memory_space<vmem>>, vector<1x16xf32>,
        }
        %scan3A_175 = arith.constant 25 : i32
        %add3A_176 = arith.addi %mul3A_2, %add3A_101 : i32
        %mul3A_177 = arith.constant 200 : i32
        %mul3A_178 = arith.muli %add3A_176, %mul3A_177 : i32
        %dma_start3A_179 = arith.constant 0 : i32
        %dma_start3A_180 = tpu.memref_slice %arg5[%mul3A_178, %dma_start3A_179] : memref<819200x128xf32, #tpu.memory_space<hbm>> -> memref<200x128xf32, #tpu.memory_space<hbm>>
        %dma_start3A_181 = arith.constant 0 : i32
        %dma_start3A_182 = tpu.memref_slice %arg5[%mul3A_178, %dma_start3A_181] : memref<819200x128xf32, #tpu.memory_space<hbm>> -> memref<200x128xf32, #tpu.memory_space<hbm>>
        tpu.enqueue_dma source(%arg9 : memref<200x128xf32, #tpu.memory_space<vmem>>) target(%dma_start3A_182 : memref<200x128xf32, #tpu.memory_space<hbm>>) target_semaphore(%arg15 : memref<!tpu.dma_semaphore, #tpu.memory_space<semaphore_mem>>)
      } else {
      }
      %mul3A_121 = arith.constant 3 : i32
      %mul3A_122 = arith.muli %mul3A_121, %add3A_78 : i32
      %add3A_123 = arith.constant 2 : i32
      %add3A_124 = arith.addi %mul3A_122, %add3A_123 : i32
      %add3A_125 = arith.constant 3 : i32
      %add3A_126 = arith.addi %add3A_124, %add3A_125 : i32
      %sub3A_127 = arith.constant 1 : i32
      %sub3A_128 = arith.subi %add3A_126, %sub3A_127 : i32
      %eq3A_129 = arith.constant 60 : i32
      %eq3A_130 = arith.cmpi eq, %add3A_124, %eq3A_129 : i32
      %convert_element_type3A_131 = arith.extui %eq3A_130 : i1 to i32
      %cond3A_132 = arith.constant 0 : i32
      %cond3A_133 = arith.cmpi ne, %convert_element_type3A_131, %cond3A_132 : i32
      scf.if %cond3A_133 {
        %mul3A_144 = arith.constant 2 : i32
        %mul3A_145 = arith.muli %mul3A_2, %mul3A_144 : i32
        %add3A_146 = arith.constant 136 : i32
        %add3A_147 = arith.addi %mul3A_145, %add3A_146 : i32
        %dma_start3A_148 = arith.constant 0 : i32
        %dma_start3A_149 = arith.constant 0 : i32
        %dma_start3A_150 = tpu.memref_slice %arg6[%dma_start3A_148, %dma_start3A_149] : memref<136x100xi32, #tpu.memory_space<vmem>> -> memref<120x100xi32, #tpu.memory_space<vmem>>
        %dma_start3A_151 = arith.constant 0 : i32
        %dma_start3A_152 = tpu.memref_slice %arg3[%add3A_147, %dma_start3A_151] : memref<8192x100xi32, #tpu.memory_space<hbm>> -> memref<120x100xi32, #tpu.memory_space<hbm>>
        %dma_start3A_153 = arith.constant 0 : i32
        %dma_start3A_154 = arith.constant 0 : i32
        %dma_start3A_155 = tpu.memref_slice %arg6[%dma_start3A_153, %dma_start3A_154] : memref<136x100xi32, #tpu.memory_space<vmem>> -> memref<120x100xi32, #tpu.memory_space<vmem>>
        %dma_start3A_156 = arith.constant 0 : i32
        %dma_start3A_157 = tpu.memref_slice %arg3[%add3A_147, %dma_start3A_156] : memref<8192x100xi32, #tpu.memory_space<hbm>> -> memref<120x100xi32, #tpu.memory_space<hbm>>
        tpu.enqueue_dma source(%dma_start3A_157 : memref<120x100xi32, #tpu.memory_space<hbm>>) target(%dma_start3A_155 : memref<120x100xi32, #tpu.memory_space<vmem>>) target_semaphore(%arg17 : memref<!tpu.dma_semaphore, #tpu.memory_space<semaphore_mem>>)
      } else {
      }
      %lt3A_134 = arith.constant 128 : i32
      %lt3A_135 = arith.cmpi slt, %sub3A_128, %lt3A_134 : i32
      %convert_element_type3A_136 = arith.extui %lt3A_135 : i1 to i32
      %cond3A_137 = arith.constant 0 : i32
      %cond3A_138 = arith.cmpi ne, %convert_element_type3A_136, %cond3A_137 : i32
      scf.if %cond3A_138 {
        %ge3A = arith.constant 1 : i32
        %ge3A_144 = arith.cmpi sge, %add3A_124, %ge3A : i32
        %convert_element_type3A_145 = arith.extui %ge3A_144 : i1 to i32
        %cond3A_146 = arith.constant 0 : i32
        %cond3A_147 = arith.cmpi ne, %convert_element_type3A_145, %cond3A_146 : i32
        scf.if %cond3A_147 {
          %dma_wait3A_181 = arith.constant 0 : i32
          %dma_wait3A_182 = arith.constant 0 : i32
          %dma_wait3A_183 = tpu.memref_slice %arg5[%dma_wait3A_181, %dma_wait3A_182] : memref<819200x128xf32, #tpu.memory_space<hbm>> -> memref<200x128xf32, #tpu.memory_space<hbm>>
          %dma_wait3A_184 = arith.constant 0 : i32
          %dma_wait3A_185 = arith.constant 0 : i32
          %dma_wait3A_186 = tpu.memref_slice %arg5[%dma_wait3A_184, %dma_wait3A_185] : memref<819200x128xf32, #tpu.memory_space<hbm>> -> memref<200x128xf32, #tpu.memory_space<hbm>>
          tpu.wait_dma2 semaphore(%arg15 : memref<!tpu.dma_semaphore, #tpu.memory_space<semaphore_mem>>) src(%arg9 : memref<200x128xf32, #tpu.memory_space<vmem>>) dst(%dma_wait3A_186 : memref<200x128xf32, #tpu.memory_space<hbm>>)
        } else {
        }
        %eq3A_148 = arith.constant 68 : i32
        %eq3A_149 = arith.cmpi eq, %sub3A_128, %eq3A_148 : i32
        %convert_element_type3A_150 = arith.extui %eq3A_149 : i1 to i32
        %cond3A_151 = arith.constant 0 : i32
        %cond3A_152 = arith.cmpi ne, %convert_element_type3A_150, %cond3A_151 : i32
        scf.if %cond3A_152 {
          %mul3A_181 = arith.constant 2 : i32
          %mul3A_182 = arith.muli %mul3A_2, %mul3A_181 : i32
          %add3A_183 = arith.constant 136 : i32
          %add3A_184 = arith.addi %mul3A_182, %add3A_183 : i32
          %dma_wait3A_185 = arith.constant 0 : i32
          %dma_wait3A_186 = arith.constant 0 : i32
          %dma_wait3A_187 = tpu.memref_slice %arg6[%dma_wait3A_185, %dma_wait3A_186] : memref<136x100xi32, #tpu.memory_space<vmem>> -> memref<120x100xi32, #tpu.memory_space<vmem>>
          %dma_wait3A_188 = arith.constant 0 : i32
          %dma_wait3A_189 = tpu.memref_slice %arg3[%add3A_184, %dma_wait3A_188] : memref<8192x100xi32, #tpu.memory_space<hbm>> -> memref<120x100xi32, #tpu.memory_space<hbm>>
          %dma_wait3A_190 = arith.constant 0 : i32
          %dma_wait3A_191 = arith.constant 0 : i32
          %dma_wait3A_192 = tpu.memref_slice %arg6[%dma_wait3A_190, %dma_wait3A_191] : memref<136x100xi32, #tpu.memory_space<vmem>> -> memref<120x100xi32, #tpu.memory_space<vmem>>
          %dma_wait3A_193 = arith.constant 0 : i32
          %dma_wait3A_194 = tpu.memref_slice %arg3[%add3A_184, %dma_wait3A_193] : memref<8192x100xi32, #tpu.memory_space<hbm>> -> memref<120x100xi32, #tpu.memory_space<hbm>>
          tpu.wait_dma2 semaphore(%arg17 : memref<!tpu.dma_semaphore, #tpu.memory_space<semaphore_mem>>) src(%dma_wait3A_194 : memref<120x100xi32, #tpu.memory_space<hbm>>) dst(%dma_wait3A_192 : memref<120x100xi32, #tpu.memory_space<vmem>>)
        } else {
        }
        %mul3A_153 = arith.constant 2 : i32
        %mul3A_154 = arith.muli %mul3A_153, %sub3A_128 : i32
        %ge3A_155 = arith.constant 68 : i32
        %ge3A_156 = arith.cmpi sge, %sub3A_128, %ge3A_155 : i32
        %jit3A_157 = arith.constant 136 : i32
        %jit3A_158 = arith.constant 0 : i32
        %select_n3A_159 = arith.select %ge3A_156, %jit3A_157, %jit3A_158 : i32
        %sub3A_160 = arith.subi %mul3A_154, %select_n3A_159 : i32
        %dma_start3A_161 = arith.constant 0 : i32
        %dma_start3A_162 = arith.constant 0 : i32
        %dma_start3A_163 = tpu.memref_slice %arg9[%dma_start3A_161, %dma_start3A_162] : memref<200x128xf32, #tpu.memory_space<vmem>> -> memref<100x128xf32, #tpu.memory_space<vmem>>
        %dma_start3A_164 = arith.constant 0 : i32
        %dma_start3A_165 = tpu.memref_slice %arg6[%sub3A_160, %dma_start3A_164] : memref<136x100xi32, #tpu.memory_space<vmem>> -> memref<1x100xi32, #tpu.memory_space<vmem>>
        %dma_start3A_166 = tpu.memref_squeeze %dma_start3A_165 : memref<1x100xi32, #tpu.memory_space<vmem>> -> memref<100xi32, #tpu.memory_space<vmem>>
        %dma_start3A_167 = arith.constant 0 : i32
        %dma_start3A_168 = arith.constant 0 : i32
        %dma_start3A_169 = tpu.memref_slice %arg2[%dma_start3A_167, %dma_start3A_168] : memref<100000x128xf32, #tpu.memory_space<hbm>> -> memref<100000x128xf32, #tpu.memory_space<hbm>>
        tpu.enqueue_indirect_dma source(%dma_start3A_169 : memref<100000x128xf32, #tpu.memory_space<hbm>>) target(%dma_start3A_163 : memref<100x128xf32, #tpu.memory_space<vmem>>) offsets(%dma_start3A_166 : memref<100xi32, #tpu.memory_space<vmem>>) semaphore(%arg12 : memref<!tpu.dma_semaphore, #tpu.memory_space<semaphore_mem>>)
        %add3A_170 = arith.constant 1 : i32
        %add3A_171 = arith.addi %sub3A_160, %add3A_170 : i32
        %dma_start3A_172 = arith.constant 100 : i32
        %dma_start3A_173 = arith.constant 0 : i32
        %dma_start3A_174 = tpu.memref_slice %arg9[%dma_start3A_172, %dma_start3A_173] : memref<200x128xf32, #tpu.memory_space<vmem>> -> memref<100x128xf32, #tpu.memory_space<vmem>>
        %dma_start3A_175 = arith.constant 0 : i32
        %dma_start3A_176 = tpu.memref_slice %arg6[%add3A_171, %dma_start3A_175] : memref<136x100xi32, #tpu.memory_space<vmem>> -> memref<1x100xi32, #tpu.memory_space<vmem>>
        %dma_start3A_177 = tpu.memref_squeeze %dma_start3A_176 : memref<1x100xi32, #tpu.memory_space<vmem>> -> memref<100xi32, #tpu.memory_space<vmem>>
        %dma_start3A_178 = arith.constant 0 : i32
        %dma_start3A_179 = arith.constant 0 : i32
        %dma_start3A_180 = tpu.memref_slice %arg2[%dma_start3A_178, %dma_start3A_179] : memref<100000x128xf32, #tpu.memory_space<hbm>> -> memref<100000x128xf32, #tpu.memory_space<hbm>>
        tpu.enqueue_indirect_dma source(%dma_start3A_180 : memref<100000x128xf32, #tpu.memory_space<hbm>>) target(%dma_start3A_174 : memref<100x128xf32, #tpu.memory_space<vmem>>) offsets(%dma_start3A_177 : memref<100xi32, #tpu.memory_space<vmem>>) semaphore(%arg12 : memref<!tpu.dma_semaphore, #tpu.memory_space<semaphore_mem>>)
      } else {
      }
      %lt3A_139 = arith.constant 128 : i32
      %lt3A_140 = arith.cmpi slt, %add3A_124, %lt3A_139 : i32
      %convert_element_type3A_141 = arith.extui %lt3A_140 : i1 to i32
      %cond3A_142 = arith.constant 0 : i32
      %cond3A_143 = arith.cmpi ne, %convert_element_type3A_141, %cond3A_142 : i32
      scf.if %cond3A_143 {
        %mul3A_144 = arith.constant 2 : i32
        %mul3A_145 = arith.muli %mul3A_144, %add3A_124 : i32
        %ge3A = arith.constant 68 : i32
        %ge3A_146 = arith.cmpi sge, %add3A_124, %ge3A : i32
        %jit3A_147 = arith.constant 136 : i32
        %jit3A_148 = arith.constant 0 : i32
        %select_n3A_149 = arith.select %ge3A_146, %jit3A_147, %jit3A_148 : i32
        %sub3A_150 = arith.subi %mul3A_145, %select_n3A_149 : i32
        %dma_wait3A_151 = arith.constant 0 : i32
        %dma_wait3A_152 = arith.constant 0 : i32
        %dma_wait3A_153 = tpu.memref_slice %arg10[%dma_wait3A_151, %dma_wait3A_152] : memref<200x128xf32, #tpu.memory_space<vmem>> -> memref<100x128xf32, #tpu.memory_space<vmem>>
        %dma_wait3A_154 = arith.constant 0 : i32
        %dma_wait3A_155 = tpu.memref_slice %arg6[%sub3A_150, %dma_wait3A_154] : memref<136x100xi32, #tpu.memory_space<vmem>> -> memref<1x100xi32, #tpu.memory_space<vmem>>
        %dma_wait3A_156 = tpu.memref_squeeze %dma_wait3A_155 : memref<1x100xi32, #tpu.memory_space<vmem>> -> memref<100xi32, #tpu.memory_space<vmem>>
        %dma_wait3A_157 = arith.constant 0 : i32
        %dma_wait3A_158 = arith.constant 0 : i32
        %dma_wait3A_159 = tpu.memref_slice %arg2[%dma_wait3A_157, %dma_wait3A_158] : memref<100000x128xf32, #tpu.memory_space<hbm>> -> memref<100000x128xf32, #tpu.memory_space<hbm>>
        tpu.wait_indirect_dma semaphore(%arg13 : memref<!tpu.dma_semaphore, #tpu.memory_space<semaphore_mem>>) src(%dma_wait3A_159 : memref<100000x128xf32, #tpu.memory_space<hbm>>) dst(%dma_wait3A_153 : memref<100x128xf32, #tpu.memory_space<vmem>>)
        %add3A_160 = arith.constant 1 : i32
        %add3A_161 = arith.addi %sub3A_150, %add3A_160 : i32
        %dma_wait3A_162 = arith.constant 100 : i32
        %dma_wait3A_163 = arith.constant 0 : i32
        %dma_wait3A_164 = tpu.memref_slice %arg10[%dma_wait3A_162, %dma_wait3A_163] : memref<200x128xf32, #tpu.memory_space<vmem>> -> memref<100x128xf32, #tpu.memory_space<vmem>>
        %dma_wait3A_165 = arith.constant 0 : i32
        %dma_wait3A_166 = tpu.memref_slice %arg6[%add3A_161, %dma_wait3A_165] : memref<136x100xi32, #tpu.memory_space<vmem>> -> memref<1x100xi32, #tpu.memory_space<vmem>>
        %dma_wait3A_167 = tpu.memref_squeeze %dma_wait3A_166 : memref<1x100xi32, #tpu.memory_space<vmem>> -> memref<100xi32, #tpu.memory_space<vmem>>
        %dma_wait3A_168 = arith.constant 0 : i32
        %dma_wait3A_169 = arith.constant 0 : i32
        %dma_wait3A_170 = tpu.memref_slice %arg2[%dma_wait3A_168, %dma_wait3A_169] : memref<100000x128xf32, #tpu.memory_space<hbm>> -> memref<100000x128xf32, #tpu.memory_space<hbm>>
        tpu.wait_indirect_dma semaphore(%arg13 : memref<!tpu.dma_semaphore, #tpu.memory_space<semaphore_mem>>) src(%dma_wait3A_170 : memref<100000x128xf32, #tpu.memory_space<hbm>>) dst(%dma_wait3A_164 : memref<100x128xf32, #tpu.memory_space<vmem>>)
        %scan3A_171 = arith.constant 0 : i32
        %scan3A_172 = arith.constant 25 : i32
        %scan3A_173 = arith.addi %scan3A_171, %scan3A_172 : i32
        %scan3A_174 = arith.constant 1 : i32
        scf.for %scan3A_183 = %scan3A_171 to %scan3A_173 step %scan3A_174  : i32 {
          %mul3A_184 = arith.constant 8 : i32
          %mul3A_185 = arith.muli %scan3A_183, %mul3A_184 : i32
          %add3A_186 = arith.constant 0 : i32
          %add3A_187 = arith.addi %add3A_186, %mul3A_185 : i32
          %add3A_188 = arith.constant 0 : i32
          %add3A_189 = arith.addi %add3A_187, %add3A_188 : i32
          %add3A_190 = arith.constant 0 : i32
          %add3A_191 = arith.addi %add3A_187, %add3A_190 : i32
          %get3A = arith.index_cast %add3A_191 : i32 to index
          %get3A_192 = arith.constant 0 : index
          %get3A_193 = tpu.vector_load %arg7[%get3A, %get3A_192] {strides = array<i32>} : memref<200x128xf32, #tpu.memory_space<vmem>>, vector<1x16xf32>,
          %get3A_194 = vector.shape_cast %get3A_193 : vector<1x16xf32> to vector<16xf32>
          %swap3A = arith.index_cast %add3A_189 : i32 to index
          %swap3A_195 = arith.constant 0 : index
          %swap3A_196 = tpu.vector_load %arg10[%swap3A, %swap3A_195] {strides = array<i32>} : memref<200x128xf32, #tpu.memory_space<vmem>>, vector<1x16xf32>,
          %swap3A_197 = vector.shape_cast %swap3A_196 : vector<1x16xf32> to vector<16xf32>
          %swap3A_198 = vector.shape_cast %get3A_194 : vector<16xf32> to vector<1x16xf32>
          tpu.vector_store %arg10[%swap3A, %swap3A_195], %swap3A_198 {add = true, strides = array<i32>} : memref<200x128xf32, #tpu.memory_space<vmem>>, vector<1x16xf32>,
          %add3A_199 = arith.constant 0 : i32
          %add3A_200 = arith.addi %add3A_187, %add3A_199 : i32
          %add3A_201 = arith.constant 0 : i32
          %add3A_202 = arith.addi %add3A_187, %add3A_201 : i32
          %get3A_203 = arith.index_cast %add3A_202 : i32 to index
          %get3A_204 = arith.constant 16 : index
          %get3A_205 = tpu.vector_load %arg7[%get3A_203, %get3A_204] {strides = array<i32>} : memref<200x128xf32, #tpu.memory_space<vmem>>, vector<1x16xf32>,
          %get3A_206 = vector.shape_cast %get3A_205 : vector<1x16xf32> to vector<16xf32>
          %swap3A_207 = arith.index_cast %add3A_200 : i32 to index
          %swap3A_208 = arith.constant 16 : index
          %swap3A_209 = tpu.vector_load %arg10[%swap3A_207, %swap3A_208] {strides = array<i32>} : memref<200x128xf32, #tpu.memory_space<vmem>>, vector<1x16xf32>,
          %swap3A_210 = vector.shape_cast %swap3A_209 : vector<1x16xf32> to vector<16xf32>
          %swap3A_211 = vector.shape_cast %get3A_206 : vector<16xf32> to vector<1x16xf32>
          tpu.vector_store %arg10[%swap3A_207, %swap3A_208], %swap3A_211 {add = true, strides = array<i32>} : memref<200x128xf32, #tpu.memory_space<vmem>>, vector<1x16xf32>,
          %add3A_212 = arith.constant 0 : i32
          %add3A_213 = arith.addi %add3A_187, %add3A_212 : i32
          %add3A_214 = arith.constant 0 : i32
          %add3A_215 = arith.addi %add3A_187, %add3A_214 : i32
          %get3A_216 = arith.index_cast %add3A_215 : i32 to index
          %get3A_217 = arith.constant 32 : index
          %get3A_218 = tpu.vector_load %arg7[%get3A_216, %get3A_217] {strides = array<i32>} : memref<200x128xf32, #tpu.memory_space<vmem>>, vector<1x16xf32>,
          %get3A_219 = vector.shape_cast %get3A_218 : vector<1x16xf32> to vector<16xf32>
          %swap3A_220 = arith.index_cast %add3A_213 : i32 to index
          %swap3A_221 = arith.constant 32 : index
          %swap3A_222 = tpu.vector_load %arg10[%swap3A_220, %swap3A_221] {strides = array<i32>} : memref<200x128xf32, #tpu.memory_space<vmem>>, vector<1x16xf32>,
          %swap3A_223 = vector.shape_cast %swap3A_222 : vector<1x16xf32> to vector<16xf32>
          %swap3A_224 = vector.shape_cast %get3A_219 : vector<16xf32> to vector<1x16xf32>
          tpu.vector_store %arg10[%swap3A_220, %swap3A_221], %swap3A_224 {add = true, strides = array<i32>} : memref<200x128xf32, #tpu.memory_space<vmem>>, vector<1x16xf32>,
          %add3A_225 = arith.constant 0 : i32
          %add3A_226 = arith.addi %add3A_187, %add3A_225 : i32
          %add3A_227 = arith.constant 0 : i32
          %add3A_228 = arith.addi %add3A_187, %add3A_227 : i32
          %get3A_229 = arith.index_cast %add3A_228 : i32 to index
          %get3A_230 = arith.constant 48 : index
          %get3A_231 = tpu.vector_load %arg7[%get3A_229, %get3A_230] {strides = array<i32>} : memref<200x128xf32, #tpu.memory_space<vmem>>, vector<1x16xf32>,
          %get3A_232 = vector.shape_cast %get3A_231 : vector<1x16xf32> to vector<16xf32>
          %swap3A_233 = arith.index_cast %add3A_226 : i32 to index
          %swap3A_234 = arith.constant 48 : index
          %swap3A_235 = tpu.vector_load %arg10[%swap3A_233, %swap3A_234] {strides = array<i32>} : memref<200x128xf32, #tpu.memory_space<vmem>>, vector<1x16xf32>,
          %swap3A_236 = vector.shape_cast %swap3A_235 : vector<1x16xf32> to vector<16xf32>
          %swap3A_237 = vector.shape_cast %get3A_232 : vector<16xf32> to vector<1x16xf32>
          tpu.vector_store %arg10[%swap3A_233, %swap3A_234], %swap3A_237 {add = true, strides = array<i32>} : memref<200x128xf32, #tpu.memory_space<vmem>>, vector<1x16xf32>,
          %add3A_238 = arith.constant 0 : i32
          %add3A_239 = arith.addi %add3A_187, %add3A_238 : i32
          %add3A_240 = arith.constant 0 : i32
          %add3A_241 = arith.addi %add3A_187, %add3A_240 : i32
          %get3A_242 = arith.index_cast %add3A_241 : i32 to index
          %get3A_243 = arith.constant 64 : index
          %get3A_244 = tpu.vector_load %arg7[%get3A_242, %get3A_243] {strides = array<i32>} : memref<200x128xf32, #tpu.memory_space<vmem>>, vector<1x16xf32>,
          %get3A_245 = vector.shape_cast %get3A_244 : vector<1x16xf32> to vector<16xf32>
          %swap3A_246 = arith.index_cast %add3A_239 : i32 to index
          %swap3A_247 = arith.constant 64 : index
          %swap3A_248 = tpu.vector_load %arg10[%swap3A_246, %swap3A_247] {strides = array<i32>} : memref<200x128xf32, #tpu.memory_space<vmem>>, vector<1x16xf32>,
          %swap3A_249 = vector.shape_cast %swap3A_248 : vector<1x16xf32> to vector<16xf32>
          %swap3A_250 = vector.shape_cast %get3A_245 : vector<16xf32> to vector<1x16xf32>
          tpu.vector_store %arg10[%swap3A_246, %swap3A_247], %swap3A_250 {add = true, strides = array<i32>} : memref<200x128xf32, #tpu.memory_space<vmem>>, vector<1x16xf32>,
          %add3A_251 = arith.constant 0 : i32
          %add3A_252 = arith.addi %add3A_187, %add3A_251 : i32
          %add3A_253 = arith.constant 0 : i32
          %add3A_254 = arith.addi %add3A_187, %add3A_253 : i32
          %get3A_255 = arith.index_cast %add3A_254 : i32 to index
          %get3A_256 = arith.constant 80 : index
          %get3A_257 = tpu.vector_load %arg7[%get3A_255, %get3A_256] {strides = array<i32>} : memref<200x128xf32, #tpu.memory_space<vmem>>, vector<1x16xf32>,
          %get3A_258 = vector.shape_cast %get3A_257 : vector<1x16xf32> to vector<16xf32>
          %swap3A_259 = arith.index_cast %add3A_252 : i32 to index
          %swap3A_260 = arith.constant 80 : index
          %swap3A_261 = tpu.vector_load %arg10[%swap3A_259, %swap3A_260] {strides = array<i32>} : memref<200x128xf32, #tpu.memory_space<vmem>>, vector<1x16xf32>,
          %swap3A_262 = vector.shape_cast %swap3A_261 : vector<1x16xf32> to vector<16xf32>
          %swap3A_263 = vector.shape_cast %get3A_258 : vector<16xf32> to vector<1x16xf32>
          tpu.vector_store %arg10[%swap3A_259, %swap3A_260], %swap3A_263 {add = true, strides = array<i32>} : memref<200x128xf32, #tpu.memory_space<vmem>>, vector<1x16xf32>,
          %add3A_264 = arith.constant 0 : i32
          %add3A_265 = arith.addi %add3A_187, %add3A_264 : i32
          %add3A_266 = arith.constant 0 : i32
          %add3A_267 = arith.addi %add3A_187, %add3A_266 : i32
          %get3A_268 = arith.index_cast %add3A_267 : i32 to index
          %get3A_269 = arith.constant 96 : index
          %get3A_270 = tpu.vector_load %arg7[%get3A_268, %get3A_269] {strides = array<i32>} : memref<200x128xf32, #tpu.memory_space<vmem>>, vector<1x16xf32>,
          %get3A_271 = vector.shape_cast %get3A_270 : vector<1x16xf32> to vector<16xf32>
          %swap3A_272 = arith.index_cast %add3A_265 : i32 to index
          %swap3A_273 = arith.constant 96 : index
          %swap3A_274 = tpu.vector_load %arg10[%swap3A_272, %swap3A_273] {strides = array<i32>} : memref<200x128xf32, #tpu.memory_space<vmem>>, vector<1x16xf32>,
          %swap3A_275 = vector.shape_cast %swap3A_274 : vector<1x16xf32> to vector<16xf32>
          %swap3A_276 = vector.shape_cast %get3A_271 : vector<16xf32> to vector<1x16xf32>
          tpu.vector_store %arg10[%swap3A_272, %swap3A_273], %swap3A_276 {add = true, strides = array<i32>} : memref<200x128xf32, #tpu.memory_space<vmem>>, vector<1x16xf32>,
          %add3A_277 = arith.constant 0 : i32
          %add3A_278 = arith.addi %add3A_187, %add3A_277 : i32
          %add3A_279 = arith.constant 0 : i32
          %add3A_280 = arith.addi %add3A_187, %add3A_279 : i32
          %get3A_281 = arith.index_cast %add3A_280 : i32 to index
          %get3A_282 = arith.constant 112 : index
          %get3A_283 = tpu.vector_load %arg7[%get3A_281, %get3A_282] {strides = array<i32>} : memref<200x128xf32, #tpu.memory_space<vmem>>, vector<1x16xf32>,
          %get3A_284 = vector.shape_cast %get3A_283 : vector<1x16xf32> to vector<16xf32>
          %swap3A_285 = arith.index_cast %add3A_278 : i32 to index
          %swap3A_286 = arith.constant 112 : index
          %swap3A_287 = tpu.vector_load %arg10[%swap3A_285, %swap3A_286] {strides = array<i32>} : memref<200x128xf32, #tpu.memory_space<vmem>>, vector<1x16xf32>,
          %swap3A_288 = vector.shape_cast %swap3A_287 : vector<1x16xf32> to vector<16xf32>
          %swap3A_289 = vector.shape_cast %get3A_284 : vector<16xf32> to vector<1x16xf32>
          tpu.vector_store %arg10[%swap3A_285, %swap3A_286], %swap3A_289 {add = true, strides = array<i32>} : memref<200x128xf32, #tpu.memory_space<vmem>>, vector<1x16xf32>,
          %add3A_290 = arith.constant 1 : i32
          %add3A_291 = arith.addi %add3A_187, %add3A_290 : i32
          %add3A_292 = arith.constant 1 : i32
          %add3A_293 = arith.addi %add3A_187, %add3A_292 : i32
          %get3A_294 = arith.index_cast %add3A_293 : i32 to index
          %get3A_295 = arith.constant 0 : index
          %get3A_296 = tpu.vector_load %arg7[%get3A_294, %get3A_295] {strides = array<i32>} : memref<200x128xf32, #tpu.memory_space<vmem>>, vector<1x16xf32>,
          %get3A_297 = vector.shape_cast %get3A_296 : vector<1x16xf32> to vector<16xf32>
          %swap3A_298 = arith.index_cast %add3A_291 : i32 to index
          %swap3A_299 = arith.constant 0 : index
          %swap3A_300 = tpu.vector_load %arg10[%swap3A_298, %swap3A_299] {strides = array<i32>} : memref<200x128xf32, #tpu.memory_space<vmem>>, vector<1x16xf32>,
          %swap3A_301 = vector.shape_cast %swap3A_300 : vector<1x16xf32> to vector<16xf32>
          %swap3A_302 = vector.shape_cast %get3A_297 : vector<16xf32> to vector<1x16xf32>
          tpu.vector_store %arg10[%swap3A_298, %swap3A_299], %swap3A_302 {add = true, strides = array<i32>} : memref<200x128xf32, #tpu.memory_space<vmem>>, vector<1x16xf32>,
          %add3A_303 = arith.constant 1 : i32
          %add3A_304 = arith.addi %add3A_187, %add3A_303 : i32
          %add3A_305 = arith.constant 1 : i32
          %add3A_306 = arith.addi %add3A_187, %add3A_305 : i32
          %get3A_307 = arith.index_cast %add3A_306 : i32 to index
          %get3A_308 = arith.constant 16 : index
          %get3A_309 = tpu.vector_load %arg7[%get3A_307, %get3A_308] {strides = array<i32>} : memref<200x128xf32, #tpu.memory_space<vmem>>, vector<1x16xf32>,
          %get3A_310 = vector.shape_cast %get3A_309 : vector<1x16xf32> to vector<16xf32>
          %swap3A_311 = arith.index_cast %add3A_304 : i32 to index
          %swap3A_312 = arith.constant 16 : index
          %swap3A_313 = tpu.vector_load %arg10[%swap3A_311, %swap3A_312] {strides = array<i32>} : memref<200x128xf32, #tpu.memory_space<vmem>>, vector<1x16xf32>,
          %swap3A_314 = vector.shape_cast %swap3A_313 : vector<1x16xf32> to vector<16xf32>
          %swap3A_315 = vector.shape_cast %get3A_310 : vector<16xf32> to vector<1x16xf32>
          tpu.vector_store %arg10[%swap3A_311, %swap3A_312], %swap3A_315 {add = true, strides = array<i32>} : memref<200x128xf32, #tpu.memory_space<vmem>>, vector<1x16xf32>,
          %add3A_316 = arith.constant 1 : i32
          %add3A_317 = arith.addi %add3A_187, %add3A_316 : i32
          %add3A_318 = arith.constant 1 : i32
          %add3A_319 = arith.addi %add3A_187, %add3A_318 : i32
          %get3A_320 = arith.index_cast %add3A_319 : i32 to index
          %get3A_321 = arith.constant 32 : index
          %get3A_322 = tpu.vector_load %arg7[%get3A_320, %get3A_321] {strides = array<i32>} : memref<200x128xf32, #tpu.memory_space<vmem>>, vector<1x16xf32>,
          %get3A_323 = vector.shape_cast %get3A_322 : vector<1x16xf32> to vector<16xf32>
          %swap3A_324 = arith.index_cast %add3A_317 : i32 to index
          %swap3A_325 = arith.constant 32 : index
          %swap3A_326 = tpu.vector_load %arg10[%swap3A_324, %swap3A_325] {strides = array<i32>} : memref<200x128xf32, #tpu.memory_space<vmem>>, vector<1x16xf32>,
          %swap3A_327 = vector.shape_cast %swap3A_326 : vector<1x16xf32> to vector<16xf32>
          %swap3A_328 = vector.shape_cast %get3A_323 : vector<16xf32> to vector<1x16xf32>
          tpu.vector_store %arg10[%swap3A_324, %swap3A_325], %swap3A_328 {add = true, strides = array<i32>} : memref<200x128xf32, #tpu.memory_space<vmem>>, vector<1x16xf32>,
          %add3A_329 = arith.constant 1 : i32
          %add3A_330 = arith.addi %add3A_187, %add3A_329 : i32
          %add3A_331 = arith.constant 1 : i32
          %add3A_332 = arith.addi %add3A_187, %add3A_331 : i32
          %get3A_333 = arith.index_cast %add3A_332 : i32 to index
          %get3A_334 = arith.constant 48 : index
          %get3A_335 = tpu.vector_load %arg7[%get3A_333, %get3A_334] {strides = array<i32>} : memref<200x128xf32, #tpu.memory_space<vmem>>, vector<1x16xf32>,
          %get3A_336 = vector.shape_cast %get3A_335 : vector<1x16xf32> to vector<16xf32>
          %swap3A_337 = arith.index_cast %add3A_330 : i32 to index
          %swap3A_338 = arith.constant 48 : index
          %swap3A_339 = tpu.vector_load %arg10[%swap3A_337, %swap3A_338] {strides = array<i32>} : memref<200x128xf32, #tpu.memory_space<vmem>>, vector<1x16xf32>,
          %swap3A_340 = vector.shape_cast %swap3A_339 : vector<1x16xf32> to vector<16xf32>
          %swap3A_341 = vector.shape_cast %get3A_336 : vector<16xf32> to vector<1x16xf32>
          tpu.vector_store %arg10[%swap3A_337, %swap3A_338], %swap3A_341 {add = true, strides = array<i32>} : memref<200x128xf32, #tpu.memory_space<vmem>>, vector<1x16xf32>,
          %add3A_342 = arith.constant 1 : i32
          %add3A_343 = arith.addi %add3A_187, %add3A_342 : i32
          %add3A_344 = arith.constant 1 : i32
          %add3A_345 = arith.addi %add3A_187, %add3A_344 : i32
          %get3A_346 = arith.index_cast %add3A_345 : i32 to index
          %get3A_347 = arith.constant 64 : index
          %get3A_348 = tpu.vector_load %arg7[%get3A_346, %get3A_347] {strides = array<i32>} : memref<200x128xf32, #tpu.memory_space<vmem>>, vector<1x16xf32>,
          %get3A_349 = vector.shape_cast %get3A_348 : vector<1x16xf32> to vector<16xf32>
          %swap3A_350 = arith.index_cast %add3A_343 : i32 to index
          %swap3A_351 = arith.constant 64 : index
          %swap3A_352 = tpu.vector_load %arg10[%swap3A_350, %swap3A_351] {strides = array<i32>} : memref<200x128xf32, #tpu.memory_space<vmem>>, vector<1x16xf32>,
          %swap3A_353 = vector.shape_cast %swap3A_352 : vector<1x16xf32> to vector<16xf32>
          %swap3A_354 = vector.shape_cast %get3A_349 : vector<16xf32> to vector<1x16xf32>
          tpu.vector_store %arg10[%swap3A_350, %swap3A_351], %swap3A_354 {add = true, strides = array<i32>} : memref<200x128xf32, #tpu.memory_space<vmem>>, vector<1x16xf32>,
          %add3A_355 = arith.constant 1 : i32
          %add3A_356 = arith.addi %add3A_187, %add3A_355 : i32
          %add3A_357 = arith.constant 1 : i32
          %add3A_358 = arith.addi %add3A_187, %add3A_357 : i32
          %get3A_359 = arith.index_cast %add3A_358 : i32 to index
          %get3A_360 = arith.constant 80 : index
          %get3A_361 = tpu.vector_load %arg7[%get3A_359, %get3A_360] {strides = array<i32>} : memref<200x128xf32, #tpu.memory_space<vmem>>, vector<1x16xf32>,
          %get3A_362 = vector.shape_cast %get3A_361 : vector<1x16xf32> to vector<16xf32>
          %swap3A_363 = arith.index_cast %add3A_356 : i32 to index
          %swap3A_364 = arith.constant 80 : index
          %swap3A_365 = tpu.vector_load %arg10[%swap3A_363, %swap3A_364] {strides = array<i32>} : memref<200x128xf32, #tpu.memory_space<vmem>>, vector<1x16xf32>,
          %swap3A_366 = vector.shape_cast %swap3A_365 : vector<1x16xf32> to vector<16xf32>
          %swap3A_367 = vector.shape_cast %get3A_362 : vector<16xf32> to vector<1x16xf32>
          tpu.vector_store %arg10[%swap3A_363, %swap3A_364], %swap3A_367 {add = true, strides = array<i32>} : memref<200x128xf32, #tpu.memory_space<vmem>>, vector<1x16xf32>,
          %add3A_368 = arith.constant 1 : i32
          %add3A_369 = arith.addi %add3A_187, %add3A_368 : i32
          %add3A_370 = arith.constant 1 : i32
          %add3A_371 = arith.addi %add3A_187, %add3A_370 : i32
          %get3A_372 = arith.index_cast %add3A_371 : i32 to index
          %get3A_373 = arith.constant 96 : index
          %get3A_374 = tpu.vector_load %arg7[%get3A_372, %get3A_373] {strides = array<i32>} : memref<200x128xf32, #tpu.memory_space<vmem>>, vector<1x16xf32>,
          %get3A_375 = vector.shape_cast %get3A_374 : vector<1x16xf32> to vector<16xf32>
          %swap3A_376 = arith.index_cast %add3A_369 : i32 to index
          %swap3A_377 = arith.constant 96 : index
          %swap3A_378 = tpu.vector_load %arg10[%swap3A_376, %swap3A_377] {strides = array<i32>} : memref<200x128xf32, #tpu.memory_space<vmem>>, vector<1x16xf32>,
          %swap3A_379 = vector.shape_cast %swap3A_378 : vector<1x16xf32> to vector<16xf32>
          %swap3A_380 = vector.shape_cast %get3A_375 : vector<16xf32> to vector<1x16xf32>
          tpu.vector_store %arg10[%swap3A_376, %swap3A_377], %swap3A_380 {add = true, strides = array<i32>} : memref<200x128xf32, #tpu.memory_space<vmem>>, vector<1x16xf32>,
          %add3A_381 = arith.constant 1 : i32
          %add3A_382 = arith.addi %add3A_187, %add3A_381 : i32
          %add3A_383 = arith.constant 1 : i32
          %add3A_384 = arith.addi %add3A_187, %add3A_383 : i32
          %get3A_385 = arith.index_cast %add3A_384 : i32 to index
          %get3A_386 = arith.constant 112 : index
          %get3A_387 = tpu.vector_load %arg7[%get3A_385, %get3A_386] {strides = array<i32>} : memref<200x128xf32, #tpu.memory_space<vmem>>, vector<1x16xf32>,
          %get3A_388 = vector.shape_cast %get3A_387 : vector<1x16xf32> to vector<16xf32>
          %swap3A_389 = arith.index_cast %add3A_382 : i32 to index
          %swap3A_390 = arith.constant 112 : index
          %swap3A_391 = tpu.vector_load %arg10[%swap3A_389, %swap3A_390] {strides = array<i32>} : memref<200x128xf32, #tpu.memory_space<vmem>>, vector<1x16xf32>,
          %swap3A_392 = vector.shape_cast %swap3A_391 : vector<1x16xf32> to vector<16xf32>
          %swap3A_393 = vector.shape_cast %get3A_388 : vector<16xf32> to vector<1x16xf32>
          tpu.vector_store %arg10[%swap3A_389, %swap3A_390], %swap3A_393 {add = true, strides = array<i32>} : memref<200x128xf32, #tpu.memory_space<vmem>>, vector<1x16xf32>,
          %add3A_394 = arith.constant 2 : i32
          %add3A_395 = arith.addi %add3A_187, %add3A_394 : i32
          %add3A_396 = arith.constant 2 : i32
          %add3A_397 = arith.addi %add3A_187, %add3A_396 : i32
          %get3A_398 = arith.index_cast %add3A_397 : i32 to index
          %get3A_399 = arith.constant 0 : index
          %get3A_400 = tpu.vector_load %arg7[%get3A_398, %get3A_399] {strides = array<i32>} : memref<200x128xf32, #tpu.memory_space<vmem>>, vector<1x16xf32>,
          %get3A_401 = vector.shape_cast %get3A_400 : vector<1x16xf32> to vector<16xf32>
          %swap3A_402 = arith.index_cast %add3A_395 : i32 to index
          %swap3A_403 = arith.constant 0 : index
          %swap3A_404 = tpu.vector_load %arg10[%swap3A_402, %swap3A_403] {strides = array<i32>} : memref<200x128xf32, #tpu.memory_space<vmem>>, vector<1x16xf32>,
          %swap3A_405 = vector.shape_cast %swap3A_404 : vector<1x16xf32> to vector<16xf32>
          %swap3A_406 = vector.shape_cast %get3A_401 : vector<16xf32> to vector<1x16xf32>
          tpu.vector_store %arg10[%swap3A_402, %swap3A_403], %swap3A_406 {add = true, strides = array<i32>} : memref<200x128xf32, #tpu.memory_space<vmem>>, vector<1x16xf32>,
          %add3A_407 = arith.constant 2 : i32
          %add3A_408 = arith.addi %add3A_187, %add3A_407 : i32
          %add3A_409 = arith.constant 2 : i32
          %add3A_410 = arith.addi %add3A_187, %add3A_409 : i32
          %get3A_411 = arith.index_cast %add3A_410 : i32 to index
          %get3A_412 = arith.constant 16 : index
          %get3A_413 = tpu.vector_load %arg7[%get3A_411, %get3A_412] {strides = array<i32>} : memref<200x128xf32, #tpu.memory_space<vmem>>, vector<1x16xf32>,
          %get3A_414 = vector.shape_cast %get3A_413 : vector<1x16xf32> to vector<16xf32>
          %swap3A_415 = arith.index_cast %add3A_408 : i32 to index
          %swap3A_416 = arith.constant 16 : index
          %swap3A_417 = tpu.vector_load %arg10[%swap3A_415, %swap3A_416] {strides = array<i32>} : memref<200x128xf32, #tpu.memory_space<vmem>>, vector<1x16xf32>,
          %swap3A_418 = vector.shape_cast %swap3A_417 : vector<1x16xf32> to vector<16xf32>
          %swap3A_419 = vector.shape_cast %get3A_414 : vector<16xf32> to vector<1x16xf32>
          tpu.vector_store %arg10[%swap3A_415, %swap3A_416], %swap3A_419 {add = true, strides = array<i32>} : memref<200x128xf32, #tpu.memory_space<vmem>>, vector<1x16xf32>,
          %add3A_420 = arith.constant 2 : i32
          %add3A_421 = arith.addi %add3A_187, %add3A_420 : i32
          %add3A_422 = arith.constant 2 : i32
          %add3A_423 = arith.addi %add3A_187, %add3A_422 : i32
          %get3A_424 = arith.index_cast %add3A_423 : i32 to index
          %get3A_425 = arith.constant 32 : index
          %get3A_426 = tpu.vector_load %arg7[%get3A_424, %get3A_425] {strides = array<i32>} : memref<200x128xf32, #tpu.memory_space<vmem>>, vector<1x16xf32>,
          %get3A_427 = vector.shape_cast %get3A_426 : vector<1x16xf32> to vector<16xf32>
          %swap3A_428 = arith.index_cast %add3A_421 : i32 to index
          %swap3A_429 = arith.constant 32 : index
          %swap3A_430 = tpu.vector_load %arg10[%swap3A_428, %swap3A_429] {strides = array<i32>} : memref<200x128xf32, #tpu.memory_space<vmem>>, vector<1x16xf32>,
          %swap3A_431 = vector.shape_cast %swap3A_430 : vector<1x16xf32> to vector<16xf32>
          %swap3A_432 = vector.shape_cast %get3A_427 : vector<16xf32> to vector<1x16xf32>
          tpu.vector_store %arg10[%swap3A_428, %swap3A_429], %swap3A_432 {add = true, strides = array<i32>} : memref<200x128xf32, #tpu.memory_space<vmem>>, vector<1x16xf32>,
          %add3A_433 = arith.constant 2 : i32
          %add3A_434 = arith.addi %add3A_187, %add3A_433 : i32
          %add3A_435 = arith.constant 2 : i32
          %add3A_436 = arith.addi %add3A_187, %add3A_435 : i32
          %get3A_437 = arith.index_cast %add3A_436 : i32 to index
          %get3A_438 = arith.constant 48 : index
          %get3A_439 = tpu.vector_load %arg7[%get3A_437, %get3A_438] {strides = array<i32>} : memref<200x128xf32, #tpu.memory_space<vmem>>, vector<1x16xf32>,
          %get3A_440 = vector.shape_cast %get3A_439 : vector<1x16xf32> to vector<16xf32>
          %swap3A_441 = arith.index_cast %add3A_434 : i32 to index
          %swap3A_442 = arith.constant 48 : index
          %swap3A_443 = tpu.vector_load %arg10[%swap3A_441, %swap3A_442] {strides = array<i32>} : memref<200x128xf32, #tpu.memory_space<vmem>>, vector<1x16xf32>,
          %swap3A_444 = vector.shape_cast %swap3A_443 : vector<1x16xf32> to vector<16xf32>
          %swap3A_445 = vector.shape_cast %get3A_440 : vector<16xf32> to vector<1x16xf32>
          tpu.vector_store %arg10[%swap3A_441, %swap3A_442], %swap3A_445 {add = true, strides = array<i32>} : memref<200x128xf32, #tpu.memory_space<vmem>>, vector<1x16xf32>,
          %add3A_446 = arith.constant 2 : i32
          %add3A_447 = arith.addi %add3A_187, %add3A_446 : i32
          %add3A_448 = arith.constant 2 : i32
          %add3A_449 = arith.addi %add3A_187, %add3A_448 : i32
          %get3A_450 = arith.index_cast %add3A_449 : i32 to index
          %get3A_451 = arith.constant 64 : index
          %get3A_452 = tpu.vector_load %arg7[%get3A_450, %get3A_451] {strides = array<i32>} : memref<200x128xf32, #tpu.memory_space<vmem>>, vector<1x16xf32>,
          %get3A_453 = vector.shape_cast %get3A_452 : vector<1x16xf32> to vector<16xf32>
          %swap3A_454 = arith.index_cast %add3A_447 : i32 to index
          %swap3A_455 = arith.constant 64 : index
          %swap3A_456 = tpu.vector_load %arg10[%swap3A_454, %swap3A_455] {strides = array<i32>} : memref<200x128xf32, #tpu.memory_space<vmem>>, vector<1x16xf32>,
          %swap3A_457 = vector.shape_cast %swap3A_456 : vector<1x16xf32> to vector<16xf32>
          %swap3A_458 = vector.shape_cast %get3A_453 : vector<16xf32> to vector<1x16xf32>
          tpu.vector_store %arg10[%swap3A_454, %swap3A_455], %swap3A_458 {add = true, strides = array<i32>} : memref<200x128xf32, #tpu.memory_space<vmem>>, vector<1x16xf32>,
          %add3A_459 = arith.constant 2 : i32
          %add3A_460 = arith.addi %add3A_187, %add3A_459 : i32
          %add3A_461 = arith.constant 2 : i32
          %add3A_462 = arith.addi %add3A_187, %add3A_461 : i32
          %get3A_463 = arith.index_cast %add3A_462 : i32 to index
          %get3A_464 = arith.constant 80 : index
          %get3A_465 = tpu.vector_load %arg7[%get3A_463, %get3A_464] {strides = array<i32>} : memref<200x128xf32, #tpu.memory_space<vmem>>, vector<1x16xf32>,
          %get3A_466 = vector.shape_cast %get3A_465 : vector<1x16xf32> to vector<16xf32>
          %swap3A_467 = arith.index_cast %add3A_460 : i32 to index
          %swap3A_468 = arith.constant 80 : index
          %swap3A_469 = tpu.vector_load %arg10[%swap3A_467, %swap3A_468] {strides = array<i32>} : memref<200x128xf32, #tpu.memory_space<vmem>>, vector<1x16xf32>,
          %swap3A_470 = vector.shape_cast %swap3A_469 : vector<1x16xf32> to vector<16xf32>
          %swap3A_471 = vector.shape_cast %get3A_466 : vector<16xf32> to vector<1x16xf32>
          tpu.vector_store %arg10[%swap3A_467, %swap3A_468], %swap3A_471 {add = true, strides = array<i32>} : memref<200x128xf32, #tpu.memory_space<vmem>>, vector<1x16xf32>,
          %add3A_472 = arith.constant 2 : i32
          %add3A_473 = arith.addi %add3A_187, %add3A_472 : i32
          %add3A_474 = arith.constant 2 : i32
          %add3A_475 = arith.addi %add3A_187, %add3A_474 : i32
          %get3A_476 = arith.index_cast %add3A_475 : i32 to index
          %get3A_477 = arith.constant 96 : index
          %get3A_478 = tpu.vector_load %arg7[%get3A_476, %get3A_477] {strides = array<i32>} : memref<200x128xf32, #tpu.memory_space<vmem>>, vector<1x16xf32>,
          %get3A_479 = vector.shape_cast %get3A_478 : vector<1x16xf32> to vector<16xf32>
          %swap3A_480 = arith.index_cast %add3A_473 : i32 to index
          %swap3A_481 = arith.constant 96 : index
          %swap3A_482 = tpu.vector_load %arg10[%swap3A_480, %swap3A_481] {strides = array<i32>} : memref<200x128xf32, #tpu.memory_space<vmem>>, vector<1x16xf32>,
          %swap3A_483 = vector.shape_cast %swap3A_482 : vector<1x16xf32> to vector<16xf32>
          %swap3A_484 = vector.shape_cast %get3A_479 : vector<16xf32> to vector<1x16xf32>
          tpu.vector_store %arg10[%swap3A_480, %swap3A_481], %swap3A_484 {add = true, strides = array<i32>} : memref<200x128xf32, #tpu.memory_space<vmem>>, vector<1x16xf32>,
          %add3A_485 = arith.constant 2 : i32
          %add3A_486 = arith.addi %add3A_187, %add3A_485 : i32
          %add3A_487 = arith.constant 2 : i32
          %add3A_488 = arith.addi %add3A_187, %add3A_487 : i32
          %get3A_489 = arith.index_cast %add3A_488 : i32 to index
          %get3A_490 = arith.constant 112 : index
          %get3A_491 = tpu.vector_load %arg7[%get3A_489, %get3A_490] {strides = array<i32>} : memref<200x128xf32, #tpu.memory_space<vmem>>, vector<1x16xf32>,
          %get3A_492 = vector.shape_cast %get3A_491 : vector<1x16xf32> to vector<16xf32>
          %swap3A_493 = arith.index_cast %add3A_486 : i32 to index
          %swap3A_494 = arith.constant 112 : index
          %swap3A_495 = tpu.vector_load %arg10[%swap3A_493, %swap3A_494] {strides = array<i32>} : memref<200x128xf32, #tpu.memory_space<vmem>>, vector<1x16xf32>,
          %swap3A_496 = vector.shape_cast %swap3A_495 : vector<1x16xf32> to vector<16xf32>
          %swap3A_497 = vector.shape_cast %get3A_492 : vector<16xf32> to vector<1x16xf32>
          tpu.vector_store %arg10[%swap3A_493, %swap3A_494], %swap3A_497 {add = true, strides = array<i32>} : memref<200x128xf32, #tpu.memory_space<vmem>>, vector<1x16xf32>,
          %add3A_498 = arith.constant 3 : i32
          %add3A_499 = arith.addi %add3A_187, %add3A_498 : i32
          %add3A_500 = arith.constant 3 : i32
          %add3A_501 = arith.addi %add3A_187, %add3A_500 : i32
          %get3A_502 = arith.index_cast %add3A_501 : i32 to index
          %get3A_503 = arith.constant 0 : index
          %get3A_504 = tpu.vector_load %arg7[%get3A_502, %get3A_503] {strides = array<i32>} : memref<200x128xf32, #tpu.memory_space<vmem>>, vector<1x16xf32>,
          %get3A_505 = vector.shape_cast %get3A_504 : vector<1x16xf32> to vector<16xf32>
          %swap3A_506 = arith.index_cast %add3A_499 : i32 to index
          %swap3A_507 = arith.constant 0 : index
          %swap3A_508 = tpu.vector_load %arg10[%swap3A_506, %swap3A_507] {strides = array<i32>} : memref<200x128xf32, #tpu.memory_space<vmem>>, vector<1x16xf32>,
          %swap3A_509 = vector.shape_cast %swap3A_508 : vector<1x16xf32> to vector<16xf32>
          %swap3A_510 = vector.shape_cast %get3A_505 : vector<16xf32> to vector<1x16xf32>
          tpu.vector_store %arg10[%swap3A_506, %swap3A_507], %swap3A_510 {add = true, strides = array<i32>} : memref<200x128xf32, #tpu.memory_space<vmem>>, vector<1x16xf32>,
          %add3A_511 = arith.constant 3 : i32
          %add3A_512 = arith.addi %add3A_187, %add3A_511 : i32
          %add3A_513 = arith.constant 3 : i32
          %add3A_514 = arith.addi %add3A_187, %add3A_513 : i32
          %get3A_515 = arith.index_cast %add3A_514 : i32 to index
          %get3A_516 = arith.constant 16 : index
          %get3A_517 = tpu.vector_load %arg7[%get3A_515, %get3A_516] {strides = array<i32>} : memref<200x128xf32, #tpu.memory_space<vmem>>, vector<1x16xf32>,
          %get3A_518 = vector.shape_cast %get3A_517 : vector<1x16xf32> to vector<16xf32>
          %swap3A_519 = arith.index_cast %add3A_512 : i32 to index
          %swap3A_520 = arith.constant 16 : index
          %swap3A_521 = tpu.vector_load %arg10[%swap3A_519, %swap3A_520] {strides = array<i32>} : memref<200x128xf32, #tpu.memory_space<vmem>>, vector<1x16xf32>,
          %swap3A_522 = vector.shape_cast %swap3A_521 : vector<1x16xf32> to vector<16xf32>
          %swap3A_523 = vector.shape_cast %get3A_518 : vector<16xf32> to vector<1x16xf32>
          tpu.vector_store %arg10[%swap3A_519, %swap3A_520], %swap3A_523 {add = true, strides = array<i32>} : memref<200x128xf32, #tpu.memory_space<vmem>>, vector<1x16xf32>,
          %add3A_524 = arith.constant 3 : i32
          %add3A_525 = arith.addi %add3A_187, %add3A_524 : i32
          %add3A_526 = arith.constant 3 : i32
          %add3A_527 = arith.addi %add3A_187, %add3A_526 : i32
          %get3A_528 = arith.index_cast %add3A_527 : i32 to index
          %get3A_529 = arith.constant 32 : index
          %get3A_530 = tpu.vector_load %arg7[%get3A_528, %get3A_529] {strides = array<i32>} : memref<200x128xf32, #tpu.memory_space<vmem>>, vector<1x16xf32>,
          %get3A_531 = vector.shape_cast %get3A_530 : vector<1x16xf32> to vector<16xf32>
          %swap3A_532 = arith.index_cast %add3A_525 : i32 to index
          %swap3A_533 = arith.constant 32 : index
          %swap3A_534 = tpu.vector_load %arg10[%swap3A_532, %swap3A_533] {strides = array<i32>} : memref<200x128xf32, #tpu.memory_space<vmem>>, vector<1x16xf32>,
          %swap3A_535 = vector.shape_cast %swap3A_534 : vector<1x16xf32> to vector<16xf32>
          %swap3A_536 = vector.shape_cast %get3A_531 : vector<16xf32> to vector<1x16xf32>
          tpu.vector_store %arg10[%swap3A_532, %swap3A_533], %swap3A_536 {add = true, strides = array<i32>} : memref<200x128xf32, #tpu.memory_space<vmem>>, vector<1x16xf32>,
          %add3A_537 = arith.constant 3 : i32
          %add3A_538 = arith.addi %add3A_187, %add3A_537 : i32
          %add3A_539 = arith.constant 3 : i32
          %add3A_540 = arith.addi %add3A_187, %add3A_539 : i32
          %get3A_541 = arith.index_cast %add3A_540 : i32 to index
          %get3A_542 = arith.constant 48 : index
          %get3A_543 = tpu.vector_load %arg7[%get3A_541, %get3A_542] {strides = array<i32>} : memref<200x128xf32, #tpu.memory_space<vmem>>, vector<1x16xf32>,
          %get3A_544 = vector.shape_cast %get3A_543 : vector<1x16xf32> to vector<16xf32>
          %swap3A_545 = arith.index_cast %add3A_538 : i32 to index
          %swap3A_546 = arith.constant 48 : index
          %swap3A_547 = tpu.vector_load %arg10[%swap3A_545, %swap3A_546] {strides = array<i32>} : memref<200x128xf32, #tpu.memory_space<vmem>>, vector<1x16xf32>,
          %swap3A_548 = vector.shape_cast %swap3A_547 : vector<1x16xf32> to vector<16xf32>
          %swap3A_549 = vector.shape_cast %get3A_544 : vector<16xf32> to vector<1x16xf32>
          tpu.vector_store %arg10[%swap3A_545, %swap3A_546], %swap3A_549 {add = true, strides = array<i32>} : memref<200x128xf32, #tpu.memory_space<vmem>>, vector<1x16xf32>,
          %add3A_550 = arith.constant 3 : i32
          %add3A_551 = arith.addi %add3A_187, %add3A_550 : i32
          %add3A_552 = arith.constant 3 : i32
          %add3A_553 = arith.addi %add3A_187, %add3A_552 : i32
          %get3A_554 = arith.index_cast %add3A_553 : i32 to index
          %get3A_555 = arith.constant 64 : index
          %get3A_556 = tpu.vector_load %arg7[%get3A_554, %get3A_555] {strides = array<i32>} : memref<200x128xf32, #tpu.memory_space<vmem>>, vector<1x16xf32>,
          %get3A_557 = vector.shape_cast %get3A_556 : vector<1x16xf32> to vector<16xf32>
          %swap3A_558 = arith.index_cast %add3A_551 : i32 to index
          %swap3A_559 = arith.constant 64 : index
          %swap3A_560 = tpu.vector_load %arg10[%swap3A_558, %swap3A_559] {strides = array<i32>} : memref<200x128xf32, #tpu.memory_space<vmem>>, vector<1x16xf32>,
          %swap3A_561 = vector.shape_cast %swap3A_560 : vector<1x16xf32> to vector<16xf32>
          %swap3A_562 = vector.shape_cast %get3A_557 : vector<16xf32> to vector<1x16xf32>
          tpu.vector_store %arg10[%swap3A_558, %swap3A_559], %swap3A_562 {add = true, strides = array<i32>} : memref<200x128xf32, #tpu.memory_space<vmem>>, vector<1x16xf32>,
          %add3A_563 = arith.constant 3 : i32
          %add3A_564 = arith.addi %add3A_187, %add3A_563 : i32
          %add3A_565 = arith.constant 3 : i32
          %add3A_566 = arith.addi %add3A_187, %add3A_565 : i32
          %get3A_567 = arith.index_cast %add3A_566 : i32 to index
          %get3A_568 = arith.constant 80 : index
          %get3A_569 = tpu.vector_load %arg7[%get3A_567, %get3A_568] {strides = array<i32>} : memref<200x128xf32, #tpu.memory_space<vmem>>, vector<1x16xf32>,
          %get3A_570 = vector.shape_cast %get3A_569 : vector<1x16xf32> to vector<16xf32>
          %swap3A_571 = arith.index_cast %add3A_564 : i32 to index
          %swap3A_572 = arith.constant 80 : index
          %swap3A_573 = tpu.vector_load %arg10[%swap3A_571, %swap3A_572] {strides = array<i32>} : memref<200x128xf32, #tpu.memory_space<vmem>>, vector<1x16xf32>,
          %swap3A_574 = vector.shape_cast %swap3A_573 : vector<1x16xf32> to vector<16xf32>
          %swap3A_575 = vector.shape_cast %get3A_570 : vector<16xf32> to vector<1x16xf32>
          tpu.vector_store %arg10[%swap3A_571, %swap3A_572], %swap3A_575 {add = true, strides = array<i32>} : memref<200x128xf32, #tpu.memory_space<vmem>>, vector<1x16xf32>,
          %add3A_576 = arith.constant 3 : i32
          %add3A_577 = arith.addi %add3A_187, %add3A_576 : i32
          %add3A_578 = arith.constant 3 : i32
          %add3A_579 = arith.addi %add3A_187, %add3A_578 : i32
          %get3A_580 = arith.index_cast %add3A_579 : i32 to index
          %get3A_581 = arith.constant 96 : index
          %get3A_582 = tpu.vector_load %arg7[%get3A_580, %get3A_581] {strides = array<i32>} : memref<200x128xf32, #tpu.memory_space<vmem>>, vector<1x16xf32>,
          %get3A_583 = vector.shape_cast %get3A_582 : vector<1x16xf32> to vector<16xf32>
          %swap3A_584 = arith.index_cast %add3A_577 : i32 to index
          %swap3A_585 = arith.constant 96 : index
          %swap3A_586 = tpu.vector_load %arg10[%swap3A_584, %swap3A_585] {strides = array<i32>} : memref<200x128xf32, #tpu.memory_space<vmem>>, vector<1x16xf32>,
          %swap3A_587 = vector.shape_cast %swap3A_586 : vector<1x16xf32> to vector<16xf32>
          %swap3A_588 = vector.shape_cast %get3A_583 : vector<16xf32> to vector<1x16xf32>
          tpu.vector_store %arg10[%swap3A_584, %swap3A_585], %swap3A_588 {add = true, strides = array<i32>} : memref<200x128xf32, #tpu.memory_space<vmem>>, vector<1x16xf32>,
          %add3A_589 = arith.constant 3 : i32
          %add3A_590 = arith.addi %add3A_187, %add3A_589 : i32
          %add3A_591 = arith.constant 3 : i32
          %add3A_592 = arith.addi %add3A_187, %add3A_591 : i32
          %get3A_593 = arith.index_cast %add3A_592 : i32 to index
          %get3A_594 = arith.constant 112 : index
          %get3A_595 = tpu.vector_load %arg7[%get3A_593, %get3A_594] {strides = array<i32>} : memref<200x128xf32, #tpu.memory_space<vmem>>, vector<1x16xf32>,
          %get3A_596 = vector.shape_cast %get3A_595 : vector<1x16xf32> to vector<16xf32>
          %swap3A_597 = arith.index_cast %add3A_590 : i32 to index
          %swap3A_598 = arith.constant 112 : index
          %swap3A_599 = tpu.vector_load %arg10[%swap3A_597, %swap3A_598] {strides = array<i32>} : memref<200x128xf32, #tpu.memory_space<vmem>>, vector<1x16xf32>,
          %swap3A_600 = vector.shape_cast %swap3A_599 : vector<1x16xf32> to vector<16xf32>
          %swap3A_601 = vector.shape_cast %get3A_596 : vector<16xf32> to vector<1x16xf32>
          tpu.vector_store %arg10[%swap3A_597, %swap3A_598], %swap3A_601 {add = true, strides = array<i32>} : memref<200x128xf32, #tpu.memory_space<vmem>>, vector<1x16xf32>,
          %add3A_602 = arith.constant 4 : i32
          %add3A_603 = arith.addi %add3A_187, %add3A_602 : i32
          %add3A_604 = arith.constant 4 : i32
          %add3A_605 = arith.addi %add3A_187, %add3A_604 : i32
          %get3A_606 = arith.index_cast %add3A_605 : i32 to index
          %get3A_607 = arith.constant 0 : index
          %get3A_608 = tpu.vector_load %arg7[%get3A_606, %get3A_607] {strides = array<i32>} : memref<200x128xf32, #tpu.memory_space<vmem>>, vector<1x16xf32>,
          %get3A_609 = vector.shape_cast %get3A_608 : vector<1x16xf32> to vector<16xf32>
          %swap3A_610 = arith.index_cast %add3A_603 : i32 to index
          %swap3A_611 = arith.constant 0 : index
          %swap3A_612 = tpu.vector_load %arg10[%swap3A_610, %swap3A_611] {strides = array<i32>} : memref<200x128xf32, #tpu.memory_space<vmem>>, vector<1x16xf32>,
          %swap3A_613 = vector.shape_cast %swap3A_612 : vector<1x16xf32> to vector<16xf32>
          %swap3A_614 = vector.shape_cast %get3A_609 : vector<16xf32> to vector<1x16xf32>
          tpu.vector_store %arg10[%swap3A_610, %swap3A_611], %swap3A_614 {add = true, strides = array<i32>} : memref<200x128xf32, #tpu.memory_space<vmem>>, vector<1x16xf32>,
          %add3A_615 = arith.constant 4 : i32
          %add3A_616 = arith.addi %add3A_187, %add3A_615 : i32
          %add3A_617 = arith.constant 4 : i32
          %add3A_618 = arith.addi %add3A_187, %add3A_617 : i32
          %get3A_619 = arith.index_cast %add3A_618 : i32 to index
          %get3A_620 = arith.constant 16 : index
          %get3A_621 = tpu.vector_load %arg7[%get3A_619, %get3A_620] {strides = array<i32>} : memref<200x128xf32, #tpu.memory_space<vmem>>, vector<1x16xf32>,
          %get3A_622 = vector.shape_cast %get3A_621 : vector<1x16xf32> to vector<16xf32>
          %swap3A_623 = arith.index_cast %add3A_616 : i32 to index
          %swap3A_624 = arith.constant 16 : index
          %swap3A_625 = tpu.vector_load %arg10[%swap3A_623, %swap3A_624] {strides = array<i32>} : memref<200x128xf32, #tpu.memory_space<vmem>>, vector<1x16xf32>,
          %swap3A_626 = vector.shape_cast %swap3A_625 : vector<1x16xf32> to vector<16xf32>
          %swap3A_627 = vector.shape_cast %get3A_622 : vector<16xf32> to vector<1x16xf32>
          tpu.vector_store %arg10[%swap3A_623, %swap3A_624], %swap3A_627 {add = true, strides = array<i32>} : memref<200x128xf32, #tpu.memory_space<vmem>>, vector<1x16xf32>,
          %add3A_628 = arith.constant 4 : i32
          %add3A_629 = arith.addi %add3A_187, %add3A_628 : i32
          %add3A_630 = arith.constant 4 : i32
          %add3A_631 = arith.addi %add3A_187, %add3A_630 : i32
          %get3A_632 = arith.index_cast %add3A_631 : i32 to index
          %get3A_633 = arith.constant 32 : index
          %get3A_634 = tpu.vector_load %arg7[%get3A_632, %get3A_633] {strides = array<i32>} : memref<200x128xf32, #tpu.memory_space<vmem>>, vector<1x16xf32>,
          %get3A_635 = vector.shape_cast %get3A_634 : vector<1x16xf32> to vector<16xf32>
          %swap3A_636 = arith.index_cast %add3A_629 : i32 to index
          %swap3A_637 = arith.constant 32 : index
          %swap3A_638 = tpu.vector_load %arg10[%swap3A_636, %swap3A_637] {strides = array<i32>} : memref<200x128xf32, #tpu.memory_space<vmem>>, vector<1x16xf32>,
          %swap3A_639 = vector.shape_cast %swap3A_638 : vector<1x16xf32> to vector<16xf32>
          %swap3A_640 = vector.shape_cast %get3A_635 : vector<16xf32> to vector<1x16xf32>
          tpu.vector_store %arg10[%swap3A_636, %swap3A_637], %swap3A_640 {add = true, strides = array<i32>} : memref<200x128xf32, #tpu.memory_space<vmem>>, vector<1x16xf32>,
          %add3A_641 = arith.constant 4 : i32
          %add3A_642 = arith.addi %add3A_187, %add3A_641 : i32
          %add3A_643 = arith.constant 4 : i32
          %add3A_644 = arith.addi %add3A_187, %add3A_643 : i32
          %get3A_645 = arith.index_cast %add3A_644 : i32 to index
          %get3A_646 = arith.constant 48 : index
          %get3A_647 = tpu.vector_load %arg7[%get3A_645, %get3A_646] {strides = array<i32>} : memref<200x128xf32, #tpu.memory_space<vmem>>, vector<1x16xf32>,
          %get3A_648 = vector.shape_cast %get3A_647 : vector<1x16xf32> to vector<16xf32>
          %swap3A_649 = arith.index_cast %add3A_642 : i32 to index
          %swap3A_650 = arith.constant 48 : index
          %swap3A_651 = tpu.vector_load %arg10[%swap3A_649, %swap3A_650] {strides = array<i32>} : memref<200x128xf32, #tpu.memory_space<vmem>>, vector<1x16xf32>,
          %swap3A_652 = vector.shape_cast %swap3A_651 : vector<1x16xf32> to vector<16xf32>
          %swap3A_653 = vector.shape_cast %get3A_648 : vector<16xf32> to vector<1x16xf32>
          tpu.vector_store %arg10[%swap3A_649, %swap3A_650], %swap3A_653 {add = true, strides = array<i32>} : memref<200x128xf32, #tpu.memory_space<vmem>>, vector<1x16xf32>,
          %add3A_654 = arith.constant 4 : i32
          %add3A_655 = arith.addi %add3A_187, %add3A_654 : i32
          %add3A_656 = arith.constant 4 : i32
          %add3A_657 = arith.addi %add3A_187, %add3A_656 : i32
          %get3A_658 = arith.index_cast %add3A_657 : i32 to index
          %get3A_659 = arith.constant 64 : index
          %get3A_660 = tpu.vector_load %arg7[%get3A_658, %get3A_659] {strides = array<i32>} : memref<200x128xf32, #tpu.memory_space<vmem>>, vector<1x16xf32>,
          %get3A_661 = vector.shape_cast %get3A_660 : vector<1x16xf32> to vector<16xf32>
          %swap3A_662 = arith.index_cast %add3A_655 : i32 to index
          %swap3A_663 = arith.constant 64 : index
          %swap3A_664 = tpu.vector_load %arg10[%swap3A_662, %swap3A_663] {strides = array<i32>} : memref<200x128xf32, #tpu.memory_space<vmem>>, vector<1x16xf32>,
          %swap3A_665 = vector.shape_cast %swap3A_664 : vector<1x16xf32> to vector<16xf32>
          %swap3A_666 = vector.shape_cast %get3A_661 : vector<16xf32> to vector<1x16xf32>
          tpu.vector_store %arg10[%swap3A_662, %swap3A_663], %swap3A_666 {add = true, strides = array<i32>} : memref<200x128xf32, #tpu.memory_space<vmem>>, vector<1x16xf32>,
          %add3A_667 = arith.constant 4 : i32
          %add3A_668 = arith.addi %add3A_187, %add3A_667 : i32
          %add3A_669 = arith.constant 4 : i32
          %add3A_670 = arith.addi %add3A_187, %add3A_669 : i32
          %get3A_671 = arith.index_cast %add3A_670 : i32 to index
          %get3A_672 = arith.constant 80 : index
          %get3A_673 = tpu.vector_load %arg7[%get3A_671, %get3A_672] {strides = array<i32>} : memref<200x128xf32, #tpu.memory_space<vmem>>, vector<1x16xf32>,
          %get3A_674 = vector.shape_cast %get3A_673 : vector<1x16xf32> to vector<16xf32>
          %swap3A_675 = arith.index_cast %add3A_668 : i32 to index
          %swap3A_676 = arith.constant 80 : index
          %swap3A_677 = tpu.vector_load %arg10[%swap3A_675, %swap3A_676] {strides = array<i32>} : memref<200x128xf32, #tpu.memory_space<vmem>>, vector<1x16xf32>,
          %swap3A_678 = vector.shape_cast %swap3A_677 : vector<1x16xf32> to vector<16xf32>
          %swap3A_679 = vector.shape_cast %get3A_674 : vector<16xf32> to vector<1x16xf32>
          tpu.vector_store %arg10[%swap3A_675, %swap3A_676], %swap3A_679 {add = true, strides = array<i32>} : memref<200x128xf32, #tpu.memory_space<vmem>>, vector<1x16xf32>,
          %add3A_680 = arith.constant 4 : i32
          %add3A_681 = arith.addi %add3A_187, %add3A_680 : i32
          %add3A_682 = arith.constant 4 : i32
          %add3A_683 = arith.addi %add3A_187, %add3A_682 : i32
          %get3A_684 = arith.index_cast %add3A_683 : i32 to index
          %get3A_685 = arith.constant 96 : index
          %get3A_686 = tpu.vector_load %arg7[%get3A_684, %get3A_685] {strides = array<i32>} : memref<200x128xf32, #tpu.memory_space<vmem>>, vector<1x16xf32>,
          %get3A_687 = vector.shape_cast %get3A_686 : vector<1x16xf32> to vector<16xf32>
          %swap3A_688 = arith.index_cast %add3A_681 : i32 to index
          %swap3A_689 = arith.constant 96 : index
          %swap3A_690 = tpu.vector_load %arg10[%swap3A_688, %swap3A_689] {strides = array<i32>} : memref<200x128xf32, #tpu.memory_space<vmem>>, vector<1x16xf32>,
          %swap3A_691 = vector.shape_cast %swap3A_690 : vector<1x16xf32> to vector<16xf32>
          %swap3A_692 = vector.shape_cast %get3A_687 : vector<16xf32> to vector<1x16xf32>
          tpu.vector_store %arg10[%swap3A_688, %swap3A_689], %swap3A_692 {add = true, strides = array<i32>} : memref<200x128xf32, #tpu.memory_space<vmem>>, vector<1x16xf32>,
          %add3A_693 = arith.constant 4 : i32
          %add3A_694 = arith.addi %add3A_187, %add3A_693 : i32
          %add3A_695 = arith.constant 4 : i32
          %add3A_696 = arith.addi %add3A_187, %add3A_695 : i32
          %get3A_697 = arith.index_cast %add3A_696 : i32 to index
          %get3A_698 = arith.constant 112 : index
          %get3A_699 = tpu.vector_load %arg7[%get3A_697, %get3A_698] {strides = array<i32>} : memref<200x128xf32, #tpu.memory_space<vmem>>, vector<1x16xf32>,
          %get3A_700 = vector.shape_cast %get3A_699 : vector<1x16xf32> to vector<16xf32>
          %swap3A_701 = arith.index_cast %add3A_694 : i32 to index
          %swap3A_702 = arith.constant 112 : index
          %swap3A_703 = tpu.vector_load %arg10[%swap3A_701, %swap3A_702] {strides = array<i32>} : memref<200x128xf32, #tpu.memory_space<vmem>>, vector<1x16xf32>,
          %swap3A_704 = vector.shape_cast %swap3A_703 : vector<1x16xf32> to vector<16xf32>
          %swap3A_705 = vector.shape_cast %get3A_700 : vector<16xf32> to vector<1x16xf32>
          tpu.vector_store %arg10[%swap3A_701, %swap3A_702], %swap3A_705 {add = true, strides = array<i32>} : memref<200x128xf32, #tpu.memory_space<vmem>>, vector<1x16xf32>,
          %add3A_706 = arith.constant 5 : i32
          %add3A_707 = arith.addi %add3A_187, %add3A_706 : i32
          %add3A_708 = arith.constant 5 : i32
          %add3A_709 = arith.addi %add3A_187, %add3A_708 : i32
          %get3A_710 = arith.index_cast %add3A_709 : i32 to index
          %get3A_711 = arith.constant 0 : index
          %get3A_712 = tpu.vector_load %arg7[%get3A_710, %get3A_711] {strides = array<i32>} : memref<200x128xf32, #tpu.memory_space<vmem>>, vector<1x16xf32>,
          %get3A_713 = vector.shape_cast %get3A_712 : vector<1x16xf32> to vector<16xf32>
          %swap3A_714 = arith.index_cast %add3A_707 : i32 to index
          %swap3A_715 = arith.constant 0 : index
          %swap3A_716 = tpu.vector_load %arg10[%swap3A_714, %swap3A_715] {strides = array<i32>} : memref<200x128xf32, #tpu.memory_space<vmem>>, vector<1x16xf32>,
          %swap3A_717 = vector.shape_cast %swap3A_716 : vector<1x16xf32> to vector<16xf32>
          %swap3A_718 = vector.shape_cast %get3A_713 : vector<16xf32> to vector<1x16xf32>
          tpu.vector_store %arg10[%swap3A_714, %swap3A_715], %swap3A_718 {add = true, strides = array<i32>} : memref<200x128xf32, #tpu.memory_space<vmem>>, vector<1x16xf32>,
          %add3A_719 = arith.constant 5 : i32
          %add3A_720 = arith.addi %add3A_187, %add3A_719 : i32
          %add3A_721 = arith.constant 5 : i32
          %add3A_722 = arith.addi %add3A_187, %add3A_721 : i32
          %get3A_723 = arith.index_cast %add3A_722 : i32 to index
          %get3A_724 = arith.constant 16 : index
          %get3A_725 = tpu.vector_load %arg7[%get3A_723, %get3A_724] {strides = array<i32>} : memref<200x128xf32, #tpu.memory_space<vmem>>, vector<1x16xf32>,
          %get3A_726 = vector.shape_cast %get3A_725 : vector<1x16xf32> to vector<16xf32>
          %swap3A_727 = arith.index_cast %add3A_720 : i32 to index
          %swap3A_728 = arith.constant 16 : index
          %swap3A_729 = tpu.vector_load %arg10[%swap3A_727, %swap3A_728] {strides = array<i32>} : memref<200x128xf32, #tpu.memory_space<vmem>>, vector<1x16xf32>,
          %swap3A_730 = vector.shape_cast %swap3A_729 : vector<1x16xf32> to vector<16xf32>
          %swap3A_731 = vector.shape_cast %get3A_726 : vector<16xf32> to vector<1x16xf32>
          tpu.vector_store %arg10[%swap3A_727, %swap3A_728], %swap3A_731 {add = true, strides = array<i32>} : memref<200x128xf32, #tpu.memory_space<vmem>>, vector<1x16xf32>,
          %add3A_732 = arith.constant 5 : i32
          %add3A_733 = arith.addi %add3A_187, %add3A_732 : i32
          %add3A_734 = arith.constant 5 : i32
          %add3A_735 = arith.addi %add3A_187, %add3A_734 : i32
          %get3A_736 = arith.index_cast %add3A_735 : i32 to index
          %get3A_737 = arith.constant 32 : index
          %get3A_738 = tpu.vector_load %arg7[%get3A_736, %get3A_737] {strides = array<i32>} : memref<200x128xf32, #tpu.memory_space<vmem>>, vector<1x16xf32>,
          %get3A_739 = vector.shape_cast %get3A_738 : vector<1x16xf32> to vector<16xf32>
          %swap3A_740 = arith.index_cast %add3A_733 : i32 to index
          %swap3A_741 = arith.constant 32 : index
          %swap3A_742 = tpu.vector_load %arg10[%swap3A_740, %swap3A_741] {strides = array<i32>} : memref<200x128xf32, #tpu.memory_space<vmem>>, vector<1x16xf32>,
          %swap3A_743 = vector.shape_cast %swap3A_742 : vector<1x16xf32> to vector<16xf32>
          %swap3A_744 = vector.shape_cast %get3A_739 : vector<16xf32> to vector<1x16xf32>
          tpu.vector_store %arg10[%swap3A_740, %swap3A_741], %swap3A_744 {add = true, strides = array<i32>} : memref<200x128xf32, #tpu.memory_space<vmem>>, vector<1x16xf32>,
          %add3A_745 = arith.constant 5 : i32
          %add3A_746 = arith.addi %add3A_187, %add3A_745 : i32
          %add3A_747 = arith.constant 5 : i32
          %add3A_748 = arith.addi %add3A_187, %add3A_747 : i32
          %get3A_749 = arith.index_cast %add3A_748 : i32 to index
          %get3A_750 = arith.constant 48 : index
          %get3A_751 = tpu.vector_load %arg7[%get3A_749, %get3A_750] {strides = array<i32>} : memref<200x128xf32, #tpu.memory_space<vmem>>, vector<1x16xf32>,
          %get3A_752 = vector.shape_cast %get3A_751 : vector<1x16xf32> to vector<16xf32>
          %swap3A_753 = arith.index_cast %add3A_746 : i32 to index
          %swap3A_754 = arith.constant 48 : index
          %swap3A_755 = tpu.vector_load %arg10[%swap3A_753, %swap3A_754] {strides = array<i32>} : memref<200x128xf32, #tpu.memory_space<vmem>>, vector<1x16xf32>,
          %swap3A_756 = vector.shape_cast %swap3A_755 : vector<1x16xf32> to vector<16xf32>
          %swap3A_757 = vector.shape_cast %get3A_752 : vector<16xf32> to vector<1x16xf32>
          tpu.vector_store %arg10[%swap3A_753, %swap3A_754], %swap3A_757 {add = true, strides = array<i32>} : memref<200x128xf32, #tpu.memory_space<vmem>>, vector<1x16xf32>,
          %add3A_758 = arith.constant 5 : i32
          %add3A_759 = arith.addi %add3A_187, %add3A_758 : i32
          %add3A_760 = arith.constant 5 : i32
          %add3A_761 = arith.addi %add3A_187, %add3A_760 : i32
          %get3A_762 = arith.index_cast %add3A_761 : i32 to index
          %get3A_763 = arith.constant 64 : index
          %get3A_764 = tpu.vector_load %arg7[%get3A_762, %get3A_763] {strides = array<i32>} : memref<200x128xf32, #tpu.memory_space<vmem>>, vector<1x16xf32>,
          %get3A_765 = vector.shape_cast %get3A_764 : vector<1x16xf32> to vector<16xf32>
          %swap3A_766 = arith.index_cast %add3A_759 : i32 to index
          %swap3A_767 = arith.constant 64 : index
          %swap3A_768 = tpu.vector_load %arg10[%swap3A_766, %swap3A_767] {strides = array<i32>} : memref<200x128xf32, #tpu.memory_space<vmem>>, vector<1x16xf32>,
          %swap3A_769 = vector.shape_cast %swap3A_768 : vector<1x16xf32> to vector<16xf32>
          %swap3A_770 = vector.shape_cast %get3A_765 : vector<16xf32> to vector<1x16xf32>
          tpu.vector_store %arg10[%swap3A_766, %swap3A_767], %swap3A_770 {add = true, strides = array<i32>} : memref<200x128xf32, #tpu.memory_space<vmem>>, vector<1x16xf32>,
          %add3A_771 = arith.constant 5 : i32
          %add3A_772 = arith.addi %add3A_187, %add3A_771 : i32
          %add3A_773 = arith.constant 5 : i32
          %add3A_774 = arith.addi %add3A_187, %add3A_773 : i32
          %get3A_775 = arith.index_cast %add3A_774 : i32 to index
          %get3A_776 = arith.constant 80 : index
          %get3A_777 = tpu.vector_load %arg7[%get3A_775, %get3A_776] {strides = array<i32>} : memref<200x128xf32, #tpu.memory_space<vmem>>, vector<1x16xf32>,
          %get3A_778 = vector.shape_cast %get3A_777 : vector<1x16xf32> to vector<16xf32>
          %swap3A_779 = arith.index_cast %add3A_772 : i32 to index
          %swap3A_780 = arith.constant 80 : index
          %swap3A_781 = tpu.vector_load %arg10[%swap3A_779, %swap3A_780] {strides = array<i32>} : memref<200x128xf32, #tpu.memory_space<vmem>>, vector<1x16xf32>,
          %swap3A_782 = vector.shape_cast %swap3A_781 : vector<1x16xf32> to vector<16xf32>
          %swap3A_783 = vector.shape_cast %get3A_778 : vector<16xf32> to vector<1x16xf32>
          tpu.vector_store %arg10[%swap3A_779, %swap3A_780], %swap3A_783 {add = true, strides = array<i32>} : memref<200x128xf32, #tpu.memory_space<vmem>>, vector<1x16xf32>,
          %add3A_784 = arith.constant 5 : i32
          %add3A_785 = arith.addi %add3A_187, %add3A_784 : i32
          %add3A_786 = arith.constant 5 : i32
          %add3A_787 = arith.addi %add3A_187, %add3A_786 : i32
          %get3A_788 = arith.index_cast %add3A_787 : i32 to index
          %get3A_789 = arith.constant 96 : index
          %get3A_790 = tpu.vector_load %arg7[%get3A_788, %get3A_789] {strides = array<i32>} : memref<200x128xf32, #tpu.memory_space<vmem>>, vector<1x16xf32>,
          %get3A_791 = vector.shape_cast %get3A_790 : vector<1x16xf32> to vector<16xf32>
          %swap3A_792 = arith.index_cast %add3A_785 : i32 to index
          %swap3A_793 = arith.constant 96 : index
          %swap3A_794 = tpu.vector_load %arg10[%swap3A_792, %swap3A_793] {strides = array<i32>} : memref<200x128xf32, #tpu.memory_space<vmem>>, vector<1x16xf32>,
          %swap3A_795 = vector.shape_cast %swap3A_794 : vector<1x16xf32> to vector<16xf32>
          %swap3A_796 = vector.shape_cast %get3A_791 : vector<16xf32> to vector<1x16xf32>
          tpu.vector_store %arg10[%swap3A_792, %swap3A_793], %swap3A_796 {add = true, strides = array<i32>} : memref<200x128xf32, #tpu.memory_space<vmem>>, vector<1x16xf32>,
          %add3A_797 = arith.constant 5 : i32
          %add3A_798 = arith.addi %add3A_187, %add3A_797 : i32
          %add3A_799 = arith.constant 5 : i32
          %add3A_800 = arith.addi %add3A_187, %add3A_799 : i32
          %get3A_801 = arith.index_cast %add3A_800 : i32 to index
          %get3A_802 = arith.constant 112 : index
          %get3A_803 = tpu.vector_load %arg7[%get3A_801, %get3A_802] {strides = array<i32>} : memref<200x128xf32, #tpu.memory_space<vmem>>, vector<1x16xf32>,
          %get3A_804 = vector.shape_cast %get3A_803 : vector<1x16xf32> to vector<16xf32>
          %swap3A_805 = arith.index_cast %add3A_798 : i32 to index
          %swap3A_806 = arith.constant 112 : index
          %swap3A_807 = tpu.vector_load %arg10[%swap3A_805, %swap3A_806] {strides = array<i32>} : memref<200x128xf32, #tpu.memory_space<vmem>>, vector<1x16xf32>,
          %swap3A_808 = vector.shape_cast %swap3A_807 : vector<1x16xf32> to vector<16xf32>
          %swap3A_809 = vector.shape_cast %get3A_804 : vector<16xf32> to vector<1x16xf32>
          tpu.vector_store %arg10[%swap3A_805, %swap3A_806], %swap3A_809 {add = true, strides = array<i32>} : memref<200x128xf32, #tpu.memory_space<vmem>>, vector<1x16xf32>,
          %add3A_810 = arith.constant 6 : i32
          %add3A_811 = arith.addi %add3A_187, %add3A_810 : i32
          %add3A_812 = arith.constant 6 : i32
          %add3A_813 = arith.addi %add3A_187, %add3A_812 : i32
          %get3A_814 = arith.index_cast %add3A_813 : i32 to index
          %get3A_815 = arith.constant 0 : index
          %get3A_816 = tpu.vector_load %arg7[%get3A_814, %get3A_815] {strides = array<i32>} : memref<200x128xf32, #tpu.memory_space<vmem>>, vector<1x16xf32>,
          %get3A_817 = vector.shape_cast %get3A_816 : vector<1x16xf32> to vector<16xf32>
          %swap3A_818 = arith.index_cast %add3A_811 : i32 to index
          %swap3A_819 = arith.constant 0 : index
          %swap3A_820 = tpu.vector_load %arg10[%swap3A_818, %swap3A_819] {strides = array<i32>} : memref<200x128xf32, #tpu.memory_space<vmem>>, vector<1x16xf32>,
          %swap3A_821 = vector.shape_cast %swap3A_820 : vector<1x16xf32> to vector<16xf32>
          %swap3A_822 = vector.shape_cast %get3A_817 : vector<16xf32> to vector<1x16xf32>
          tpu.vector_store %arg10[%swap3A_818, %swap3A_819], %swap3A_822 {add = true, strides = array<i32>} : memref<200x128xf32, #tpu.memory_space<vmem>>, vector<1x16xf32>,
          %add3A_823 = arith.constant 6 : i32
          %add3A_824 = arith.addi %add3A_187, %add3A_823 : i32
          %add3A_825 = arith.constant 6 : i32
          %add3A_826 = arith.addi %add3A_187, %add3A_825 : i32
          %get3A_827 = arith.index_cast %add3A_826 : i32 to index
          %get3A_828 = arith.constant 16 : index
          %get3A_829 = tpu.vector_load %arg7[%get3A_827, %get3A_828] {strides = array<i32>} : memref<200x128xf32, #tpu.memory_space<vmem>>, vector<1x16xf32>,
          %get3A_830 = vector.shape_cast %get3A_829 : vector<1x16xf32> to vector<16xf32>
          %swap3A_831 = arith.index_cast %add3A_824 : i32 to index
          %swap3A_832 = arith.constant 16 : index
          %swap3A_833 = tpu.vector_load %arg10[%swap3A_831, %swap3A_832] {strides = array<i32>} : memref<200x128xf32, #tpu.memory_space<vmem>>, vector<1x16xf32>,
          %swap3A_834 = vector.shape_cast %swap3A_833 : vector<1x16xf32> to vector<16xf32>
          %swap3A_835 = vector.shape_cast %get3A_830 : vector<16xf32> to vector<1x16xf32>
          tpu.vector_store %arg10[%swap3A_831, %swap3A_832], %swap3A_835 {add = true, strides = array<i32>} : memref<200x128xf32, #tpu.memory_space<vmem>>, vector<1x16xf32>,
          %add3A_836 = arith.constant 6 : i32
          %add3A_837 = arith.addi %add3A_187, %add3A_836 : i32
          %add3A_838 = arith.constant 6 : i32
          %add3A_839 = arith.addi %add3A_187, %add3A_838 : i32
          %get3A_840 = arith.index_cast %add3A_839 : i32 to index
          %get3A_841 = arith.constant 32 : index
          %get3A_842 = tpu.vector_load %arg7[%get3A_840, %get3A_841] {strides = array<i32>} : memref<200x128xf32, #tpu.memory_space<vmem>>, vector<1x16xf32>,
          %get3A_843 = vector.shape_cast %get3A_842 : vector<1x16xf32> to vector<16xf32>
          %swap3A_844 = arith.index_cast %add3A_837 : i32 to index
          %swap3A_845 = arith.constant 32 : index
          %swap3A_846 = tpu.vector_load %arg10[%swap3A_844, %swap3A_845] {strides = array<i32>} : memref<200x128xf32, #tpu.memory_space<vmem>>, vector<1x16xf32>,
          %swap3A_847 = vector.shape_cast %swap3A_846 : vector<1x16xf32> to vector<16xf32>
          %swap3A_848 = vector.shape_cast %get3A_843 : vector<16xf32> to vector<1x16xf32>
          tpu.vector_store %arg10[%swap3A_844, %swap3A_845], %swap3A_848 {add = true, strides = array<i32>} : memref<200x128xf32, #tpu.memory_space<vmem>>, vector<1x16xf32>,
          %add3A_849 = arith.constant 6 : i32
          %add3A_850 = arith.addi %add3A_187, %add3A_849 : i32
          %add3A_851 = arith.constant 6 : i32
          %add3A_852 = arith.addi %add3A_187, %add3A_851 : i32
          %get3A_853 = arith.index_cast %add3A_852 : i32 to index
          %get3A_854 = arith.constant 48 : index
          %get3A_855 = tpu.vector_load %arg7[%get3A_853, %get3A_854] {strides = array<i32>} : memref<200x128xf32, #tpu.memory_space<vmem>>, vector<1x16xf32>,
          %get3A_856 = vector.shape_cast %get3A_855 : vector<1x16xf32> to vector<16xf32>
          %swap3A_857 = arith.index_cast %add3A_850 : i32 to index
          %swap3A_858 = arith.constant 48 : index
          %swap3A_859 = tpu.vector_load %arg10[%swap3A_857, %swap3A_858] {strides = array<i32>} : memref<200x128xf32, #tpu.memory_space<vmem>>, vector<1x16xf32>,
          %swap3A_860 = vector.shape_cast %swap3A_859 : vector<1x16xf32> to vector<16xf32>
          %swap3A_861 = vector.shape_cast %get3A_856 : vector<16xf32> to vector<1x16xf32>
          tpu.vector_store %arg10[%swap3A_857, %swap3A_858], %swap3A_861 {add = true, strides = array<i32>} : memref<200x128xf32, #tpu.memory_space<vmem>>, vector<1x16xf32>,
          %add3A_862 = arith.constant 6 : i32
          %add3A_863 = arith.addi %add3A_187, %add3A_862 : i32
          %add3A_864 = arith.constant 6 : i32
          %add3A_865 = arith.addi %add3A_187, %add3A_864 : i32
          %get3A_866 = arith.index_cast %add3A_865 : i32 to index
          %get3A_867 = arith.constant 64 : index
          %get3A_868 = tpu.vector_load %arg7[%get3A_866, %get3A_867] {strides = array<i32>} : memref<200x128xf32, #tpu.memory_space<vmem>>, vector<1x16xf32>,
          %get3A_869 = vector.shape_cast %get3A_868 : vector<1x16xf32> to vector<16xf32>
          %swap3A_870 = arith.index_cast %add3A_863 : i32 to index
          %swap3A_871 = arith.constant 64 : index
          %swap3A_872 = tpu.vector_load %arg10[%swap3A_870, %swap3A_871] {strides = array<i32>} : memref<200x128xf32, #tpu.memory_space<vmem>>, vector<1x16xf32>,
          %swap3A_873 = vector.shape_cast %swap3A_872 : vector<1x16xf32> to vector<16xf32>
          %swap3A_874 = vector.shape_cast %get3A_869 : vector<16xf32> to vector<1x16xf32>
          tpu.vector_store %arg10[%swap3A_870, %swap3A_871], %swap3A_874 {add = true, strides = array<i32>} : memref<200x128xf32, #tpu.memory_space<vmem>>, vector<1x16xf32>,
          %add3A_875 = arith.constant 6 : i32
          %add3A_876 = arith.addi %add3A_187, %add3A_875 : i32
          %add3A_877 = arith.constant 6 : i32
          %add3A_878 = arith.addi %add3A_187, %add3A_877 : i32
          %get3A_879 = arith.index_cast %add3A_878 : i32 to index
          %get3A_880 = arith.constant 80 : index
          %get3A_881 = tpu.vector_load %arg7[%get3A_879, %get3A_880] {strides = array<i32>} : memref<200x128xf32, #tpu.memory_space<vmem>>, vector<1x16xf32>,
          %get3A_882 = vector.shape_cast %get3A_881 : vector<1x16xf32> to vector<16xf32>
          %swap3A_883 = arith.index_cast %add3A_876 : i32 to index
          %swap3A_884 = arith.constant 80 : index
          %swap3A_885 = tpu.vector_load %arg10[%swap3A_883, %swap3A_884] {strides = array<i32>} : memref<200x128xf32, #tpu.memory_space<vmem>>, vector<1x16xf32>,
          %swap3A_886 = vector.shape_cast %swap3A_885 : vector<1x16xf32> to vector<16xf32>
          %swap3A_887 = vector.shape_cast %get3A_882 : vector<16xf32> to vector<1x16xf32>
          tpu.vector_store %arg10[%swap3A_883, %swap3A_884], %swap3A_887 {add = true, strides = array<i32>} : memref<200x128xf32, #tpu.memory_space<vmem>>, vector<1x16xf32>,
          %add3A_888 = arith.constant 6 : i32
          %add3A_889 = arith.addi %add3A_187, %add3A_888 : i32
          %add3A_890 = arith.constant 6 : i32
          %add3A_891 = arith.addi %add3A_187, %add3A_890 : i32
          %get3A_892 = arith.index_cast %add3A_891 : i32 to index
          %get3A_893 = arith.constant 96 : index
          %get3A_894 = tpu.vector_load %arg7[%get3A_892, %get3A_893] {strides = array<i32>} : memref<200x128xf32, #tpu.memory_space<vmem>>, vector<1x16xf32>,
          %get3A_895 = vector.shape_cast %get3A_894 : vector<1x16xf32> to vector<16xf32>
          %swap3A_896 = arith.index_cast %add3A_889 : i32 to index
          %swap3A_897 = arith.constant 96 : index
          %swap3A_898 = tpu.vector_load %arg10[%swap3A_896, %swap3A_897] {strides = array<i32>} : memref<200x128xf32, #tpu.memory_space<vmem>>, vector<1x16xf32>,
          %swap3A_899 = vector.shape_cast %swap3A_898 : vector<1x16xf32> to vector<16xf32>
          %swap3A_900 = vector.shape_cast %get3A_895 : vector<16xf32> to vector<1x16xf32>
          tpu.vector_store %arg10[%swap3A_896, %swap3A_897], %swap3A_900 {add = true, strides = array<i32>} : memref<200x128xf32, #tpu.memory_space<vmem>>, vector<1x16xf32>,
          %add3A_901 = arith.constant 6 : i32
          %add3A_902 = arith.addi %add3A_187, %add3A_901 : i32
          %add3A_903 = arith.constant 6 : i32
          %add3A_904 = arith.addi %add3A_187, %add3A_903 : i32
          %get3A_905 = arith.index_cast %add3A_904 : i32 to index
          %get3A_906 = arith.constant 112 : index
          %get3A_907 = tpu.vector_load %arg7[%get3A_905, %get3A_906] {strides = array<i32>} : memref<200x128xf32, #tpu.memory_space<vmem>>, vector<1x16xf32>,
          %get3A_908 = vector.shape_cast %get3A_907 : vector<1x16xf32> to vector<16xf32>
          %swap3A_909 = arith.index_cast %add3A_902 : i32 to index
          %swap3A_910 = arith.constant 112 : index
          %swap3A_911 = tpu.vector_load %arg10[%swap3A_909, %swap3A_910] {strides = array<i32>} : memref<200x128xf32, #tpu.memory_space<vmem>>, vector<1x16xf32>,
          %swap3A_912 = vector.shape_cast %swap3A_911 : vector<1x16xf32> to vector<16xf32>
          %swap3A_913 = vector.shape_cast %get3A_908 : vector<16xf32> to vector<1x16xf32>
          tpu.vector_store %arg10[%swap3A_909, %swap3A_910], %swap3A_913 {add = true, strides = array<i32>} : memref<200x128xf32, #tpu.memory_space<vmem>>, vector<1x16xf32>,
          %add3A_914 = arith.constant 7 : i32
          %add3A_915 = arith.addi %add3A_187, %add3A_914 : i32
          %add3A_916 = arith.constant 7 : i32
          %add3A_917 = arith.addi %add3A_187, %add3A_916 : i32
          %get3A_918 = arith.index_cast %add3A_917 : i32 to index
          %get3A_919 = arith.constant 0 : index
          %get3A_920 = tpu.vector_load %arg7[%get3A_918, %get3A_919] {strides = array<i32>} : memref<200x128xf32, #tpu.memory_space<vmem>>, vector<1x16xf32>,
          %get3A_921 = vector.shape_cast %get3A_920 : vector<1x16xf32> to vector<16xf32>
          %swap3A_922 = arith.index_cast %add3A_915 : i32 to index
          %swap3A_923 = arith.constant 0 : index
          %swap3A_924 = tpu.vector_load %arg10[%swap3A_922, %swap3A_923] {strides = array<i32>} : memref<200x128xf32, #tpu.memory_space<vmem>>, vector<1x16xf32>,
          %swap3A_925 = vector.shape_cast %swap3A_924 : vector<1x16xf32> to vector<16xf32>
          %swap3A_926 = vector.shape_cast %get3A_921 : vector<16xf32> to vector<1x16xf32>
          tpu.vector_store %arg10[%swap3A_922, %swap3A_923], %swap3A_926 {add = true, strides = array<i32>} : memref<200x128xf32, #tpu.memory_space<vmem>>, vector<1x16xf32>,
          %add3A_927 = arith.constant 7 : i32
          %add3A_928 = arith.addi %add3A_187, %add3A_927 : i32
          %add3A_929 = arith.constant 7 : i32
          %add3A_930 = arith.addi %add3A_187, %add3A_929 : i32
          %get3A_931 = arith.index_cast %add3A_930 : i32 to index
          %get3A_932 = arith.constant 16 : index
          %get3A_933 = tpu.vector_load %arg7[%get3A_931, %get3A_932] {strides = array<i32>} : memref<200x128xf32, #tpu.memory_space<vmem>>, vector<1x16xf32>,
          %get3A_934 = vector.shape_cast %get3A_933 : vector<1x16xf32> to vector<16xf32>
          %swap3A_935 = arith.index_cast %add3A_928 : i32 to index
          %swap3A_936 = arith.constant 16 : index
          %swap3A_937 = tpu.vector_load %arg10[%swap3A_935, %swap3A_936] {strides = array<i32>} : memref<200x128xf32, #tpu.memory_space<vmem>>, vector<1x16xf32>,
          %swap3A_938 = vector.shape_cast %swap3A_937 : vector<1x16xf32> to vector<16xf32>
          %swap3A_939 = vector.shape_cast %get3A_934 : vector<16xf32> to vector<1x16xf32>
          tpu.vector_store %arg10[%swap3A_935, %swap3A_936], %swap3A_939 {add = true, strides = array<i32>} : memref<200x128xf32, #tpu.memory_space<vmem>>, vector<1x16xf32>,
          %add3A_940 = arith.constant 7 : i32
          %add3A_941 = arith.addi %add3A_187, %add3A_940 : i32
          %add3A_942 = arith.constant 7 : i32
          %add3A_943 = arith.addi %add3A_187, %add3A_942 : i32
          %get3A_944 = arith.index_cast %add3A_943 : i32 to index
          %get3A_945 = arith.constant 32 : index
          %get3A_946 = tpu.vector_load %arg7[%get3A_944, %get3A_945] {strides = array<i32>} : memref<200x128xf32, #tpu.memory_space<vmem>>, vector<1x16xf32>,
          %get3A_947 = vector.shape_cast %get3A_946 : vector<1x16xf32> to vector<16xf32>
          %swap3A_948 = arith.index_cast %add3A_941 : i32 to index
          %swap3A_949 = arith.constant 32 : index
          %swap3A_950 = tpu.vector_load %arg10[%swap3A_948, %swap3A_949] {strides = array<i32>} : memref<200x128xf32, #tpu.memory_space<vmem>>, vector<1x16xf32>,
          %swap3A_951 = vector.shape_cast %swap3A_950 : vector<1x16xf32> to vector<16xf32>
          %swap3A_952 = vector.shape_cast %get3A_947 : vector<16xf32> to vector<1x16xf32>
          tpu.vector_store %arg10[%swap3A_948, %swap3A_949], %swap3A_952 {add = true, strides = array<i32>} : memref<200x128xf32, #tpu.memory_space<vmem>>, vector<1x16xf32>,
          %add3A_953 = arith.constant 7 : i32
          %add3A_954 = arith.addi %add3A_187, %add3A_953 : i32
          %add3A_955 = arith.constant 7 : i32
          %add3A_956 = arith.addi %add3A_187, %add3A_955 : i32
          %get3A_957 = arith.index_cast %add3A_956 : i32 to index
          %get3A_958 = arith.constant 48 : index
          %get3A_959 = tpu.vector_load %arg7[%get3A_957, %get3A_958] {strides = array<i32>} : memref<200x128xf32, #tpu.memory_space<vmem>>, vector<1x16xf32>,
          %get3A_960 = vector.shape_cast %get3A_959 : vector<1x16xf32> to vector<16xf32>
          %swap3A_961 = arith.index_cast %add3A_954 : i32 to index
          %swap3A_962 = arith.constant 48 : index
          %swap3A_963 = tpu.vector_load %arg10[%swap3A_961, %swap3A_962] {strides = array<i32>} : memref<200x128xf32, #tpu.memory_space<vmem>>, vector<1x16xf32>,
          %swap3A_964 = vector.shape_cast %swap3A_963 : vector<1x16xf32> to vector<16xf32>
          %swap3A_965 = vector.shape_cast %get3A_960 : vector<16xf32> to vector<1x16xf32>
          tpu.vector_store %arg10[%swap3A_961, %swap3A_962], %swap3A_965 {add = true, strides = array<i32>} : memref<200x128xf32, #tpu.memory_space<vmem>>, vector<1x16xf32>,
          %add3A_966 = arith.constant 7 : i32
          %add3A_967 = arith.addi %add3A_187, %add3A_966 : i32
          %add3A_968 = arith.constant 7 : i32
          %add3A_969 = arith.addi %add3A_187, %add3A_968 : i32
          %get3A_970 = arith.index_cast %add3A_969 : i32 to index
          %get3A_971 = arith.constant 64 : index
          %get3A_972 = tpu.vector_load %arg7[%get3A_970, %get3A_971] {strides = array<i32>} : memref<200x128xf32, #tpu.memory_space<vmem>>, vector<1x16xf32>,
          %get3A_973 = vector.shape_cast %get3A_972 : vector<1x16xf32> to vector<16xf32>
          %swap3A_974 = arith.index_cast %add3A_967 : i32 to index
          %swap3A_975 = arith.constant 64 : index
          %swap3A_976 = tpu.vector_load %arg10[%swap3A_974, %swap3A_975] {strides = array<i32>} : memref<200x128xf32, #tpu.memory_space<vmem>>, vector<1x16xf32>,
          %swap3A_977 = vector.shape_cast %swap3A_976 : vector<1x16xf32> to vector<16xf32>
          %swap3A_978 = vector.shape_cast %get3A_973 : vector<16xf32> to vector<1x16xf32>
          tpu.vector_store %arg10[%swap3A_974, %swap3A_975], %swap3A_978 {add = true, strides = array<i32>} : memref<200x128xf32, #tpu.memory_space<vmem>>, vector<1x16xf32>,
          %add3A_979 = arith.constant 7 : i32
          %add3A_980 = arith.addi %add3A_187, %add3A_979 : i32
          %add3A_981 = arith.constant 7 : i32
          %add3A_982 = arith.addi %add3A_187, %add3A_981 : i32
          %get3A_983 = arith.index_cast %add3A_982 : i32 to index
          %get3A_984 = arith.constant 80 : index
          %get3A_985 = tpu.vector_load %arg7[%get3A_983, %get3A_984] {strides = array<i32>} : memref<200x128xf32, #tpu.memory_space<vmem>>, vector<1x16xf32>,
          %get3A_986 = vector.shape_cast %get3A_985 : vector<1x16xf32> to vector<16xf32>
          %swap3A_987 = arith.index_cast %add3A_980 : i32 to index
          %swap3A_988 = arith.constant 80 : index
          %swap3A_989 = tpu.vector_load %arg10[%swap3A_987, %swap3A_988] {strides = array<i32>} : memref<200x128xf32, #tpu.memory_space<vmem>>, vector<1x16xf32>,
          %swap3A_990 = vector.shape_cast %swap3A_989 : vector<1x16xf32> to vector<16xf32>
          %swap3A_991 = vector.shape_cast %get3A_986 : vector<16xf32> to vector<1x16xf32>
          tpu.vector_store %arg10[%swap3A_987, %swap3A_988], %swap3A_991 {add = true, strides = array<i32>} : memref<200x128xf32, #tpu.memory_space<vmem>>, vector<1x16xf32>,
          %add3A_992 = arith.constant 7 : i32
          %add3A_993 = arith.addi %add3A_187, %add3A_992 : i32
          %add3A_994 = arith.constant 7 : i32
          %add3A_995 = arith.addi %add3A_187, %add3A_994 : i32
          %get3A_996 = arith.index_cast %add3A_995 : i32 to index
          %get3A_997 = arith.constant 96 : index
          %get3A_998 = tpu.vector_load %arg7[%get3A_996, %get3A_997] {strides = array<i32>} : memref<200x128xf32, #tpu.memory_space<vmem>>, vector<1x16xf32>,
          %get3A_999 = vector.shape_cast %get3A_998 : vector<1x16xf32> to vector<16xf32>
          %swap3A_1000 = arith.index_cast %add3A_993 : i32 to index
          %swap3A_1001 = arith.constant 96 : index
          %swap3A_1002 = tpu.vector_load %arg10[%swap3A_1000, %swap3A_1001] {strides = array<i32>} : memref<200x128xf32, #tpu.memory_space<vmem>>, vector<1x16xf32>,
          %swap3A_1003 = vector.shape_cast %swap3A_1002 : vector<1x16xf32> to vector<16xf32>
          %swap3A_1004 = vector.shape_cast %get3A_999 : vector<16xf32> to vector<1x16xf32>
          tpu.vector_store %arg10[%swap3A_1000, %swap3A_1001], %swap3A_1004 {add = true, strides = array<i32>} : memref<200x128xf32, #tpu.memory_space<vmem>>, vector<1x16xf32>,
          %add3A_1005 = arith.constant 7 : i32
          %add3A_1006 = arith.addi %add3A_187, %add3A_1005 : i32
          %add3A_1007 = arith.constant 7 : i32
          %add3A_1008 = arith.addi %add3A_187, %add3A_1007 : i32
          %get3A_1009 = arith.index_cast %add3A_1008 : i32 to index
          %get3A_1010 = arith.constant 112 : index
          %get3A_1011 = tpu.vector_load %arg7[%get3A_1009, %get3A_1010] {strides = array<i32>} : memref<200x128xf32, #tpu.memory_space<vmem>>, vector<1x16xf32>,
          %get3A_1012 = vector.shape_cast %get3A_1011 : vector<1x16xf32> to vector<16xf32>
          %swap3A_1013 = arith.index_cast %add3A_1006 : i32 to index
          %swap3A_1014 = arith.constant 112 : index
          %swap3A_1015 = tpu.vector_load %arg10[%swap3A_1013, %swap3A_1014] {strides = array<i32>} : memref<200x128xf32, #tpu.memory_space<vmem>>, vector<1x16xf32>,
          %swap3A_1016 = vector.shape_cast %swap3A_1015 : vector<1x16xf32> to vector<16xf32>
          %swap3A_1017 = vector.shape_cast %get3A_1012 : vector<16xf32> to vector<1x16xf32>
          tpu.vector_store %arg10[%swap3A_1013, %swap3A_1014], %swap3A_1017 {add = true, strides = array<i32>} : memref<200x128xf32, #tpu.memory_space<vmem>>, vector<1x16xf32>,
        }
        %scan3A_175 = arith.constant 25 : i32
        %add3A_176 = arith.addi %mul3A_2, %add3A_124 : i32
        %mul3A_177 = arith.constant 200 : i32
        %mul3A_178 = arith.muli %add3A_176, %mul3A_177 : i32
        %dma_start3A_179 = arith.constant 0 : i32
        %dma_start3A_180 = tpu.memref_slice %arg5[%mul3A_178, %dma_start3A_179] : memref<819200x128xf32, #tpu.memory_space<hbm>> -> memref<200x128xf32, #tpu.memory_space<hbm>>
        %dma_start3A_181 = arith.constant 0 : i32
        %dma_start3A_182 = tpu.memref_slice %arg5[%mul3A_178, %dma_start3A_181] : memref<819200x128xf32, #tpu.memory_space<hbm>> -> memref<200x128xf32, #tpu.memory_space<hbm>>
        tpu.enqueue_dma source(%arg10 : memref<200x128xf32, #tpu.memory_space<vmem>>) target(%dma_start3A_182 : memref<200x128xf32, #tpu.memory_space<hbm>>) target_semaphore(%arg16 : memref<!tpu.dma_semaphore, #tpu.memory_space<semaphore_mem>>)
      } else {
      }
    }
    %scan3A_56 = arith.constant 43 : i32
    %dma_wait3A = arith.constant 0 : i32
    %dma_wait3A_57 = arith.constant 0 : i32
    %dma_wait3A_58 = tpu.memref_slice %arg5[%dma_wait3A, %dma_wait3A_57] : memref<819200x128xf32, #tpu.memory_space<hbm>> -> memref<200x128xf32, #tpu.memory_space<hbm>>
    %dma_wait3A_59 = arith.constant 0 : i32
    %dma_wait3A_60 = arith.constant 0 : i32
    %dma_wait3A_61 = tpu.memref_slice %arg5[%dma_wait3A_59, %dma_wait3A_60] : memref<819200x128xf32, #tpu.memory_space<hbm>> -> memref<200x128xf32, #tpu.memory_space<hbm>>
    tpu.wait_dma2 semaphore(%arg14 : memref<!tpu.dma_semaphore, #tpu.memory_space<semaphore_mem>>) src(%arg8 : memref<200x128xf32, #tpu.memory_space<vmem>>) dst(%dma_wait3A_61 : memref<200x128xf32, #tpu.memory_space<hbm>>)
    %dma_wait3A_62 = arith.constant 0 : i32
    %dma_wait3A_63 = arith.constant 0 : i32
    %dma_wait3A_64 = tpu.memref_slice %arg5[%dma_wait3A_62, %dma_wait3A_63] : memref<819200x128xf32, #tpu.memory_space<hbm>> -> memref<200x128xf32, #tpu.memory_space<hbm>>
    %dma_wait3A_65 = arith.constant 0 : i32
    %dma_wait3A_66 = arith.constant 0 : i32
    %dma_wait3A_67 = tpu.memref_slice %arg5[%dma_wait3A_65, %dma_wait3A_66] : memref<819200x128xf32, #tpu.memory_space<hbm>> -> memref<200x128xf32, #tpu.memory_space<hbm>>
    tpu.wait_dma2 semaphore(%arg15 : memref<!tpu.dma_semaphore, #tpu.memory_space<semaphore_mem>>) src(%arg9 : memref<200x128xf32, #tpu.memory_space<vmem>>) dst(%dma_wait3A_67 : memref<200x128xf32, #tpu.memory_space<hbm>>)
    %dma_wait3A_68 = arith.constant 0 : i32
    %dma_wait3A_69 = arith.constant 0 : i32
    %dma_wait3A_70 = tpu.memref_slice %arg5[%dma_wait3A_68, %dma_wait3A_69] : memref<819200x128xf32, #tpu.memory_space<hbm>> -> memref<200x128xf32, #tpu.memory_space<hbm>>
    %dma_wait3A_71 = arith.constant 0 : i32
    %dma_wait3A_72 = arith.constant 0 : i32
    %dma_wait3A_73 = tpu.memref_slice %arg5[%dma_wait3A_71, %dma_wait3A_72] : memref<819200x128xf32, #tpu.memory_space<hbm>> -> memref<200x128xf32, #tpu.memory_space<hbm>>
    tpu.wait_dma2 semaphore(%arg16 : memref<!tpu.dma_semaphore, #tpu.memory_space<semaphore_mem>>) src(%arg10 : memref<200x128xf32, #tpu.memory_space<vmem>>) dst(%dma_wait3A_73 : memref<200x128xf32, #tpu.memory_space<hbm>>)
    return
  }
}

</mosaic_0001>

<sc_bundles>
// kernel: kernel.3.cloned.1.call-start
scs
__scs_entry_jumppad:
0x0: {  	(pc) =	sbr.rel $0x88, $3  }
0x1: {  	(tag) =	ssettag $0x0;
	lr =	simm.s32 $0x1  }
0x2: {  	[smem:$0x3F9E] =	sst lr;
	_ =	strace $0xD0000000  }
0x3: {  	_ = 	snop  }
0x4: {  	_ = 	snop  }
0x5: {  	_ = 	snop  }
0x6: {  	_ = 	snop  }
0x7: {  	_ = 	snop  }
__scs_overlays_trampoline_lowered:
0x8: {  	[smem:$0x3FAD] =	sst s0  }
0x9: {  	[smem:$0x3FAE] =	sst s1  }
0xa: {  	[smem:$0x3FAF] =	sst s2  }
0xb: {  	[smem:$0x3FB0] =	sst s3  }
0xc: {  	[smem:$0x3FB1] =	sst s4  }
0xd: {  	[smem:$0x3FB2] =	sst s5  }
0xe: {  	[smem:$0x3FB3] =	sst s6  }
0xf: {  	[smem:$0x3FB4] =	sst s7  }
0x10: {  	[smem:$0x3FB5] =	sst s8  }
0x11: {  	[smem:$0x3FB6] =	sst s9;
	s0 =	simm.s32 @!p0 $0x0  }
0x12: {  	s1 =	sld [smem:$0x3F9C];
	s0 =	simm.s32 @p0 $0x1  }
0x13: {  	[smem:$0x3FB7] =	sst s0;
	s0 =	simm.s32 @!p1 $0x0  }
0x14: {  	s2 =	sld [smem:$0x3F9B];
	s0 =	simm.s32 @p1 $0x1  }
0x15: {  	[smem:$0x3FB8] =	sst s0;
	s0 =	simm.s32 @!p2 $0x0  }
0x16: {  	s3 =	sld [smem:$0x3FDB];
	s0 =	simm.s32 @p2 $0x1  }
0x17: {  	s4 =	simm.s32 $0x1BF5;
	[smem:$0x3FBA] =	sst s0  }
0x18: {  	s0 =	sld [smem:$0x3F9D];
	_ =	swait.ge [sflag:s4], $0x0  }
0x19: {  	s7 =	sld [smem:$0x3F9E]  }
0x1a: {  	s8 =	sadd.s32 $0xFFFFE003, lr  }
0x1b: {  	s9 =	sadd.s32 $0xFFFFFEF7, lr;
	s5 =	simm.s32 $0xFFFFFFFF;
	p2 =	slt.u32 s8, $0xFFFFF086  }
0x1c: {  	p1 =	slt.u32 s9, $0xF7A;
	s5 =	simm.s32 @!p2 $0x0  }
0x1d: {  	s5 =	simm.s32 @p1 $0x1;
	p0 =	seq.s32 s7, s2  }
0x1e: {  	s7 =	smul.u32 @!p0 $0xF7A, s2;
	p2 =	seq.s32 @!p0 s5, $0x0  }
0x1f: {  	s9 =	smul.u32 $0xF7A, s1;
	s8 =	simm.s32 @!p0 $0x1BF5;
	p2 =	por !p2, p0  }
0x20: {  	[sflag:s8] =	ssyncset.s32 @!p0 $0xFFFFF086;
	s6 =	sadd.s32 @!p0 s3, s7;
	s7 =	simm.s32 @!p0 $0x108  }
0x21: {  	s3 =	sadd.s32 s3, s9;
	s6 =	sadd.s32 @!p0 $0x88, s6;
	s7 =	simm.s32 @p2 $0x1082  }
0x22: {  	[simem:s7], [sflag:s8] =	dma.local @!p0 [hbm:s6], $0xF7A  }
0x23: {  	s9 =	sor.u32 $0xD0000000, s2;
	s6 =	simm.s32 $0x108;
	_ =	swait.ge @!p0 [sflag:s8], $0x0  }
0x24: {  	s3 =	sadd.s32 $0x88, s3;
	s6 =	simm.s32 @!p1 $0x1082;
	[sflag:s4] =	ssyncset.s32 $0xFFFFF086  }
0x25: {  	[simem:s6], [sflag:s4] =	dma.local [hbm:s3], $0xF7A  }
0x26: {  	[smem:$0x3F9E] =	sst s1;
	(tag) =	ssettag s2;
	_ =	strace s9  }
0x27: {  	s1 =	sld [smem:$0x3FAE]  }
0x28: {  	s2 =	sld [smem:$0x3FAF]  }
0x29: {  	s4 =	sld [smem:$0x3FB1]  }
0x2a: {  	p0 =	seq.s32 s5, $0x0;
	s5 =	sld [smem:$0x3FB2]  }
0x2b: {  	s6 =	sld [smem:$0x3FB3]  }
0x2c: {  	s7 =	sld [smem:$0x3FB4]  }
0x2d: {  	s3 =	simm.s32 $0x108;
	s8 =	sld [smem:$0x3FB5]  }
0x2e: {  	s3 =	simm.s32 @!p0 $0x1082;
	s9 =	sld [smem:$0x3FB6]  }
0x2f: {  	lr =	sadd.s32 s0, s3;
	s0 =	sld [smem:$0x3FAD]  }
0x30: {  	s3 =	sld [smem:$0x3FB0]  }
0x31: {  	[smem:$0x3FB9] =	sst s10  }
0x32: {  	s10 =	sld [smem:$0x3FB7];
	_ =	sdelay $0x3  }
0x33: {  	p0 =	seq.s32 s10, $0x1;
	s10 =	sld [smem:$0x3FB9];
	_ =	sdelay $0x3  }
0x34: {  	[smem:$0x3FB9] =	sst s10  }
0x35: {  	s10 =	sld [smem:$0x3FB8];
	_ =	sdelay $0x3  }
0x36: {  	p1 =	seq.s32 s10, $0x1;
	s10 =	sld [smem:$0x3FB9];
	_ =	sdelay $0x3  }
0x37: {  	[smem:$0x3FB9] =	sst s10  }
0x38: {  	s10 =	sld [smem:$0x3FBA]  }
0x39: {  	_ = 	snop;
	(pc) =	sbr.ind lr, $3  }
0x3a: {  	_ = 	snop  }
0x3b: {  	_ = 	snop  }
0x3c: {  	p2 =	seq.s32 s10, $0x1;
	s10 =	sld [smem:$0x3FB9]  }
0x3d: {  	_ =	shalt  }
0x3e: {  	_ =	shalt  }
0x3f: {  	_ =	shalt  }
0x40: {  	_ =	shalt  }
0x41: {  	_ =	shalt  }
0x42: {  	_ =	shalt  }
0x43: {  	_ =	shalt  }
0x44: {  	_ =	shalt  }
0x45: {  	_ =	shalt  }
0x46: {  	_ =	shalt  }
0x47: {  	_ =	shalt  }
0x48: {  	_ =	shalt  }
0x49: {  	_ =	shalt  }
0x4a: {  	_ =	shalt  }
0x4b: {  	_ =	shalt  }
0x4c: {  	_ =	shalt  }
0x4d: {  	_ =	shalt  }
0x4e: {  	_ =	shalt  }
0x4f: {  	_ =	shalt  }
0x50: {  	_ =	shalt  }
0x51: {  	_ =	shalt  }
0x52: {  	_ =	shalt  }
0x53: {  	_ =	shalt  }
0x54: {  	_ =	shalt  }
0x55: {  	_ =	shalt  }
0x56: {  	_ =	shalt  }
0x57: {  	_ =	shalt  }
0x58: {  	_ =	shalt  }
0x59: {  	_ =	shalt  }
0x5a: {  	_ =	shalt  }
0x5b: {  	_ =	shalt  }
0x5c: {  	_ =	shalt  }
0x5d: {  	_ =	shalt  }
0x5e: {  	_ =	shalt  }
0x5f: {  	_ =	shalt  }
0x60: {  	_ =	shalt  }
0x61: {  	_ =	shalt  }
0x62: {  	_ =	shalt  }
0x63: {  	_ =	shalt  }
0x64: {  	_ =	shalt  }
0x65: {  	_ =	shalt  }
0x66: {  	_ =	shalt  }
0x67: {  	_ =	shalt  }
0x68: {  	_ =	shalt  }
0x69: {  	_ =	shalt  }
0x6a: {  	_ =	shalt  }
0x6b: {  	_ =	shalt  }
0x6c: {  	_ =	shalt  }
0x6d: {  	_ =	shalt  }
0x6e: {  	_ =	shalt  }
0x6f: {  	_ =	shalt  }
0x70: {  	_ =	shalt  }
0x71: {  	_ =	shalt  }
0x72: {  	_ =	shalt  }
0x73: {  	_ =	shalt  }
0x74: {  	_ =	shalt  }
0x75: {  	_ =	shalt  }
0x76: {  	_ =	shalt  }
0x77: {  	_ =	shalt  }
0x78: {  	_ =	shalt  }
0x79: {  	_ =	shalt  }
0x7a: {  	_ =	shalt  }
0x7b: {  	_ =	shalt  }
0x7c: {  	_ =	shalt  }
0x7d: {  	_ =	shalt  }
0x7e: {  	_ =	shalt  }
0x7f: {  	_ =	shalt  }
0x80: {  	_ =	shalt  }
0x81: {  	_ =	shalt  }
0x82: {  	_ =	shalt  }
0x83: {  	_ =	shalt  }
0x84: {  	_ =	shalt  }
0x85: {  	_ =	shalt  }
0x86: {  	_ =	shalt  }
0x87: {  	_ =	shalt  }
.Lfunc_end0:
.L_simem_size_0:
called_computation_lowered:
.L_overlay_start_0:
0x88: {  	s2 =	sld [smem:$0x3FD9]  }
0x89: {  	s3 =	sld [smem:$0x3FFE];
	_ =	sdelay $0x1  }
0x8a: {  	s1 =	srdreg.scid  }
0x8b: {  	s0 =	sand.u32 $0x1, s1  }
0x8c: {  	s17 =	sshll.u32 s0, $0xA;
	s2 =	sadd.s32 s3, s2  }
0x8d: {  	s2 =	sadd.s32 s2, s17  }
0x8e: {  	[smem:$0x3FC5] =	sst s2  }
0x8f: {  	_ = 	snop  }
0x90: {  	s2 =	sld [smem:$0x3FC8]  }
0x91: {  	s18 =	sld [smem:$0x3FC7]  }
0x92: {  	s4 =	sld [smem:$0x3FD0];
	(tm) =	ssettm $0x1  }
0x93: {  	s5 =	sld [smem:$0x3FFB];
	_ =	sdelay $0x3  }
0x94: {  	_ =	strace s5  }
0x95: {  	s5 =	sld [smem:$0x3FFC];
	_ =	sdelay $0x3  }
0x96: {  	_ =	strace s5  }
0x97: {  	s5 =	sld [smem:$0x3FFD];
	_ =	sdelay $0x3  }
0x98: {  	_ =	strace s5  }
0x99: {  	_ =	strace $0x8FFFFFFF  }
0x9a: {  	s19 =	sld [smem:$0x3FDB];
	_ =	sdelay $0x1  }
0x9b: {  	s6 =	simm.s32 $_scs_section_size  }
0x9c: {  	s7 =	simm.s32 $_size__tile_overlayer_lowered;
	s8 =	simm.s32 $_tile_overlayer_lowered  }
0x9d: {  	s22 =	simm.s32 $0x1BFF;
	s21 =	sshll.u32 s8, $0x1;
	s5 =	sadd.s32 s6, s19  }
0x9e: {  	s9 =	simm.s32 $0x0;
	s20 =	sshll.u32 s7, $0x1;
	s7 =	sadd.s32 s21, s5  }
0x9f: {  	[timem:s9], [sflag:s22] =	dma.local [hbm:s7], s20  }
0xa0: {  	_ =	swait.ge [sflag:s22], s20  }
0xa1: {  	s6 =	ssub.s32 $0x0, s20;
	[sflag:s22] =	ssyncset.done $0x0  }
0xa2: {  	[sflag:s22] =	ssyncadd.s32 s6;
	_ =	sdelay $0x1  }
0xa3: {  	s23 =	simm.s32 $0x1B8B  }
0xa4: {  	_ =	swait.ge [sflag:s23], $0x1  }
0xa5: {  	[sflag:s23] =	ssyncset.done $0x0  }
0xa6: {  	s25 =	simm.s32 $0x1B8E;
	s24 =	sld [smem:$0x3FFE];
	[sflag:s23] =	ssyncadd.s32 $0xFFFFFFFF  }
0xa7: {  	s26 =	simm.s32 $execute0_lowered;
	[smem:$0x3FD2] =	sst s25  }
0xa8: {  	s7 =	sshll.u32 s26, $0x1;
	_ =	strace $0x80000046;
	[dreg:$0x1] =	wrdreg $0xFFFFFFFF  }
0xa9: {  	s28 =	simm.s32 $_size_execute0_lowered;
	s5 =	sadd.s32 s5, s7;
	[dreg:$0x0] =	wrdreg $0x0  }
0xaa: {  	s7 =	sshll.u32 s28, $0x1;
	[dreg:$0x2] =	wrdreg s5  }
0xab: {  	[dreg:$0x3] =	wrdreg s7  }
0xac: {  	[dreg:$0x4] =	wrdreg $0xC0  }
0xad: {  	_ =	task [dreg:s9], $0x5FFFF  }
0xae: {  	[dreg:$0x1] =	wrdreg $0xFFFFFFFF  }
0xaf: {  	[dreg:$0x0] =	wrdreg $0x60  }
0xb0: {  	[dreg:$0x2] =	wrdreg s2  }
0xb1: {  	[dreg:$0x3] =	wrdreg s24  }
0xb2: {  	[dreg:$0x4] =	wrdreg s18  }
0xb3: {  	[dreg:$0x5] =	wrdreg s4  }
0xb4: {  	[dreg:$0x6] =	wrdreg $0x9  }
0xb5: {  	_ =	task.clear_ibuf [dreg:s9], $0x7FFFF;
	_ =	strace $0x90000046  }
0xb6: {  	s29 =	simm.s32 $0x9;
	_ =	strace $0x80000048  }
0xb7: {  	_ =	swait.ge [sflag:s29], $0x1  }
0xb8: {  	[sflag:s29] =	ssyncadd.s32 $0xFFFFFFFF  }
0xb9: {  	_ =	strace $0x90000048  }
0xba: {  	_ =	sfence  }
0xbb: {  	s30 =	sld [smem:$0x0];
	_ =	sdelay $0x2  }
0xbc: {  	s31 =	sshll.u32 s1, $0xD;
	s1 =	sshrl.u32 s1, $0x2  }
0xbd: {  	s3 =	sand.u32 $0x4000, s31;
	s1 =	sadd.s32 s1, s30  }
0xbe: {  	s0 =	sor.u32 s3, s0;
	s1 =	sshll.u32 s1, $0x11  }
0xbf: {  	s0 =	sor.u32 s1, s0  }
0xc0: {  	s0 =	sadd.s32 $0x8F2B, s0  }
0xc1: {  	[sflag:s0] =	ssyncadd.remote.s32 $0x1  }
0xc2: {  	_ =	sfence.sel $0xFFFF  }
0xc3: {  	[dreg:$0x0] =	wrdreg $0xFFFFFFFF;
	(pc) =	sbr.abs _section_cstart, $3  }
0xc4: {  	[dreg:$0x1] =	wrdreg $0xFFFFFFFF  }
0xc5: {  	_ =	task.clear_ibuf [dreg:s9], $0x2FFFF;
	_ =	strace $0x9FFFFFFF  }
0xc6: {  	(tm) =	ssettm $0x7FFFFFFF  }
0xc7: {  	_ =	shalt  }
tec
execute0_lowered:
.L_overlay_start_1:
0x0: {  	(tag) =	ssettag $0x1  }
0x1: {  	s1 =	rddreg [dreg:$0x0]  }
0x2: {  	s0 =	rddreg [dreg:$0x1];
	s2 =	srdreg.scid  }
0x3: {  	s3 =	stileid.u32;
	s4 =	rddreg [dreg:$0x3]  }
0x4: {  	s5 =	simm.s32 $0x0;
	s10 =	simm.s32 $0x8;
	s12 =	simm.s32 $0x64  }
0x5: {  	s13 =	simm.s32 $0xA800;
	s15 =	simm.s32 $0xDA00;
	s16 =	simm.s32 $0x100  }
0x6: {  	s17 =	simm.s32 $0x10C00;
	s18 =	simm.s32 $0x180;
	s19 =	simm.s32 $0x13E00  }
0x7: {  	s20 =	simm.s32 $0x17000;
	s21 =	simm.s32 $0x1A200;
	s22 =	simm.s32 $0x1  }
0x8: {  	s23 =	simm.s32 $0x2;
	s24 =	simm.s32 $0x4;
	s25 =	simm.s32 $0x5  }
0x9: {  	s26 =	simm.s32 $0x6;
	s28 =	simm.s32 $0x3;
	s29 =	simm.s32 $0x0  }
.Ltmp0:
0xa: {  	s2 =	sand.u32 $0x1, s2;
	s3 =	sshll.u32 s3, $0x1;
	(pc) =	sbr.rel .LBB2_1-.Ltmp0, $4  }
0xb: {  	[smem:$0x7FF] =	sst s5;
	s3 =	sor.u32 s2, s3;
	s2 =	ssub.s32 $0x2, s2  }
0xc: {  	_ =	strace $0x80000047;
	s6 =	sshll.u32 s3, $0xC;
	s31 =	sshrl.u32 s2, $0x1  }
0xd: {  	s0 =	sadd.s32 s6, s0;
	s2 =	ssub.s32 s2, s31;
	s6 =	sshll.u32 s3, $0x7  }
0xe: {  	s7 =	sadd.s32 $0x400, s0;
	s8 =	sadd.s32 $0xC80, s0;
	s9 =	smax.u32 s2, $0x1  }
.LBB2_16:
0xf: {  	_ =	swait.ge [sflag:s24], $0x6400  }
0x10: {  	[sflag:s24] =	ssyncset.done $0x0  }
0x11: {  	s29 =	sadd.s32 $0x1, s29;
	[sflag:s24] =	ssyncadd.s32 $0xFFFF9C00  }
0x12: {  	p0 =	sne.s32 s29, s9;
	_ =	swait.ge [sflag:s25], $0x6400  }
.Ltmp1:
0x13: {  	[sflag:s25] =	ssyncset.done $0x0;
	(pc) =	sbr.rel @!p0 .LBB2_17-.Ltmp1, $4  }
0x14: {  	[sflag:s25] =	ssyncadd.s32 $0xFFFF9C00  }
0x15: {  	_ =	swait.ge [sflag:s26], $0x6400  }
0x16: {  	[sflag:s26] =	ssyncset.done $0x0  }
0x17: {  	[sflag:s26] =	ssyncadd.s32 $0xFFFF9C00  }
.LBB2_1:
0x18: {  	[tilespmem:s5], [sflag:$0x8] =	stream.linear.gather [hbm4b:s7+s5], $0x4400, $0x38;
	[tilespmem:$0x1D400] =	vst v63  }
0x19: {  	_ =	swait.ge [sflag:s10], $0x4400  }
0x1a: {  	[sflag:s10] =	ssyncset.done $0x0  }
0x1b: {  	[sflag:s10] =	ssyncadd.s32 $0xFFFFBC00  }
0x1c: {  	s2 =	simm.s32 $0x4400;
	s0 =	rddreg [dreg:$0x2]  }
0x1d: {  	[tilespmem:s2], [sflag:$0x8] =	stream.linear.gather [hbm4b:s0+s5], $0x6400, $0x38;
	[tilespmem:$0x1D400] =	vst v63  }
0x1e: {  	_ =	swait.ge [sflag:s10], $0x6400  }
0x1f: {  	[sflag:s10] =	ssyncset.done $0x0  }
0x20: {  	[sflag:s10] =	ssyncadd.s32 $0xFFFF9C00  }
0x21: {  	[tilespmem:s13], [sflag:$0x1] =	stream.indirect.gather [hbm4b:s1+s12], $0x80, s5, s12, $0xb8;
	[tilespmem:$0x1D400] =	vst v63  }
0x22: {  	s31 =	simm.s32 $0x80  }
0x23: {  	[tilespmem:s15], [sflag:$0x1] =	stream.indirect.gather [hbm4b:s1+s12], $0x80, s31, s12, $0xb8;
	[tilespmem:$0x1D400] =	vst v63  }
.Ltmp2:
0x24: {  	_ = 	snop;
	(pc) =	sbr.rel .LBB2_2-.Ltmp2, $4  }
0x25: {  	_ = 	snop  }
0x26: {  	[tilespmem:s17], [sflag:$0x2] =	stream.indirect.gather [hbm4b:s1+s12], $0x80, s16, s12, $0xb8;
	[tilespmem:$0x1D400] =	vst v63  }
0x27: {  	s30 =	simm.s32 $0x0  }
0x28: {  	[tilespmem:s19], [sflag:$0x2] =	stream.indirect.gather [hbm4b:s1+s12], $0x80, s18, s12, $0xb8;
	[tilespmem:$0x1D400] =	vst v63  }
.LBB2_15:
0x29: {  	s30 =	sadd.s32 $0x1, s30  }
0x2a: {  	p0 =	sne.s32 s30, $0x2B  }
.Ltmp3:
0x2b: {  	_ = 	snop;
	(pc) =	sbr.rel @!p0 .LBB2_16-.Ltmp3, $1  }
0x2c: {  	_ =	sdelay $0x3  }
.LBB2_2:
0x2d: {  	p0 =	seq.s32 s30, $0x0  }
.Ltmp4:
0x2e: {  	_ = 	snop;
	(pc) =	sbr.rel @p0 .LBB2_6-.Ltmp4, $3  }
0x2f: {  	_ = 	snop  }
0x30: {  	s2 =	smul.u32 $0x3, s30;
	_ =	sdelay $0x1  }
0x31: {  	s31 =	sadd.s32 $0x2, s2  }
0x32: {  	p0 =	seq.s32 s30, $0x2A  }
.Ltmp5:
0x33: {  	_ = 	snop;
	(pc) =	sbr.rel @p0 .LBB2_4-.Ltmp5, $1  }
0x34: {  	_ =	sdelay $0x3  }
0x35: {  	p0 =	sne.s32 s30, $0x14  }
0x36: {  	s0 =	simm.s32 @!p0 $0x0  }
0x37: {  	[tilespmem:s0], [sflag:$0x7] =	stream.linear.gather @!p0 [hbm4b:s8+s0], $0x3C00, $0x38;
	[tilespmem:$0x1D400] =	vst v63  }
0x38: {  	_ =	swait.ge [sflag:s26], $0x6400  }
0x39: {  	[sflag:s26] =	ssyncset.done $0x0  }
0x3a: {  	[sflag:s26] =	ssyncadd.s32 $0xFFFF9C00  }
.LBB2_6:
0x3b: {  	p0 =	sne.s32 s31, $0x44  }
0x3c: {  	p1 =	sgt.u32 s30, $0x15;
	s3 =	simm.s32 $0xFFFFBC00;
	s0 =	simm.s32 @!p0 $0x7  }
0x3d: {  	s11 =	sshll.u32 s31, $0x8;
	s3 =	simm.s32 @!p1 $0x0;
	_ =	swait.ge @!p0 [sflag:s0], $0x3C00  }
.Ltmp6:
0x3e: {  	s11 =	sand.u32 $0x3FFFFF00, s11;
	[sflag:s0] =	ssyncset.done @!p0 $0x0;
	(pc) =	sbr.rel .LBB2_7-.Ltmp6, $4  }
0x3f: {  	s14 =	sadd.s32 s11, s3;
	[sflag:s0] =	ssyncadd.s32 @!p0 $0xFFFFC400  }
0x40: {  	[tilespmem:s20], [sflag:$0x3] =	stream.indirect.gather [hbm4b:s1+s12], $0x80, s14, s12, $0xb8;
	[tilespmem:$0x1D400] =	vst v63  }
0x41: {  	s0 =	sor.u32 $0x80, s14;
	p0 =	por $0x0, $0x0  }
0x42: {  	[tilespmem:s21], [sflag:$0x3] =	stream.indirect.gather [hbm4b:s1+s12], $0x80, s0, s12, $0xb8;
	[tilespmem:$0x1D400] =	vst v63  }
.LBB2_4:
0x43: {  	p0 =	por $0x1, $0x1  }
.LBB2_7:
0x44: {  	_ =	swait.ge [sflag:s22], $0x3200  }
0x45: {  	[sflag:s22] =	ssyncset.done $0x0  }
0x46: {  	[sflag:s22] =	ssyncadd.s32 $0xFFFFCE00  }
0x47: {  	_ =	swait.ge [sflag:s22], $0x3200  }
0x48: {  	[sflag:s22] =	ssyncset.done $0x0  }
0x49: {  	s0 =	simm.s32 $0x0;
	s3 =	simm.s32 $0x1000;
	[sflag:s22] =	ssyncadd.s32 $0xFFFFCE00  }
.LBB2_8:
0x4a: {  	p1 =	sne.s32 s3, $0x18000;
	v0 =	vld [tilespmem:s0+$0x47F0]  }
0x4b: {  	v1 =	vld [tilespmem:s0+$0x4400]  }
0x4c: {  	v2 =	vld [tilespmem:s0+$0x4410]  }
0x4d: {  	v3 =	vld [tilespmem:s0+$0x4420]  }
0x4e: {  	v4 =	vld [tilespmem:s0+$0x4430]  }
0x4f: {  	[tilespmem:s0+$0xABF0] =	vst.add.f32.msk $0xffff, v0  }
0x50: {  	v0 =	vld [tilespmem:s0+$0x4440]  }
0x51: {  	v5 =	vld [tilespmem:s0+$0x4450]  }
0x52: {  	v6 =	vld [tilespmem:s0+$0x4460]  }
0x53: {  	v7 =	vld [tilespmem:s0+$0x4470]  }
0x54: {  	v8 =	vld [tilespmem:s0+$0x4480]  }
0x55: {  	v9 =	vld [tilespmem:s0+$0x4490]  }
0x56: {  	v10 =	vld [tilespmem:s0+$0x44A0]  }
0x57: {  	v11 =	vld [tilespmem:s0+$0x44B0]  }
0x58: {  	v12 =	vld [tilespmem:s0+$0x44C0]  }
0x59: {  	v13 =	vld [tilespmem:s0+$0x44D0]  }
0x5a: {  	v14 =	vld [tilespmem:s0+$0x44E0]  }
0x5b: {  	v15 =	vld [tilespmem:s0+$0x44F0]  }
0x5c: {  	v16 =	vld [tilespmem:s0+$0x4500]  }
0x5d: {  	v17 =	vld [tilespmem:s0+$0x4510]  }
0x5e: {  	v18 =	vld [tilespmem:s0+$0x4520]  }
0x5f: {  	v19 =	vld [tilespmem:s0+$0x4530]  }
0x60: {  	v20 =	vld [tilespmem:s0+$0x4540]  }
0x61: {  	v21 =	vld [tilespmem:s0+$0x4550]  }
0x62: {  	v22 =	vld [tilespmem:s0+$0x4560]  }
0x63: {  	v23 =	vld [tilespmem:s0+$0x4570]  }
0x64: {  	v24 =	vld [tilespmem:s0+$0x4580]  }
0x65: {  	v25 =	vld [tilespmem:s0+$0x4590]  }
0x66: {  	v26 =	vld [tilespmem:s0+$0x45A0]  }
0x67: {  	v27 =	vld [tilespmem:s0+$0x45B0]  }
0x68: {  	v28 =	vld [tilespmem:s0+$0x45C0]  }
0x69: {  	v29 =	vld [tilespmem:s0+$0x45D0]  }
0x6a: {  	v30 =	vld [tilespmem:s0+$0x45E0]  }
0x6b: {  	v31 =	vld [tilespmem:s0+$0x45F0]  }
0x6c: {  	v32 =	vld [tilespmem:s0+$0x4600]  }
0x6d: {  	v33 =	vld [tilespmem:s0+$0x4610]  }
0x6e: {  	v34 =	vld [tilespmem:s0+$0x4620]  }
0x6f: {  	v35 =	vld [tilespmem:s0+$0x4630]  }
0x70: {  	v36 =	vld [tilespmem:s0+$0x4640]  }
0x71: {  	v37 =	vld [tilespmem:s0+$0x4650]  }
0x72: {  	v38 =	vld [tilespmem:s0+$0x4660]  }
0x73: {  	v39 =	vld [tilespmem:s0+$0x4670]  }
0x74: {  	v40 =	vld [tilespmem:s0+$0x4680]  }
0x75: {  	v41 =	vld [tilespmem:s0+$0x4690]  }
0x76: {  	v42 =	vld [tilespmem:s0+$0x46A0]  }
0x77: {  	v43 =	vld [tilespmem:s0+$0x46B0]  }
0x78: {  	v44 =	vld [tilespmem:s0+$0x46C0]  }
0x79: {  	v45 =	vld [tilespmem:s0+$0x46D0]  }
0x7a: {  	v46 =	vld [tilespmem:s0+$0x46E0]  }
0x7b: {  	v47 =	vld [tilespmem:s0+$0x46F0]  }
0x7c: {  	v48 =	vld [tilespmem:s0+$0x4700]  }
0x7d: {  	v49 =	vld [tilespmem:s0+$0x4710]  }
0x7e: {  	v50 =	vld [tilespmem:s0+$0x4720]  }
0x7f: {  	v51 =	vld [tilespmem:s0+$0x4730]  }
0x80: {  	v52 =	vld [tilespmem:s0+$0x4740]  }
0x81: {  	v53 =	vld [tilespmem:s0+$0x4750]  }
0x82: {  	v54 =	vld [tilespmem:s0+$0x4760]  }
0x83: {  	v55 =	vld [tilespmem:s0+$0x4770]  }
0x84: {  	v56 =	vld [tilespmem:s0+$0x4780]  }
0x85: {  	v57 =	vld [tilespmem:s0+$0x4790]  }
0x86: {  	v58 =	vld [tilespmem:s0+$0x47A0]  }
0x87: {  	v59 =	vld [tilespmem:s0+$0x47B0]  }
0x88: {  	v60 =	vld [tilespmem:s0+$0x47C0]  }
0x89: {  	v61 =	vld [tilespmem:s0+$0x47D0]  }
0x8a: {  	v62 =	vld [tilespmem:s0+$0x47E0]  }
0x8b: {  	[tilespmem:s0+$0xA800] =	vst.add.f32.msk $0xffff, v1  }
0x8c: {  	[tilespmem:s0+$0xA810] =	vst.add.f32.msk $0xffff, v2  }
0x8d: {  	[tilespmem:s0+$0xA820] =	vst.add.f32.msk $0xffff, v3  }
0x8e: {  	[tilespmem:s0+$0xA830] =	vst.add.f32.msk $0xffff, v4  }
0x8f: {  	[tilespmem:s0+$0xA840] =	vst.add.f32.msk $0xffff, v0  }
0x90: {  	[tilespmem:s0+$0xA850] =	vst.add.f32.msk $0xffff, v5  }
0x91: {  	[tilespmem:s0+$0xA860] =	vst.add.f32.msk $0xffff, v6  }
0x92: {  	[tilespmem:s0+$0xA870] =	vst.add.f32.msk $0xffff, v7  }
0x93: {  	[tilespmem:s0+$0xA880] =	vst.add.f32.msk $0xffff, v8  }
0x94: {  	[tilespmem:s0+$0xA890] =	vst.add.f32.msk $0xffff, v9  }
0x95: {  	[tilespmem:s0+$0xA8A0] =	vst.add.f32.msk $0xffff, v10  }
0x96: {  	[tilespmem:s0+$0xA8B0] =	vst.add.f32.msk $0xffff, v11  }
0x97: {  	[tilespmem:s0+$0xA8C0] =	vst.add.f32.msk $0xffff, v12  }
0x98: {  	[tilespmem:s0+$0xA8D0] =	vst.add.f32.msk $0xffff, v13  }
0x99: {  	[tilespmem:s0+$0xA8E0] =	vst.add.f32.msk $0xffff, v14  }
0x9a: {  	[tilespmem:s0+$0xA8F0] =	vst.add.f32.msk $0xffff, v15  }
0x9b: {  	[tilespmem:s0+$0xA900] =	vst.add.f32.msk $0xffff, v16  }
0x9c: {  	[tilespmem:s0+$0xA910] =	vst.add.f32.msk $0xffff, v17  }
0x9d: {  	[tilespmem:s0+$0xA920] =	vst.add.f32.msk $0xffff, v18  }
0x9e: {  	[tilespmem:s0+$0xA930] =	vst.add.f32.msk $0xffff, v19  }
0x9f: {  	[tilespmem:s0+$0xA940] =	vst.add.f32.msk $0xffff, v20  }
0xa0: {  	[tilespmem:s0+$0xA950] =	vst.add.f32.msk $0xffff, v21  }
0xa1: {  	[tilespmem:s0+$0xA960] =	vst.add.f32.msk $0xffff, v22  }
0xa2: {  	[tilespmem:s0+$0xA970] =	vst.add.f32.msk $0xffff, v23  }
0xa3: {  	[tilespmem:s0+$0xA980] =	vst.add.f32.msk $0xffff, v24  }
0xa4: {  	[tilespmem:s0+$0xA990] =	vst.add.f32.msk $0xffff, v25  }
0xa5: {  	[tilespmem:s0+$0xA9A0] =	vst.add.f32.msk $0xffff, v26  }
0xa6: {  	[tilespmem:s0+$0xA9B0] =	vst.add.f32.msk $0xffff, v27  }
0xa7: {  	[tilespmem:s0+$0xA9C0] =	vst.add.f32.msk $0xffff, v28  }
0xa8: {  	[tilespmem:s0+$0xA9D0] =	vst.add.f32.msk $0xffff, v29  }
0xa9: {  	[tilespmem:s0+$0xA9E0] =	vst.add.f32.msk $0xffff, v30  }
0xaa: {  	[tilespmem:s0+$0xA9F0] =	vst.add.f32.msk $0xffff, v31  }
0xab: {  	[tilespmem:s0+$0xAA00] =	vst.add.f32.msk $0xffff, v32  }
0xac: {  	[tilespmem:s0+$0xAA10] =	vst.add.f32.msk $0xffff, v33  }
0xad: {  	[tilespmem:s0+$0xAA20] =	vst.add.f32.msk $0xffff, v34  }
0xae: {  	[tilespmem:s0+$0xAA30] =	vst.add.f32.msk $0xffff, v35  }
0xaf: {  	[tilespmem:s0+$0xAA40] =	vst.add.f32.msk $0xffff, v36  }
0xb0: {  	[tilespmem:s0+$0xAA50] =	vst.add.f32.msk $0xffff, v37  }
0xb1: {  	[tilespmem:s0+$0xAA60] =	vst.add.f32.msk $0xffff, v38  }
0xb2: {  	[tilespmem:s0+$0xAA70] =	vst.add.f32.msk $0xffff, v39  }
0xb3: {  	[tilespmem:s0+$0xAA80] =	vst.add.f32.msk $0xffff, v40  }
0xb4: {  	[tilespmem:s0+$0xAA90] =	vst.add.f32.msk $0xffff, v41  }
0xb5: {  	[tilespmem:s0+$0xAAA0] =	vst.add.f32.msk $0xffff, v42  }
0xb6: {  	[tilespmem:s0+$0xAAB0] =	vst.add.f32.msk $0xffff, v43  }
0xb7: {  	[tilespmem:s0+$0xAAC0] =	vst.add.f32.msk $0xffff, v44  }
0xb8: {  	[tilespmem:s0+$0xAAD0] =	vst.add.f32.msk $0xffff, v45  }
0xb9: {  	[tilespmem:s0+$0xAAE0] =	vst.add.f32.msk $0xffff, v46  }
0xba: {  	[tilespmem:s0+$0xAAF0] =	vst.add.f32.msk $0xffff, v47  }
0xbb: {  	[tilespmem:s0+$0xAB00] =	vst.add.f32.msk $0xffff, v48  }
0xbc: {  	[tilespmem:s0+$0xAB10] =	vst.add.f32.msk $0xffff, v49  }
0xbd: {  	[tilespmem:s0+$0xAB20] =	vst.add.f32.msk $0xffff, v50  }
0xbe: {  	[tilespmem:s0+$0xAB30] =	vst.add.f32.msk $0xffff, v51  }
0xbf: {  	[tilespmem:s0+$0xAB40] =	vst.add.f32.msk $0xffff, v52  }
0xc0: {  	[tilespmem:s0+$0xAB50] =	vst.add.f32.msk $0xffff, v53  }
0xc1: {  	[tilespmem:s0+$0xAB60] =	vst.add.f32.msk $0xffff, v54  }
0xc2: {  	[tilespmem:s0+$0xAB70] =	vst.add.f32.msk $0xffff, v55  }
0xc3: {  	[tilespmem:s0+$0xAB80] =	vst.add.f32.msk $0xffff, v56  }
0xc4: {  	[tilespmem:s0+$0xAB90] =	vst.add.f32.msk $0xffff, v57  }
.Ltmp7:
0xc5: {  	[tilespmem:s0+$0xABA0] =	vst.add.f32.msk $0xffff, v58;
	(pc) =	sbr.rel @p1 .LBB2_8-.Ltmp7, $4  }
0xc6: {  	[tilespmem:s0+$0xABB0] =	vst.add.f32.msk $0xffff, v59  }
0xc7: {  	[tilespmem:s0+$0xABC0] =	vst.add.f32.msk $0xffff, v60  }
0xc8: {  	[tilespmem:s0+$0xABD0] =	vst.add.f32.msk $0xffff, v61  }
0xc9: {  	[tilespmem:s0+$0xABE0] =	vst.add.f32.msk $0xffff, v62;
	s0 =	sshra.s32 s3, $0x2;
	s3 =	sadd.s32 $0x1000, s3  }
0xca: {  	v0 =	vld [tilespmem:s0+$0x47F0]  }
0xcb: {  	v1 =	vld [tilespmem:s0+$0x4400]  }
0xcc: {  	v2 =	vld [tilespmem:s0+$0x4410]  }
0xcd: {  	v3 =	vld [tilespmem:s0+$0x4420]  }
0xce: {  	v4 =	vld [tilespmem:s0+$0x4430]  }
0xcf: {  	v5 =	vld [tilespmem:s0+$0x4450]  }
0xd0: {  	v6 =	vld [tilespmem:s0+$0x4460]  }
0xd1: {  	v7 =	vld [tilespmem:s0+$0x4470]  }
0xd2: {  	v8 =	vld [tilespmem:s0+$0x4480]  }
0xd3: {  	v9 =	vld [tilespmem:s0+$0x4490]  }
0xd4: {  	v10 =	vld [tilespmem:s0+$0x44A0]  }
0xd5: {  	v11 =	vld [tilespmem:s0+$0x44B0]  }
0xd6: {  	v12 =	vld [tilespmem:s0+$0x44C0]  }
0xd7: {  	v13 =	vld [tilespmem:s0+$0x44D0]  }
0xd8: {  	v14 =	vld [tilespmem:s0+$0x44E0]  }
0xd9: {  	v15 =	vld [tilespmem:s0+$0x44F0]  }
0xda: {  	v16 =	vld [tilespmem:s0+$0x4500]  }
0xdb: {  	v17 =	vld [tilespmem:s0+$0x4510]  }
0xdc: {  	v18 =	vld [tilespmem:s0+$0x4520]  }
0xdd: {  	v19 =	vld [tilespmem:s0+$0x4530]  }
0xde: {  	v20 =	vld [tilespmem:s0+$0x4540]  }
0xdf: {  	v21 =	vld [tilespmem:s0+$0x4550]  }
0xe0: {  	v22 =	vld [tilespmem:s0+$0x4560]  }
0xe1: {  	v23 =	vld [tilespmem:s0+$0x4570]  }
0xe2: {  	v24 =	vld [tilespmem:s0+$0x4580]  }
0xe3: {  	v25 =	vld [tilespmem:s0+$0x4590]  }
0xe4: {  	v26 =	vld [tilespmem:s0+$0x45A0]  }
0xe5: {  	v27 =	vld [tilespmem:s0+$0x45B0]  }
0xe6: {  	v28 =	vld [tilespmem:s0+$0x45C0]  }
0xe7: {  	v29 =	vld [tilespmem:s0+$0x45D0]  }
0xe8: {  	v30 =	vld [tilespmem:s0+$0x45E0]  }
0xe9: {  	v31 =	vld [tilespmem:s0+$0x45F0]  }
0xea: {  	v32 =	vld [tilespmem:s0+$0x4600]  }
0xeb: {  	v33 =	vld [tilespmem:s0+$0x4610]  }
0xec: {  	v34 =	vld [tilespmem:s0+$0x4620]  }
0xed: {  	v35 =	vld [tilespmem:s0+$0x4630]  }
0xee: {  	v36 =	vld [tilespmem:s0+$0x4640]  }
0xef: {  	v37 =	vld [tilespmem:s0+$0x4650]  }
0xf0: {  	v38 =	vld [tilespmem:s0+$0x4660]  }
0xf1: {  	v39 =	vld [tilespmem:s0+$0x4670]  }
0xf2: {  	v40 =	vld [tilespmem:s0+$0x4680]  }
0xf3: {  	v41 =	vld [tilespmem:s0+$0x4690]  }
0xf4: {  	v42 =	vld [tilespmem:s0+$0x46A0]  }
0xf5: {  	v43 =	vld [tilespmem:s0+$0x46B0]  }
0xf6: {  	v44 =	vld [tilespmem:s0+$0x46C0]  }
0xf7: {  	v45 =	vld [tilespmem:s0+$0x46D0]  }
0xf8: {  	v46 =	vld [tilespmem:s0+$0x46E0]  }
0xf9: {  	v47 =	vld [tilespmem:s0+$0x46F0]  }
0xfa: {  	v48 =	vld [tilespmem:s0+$0x4700]  }
0xfb: {  	v49 =	vld [tilespmem:s0+$0x4710]  }
0xfc: {  	v50 =	vld [tilespmem:s0+$0x4720]  }
0xfd: {  	v51 =	vld [tilespmem:s0+$0x4730]  }
0xfe: {  	v52 =	vld [tilespmem:s0+$0x4740]  }
0xff: {  	v53 =	vld [tilespmem:s0+$0x4750]  }
0x100: {  	v54 =	vld [tilespmem:s0+$0x4760]  }
0x101: {  	v55 =	vld [tilespmem:s0+$0x4770]  }
0x102: {  	v56 =	vld [tilespmem:s0+$0x4780]  }
0x103: {  	v57 =	vld [tilespmem:s0+$0x4790]  }
0x104: {  	v58 =	vld [tilespmem:s0+$0x47A0]  }
0x105: {  	v59 =	vld [tilespmem:s0+$0x47B0]  }
0x106: {  	v60 =	vld [tilespmem:s0+$0x47C0]  }
0x107: {  	v61 =	vld [tilespmem:s0+$0x47D0]  }
0x108: {  	v62 =	vld [tilespmem:s0+$0x47E0]  }
0x109: {  	[tilespmem:s0+$0xABF0] =	vst.add.f32.msk $0xffff, v0  }
0x10a: {  	v0 =	vld [tilespmem:s0+$0x4440]  }
0x10b: {  	[tilespmem:s0+$0xA800] =	vst.add.f32.msk $0xffff, v1  }
0x10c: {  	[tilespmem:s0+$0xA810] =	vst.add.f32.msk $0xffff, v2  }
0x10d: {  	[tilespmem:s0+$0xA820] =	vst.add.f32.msk $0xffff, v3  }
0x10e: {  	[tilespmem:s0+$0xA830] =	vst.add.f32.msk $0xffff, v4  }
0x10f: {  	[tilespmem:s0+$0xA850] =	vst.add.f32.msk $0xffff, v5  }
0x110: {  	[tilespmem:s0+$0xA860] =	vst.add.f32.msk $0xffff, v6  }
0x111: {  	[tilespmem:s0+$0xA870] =	vst.add.f32.msk $0xffff, v7  }
0x112: {  	[tilespmem:s0+$0xA880] =	vst.add.f32.msk $0xffff, v8  }
0x113: {  	[tilespmem:s0+$0xA890] =	vst.add.f32.msk $0xffff, v9  }
0x114: {  	[tilespmem:s0+$0xA8A0] =	vst.add.f32.msk $0xffff, v10  }
0x115: {  	[tilespmem:s0+$0xA8B0] =	vst.add.f32.msk $0xffff, v11  }
0x116: {  	[tilespmem:s0+$0xA8C0] =	vst.add.f32.msk $0xffff, v12  }
0x117: {  	[tilespmem:s0+$0xA8D0] =	vst.add.f32.msk $0xffff, v13  }
0x118: {  	[tilespmem:s0+$0xA8E0] =	vst.add.f32.msk $0xffff, v14  }
0x119: {  	[tilespmem:s0+$0xA8F0] =	vst.add.f32.msk $0xffff, v15  }
0x11a: {  	[tilespmem:s0+$0xA900] =	vst.add.f32.msk $0xffff, v16  }
0x11b: {  	[tilespmem:s0+$0xA910] =	vst.add.f32.msk $0xffff, v17  }
0x11c: {  	[tilespmem:s0+$0xA920] =	vst.add.f32.msk $0xffff, v18  }
0x11d: {  	[tilespmem:s0+$0xA930] =	vst.add.f32.msk $0xffff, v19  }
0x11e: {  	[tilespmem:s0+$0xA940] =	vst.add.f32.msk $0xffff, v20  }
0x11f: {  	[tilespmem:s0+$0xA950] =	vst.add.f32.msk $0xffff, v21  }
0x120: {  	[tilespmem:s0+$0xA960] =	vst.add.f32.msk $0xffff, v22  }
0x121: {  	[tilespmem:s0+$0xA970] =	vst.add.f32.msk $0xffff, v23  }
0x122: {  	[tilespmem:s0+$0xA980] =	vst.add.f32.msk $0xffff, v24  }
0x123: {  	[tilespmem:s0+$0xA990] =	vst.add.f32.msk $0xffff, v25  }
0x124: {  	[tilespmem:s0+$0xA9A0] =	vst.add.f32.msk $0xffff, v26  }
0x125: {  	[tilespmem:s0+$0xA9B0] =	vst.add.f32.msk $0xffff, v27  }
0x126: {  	[tilespmem:s0+$0xA9C0] =	vst.add.f32.msk $0xffff, v28  }
0x127: {  	[tilespmem:s0+$0xA9D0] =	vst.add.f32.msk $0xffff, v29  }
0x128: {  	[tilespmem:s0+$0xA9E0] =	vst.add.f32.msk $0xffff, v30  }
0x129: {  	[tilespmem:s0+$0xA9F0] =	vst.add.f32.msk $0xffff, v31  }
0x12a: {  	[tilespmem:s0+$0xAA00] =	vst.add.f32.msk $0xffff, v32  }
0x12b: {  	[tilespmem:s0+$0xAA10] =	vst.add.f32.msk $0xffff, v33  }
0x12c: {  	[tilespmem:s0+$0xAA20] =	vst.add.f32.msk $0xffff, v34  }
0x12d: {  	[tilespmem:s0+$0xAA30] =	vst.add.f32.msk $0xffff, v35  }
0x12e: {  	[tilespmem:s0+$0xAA40] =	vst.add.f32.msk $0xffff, v36  }
0x12f: {  	[tilespmem:s0+$0xAA50] =	vst.add.f32.msk $0xffff, v37  }
0x130: {  	[tilespmem:s0+$0xAA60] =	vst.add.f32.msk $0xffff, v38  }
0x131: {  	[tilespmem:s0+$0xAA70] =	vst.add.f32.msk $0xffff, v39  }
0x132: {  	[tilespmem:s0+$0xAA80] =	vst.add.f32.msk $0xffff, v40  }
0x133: {  	[tilespmem:s0+$0xAA90] =	vst.add.f32.msk $0xffff, v41  }
0x134: {  	[tilespmem:s0+$0xAAA0] =	vst.add.f32.msk $0xffff, v42  }
0x135: {  	[tilespmem:s0+$0xAAB0] =	vst.add.f32.msk $0xffff, v43  }
0x136: {  	[tilespmem:s0+$0xAAC0] =	vst.add.f32.msk $0xffff, v44  }
0x137: {  	[tilespmem:s0+$0xAAD0] =	vst.add.f32.msk $0xffff, v45  }
0x138: {  	[tilespmem:s0+$0xAAE0] =	vst.add.f32.msk $0xffff, v46  }
0x139: {  	[tilespmem:s0+$0xAAF0] =	vst.add.f32.msk $0xffff, v47  }
0x13a: {  	[tilespmem:s0+$0xAB00] =	vst.add.f32.msk $0xffff, v48  }
0x13b: {  	[tilespmem:s0+$0xAB10] =	vst.add.f32.msk $0xffff, v49  }
0x13c: {  	[tilespmem:s0+$0xAB20] =	vst.add.f32.msk $0xffff, v50  }
0x13d: {  	[tilespmem:s0+$0xAB30] =	vst.add.f32.msk $0xffff, v51  }
0x13e: {  	[tilespmem:s0+$0xAB40] =	vst.add.f32.msk $0xffff, v52  }
0x13f: {  	[tilespmem:s0+$0xAB50] =	vst.add.f32.msk $0xffff, v53  }
0x140: {  	[tilespmem:s0+$0xAB60] =	vst.add.f32.msk $0xffff, v54  }
0x141: {  	[tilespmem:s0+$0xAB70] =	vst.add.f32.msk $0xffff, v55  }
0x142: {  	[tilespmem:s0+$0xAB80] =	vst.add.f32.msk $0xffff, v56  }
0x143: {  	[tilespmem:s0+$0xAB90] =	vst.add.f32.msk $0xffff, v57  }
0x144: {  	[tilespmem:s0+$0xABA0] =	vst.add.f32.msk $0xffff, v58  }
0x145: {  	[tilespmem:s0+$0xABB0] =	vst.add.f32.msk $0xffff, v59  }
0x146: {  	s3 =	sadd.s32 s6, s2;
	[tilespmem:s0+$0xABC0] =	vst.add.f32.msk $0xffff, v60  }
0x147: {  	s3 =	smul.u32 $0xC80, s3;
	[tilespmem:s0+$0xABD0] =	vst.add.f32.msk $0xffff, v61  }
0x148: {  	[tilespmem:s0+$0xABE0] =	vst.add.f32.msk $0xffff, v62  }
0x149: {  	s14 =	sadd.s32 s4, s3;
	[tilespmem:s0+$0xA840] =	vst.add.f32.msk $0xffff, v0;
	s0 =	sadd.s32 $0x1, s2  }
0x14a: {  	[hbm4b:s14+s5] =	stream.linear.scatter [tilespmem:s13], [sflag:$0x4], $0x6400, $0x38;
	[tilespmem:$0x1D400] =	vst v63  }
0x14b: {  	p1 =	sne.s32 s0, $0x3C  }
0x14c: {  	s3 =	simm.s32 @!p1 $0x0  }
0x14d: {  	[tilespmem:s3], [sflag:$0x7] =	stream.linear.gather @!p1 [hbm4b:s8+s3], $0x3C00, $0x38;
	[tilespmem:$0x1D400] =	vst v63  }
0x14e: {  	s11 =	simm.s32 @!p0 $0x4;
	p2 =	sgt.u32 @!p0 s30, $0x15;
	s3 =	sadd.s32 $0x3, s2  }
0x14f: {  	p2 =	por !p2, p0;
	_ =	swait.ge @!p0 [sflag:s11], $0x6400;
	p1 =	sne.s32 @!p0 s3, $0x44  }
0x150: {  	s14 =	simm.s32 @!p0 $0xFFFFBC00;
	[sflag:s11] =	ssyncset.done @!p0 $0x0;
	p1 =	por p1, p0  }
0x151: {  	s3 =	sshll.u32 @!p0 s3, $0x8;
	[sflag:s11] =	ssyncadd.s32 @!p0 $0xFFFF9C00;
	s11 =	simm.s32 @!p1 $0x7  }
0x152: {  	s14 =	simm.s32 @p2 $0x0;
	s3 =	sand.u32 @!p0 $0x3FFFFF00, s3;
	_ =	swait.ge @!p1 [sflag:s11], $0x3C00  }
0x153: {  	s3 =	sadd.s32 @!p0 s3, s14;
	[sflag:s11] =	ssyncset.done @!p1 $0x0  }
0x154: {  	s14 =	simm.s32 @!p0 $0xA800;
	[sflag:s11] =	ssyncadd.s32 @!p1 $0xFFFFC400;
	s11 =	simm.s32 @!p0 $0x64  }
0x155: {  	[tilespmem:s14], [sflag:$0x1] =	stream.indirect.gather @!p0 [hbm4b:s1+s11], $0x80, s3, s11, $0xb8;
	[tilespmem:$0x1D400] =	vst v63  }
0x156: {  	s3 =	sor.u32 @!p0 $0x80, s3;
	s14 =	simm.s32 @!p0 $0xDA00  }
0x157: {  	[tilespmem:s14], [sflag:$0x1] =	stream.indirect.gather @!p0 [hbm4b:s1+s11], $0x80, s3, s11, $0xb8;
	[tilespmem:$0x1D400] =	vst v63  }
0x158: {  	_ =	swait.ge [sflag:s23], $0x3200  }
0x159: {  	[sflag:s23] =	ssyncset.done $0x0  }
0x15a: {  	[sflag:s23] =	ssyncadd.s32 $0xFFFFCE00  }
0x15b: {  	_ =	swait.ge [sflag:s23], $0x3200  }
0x15c: {  	[sflag:s23] =	ssyncset.done $0x0  }
0x15d: {  	s3 =	simm.s32 $0x0;
	s11 =	simm.s32 $0x1000;
	[sflag:s23] =	ssyncadd.s32 $0xFFFFCE00  }
.LBB2_10:
0x15e: {  	p1 =	sne.s32 s11, $0x18000;
	v0 =	vld [tilespmem:s3+$0x47F0]  }
0x15f: {  	v1 =	vld [tilespmem:s3+$0x4400]  }
0x160: {  	v2 =	vld [tilespmem:s3+$0x4410]  }
0x161: {  	v3 =	vld [tilespmem:s3+$0x4420]  }
0x162: {  	v4 =	vld [tilespmem:s3+$0x4430]  }
0x163: {  	[tilespmem:s3+$0x10FF0] =	vst.add.f32.msk $0xffff, v0  }
0x164: {  	v0 =	vld [tilespmem:s3+$0x4440]  }
0x165: {  	v5 =	vld [tilespmem:s3+$0x4450]  }
0x166: {  	v6 =	vld [tilespmem:s3+$0x4460]  }
0x167: {  	v7 =	vld [tilespmem:s3+$0x4470]  }
0x168: {  	v8 =	vld [tilespmem:s3+$0x4480]  }
0x169: {  	v9 =	vld [tilespmem:s3+$0x4490]  }
0x16a: {  	v10 =	vld [tilespmem:s3+$0x44A0]  }
0x16b: {  	v11 =	vld [tilespmem:s3+$0x44B0]  }
0x16c: {  	v12 =	vld [tilespmem:s3+$0x44C0]  }
0x16d: {  	v13 =	vld [tilespmem:s3+$0x44D0]  }
0x16e: {  	v14 =	vld [tilespmem:s3+$0x44E0]  }
0x16f: {  	v15 =	vld [tilespmem:s3+$0x44F0]  }
0x170: {  	v16 =	vld [tilespmem:s3+$0x4500]  }
0x171: {  	v17 =	vld [tilespmem:s3+$0x4510]  }
0x172: {  	v18 =	vld [tilespmem:s3+$0x4520]  }
0x173: {  	v19 =	vld [tilespmem:s3+$0x4530]  }
0x174: {  	v20 =	vld [tilespmem:s3+$0x4540]  }
0x175: {  	v21 =	vld [tilespmem:s3+$0x4550]  }
0x176: {  	v22 =	vld [tilespmem:s3+$0x4560]  }
0x177: {  	v23 =	vld [tilespmem:s3+$0x4570]  }
0x178: {  	v24 =	vld [tilespmem:s3+$0x4580]  }
0x179: {  	v25 =	vld [tilespmem:s3+$0x4590]  }
0x17a: {  	v26 =	vld [tilespmem:s3+$0x45A0]  }
0x17b: {  	v27 =	vld [tilespmem:s3+$0x45B0]  }
0x17c: {  	v28 =	vld [tilespmem:s3+$0x45C0]  }
0x17d: {  	v29 =	vld [tilespmem:s3+$0x45D0]  }
0x17e: {  	v30 =	vld [tilespmem:s3+$0x45E0]  }
0x17f: {  	v31 =	vld [tilespmem:s3+$0x45F0]  }
0x180: {  	v32 =	vld [tilespmem:s3+$0x4600]  }
0x181: {  	v33 =	vld [tilespmem:s3+$0x4610]  }
0x182: {  	v34 =	vld [tilespmem:s3+$0x4620]  }
0x183: {  	v35 =	vld [tilespmem:s3+$0x4630]  }
0x184: {  	v36 =	vld [tilespmem:s3+$0x4640]  }
0x185: {  	v37 =	vld [tilespmem:s3+$0x4650]  }
0x186: {  	v38 =	vld [tilespmem:s3+$0x4660]  }
0x187: {  	v39 =	vld [tilespmem:s3+$0x4670]  }
0x188: {  	v40 =	vld [tilespmem:s3+$0x4680]  }
0x189: {  	v41 =	vld [tilespmem:s3+$0x4690]  }
0x18a: {  	v42 =	vld [tilespmem:s3+$0x46A0]  }
0x18b: {  	v43 =	vld [tilespmem:s3+$0x46B0]  }
0x18c: {  	v44 =	vld [tilespmem:s3+$0x46C0]  }
0x18d: {  	v45 =	vld [tilespmem:s3+$0x46D0]  }
0x18e: {  	v46 =	vld [tilespmem:s3+$0x46E0]  }
0x18f: {  	v47 =	vld [tilespmem:s3+$0x46F0]  }
0x190: {  	v48 =	vld [tilespmem:s3+$0x4700]  }
0x191: {  	v49 =	vld [tilespmem:s3+$0x4710]  }
0x192: {  	v50 =	vld [tilespmem:s3+$0x4720]  }
0x193: {  	v51 =	vld [tilespmem:s3+$0x4730]  }
0x194: {  	v52 =	vld [tilespmem:s3+$0x4740]  }
0x195: {  	v53 =	vld [tilespmem:s3+$0x4750]  }
0x196: {  	v54 =	vld [tilespmem:s3+$0x4760]  }
0x197: {  	v55 =	vld [tilespmem:s3+$0x4770]  }
0x198: {  	v56 =	vld [tilespmem:s3+$0x4780]  }
0x199: {  	v57 =	vld [tilespmem:s3+$0x4790]  }
0x19a: {  	v58 =	vld [tilespmem:s3+$0x47A0]  }
0x19b: {  	v59 =	vld [tilespmem:s3+$0x47B0]  }
0x19c: {  	v60 =	vld [tilespmem:s3+$0x47C0]  }
0x19d: {  	v61 =	vld [tilespmem:s3+$0x47D0]  }
0x19e: {  	v62 =	vld [tilespmem:s3+$0x47E0]  }
0x19f: {  	[tilespmem:s3+$0x10C00] =	vst.add.f32.msk $0xffff, v1  }
0x1a0: {  	[tilespmem:s3+$0x10C10] =	vst.add.f32.msk $0xffff, v2  }
0x1a1: {  	[tilespmem:s3+$0x10C20] =	vst.add.f32.msk $0xffff, v3  }
0x1a2: {  	[tilespmem:s3+$0x10C30] =	vst.add.f32.msk $0xffff, v4  }
0x1a3: {  	[tilespmem:s3+$0x10C40] =	vst.add.f32.msk $0xffff, v0  }
0x1a4: {  	[tilespmem:s3+$0x10C50] =	vst.add.f32.msk $0xffff, v5  }
0x1a5: {  	[tilespmem:s3+$0x10C60] =	vst.add.f32.msk $0xffff, v6  }
0x1a6: {  	[tilespmem:s3+$0x10C70] =	vst.add.f32.msk $0xffff, v7  }
0x1a7: {  	[tilespmem:s3+$0x10C80] =	vst.add.f32.msk $0xffff, v8  }
0x1a8: {  	[tilespmem:s3+$0x10C90] =	vst.add.f32.msk $0xffff, v9  }
0x1a9: {  	[tilespmem:s3+$0x10CA0] =	vst.add.f32.msk $0xffff, v10  }
0x1aa: {  	[tilespmem:s3+$0x10CB0] =	vst.add.f32.msk $0xffff, v11  }
0x1ab: {  	[tilespmem:s3+$0x10CC0] =	vst.add.f32.msk $0xffff, v12  }
0x1ac: {  	[tilespmem:s3+$0x10CD0] =	vst.add.f32.msk $0xffff, v13  }
0x1ad: {  	[tilespmem:s3+$0x10CE0] =	vst.add.f32.msk $0xffff, v14  }
0x1ae: {  	[tilespmem:s3+$0x10CF0] =	vst.add.f32.msk $0xffff, v15  }
0x1af: {  	[tilespmem:s3+$0x10D00] =	vst.add.f32.msk $0xffff, v16  }
0x1b0: {  	[tilespmem:s3+$0x10D10] =	vst.add.f32.msk $0xffff, v17  }
0x1b1: {  	[tilespmem:s3+$0x10D20] =	vst.add.f32.msk $0xffff, v18  }
0x1b2: {  	[tilespmem:s3+$0x10D30] =	vst.add.f32.msk $0xffff, v19  }
0x1b3: {  	[tilespmem:s3+$0x10D40] =	vst.add.f32.msk $0xffff, v20  }
0x1b4: {  	[tilespmem:s3+$0x10D50] =	vst.add.f32.msk $0xffff, v21  }
0x1b5: {  	[tilespmem:s3+$0x10D60] =	vst.add.f32.msk $0xffff, v22  }
0x1b6: {  	[tilespmem:s3+$0x10D70] =	vst.add.f32.msk $0xffff, v23  }
0x1b7: {  	[tilespmem:s3+$0x10D80] =	vst.add.f32.msk $0xffff, v24  }
0x1b8: {  	[tilespmem:s3+$0x10D90] =	vst.add.f32.msk $0xffff, v25  }
0x1b9: {  	[tilespmem:s3+$0x10DA0] =	vst.add.f32.msk $0xffff, v26  }
0x1ba: {  	[tilespmem:s3+$0x10DB0] =	vst.add.f32.msk $0xffff, v27  }
0x1bb: {  	[tilespmem:s3+$0x10DC0] =	vst.add.f32.msk $0xffff, v28  }
0x1bc: {  	[tilespmem:s3+$0x10DD0] =	vst.add.f32.msk $0xffff, v29  }
0x1bd: {  	[tilespmem:s3+$0x10DE0] =	vst.add.f32.msk $0xffff, v30  }
0x1be: {  	[tilespmem:s3+$0x10DF0] =	vst.add.f32.msk $0xffff, v31  }
0x1bf: {  	[tilespmem:s3+$0x10E00] =	vst.add.f32.msk $0xffff, v32  }
0x1c0: {  	[tilespmem:s3+$0x10E10] =	vst.add.f32.msk $0xffff, v33  }
0x1c1: {  	[tilespmem:s3+$0x10E20] =	vst.add.f32.msk $0xffff, v34  }
0x1c2: {  	[tilespmem:s3+$0x10E30] =	vst.add.f32.msk $0xffff, v35  }
0x1c3: {  	[tilespmem:s3+$0x10E40] =	vst.add.f32.msk $0xffff, v36  }
0x1c4: {  	[tilespmem:s3+$0x10E50] =	vst.add.f32.msk $0xffff, v37  }
0x1c5: {  	[tilespmem:s3+$0x10E60] =	vst.add.f32.msk $0xffff, v38  }
0x1c6: {  	[tilespmem:s3+$0x10E70] =	vst.add.f32.msk $0xffff, v39  }
0x1c7: {  	[tilespmem:s3+$0x10E80] =	vst.add.f32.msk $0xffff, v40  }
0x1c8: {  	[tilespmem:s3+$0x10E90] =	vst.add.f32.msk $0xffff, v41  }
0x1c9: {  	[tilespmem:s3+$0x10EA0] =	vst.add.f32.msk $0xffff, v42  }
0x1ca: {  	[tilespmem:s3+$0x10EB0] =	vst.add.f32.msk $0xffff, v43  }
0x1cb: {  	[tilespmem:s3+$0x10EC0] =	vst.add.f32.msk $0xffff, v44  }
0x1cc: {  	[tilespmem:s3+$0x10ED0] =	vst.add.f32.msk $0xffff, v45  }
0x1cd: {  	[tilespmem:s3+$0x10EE0] =	vst.add.f32.msk $0xffff, v46  }
0x1ce: {  	[tilespmem:s3+$0x10EF0] =	vst.add.f32.msk $0xffff, v47  }
0x1cf: {  	[tilespmem:s3+$0x10F00] =	vst.add.f32.msk $0xffff, v48  }
0x1d0: {  	[tilespmem:s3+$0x10F10] =	vst.add.f32.msk $0xffff, v49  }
0x1d1: {  	[tilespmem:s3+$0x10F20] =	vst.add.f32.msk $0xffff, v50  }
0x1d2: {  	[tilespmem:s3+$0x10F30] =	vst.add.f32.msk $0xffff, v51  }
0x1d3: {  	[tilespmem:s3+$0x10F40] =	vst.add.f32.msk $0xffff, v52  }
0x1d4: {  	[tilespmem:s3+$0x10F50] =	vst.add.f32.msk $0xffff, v53  }
0x1d5: {  	[tilespmem:s3+$0x10F60] =	vst.add.f32.msk $0xffff, v54  }
0x1d6: {  	[tilespmem:s3+$0x10F70] =	vst.add.f32.msk $0xffff, v55  }
0x1d7: {  	[tilespmem:s3+$0x10F80] =	vst.add.f32.msk $0xffff, v56  }
0x1d8: {  	[tilespmem:s3+$0x10F90] =	vst.add.f32.msk $0xffff, v57  }
.Ltmp8:
0x1d9: {  	[tilespmem:s3+$0x10FA0] =	vst.add.f32.msk $0xffff, v58;
	(pc) =	sbr.rel @p1 .LBB2_10-.Ltmp8, $4  }
0x1da: {  	[tilespmem:s3+$0x10FB0] =	vst.add.f32.msk $0xffff, v59  }
0x1db: {  	[tilespmem:s3+$0x10FC0] =	vst.add.f32.msk $0xffff, v60  }
0x1dc: {  	[tilespmem:s3+$0x10FD0] =	vst.add.f32.msk $0xffff, v61  }
0x1dd: {  	[tilespmem:s3+$0x10FE0] =	vst.add.f32.msk $0xffff, v62;
	s3 =	sshra.s32 s11, $0x2;
	s11 =	sadd.s32 $0x1000, s11  }
0x1de: {  	v0 =	vld [tilespmem:s3+$0x47F0]  }
0x1df: {  	v1 =	vld [tilespmem:s3+$0x4400]  }
0x1e0: {  	v2 =	vld [tilespmem:s3+$0x4410]  }
0x1e1: {  	v3 =	vld [tilespmem:s3+$0x4420]  }
0x1e2: {  	v4 =	vld [tilespmem:s3+$0x4430]  }
0x1e3: {  	v5 =	vld [tilespmem:s3+$0x4450]  }
0x1e4: {  	v6 =	vld [tilespmem:s3+$0x4460]  }
0x1e5: {  	v7 =	vld [tilespmem:s3+$0x4470]  }
0x1e6: {  	v8 =	vld [tilespmem:s3+$0x4480]  }
0x1e7: {  	v9 =	vld [tilespmem:s3+$0x4490]  }
0x1e8: {  	v10 =	vld [tilespmem:s3+$0x44A0]  }
0x1e9: {  	v11 =	vld [tilespmem:s3+$0x44B0]  }
0x1ea: {  	v12 =	vld [tilespmem:s3+$0x44C0]  }
0x1eb: {  	v13 =	vld [tilespmem:s3+$0x44D0]  }
0x1ec: {  	v14 =	vld [tilespmem:s3+$0x44E0]  }
0x1ed: {  	v15 =	vld [tilespmem:s3+$0x44F0]  }
0x1ee: {  	v16 =	vld [tilespmem:s3+$0x4500]  }
0x1ef: {  	v17 =	vld [tilespmem:s3+$0x4510]  }
0x1f0: {  	v18 =	vld [tilespmem:s3+$0x4520]  }
0x1f1: {  	v19 =	vld [tilespmem:s3+$0x4530]  }
0x1f2: {  	v20 =	vld [tilespmem:s3+$0x4540]  }
0x1f3: {  	v21 =	vld [tilespmem:s3+$0x4550]  }
0x1f4: {  	v22 =	vld [tilespmem:s3+$0x4560]  }
0x1f5: {  	v23 =	vld [tilespmem:s3+$0x4570]  }
0x1f6: {  	v24 =	vld [tilespmem:s3+$0x4580]  }
0x1f7: {  	v25 =	vld [tilespmem:s3+$0x4590]  }
0x1f8: {  	v26 =	vld [tilespmem:s3+$0x45A0]  }
0x1f9: {  	v27 =	vld [tilespmem:s3+$0x45B0]  }
0x1fa: {  	v28 =	vld [tilespmem:s3+$0x45C0]  }
0x1fb: {  	v29 =	vld [tilespmem:s3+$0x45D0]  }
0x1fc: {  	v30 =	vld [tilespmem:s3+$0x45E0]  }
0x1fd: {  	v31 =	vld [tilespmem:s3+$0x45F0]  }
0x1fe: {  	v32 =	vld [tilespmem:s3+$0x4600]  }
0x1ff: {  	v33 =	vld [tilespmem:s3+$0x4610]  }
0x200: {  	v34 =	vld [tilespmem:s3+$0x4620]  }
0x201: {  	v35 =	vld [tilespmem:s3+$0x4630]  }
0x202: {  	v36 =	vld [tilespmem:s3+$0x4640]  }
0x203: {  	v37 =	vld [tilespmem:s3+$0x4650]  }
0x204: {  	v38 =	vld [tilespmem:s3+$0x4660]  }
0x205: {  	v39 =	vld [tilespmem:s3+$0x4670]  }
0x206: {  	v40 =	vld [tilespmem:s3+$0x4680]  }
0x207: {  	v41 =	vld [tilespmem:s3+$0x4690]  }
0x208: {  	v42 =	vld [tilespmem:s3+$0x46A0]  }
0x209: {  	v43 =	vld [tilespmem:s3+$0x46B0]  }
0x20a: {  	v44 =	vld [tilespmem:s3+$0x46C0]  }
0x20b: {  	v45 =	vld [tilespmem:s3+$0x46D0]  }
0x20c: {  	v46 =	vld [tilespmem:s3+$0x46E0]  }
0x20d: {  	v47 =	vld [tilespmem:s3+$0x46F0]  }
0x20e: {  	v48 =	vld [tilespmem:s3+$0x4700]  }
0x20f: {  	v49 =	vld [tilespmem:s3+$0x4710]  }
0x210: {  	v50 =	vld [tilespmem:s3+$0x4720]  }
0x211: {  	v51 =	vld [tilespmem:s3+$0x4730]  }
0x212: {  	v52 =	vld [tilespmem:s3+$0x4740]  }
0x213: {  	v53 =	vld [tilespmem:s3+$0x4750]  }
0x214: {  	v54 =	vld [tilespmem:s3+$0x4760]  }
0x215: {  	v55 =	vld [tilespmem:s3+$0x4770]  }
0x216: {  	v56 =	vld [tilespmem:s3+$0x4780]  }
0x217: {  	v57 =	vld [tilespmem:s3+$0x4790]  }
0x218: {  	v58 =	vld [tilespmem:s3+$0x47A0]  }
0x219: {  	v59 =	vld [tilespmem:s3+$0x47B0]  }
0x21a: {  	v60 =	vld [tilespmem:s3+$0x47C0]  }
0x21b: {  	v61 =	vld [tilespmem:s3+$0x47D0]  }
0x21c: {  	v62 =	vld [tilespmem:s3+$0x47E0]  }
0x21d: {  	[tilespmem:s3+$0x10FF0] =	vst.add.f32.msk $0xffff, v0  }
0x21e: {  	v0 =	vld [tilespmem:s3+$0x4440]  }
0x21f: {  	[tilespmem:s3+$0x10C00] =	vst.add.f32.msk $0xffff, v1  }
0x220: {  	[tilespmem:s3+$0x10C10] =	vst.add.f32.msk $0xffff, v2  }
0x221: {  	[tilespmem:s3+$0x10C20] =	vst.add.f32.msk $0xffff, v3  }
0x222: {  	[tilespmem:s3+$0x10C30] =	vst.add.f32.msk $0xffff, v4  }
0x223: {  	[tilespmem:s3+$0x10C50] =	vst.add.f32.msk $0xffff, v5  }
0x224: {  	[tilespmem:s3+$0x10C60] =	vst.add.f32.msk $0xffff, v6  }
0x225: {  	[tilespmem:s3+$0x10C70] =	vst.add.f32.msk $0xffff, v7  }
0x226: {  	[tilespmem:s3+$0x10C80] =	vst.add.f32.msk $0xffff, v8  }
0x227: {  	[tilespmem:s3+$0x10C90] =	vst.add.f32.msk $0xffff, v9  }
0x228: {  	[tilespmem:s3+$0x10CA0] =	vst.add.f32.msk $0xffff, v10  }
0x229: {  	[tilespmem:s3+$0x10CB0] =	vst.add.f32.msk $0xffff, v11  }
0x22a: {  	[tilespmem:s3+$0x10CC0] =	vst.add.f32.msk $0xffff, v12  }
0x22b: {  	[tilespmem:s3+$0x10CD0] =	vst.add.f32.msk $0xffff, v13  }
0x22c: {  	[tilespmem:s3+$0x10CE0] =	vst.add.f32.msk $0xffff, v14  }
0x22d: {  	[tilespmem:s3+$0x10CF0] =	vst.add.f32.msk $0xffff, v15  }
0x22e: {  	[tilespmem:s3+$0x10D00] =	vst.add.f32.msk $0xffff, v16  }
0x22f: {  	[tilespmem:s3+$0x10D10] =	vst.add.f32.msk $0xffff, v17  }
0x230: {  	[tilespmem:s3+$0x10D20] =	vst.add.f32.msk $0xffff, v18  }
0x231: {  	[tilespmem:s3+$0x10D30] =	vst.add.f32.msk $0xffff, v19  }
0x232: {  	[tilespmem:s3+$0x10D40] =	vst.add.f32.msk $0xffff, v20  }
0x233: {  	[tilespmem:s3+$0x10D50] =	vst.add.f32.msk $0xffff, v21  }
0x234: {  	[tilespmem:s3+$0x10D60] =	vst.add.f32.msk $0xffff, v22  }
0x235: {  	[tilespmem:s3+$0x10D70] =	vst.add.f32.msk $0xffff, v23  }
0x236: {  	[tilespmem:s3+$0x10D80] =	vst.add.f32.msk $0xffff, v24  }
0x237: {  	[tilespmem:s3+$0x10D90] =	vst.add.f32.msk $0xffff, v25  }
0x238: {  	[tilespmem:s3+$0x10DA0] =	vst.add.f32.msk $0xffff, v26  }
0x239: {  	[tilespmem:s3+$0x10DB0] =	vst.add.f32.msk $0xffff, v27  }
0x23a: {  	[tilespmem:s3+$0x10DC0] =	vst.add.f32.msk $0xffff, v28  }
0x23b: {  	[tilespmem:s3+$0x10DD0] =	vst.add.f32.msk $0xffff, v29  }
0x23c: {  	[tilespmem:s3+$0x10DE0] =	vst.add.f32.msk $0xffff, v30  }
0x23d: {  	[tilespmem:s3+$0x10DF0] =	vst.add.f32.msk $0xffff, v31  }
0x23e: {  	[tilespmem:s3+$0x10E00] =	vst.add.f32.msk $0xffff, v32  }
0x23f: {  	[tilespmem:s3+$0x10E10] =	vst.add.f32.msk $0xffff, v33  }
0x240: {  	[tilespmem:s3+$0x10E20] =	vst.add.f32.msk $0xffff, v34  }
0x241: {  	[tilespmem:s3+$0x10E30] =	vst.add.f32.msk $0xffff, v35  }
0x242: {  	[tilespmem:s3+$0x10E40] =	vst.add.f32.msk $0xffff, v36  }
0x243: {  	[tilespmem:s3+$0x10E50] =	vst.add.f32.msk $0xffff, v37  }
0x244: {  	[tilespmem:s3+$0x10E60] =	vst.add.f32.msk $0xffff, v38  }
0x245: {  	[tilespmem:s3+$0x10E70] =	vst.add.f32.msk $0xffff, v39  }
0x246: {  	[tilespmem:s3+$0x10E80] =	vst.add.f32.msk $0xffff, v40  }
0x247: {  	[tilespmem:s3+$0x10E90] =	vst.add.f32.msk $0xffff, v41  }
0x248: {  	[tilespmem:s3+$0x10EA0] =	vst.add.f32.msk $0xffff, v42  }
0x249: {  	[tilespmem:s3+$0x10EB0] =	vst.add.f32.msk $0xffff, v43  }
0x24a: {  	[tilespmem:s3+$0x10EC0] =	vst.add.f32.msk $0xffff, v44  }
0x24b: {  	[tilespmem:s3+$0x10ED0] =	vst.add.f32.msk $0xffff, v45  }
0x24c: {  	[tilespmem:s3+$0x10EE0] =	vst.add.f32.msk $0xffff, v46  }
0x24d: {  	[tilespmem:s3+$0x10EF0] =	vst.add.f32.msk $0xffff, v47  }
0x24e: {  	[tilespmem:s3+$0x10F00] =	vst.add.f32.msk $0xffff, v48  }
0x24f: {  	[tilespmem:s3+$0x10F10] =	vst.add.f32.msk $0xffff, v49  }
0x250: {  	[tilespmem:s3+$0x10F20] =	vst.add.f32.msk $0xffff, v50  }
0x251: {  	[tilespmem:s3+$0x10F30] =	vst.add.f32.msk $0xffff, v51  }
0x252: {  	[tilespmem:s3+$0x10F40] =	vst.add.f32.msk $0xffff, v52  }
0x253: {  	[tilespmem:s3+$0x10F50] =	vst.add.f32.msk $0xffff, v53  }
0x254: {  	[tilespmem:s3+$0x10F60] =	vst.add.f32.msk $0xffff, v54  }
0x255: {  	[tilespmem:s3+$0x10F70] =	vst.add.f32.msk $0xffff, v55  }
0x256: {  	[tilespmem:s3+$0x10F80] =	vst.add.f32.msk $0xffff, v56  }
0x257: {  	[tilespmem:s3+$0x10F90] =	vst.add.f32.msk $0xffff, v57  }
0x258: {  	[tilespmem:s3+$0x10FA0] =	vst.add.f32.msk $0xffff, v58  }
0x259: {  	[tilespmem:s3+$0x10FB0] =	vst.add.f32.msk $0xffff, v59  }
0x25a: {  	s0 =	sadd.s32 s6, s0;
	[tilespmem:s3+$0x10FC0] =	vst.add.f32.msk $0xffff, v60  }
0x25b: {  	s0 =	smul.u32 $0xC80, s0;
	[tilespmem:s3+$0x10FD0] =	vst.add.f32.msk $0xffff, v61  }
.Ltmp9:
0x25c: {  	[tilespmem:s3+$0x10FE0] =	vst.add.f32.msk $0xffff, v62;
	(pc) =	sbr.rel @p0 .LBB2_15-.Ltmp9, $4  }
0x25d: {  	p1 =	sne.s32 s31, $0x3C;
	s0 =	sadd.s32 s4, s0;
	[tilespmem:s3+$0x10C40] =	vst.add.f32.msk $0xffff, v0  }
0x25e: {  	[hbm4b:s0+s5] =	stream.linear.scatter [tilespmem:s17], [sflag:$0x5], $0x6400, $0x38;
	[tilespmem:$0x1D400] =	vst v63  }
0x25f: {  	s0 =	simm.s32 @!p1 $0x0  }
0x260: {  	[tilespmem:s0], [sflag:$0x7] =	stream.linear.gather @!p1 [hbm4b:s8+s0], $0x3C00, $0x38;
	[tilespmem:$0x1D400] =	vst v63  }
0x261: {  	s0 =	sadd.s32 $0x4, s2;
	_ =	swait.ge [sflag:s25], $0x6400  }
0x262: {  	[sflag:s25] =	ssyncset.done $0x0;
	p0 =	sne.s32 s0, $0x44  }
0x263: {  	p1 =	sgt.u32 s30, $0x15;
	[sflag:s25] =	ssyncadd.s32 $0xFFFF9C00;
	s2 =	simm.s32 @!p0 $0x7  }
0x264: {  	s3 =	simm.s32 $0xFFFFBC00;
	s0 =	sshll.u32 s0, $0x8;
	_ =	swait.ge @!p0 [sflag:s2], $0x3C00  }
0x265: {  	s3 =	simm.s32 @!p1 $0x0;
	s0 =	sand.u32 $0x3FFFFF00, s0;
	[sflag:s2] =	ssyncset.done @!p0 $0x0  }
0x266: {  	s0 =	sadd.s32 s0, s3;
	[sflag:s2] =	ssyncadd.s32 @!p0 $0xFFFFC400  }
0x267: {  	[tilespmem:s17], [sflag:$0x2] =	stream.indirect.gather [hbm4b:s1+s12], $0x80, s0, s12, $0xb8;
	[tilespmem:$0x1D400] =	vst v63  }
0x268: {  	s0 =	sor.u32 $0x80, s0  }
0x269: {  	[tilespmem:s19], [sflag:$0x2] =	stream.indirect.gather [hbm4b:s1+s12], $0x80, s0, s12, $0xb8;
	[tilespmem:$0x1D400] =	vst v63  }
0x26a: {  	_ =	swait.ge [sflag:s28], $0x3200  }
0x26b: {  	[sflag:s28] =	ssyncset.done $0x0  }
0x26c: {  	[sflag:s28] =	ssyncadd.s32 $0xFFFFCE00  }
0x26d: {  	_ =	swait.ge [sflag:s28], $0x3200  }
0x26e: {  	[sflag:s28] =	ssyncset.done $0x0  }
0x26f: {  	s2 =	simm.s32 $0x1000;
	s0 =	simm.s32 $0x0;
	[sflag:s28] =	ssyncadd.s32 $0xFFFFCE00  }
.LBB2_13:
0x270: {  	p0 =	sne.s32 s2, $0x18000;
	v0 =	vld [tilespmem:s0+$0x47F0]  }
0x271: {  	v1 =	vld [tilespmem:s0+$0x4400]  }
0x272: {  	v2 =	vld [tilespmem:s0+$0x4410]  }
0x273: {  	v3 =	vld [tilespmem:s0+$0x4420]  }
0x274: {  	v4 =	vld [tilespmem:s0+$0x4430]  }
0x275: {  	[tilespmem:s0+$0x173F0] =	vst.add.f32.msk $0xffff, v0  }
0x276: {  	v0 =	vld [tilespmem:s0+$0x4440]  }
0x277: {  	v5 =	vld [tilespmem:s0+$0x4450]  }
0x278: {  	v6 =	vld [tilespmem:s0+$0x4460]  }
0x279: {  	v7 =	vld [tilespmem:s0+$0x4470]  }
0x27a: {  	v8 =	vld [tilespmem:s0+$0x4480]  }
0x27b: {  	v9 =	vld [tilespmem:s0+$0x4490]  }
0x27c: {  	v10 =	vld [tilespmem:s0+$0x44A0]  }
0x27d: {  	v11 =	vld [tilespmem:s0+$0x44B0]  }
0x27e: {  	v12 =	vld [tilespmem:s0+$0x44C0]  }
0x27f: {  	v13 =	vld [tilespmem:s0+$0x44D0]  }
0x280: {  	v14 =	vld [tilespmem:s0+$0x44E0]  }
0x281: {  	v15 =	vld [tilespmem:s0+$0x44F0]  }
0x282: {  	v16 =	vld [tilespmem:s0+$0x4500]  }
0x283: {  	v17 =	vld [tilespmem:s0+$0x4510]  }
0x284: {  	v18 =	vld [tilespmem:s0+$0x4520]  }
0x285: {  	v19 =	vld [tilespmem:s0+$0x4530]  }
0x286: {  	v20 =	vld [tilespmem:s0+$0x4540]  }
0x287: {  	v21 =	vld [tilespmem:s0+$0x4550]  }
0x288: {  	v22 =	vld [tilespmem:s0+$0x4560]  }
0x289: {  	v23 =	vld [tilespmem:s0+$0x4570]  }
0x28a: {  	v24 =	vld [tilespmem:s0+$0x4580]  }
0x28b: {  	v25 =	vld [tilespmem:s0+$0x4590]  }
0x28c: {  	v26 =	vld [tilespmem:s0+$0x45A0]  }
0x28d: {  	v27 =	vld [tilespmem:s0+$0x45B0]  }
0x28e: {  	v28 =	vld [tilespmem:s0+$0x45C0]  }
0x28f: {  	v29 =	vld [tilespmem:s0+$0x45D0]  }
0x290: {  	v30 =	vld [tilespmem:s0+$0x45E0]  }
0x291: {  	v31 =	vld [tilespmem:s0+$0x45F0]  }
0x292: {  	v32 =	vld [tilespmem:s0+$0x4600]  }
0x293: {  	v33 =	vld [tilespmem:s0+$0x4610]  }
0x294: {  	v34 =	vld [tilespmem:s0+$0x4620]  }
0x295: {  	v35 =	vld [tilespmem:s0+$0x4630]  }
0x296: {  	v36 =	vld [tilespmem:s0+$0x4640]  }
0x297: {  	v37 =	vld [tilespmem:s0+$0x4650]  }
0x298: {  	v38 =	vld [tilespmem:s0+$0x4660]  }
0x299: {  	v39 =	vld [tilespmem:s0+$0x4670]  }
0x29a: {  	v40 =	vld [tilespmem:s0+$0x4680]  }
0x29b: {  	v41 =	vld [tilespmem:s0+$0x4690]  }
0x29c: {  	v42 =	vld [tilespmem:s0+$0x46A0]  }
0x29d: {  	v43 =	vld [tilespmem:s0+$0x46B0]  }
0x29e: {  	v44 =	vld [tilespmem:s0+$0x46C0]  }
0x29f: {  	v45 =	vld [tilespmem:s0+$0x46D0]  }
0x2a0: {  	v46 =	vld [tilespmem:s0+$0x46E0]  }
0x2a1: {  	v47 =	vld [tilespmem:s0+$0x46F0]  }
0x2a2: {  	v48 =	vld [tilespmem:s0+$0x4700]  }
0x2a3: {  	v49 =	vld [tilespmem:s0+$0x4710]  }
0x2a4: {  	v50 =	vld [tilespmem:s0+$0x4720]  }
0x2a5: {  	v51 =	vld [tilespmem:s0+$0x4730]  }
0x2a6: {  	v52 =	vld [tilespmem:s0+$0x4740]  }
0x2a7: {  	v53 =	vld [tilespmem:s0+$0x4750]  }
0x2a8: {  	v54 =	vld [tilespmem:s0+$0x4760]  }
0x2a9: {  	v55 =	vld [tilespmem:s0+$0x4770]  }
0x2aa: {  	v56 =	vld [tilespmem:s0+$0x4780]  }
0x2ab: {  	v57 =	vld [tilespmem:s0+$0x4790]  }
0x2ac: {  	v58 =	vld [tilespmem:s0+$0x47A0]  }
0x2ad: {  	v59 =	vld [tilespmem:s0+$0x47B0]  }
0x2ae: {  	v60 =	vld [tilespmem:s0+$0x47C0]  }
0x2af: {  	v61 =	vld [tilespmem:s0+$0x47D0]  }
0x2b0: {  	v62 =	vld [tilespmem:s0+$0x47E0]  }
0x2b1: {  	[tilespmem:s0+$0x17000] =	vst.add.f32.msk $0xffff, v1  }
0x2b2: {  	[tilespmem:s0+$0x17010] =	vst.add.f32.msk $0xffff, v2  }
0x2b3: {  	[tilespmem:s0+$0x17020] =	vst.add.f32.msk $0xffff, v3  }
0x2b4: {  	[tilespmem:s0+$0x17030] =	vst.add.f32.msk $0xffff, v4  }
0x2b5: {  	[tilespmem:s0+$0x17040] =	vst.add.f32.msk $0xffff, v0  }
0x2b6: {  	[tilespmem:s0+$0x17050] =	vst.add.f32.msk $0xffff, v5  }
0x2b7: {  	[tilespmem:s0+$0x17060] =	vst.add.f32.msk $0xffff, v6  }
0x2b8: {  	[tilespmem:s0+$0x17070] =	vst.add.f32.msk $0xffff, v7  }
0x2b9: {  	[tilespmem:s0+$0x17080] =	vst.add.f32.msk $0xffff, v8  }
0x2ba: {  	[tilespmem:s0+$0x17090] =	vst.add.f32.msk $0xffff, v9  }
0x2bb: {  	[tilespmem:s0+$0x170A0] =	vst.add.f32.msk $0xffff, v10  }
0x2bc: {  	[tilespmem:s0+$0x170B0] =	vst.add.f32.msk $0xffff, v11  }
0x2bd: {  	[tilespmem:s0+$0x170C0] =	vst.add.f32.msk $0xffff, v12  }
0x2be: {  	[tilespmem:s0+$0x170D0] =	vst.add.f32.msk $0xffff, v13  }
0x2bf: {  	[tilespmem:s0+$0x170E0] =	vst.add.f32.msk $0xffff, v14  }
0x2c0: {  	[tilespmem:s0+$0x170F0] =	vst.add.f32.msk $0xffff, v15  }
0x2c1: {  	[tilespmem:s0+$0x17100] =	vst.add.f32.msk $0xffff, v16  }
0x2c2: {  	[tilespmem:s0+$0x17110] =	vst.add.f32.msk $0xffff, v17  }
0x2c3: {  	[tilespmem:s0+$0x17120] =	vst.add.f32.msk $0xffff, v18  }
0x2c4: {  	[tilespmem:s0+$0x17130] =	vst.add.f32.msk $0xffff, v19  }
0x2c5: {  	[tilespmem:s0+$0x17140] =	vst.add.f32.msk $0xffff, v20  }
0x2c6: {  	[tilespmem:s0+$0x17150] =	vst.add.f32.msk $0xffff, v21  }
0x2c7: {  	[tilespmem:s0+$0x17160] =	vst.add.f32.msk $0xffff, v22  }
0x2c8: {  	[tilespmem:s0+$0x17170] =	vst.add.f32.msk $0xffff, v23  }
0x2c9: {  	[tilespmem:s0+$0x17180] =	vst.add.f32.msk $0xffff, v24  }
0x2ca: {  	[tilespmem:s0+$0x17190] =	vst.add.f32.msk $0xffff, v25  }
0x2cb: {  	[tilespmem:s0+$0x171A0] =	vst.add.f32.msk $0xffff, v26  }
0x2cc: {  	[tilespmem:s0+$0x171B0] =	vst.add.f32.msk $0xffff, v27  }
0x2cd: {  	[tilespmem:s0+$0x171C0] =	vst.add.f32.msk $0xffff, v28  }
0x2ce: {  	[tilespmem:s0+$0x171D0] =	vst.add.f32.msk $0xffff, v29  }
0x2cf: {  	[tilespmem:s0+$0x171E0] =	vst.add.f32.msk $0xffff, v30  }
0x2d0: {  	[tilespmem:s0+$0x171F0] =	vst.add.f32.msk $0xffff, v31  }
0x2d1: {  	[tilespmem:s0+$0x17200] =	vst.add.f32.msk $0xffff, v32  }
0x2d2: {  	[tilespmem:s0+$0x17210] =	vst.add.f32.msk $0xffff, v33  }
0x2d3: {  	[tilespmem:s0+$0x17220] =	vst.add.f32.msk $0xffff, v34  }
0x2d4: {  	[tilespmem:s0+$0x17230] =	vst.add.f32.msk $0xffff, v35  }
0x2d5: {  	[tilespmem:s0+$0x17240] =	vst.add.f32.msk $0xffff, v36  }
0x2d6: {  	[tilespmem:s0+$0x17250] =	vst.add.f32.msk $0xffff, v37  }
0x2d7: {  	[tilespmem:s0+$0x17260] =	vst.add.f32.msk $0xffff, v38  }
0x2d8: {  	[tilespmem:s0+$0x17270] =	vst.add.f32.msk $0xffff, v39  }
0x2d9: {  	[tilespmem:s0+$0x17280] =	vst.add.f32.msk $0xffff, v40  }
0x2da: {  	[tilespmem:s0+$0x17290] =	vst.add.f32.msk $0xffff, v41  }
0x2db: {  	[tilespmem:s0+$0x172A0] =	vst.add.f32.msk $0xffff, v42  }
0x2dc: {  	[tilespmem:s0+$0x172B0] =	vst.add.f32.msk $0xffff, v43  }
0x2dd: {  	[tilespmem:s0+$0x172C0] =	vst.add.f32.msk $0xffff, v44  }
0x2de: {  	[tilespmem:s0+$0x172D0] =	vst.add.f32.msk $0xffff, v45  }
0x2df: {  	[tilespmem:s0+$0x172E0] =	vst.add.f32.msk $0xffff, v46  }
0x2e0: {  	[tilespmem:s0+$0x172F0] =	vst.add.f32.msk $0xffff, v47  }
0x2e1: {  	[tilespmem:s0+$0x17300] =	vst.add.f32.msk $0xffff, v48  }
0x2e2: {  	[tilespmem:s0+$0x17310] =	vst.add.f32.msk $0xffff, v49  }
0x2e3: {  	[tilespmem:s0+$0x17320] =	vst.add.f32.msk $0xffff, v50  }
0x2e4: {  	[tilespmem:s0+$0x17330] =	vst.add.f32.msk $0xffff, v51  }
0x2e5: {  	[tilespmem:s0+$0x17340] =	vst.add.f32.msk $0xffff, v52  }
0x2e6: {  	[tilespmem:s0+$0x17350] =	vst.add.f32.msk $0xffff, v53  }
0x2e7: {  	[tilespmem:s0+$0x17360] =	vst.add.f32.msk $0xffff, v54  }
0x2e8: {  	[tilespmem:s0+$0x17370] =	vst.add.f32.msk $0xffff, v55  }
0x2e9: {  	[tilespmem:s0+$0x17380] =	vst.add.f32.msk $0xffff, v56  }
0x2ea: {  	[tilespmem:s0+$0x17390] =	vst.add.f32.msk $0xffff, v57  }
.Ltmp10:
0x2eb: {  	[tilespmem:s0+$0x173A0] =	vst.add.f32.msk $0xffff, v58;
	(pc) =	sbr.rel @p0 .LBB2_13-.Ltmp10, $4  }
0x2ec: {  	[tilespmem:s0+$0x173B0] =	vst.add.f32.msk $0xffff, v59  }
0x2ed: {  	[tilespmem:s0+$0x173C0] =	vst.add.f32.msk $0xffff, v60  }
0x2ee: {  	[tilespmem:s0+$0x173D0] =	vst.add.f32.msk $0xffff, v61  }
0x2ef: {  	[tilespmem:s0+$0x173E0] =	vst.add.f32.msk $0xffff, v62;
	s0 =	sshra.s32 s2, $0x2;
	s2 =	sadd.s32 $0x1000, s2  }
0x2f0: {  	v0 =	vld [tilespmem:s0+$0x47F0]  }
0x2f1: {  	v1 =	vld [tilespmem:s0+$0x4400]  }
0x2f2: {  	v2 =	vld [tilespmem:s0+$0x4410]  }
0x2f3: {  	v3 =	vld [tilespmem:s0+$0x4420]  }
0x2f4: {  	v4 =	vld [tilespmem:s0+$0x4430]  }
0x2f5: {  	v5 =	vld [tilespmem:s0+$0x4450]  }
0x2f6: {  	v6 =	vld [tilespmem:s0+$0x4460]  }
0x2f7: {  	v7 =	vld [tilespmem:s0+$0x4470]  }
0x2f8: {  	v8 =	vld [tilespmem:s0+$0x4480]  }
0x2f9: {  	v9 =	vld [tilespmem:s0+$0x4490]  }
0x2fa: {  	v10 =	vld [tilespmem:s0+$0x44A0]  }
0x2fb: {  	v11 =	vld [tilespmem:s0+$0x44B0]  }
0x2fc: {  	v12 =	vld [tilespmem:s0+$0x44C0]  }
0x2fd: {  	v13 =	vld [tilespmem:s0+$0x44D0]  }
0x2fe: {  	v14 =	vld [tilespmem:s0+$0x44E0]  }
0x2ff: {  	v15 =	vld [tilespmem:s0+$0x44F0]  }
0x300: {  	v16 =	vld [tilespmem:s0+$0x4500]  }
0x301: {  	v17 =	vld [tilespmem:s0+$0x4510]  }
0x302: {  	v18 =	vld [tilespmem:s0+$0x4520]  }
0x303: {  	v19 =	vld [tilespmem:s0+$0x4530]  }
0x304: {  	v20 =	vld [tilespmem:s0+$0x4540]  }
0x305: {  	v21 =	vld [tilespmem:s0+$0x4550]  }
0x306: {  	v22 =	vld [tilespmem:s0+$0x4560]  }
0x307: {  	v23 =	vld [tilespmem:s0+$0x4570]  }
0x308: {  	v24 =	vld [tilespmem:s0+$0x4580]  }
0x309: {  	v25 =	vld [tilespmem:s0+$0x4590]  }
0x30a: {  	v26 =	vld [tilespmem:s0+$0x45A0]  }
0x30b: {  	v27 =	vld [tilespmem:s0+$0x45B0]  }
0x30c: {  	v28 =	vld [tilespmem:s0+$0x45C0]  }
0x30d: {  	v29 =	vld [tilespmem:s0+$0x45D0]  }
0x30e: {  	v30 =	vld [tilespmem:s0+$0x45E0]  }
0x30f: {  	v31 =	vld [tilespmem:s0+$0x45F0]  }
0x310: {  	v32 =	vld [tilespmem:s0+$0x4600]  }
0x311: {  	v33 =	vld [tilespmem:s0+$0x4610]  }
0x312: {  	v34 =	vld [tilespmem:s0+$0x4620]  }
0x313: {  	v35 =	vld [tilespmem:s0+$0x4630]  }
0x314: {  	v36 =	vld [tilespmem:s0+$0x4640]  }
0x315: {  	v37 =	vld [tilespmem:s0+$0x4650]  }
0x316: {  	v38 =	vld [tilespmem:s0+$0x4660]  }
0x317: {  	v39 =	vld [tilespmem:s0+$0x4670]  }
0x318: {  	v40 =	vld [tilespmem:s0+$0x4680]  }
0x319: {  	v41 =	vld [tilespmem:s0+$0x4690]  }
0x31a: {  	v42 =	vld [tilespmem:s0+$0x46A0]  }
0x31b: {  	v43 =	vld [tilespmem:s0+$0x46B0]  }
0x31c: {  	v44 =	vld [tilespmem:s0+$0x46C0]  }
0x31d: {  	v45 =	vld [tilespmem:s0+$0x46D0]  }
0x31e: {  	v46 =	vld [tilespmem:s0+$0x46E0]  }
0x31f: {  	v47 =	vld [tilespmem:s0+$0x46F0]  }
0x320: {  	v48 =	vld [tilespmem:s0+$0x4700]  }
0x321: {  	v49 =	vld [tilespmem:s0+$0x4710]  }
0x322: {  	v50 =	vld [tilespmem:s0+$0x4720]  }
0x323: {  	v51 =	vld [tilespmem:s0+$0x4730]  }
0x324: {  	v52 =	vld [tilespmem:s0+$0x4740]  }
0x325: {  	v53 =	vld [tilespmem:s0+$0x4750]  }
0x326: {  	v54 =	vld [tilespmem:s0+$0x4760]  }
0x327: {  	v55 =	vld [tilespmem:s0+$0x4770]  }
0x328: {  	v56 =	vld [tilespmem:s0+$0x4780]  }
0x329: {  	v57 =	vld [tilespmem:s0+$0x4790]  }
0x32a: {  	v58 =	vld [tilespmem:s0+$0x47A0]  }
0x32b: {  	v59 =	vld [tilespmem:s0+$0x47B0]  }
0x32c: {  	v60 =	vld [tilespmem:s0+$0x47C0]  }
0x32d: {  	v61 =	vld [tilespmem:s0+$0x47D0]  }
0x32e: {  	v62 =	vld [tilespmem:s0+$0x47E0]  }
0x32f: {  	[tilespmem:s0+$0x173F0] =	vst.add.f32.msk $0xffff, v0  }
0x330: {  	v0 =	vld [tilespmem:s0+$0x4440]  }
0x331: {  	[tilespmem:s0+$0x17000] =	vst.add.f32.msk $0xffff, v1  }
0x332: {  	[tilespmem:s0+$0x17010] =	vst.add.f32.msk $0xffff, v2  }
0x333: {  	[tilespmem:s0+$0x17020] =	vst.add.f32.msk $0xffff, v3  }
0x334: {  	[tilespmem:s0+$0x17030] =	vst.add.f32.msk $0xffff, v4  }
0x335: {  	[tilespmem:s0+$0x17050] =	vst.add.f32.msk $0xffff, v5  }
0x336: {  	[tilespmem:s0+$0x17060] =	vst.add.f32.msk $0xffff, v6  }
0x337: {  	[tilespmem:s0+$0x17070] =	vst.add.f32.msk $0xffff, v7  }
0x338: {  	[tilespmem:s0+$0x17080] =	vst.add.f32.msk $0xffff, v8  }
0x339: {  	[tilespmem:s0+$0x17090] =	vst.add.f32.msk $0xffff, v9  }
0x33a: {  	[tilespmem:s0+$0x170A0] =	vst.add.f32.msk $0xffff, v10  }
0x33b: {  	[tilespmem:s0+$0x170B0] =	vst.add.f32.msk $0xffff, v11  }
0x33c: {  	[tilespmem:s0+$0x170C0] =	vst.add.f32.msk $0xffff, v12  }
0x33d: {  	[tilespmem:s0+$0x170D0] =	vst.add.f32.msk $0xffff, v13  }
0x33e: {  	[tilespmem:s0+$0x170E0] =	vst.add.f32.msk $0xffff, v14  }
0x33f: {  	[tilespmem:s0+$0x170F0] =	vst.add.f32.msk $0xffff, v15  }
0x340: {  	[tilespmem:s0+$0x17100] =	vst.add.f32.msk $0xffff, v16  }
0x341: {  	[tilespmem:s0+$0x17110] =	vst.add.f32.msk $0xffff, v17  }
0x342: {  	[tilespmem:s0+$0x17120] =	vst.add.f32.msk $0xffff, v18  }
0x343: {  	[tilespmem:s0+$0x17130] =	vst.add.f32.msk $0xffff, v19  }
0x344: {  	[tilespmem:s0+$0x17140] =	vst.add.f32.msk $0xffff, v20  }
0x345: {  	[tilespmem:s0+$0x17150] =	vst.add.f32.msk $0xffff, v21  }
0x346: {  	[tilespmem:s0+$0x17160] =	vst.add.f32.msk $0xffff, v22  }
0x347: {  	[tilespmem:s0+$0x17170] =	vst.add.f32.msk $0xffff, v23  }
0x348: {  	[tilespmem:s0+$0x17180] =	vst.add.f32.msk $0xffff, v24  }
0x349: {  	[tilespmem:s0+$0x17190] =	vst.add.f32.msk $0xffff, v25  }
0x34a: {  	[tilespmem:s0+$0x171A0] =	vst.add.f32.msk $0xffff, v26  }
0x34b: {  	[tilespmem:s0+$0x171B0] =	vst.add.f32.msk $0xffff, v27  }
0x34c: {  	[tilespmem:s0+$0x171C0] =	vst.add.f32.msk $0xffff, v28  }
0x34d: {  	[tilespmem:s0+$0x171D0] =	vst.add.f32.msk $0xffff, v29  }
0x34e: {  	[tilespmem:s0+$0x171E0] =	vst.add.f32.msk $0xffff, v30  }
0x34f: {  	[tilespmem:s0+$0x171F0] =	vst.add.f32.msk $0xffff, v31  }
0x350: {  	[tilespmem:s0+$0x17200] =	vst.add.f32.msk $0xffff, v32  }
0x351: {  	[tilespmem:s0+$0x17210] =	vst.add.f32.msk $0xffff, v33  }
0x352: {  	[tilespmem:s0+$0x17220] =	vst.add.f32.msk $0xffff, v34  }
0x353: {  	[tilespmem:s0+$0x17230] =	vst.add.f32.msk $0xffff, v35  }
0x354: {  	[tilespmem:s0+$0x17240] =	vst.add.f32.msk $0xffff, v36  }
0x355: {  	[tilespmem:s0+$0x17250] =	vst.add.f32.msk $0xffff, v37  }
0x356: {  	[tilespmem:s0+$0x17260] =	vst.add.f32.msk $0xffff, v38  }
0x357: {  	[tilespmem:s0+$0x17270] =	vst.add.f32.msk $0xffff, v39  }
0x358: {  	[tilespmem:s0+$0x17280] =	vst.add.f32.msk $0xffff, v40  }
0x359: {  	[tilespmem:s0+$0x17290] =	vst.add.f32.msk $0xffff, v41  }
0x35a: {  	[tilespmem:s0+$0x172A0] =	vst.add.f32.msk $0xffff, v42  }
0x35b: {  	[tilespmem:s0+$0x172B0] =	vst.add.f32.msk $0xffff, v43  }
0x35c: {  	[tilespmem:s0+$0x172C0] =	vst.add.f32.msk $0xffff, v44  }
0x35d: {  	[tilespmem:s0+$0x172D0] =	vst.add.f32.msk $0xffff, v45  }
0x35e: {  	[tilespmem:s0+$0x172E0] =	vst.add.f32.msk $0xffff, v46  }
0x35f: {  	[tilespmem:s0+$0x172F0] =	vst.add.f32.msk $0xffff, v47  }
0x360: {  	[tilespmem:s0+$0x17300] =	vst.add.f32.msk $0xffff, v48  }
0x361: {  	[tilespmem:s0+$0x17310] =	vst.add.f32.msk $0xffff, v49  }
0x362: {  	[tilespmem:s0+$0x17320] =	vst.add.f32.msk $0xffff, v50  }
0x363: {  	[tilespmem:s0+$0x17330] =	vst.add.f32.msk $0xffff, v51  }
0x364: {  	[tilespmem:s0+$0x17340] =	vst.add.f32.msk $0xffff, v52  }
0x365: {  	[tilespmem:s0+$0x17350] =	vst.add.f32.msk $0xffff, v53  }
0x366: {  	[tilespmem:s0+$0x17360] =	vst.add.f32.msk $0xffff, v54  }
0x367: {  	[tilespmem:s0+$0x17370] =	vst.add.f32.msk $0xffff, v55  }
0x368: {  	[tilespmem:s0+$0x17380] =	vst.add.f32.msk $0xffff, v56  }
0x369: {  	[tilespmem:s0+$0x17390] =	vst.add.f32.msk $0xffff, v57  }
0x36a: {  	[tilespmem:s0+$0x173A0] =	vst.add.f32.msk $0xffff, v58  }
0x36b: {  	[tilespmem:s0+$0x173B0] =	vst.add.f32.msk $0xffff, v59  }
.Ltmp11:
0x36c: {  	s2 =	sadd.s32 s6, s31;
	[tilespmem:s0+$0x173C0] =	vst.add.f32.msk $0xffff, v60;
	(pc) =	sbr.rel .LBB2_15-.Ltmp11, $4  }
0x36d: {  	s2 =	smul.u32 $0xC80, s2;
	[tilespmem:s0+$0x173D0] =	vst.add.f32.msk $0xffff, v61  }
0x36e: {  	[tilespmem:s0+$0x173E0] =	vst.add.f32.msk $0xffff, v62  }
0x36f: {  	s31 =	sadd.s32 s4, s2;
	[tilespmem:s0+$0x17040] =	vst.add.f32.msk $0xffff, v0  }
0x370: {  	[hbm4b:s31+s5] =	stream.linear.scatter [tilespmem:s20], [sflag:$0x6], $0x6400, $0x38;
	[tilespmem:$0x1D400] =	vst v63  }
.LBB2_17:
0x371: {  	_ =	sfence.sel $0x180000  }
0x372: {  	[bflag:$0x0] =	sbarrier.arrive $0xFFFF  }
0x373: {  	_ =	strace $0x90000047  }
0x374: {  	s0 =	stileid.u32;
	[bflag:$0x2] =	sbarrier.arrive $0xFFFF  }
0x375: {  	p0 =	sne.s32 s0, $0x0;
	s0 =	rddreg [dreg:$0x4]  }
0x376: {  	s0 =	sadd.s32 @!p0 $0x100000, s0  }
0x377: {  	[sflag:s0] =	ssyncadd.tile.s32 @!p0 $0x1;
	_ =	shalt  }
.Lfunc_end2:
_tile_overlayer_lowered:
.L_overlay_start_2:
0x378: {  	(tag) =	ssettag $0x2  }
0x379: {  	s0 =	rddreg [dreg:$0x0];
	s2 =	stileid.u32  }
0x37a: {  	s1 =	rddreg [dreg:$0x1];
	p0 =	sne.s32 s2, $0x0  }
0x37b: {  	s3 =	rddreg [dreg:$0x2];
	[bflag:$0x3] =	sbarrier.arrive $0xFFFF;
	s2 =	simm.s32 @!p0 $0x1C08  }
0x37c: {  	[timem:s3], [sflag:s2] =	dma.local @!p0 [hbm:s0], s1  }
0x37d: {  	s0 =	simm.s32 @!p0 $0x8  }
0x37e: {  	_ =	swait.ge @!p0 [sflag:s0], s1  }
0x37f: {  	s1 =	ssub.s32 @!p0 $0x0, s1;
	[sflag:s0] =	ssyncset.done @!p0 $0x0  }
0x380: {  	[sflag:s0] =	ssyncadd.s32 @!p0 s1  }
0x381: {  	[bflag:$0x3] =	sbarrier.arrive $0xFFFF  }
0x382: {  	_ =	shalt  }

</sc_bundles>
